<compile_context>
chip_gen: v7x
topology: tpu7x:2x2x1
jax: 0.10.2.dev20260603
libtpu: 0.0.44.dev20260713+nightly
codegen_flags: <defaults>
</compile_context>

<pallas_src>
import functools

import jax
import jax.numpy as jnp
from jax import lax
from jax.experimental import pallas as pl
from jax.experimental.pallas import tpu as pltpu
from jax.experimental.pallas import tpu_sc as plsc

N = 10000
D = 128
EMB = 64
E = 320000
NC = 2
NS = 16
NW = NC * NS
L = 16
NPAD = 10112
ROWS_PER_TILE = NPAD // NS
ZCH = 79
EPT = E // NW
CH = 80
NCHUNK = EPT // CH
IDXBLK = 25
NSUPER = NCHUNK // IDXBLK
DEGW = D

_mesh = plsc.VectorSubcoreMesh(core_axis_name="c", subcore_axis_name="s")


@functools.partial(
    pl.kernel,
    mesh=_mesh,
    out_type=jax.ShapeDtypeStruct((NC, NPAD, DEGW), jnp.float32),
    scratch_types=[
        pltpu.VMEM((NSUPER, IDXBLK, CH), jnp.int32),
        pltpu.VMEM((CH, DEGW), jnp.float32),
        pltpu.VMEM_SHARED((NPAD, DEGW), jnp.float32),
    ],
)
def _deg_sc(dst_hbm, out_hbm, dst_v, ones_v, acc):
    c = lax.axis_index("c")
    s = lax.axis_index("s")
    w = c * NS + s

    @pl.loop(0, CH)
    def _zf(i):
        @pl.loop(0, DEGW // L)
        def _zk(k):
            ones_v[i, pl.ds(k * L, L)] = jnp.zeros((L,), jnp.float32)

    @pl.loop(0, ROWS_PER_TILE // ZCH)
    def _zero(t):
        pltpu.sync_copy(ones_v.at[pl.ds(0, ZCH)],
                        acc.at[pl.ds(s * ROWS_PER_TILE + t * ZCH, ZCH)])

    @pl.loop(0, CH)
    def _of(i):
        @pl.loop(0, DEGW // L)
        def _ok(k):
            ones_v[i, pl.ds(k * L, L)] = jnp.ones((L,), jnp.float32)

    pltpu.sync_copy(dst_hbm.at[w], dst_v)
    plsc.subcore_barrier()

    @pl.loop(0, NSUPER)
    def _sb(sb):
        @pl.loop(0, IDXBLK)
        def _scat(j):
            pltpu.sync_copy(ones_v, acc.at[dst_v.at[sb, j]], add=True)

    plsc.subcore_barrier()
    pltpu.sync_copy(
        acc.at[pl.ds(s * ROWS_PER_TILE, ROWS_PER_TILE)],
        out_hbm.at[c, pl.ds(s * ROWS_PER_TILE, ROWS_PER_TILE)],
    )


NBUF = 4


@functools.partial(
    pl.kernel,
    mesh=_mesh,
    out_type=jax.ShapeDtypeStruct((NC, NPAD, D), jnp.float32),
    scratch_types=[
        pltpu.VMEM((IDXBLK, CH), jnp.int32),
        pltpu.VMEM((IDXBLK, CH), jnp.int32),
        pltpu.VMEM((CH, D), jnp.float32),
        pltpu.VMEM((CH, D), jnp.float32),
        pltpu.VMEM((CH, D), jnp.float32),
        pltpu.VMEM((CH, D), jnp.float32),
        pltpu.SemaphoreType.DMA,
        pltpu.SemaphoreType.DMA,
        pltpu.SemaphoreType.DMA,
        pltpu.SemaphoreType.DMA,
        pltpu.SemaphoreType.DMA,
        pltpu.SemaphoreType.DMA,
        pltpu.SemaphoreType.DMA,
        pltpu.SemaphoreType.DMA,
        pltpu.VMEM_SHARED((NPAD, D), jnp.float32),
    ],
)
def _agg_sc(tbl_hbm, src_hbm, dst_hbm, out_hbm, src_v, dst_v, rows0, rows1,
            rows2, rows3, gsem0, gsem1, gsem2, gsem3, ssem0, ssem1, ssem2,
            ssem3, acc):
    c = lax.axis_index("c")
    s = lax.axis_index("s")
    w = c * NS + s
    rows = [rows0, rows1, rows2, rows3]
    gsem = [gsem0, gsem1, gsem2, gsem3]
    ssem = [ssem0, ssem1, ssem2, ssem3]

    @pl.loop(0, CH)
    def _zr(i):
        @pl.loop(0, D // L)
        def _zk(k):
            rows0[i, pl.ds(k * L, L)] = jnp.zeros((L,), jnp.float32)

    @pl.loop(0, ROWS_PER_TILE // ZCH)
    def _zero(t):
        pltpu.sync_copy(rows0.at[pl.ds(0, ZCH)],
                        acc.at[pl.ds(s * ROWS_PER_TILE + t * ZCH, ZCH)])

    plsc.subcore_barrier()

    @pl.loop(0, NSUPER)
    def _super(sb):
        pltpu.sync_copy(src_hbm.at[w, sb], src_v)
        pltpu.sync_copy(dst_hbm.at[w, sb], dst_v)

        gd = [None] * IDXBLK
        sd = [None] * IDXBLK
        for j in range(NBUF):
            gd[j] = pltpu.async_copy(tbl_hbm.at[src_v.at[j]], rows[j], gsem[j])
        for j in range(IDXBLK):
            b = j % NBUF
            gd[j].wait()
            sd[j] = pltpu.async_copy(rows[b], acc.at[dst_v.at[j]], ssem[b],
                                     add=True)
            jn = j + NBUF
            if jn < IDXBLK:
                sd[j].wait()
                gd[jn] = pltpu.async_copy(tbl_hbm.at[src_v.at[jn]], rows[b],
                                          gsem[b])
        for j in range(IDXBLK - NBUF, IDXBLK):
            sd[j].wait()

    plsc.subcore_barrier()
    pltpu.sync_copy(
        acc.at[pl.ds(s * ROWS_PER_TILE, ROWS_PER_TILE)],
        out_hbm.at[c, pl.ds(s * ROWS_PER_TILE, ROWS_PER_TILE)],
    )


BLK = 5000
GRID = N // BLK


def _dinv_from(degp):
    deg = degp[0, :, 0] + degp[1, :, 0] + 1.0
    return lax.rsqrt(deg)[:, None]


def _mm1s_body(x_ref, w_ref, degp_ref, o_ref):
    dinv = _dinv_from(degp_ref[...])
    h = jnp.dot(x_ref[...], w_ref[...], preferred_element_type=jnp.float32,
                precision=lax.Precision.HIGHEST)
    o_ref[...] = h * dinv


def _combine1_body(h1s_ref, p_ref, degp_ref, b1_ref, o_ref):
    dinv = _dinv_from(degp_ref[...])
    h = (p_ref[0] + p_ref[1] + h1s_ref[...]) * dinv + b1_ref[...]
    o_ref[...] = jnp.maximum(h, 0.0) * dinv


def _final_body(hs_ref, q_ref, degp_ref, wcat_ref, bcat_ref, mu_ref, lv_ref):
    dinv = _dinv_from(degp_ref[...])
    agg2 = (q_ref[0] + q_ref[1] + hs_ref[...]) * dinv
    z = jnp.dot(agg2, wcat_ref[...], preferred_element_type=jnp.float32,
                precision=lax.Precision.HIGHEST) + bcat_ref[...]
    mu_ref[...] = z[:, :EMB]
    lv_ref[...] = z[:, EMB:]


def _mm1s(x, W1, degp):
    return pl.pallas_call(
        _mm1s_body,
        grid=(GRID,),
        in_specs=[
            pl.BlockSpec((BLK, D), lambda i: (i, 0)),
            pl.BlockSpec((D, D), lambda i: (0, 0)),
            pl.BlockSpec((NC, BLK, DEGW), lambda i: (0, i, 0)),
        ],
        out_specs=pl.BlockSpec((BLK, D), lambda i: (i, 0)),
        out_shape=jax.ShapeDtypeStruct((N, D), jnp.float32),
    )(x, W1, degp)


def _combine1(h1s, p, degp, b1):
    return pl.pallas_call(
        _combine1_body,
        grid=(GRID,),
        in_specs=[
            pl.BlockSpec((BLK, D), lambda i: (i, 0)),
            pl.BlockSpec((NC, BLK, D), lambda i: (0, i, 0)),
            pl.BlockSpec((NC, BLK, DEGW), lambda i: (0, i, 0)),
            pl.BlockSpec((1, D), lambda i: (0, 0)),
        ],
        out_specs=pl.BlockSpec((BLK, D), lambda i: (i, 0)),
        out_shape=jax.ShapeDtypeStruct((N, D), jnp.float32),
    )(h1s, p, degp, b1)


def _final(hs, q, degp, wcat, bcat):
    return pl.pallas_call(
        _final_body,
        grid=(GRID,),
        in_specs=[
            pl.BlockSpec((BLK, D), lambda i: (i, 0)),
            pl.BlockSpec((NC, BLK, D), lambda i: (0, i, 0)),
            pl.BlockSpec((NC, BLK, DEGW), lambda i: (0, i, 0)),
            pl.BlockSpec((D, 2 * EMB), lambda i: (0, 0)),
            pl.BlockSpec((1, 2 * EMB), lambda i: (0, 0)),
        ],
        out_specs=[
            pl.BlockSpec((BLK, EMB), lambda i: (i, 0)),
            pl.BlockSpec((BLK, EMB), lambda i: (i, 0)),
        ],
        out_shape=[
            jax.ShapeDtypeStruct((N, EMB), jnp.float32),
            jax.ShapeDtypeStruct((N, EMB), jnp.float32),
        ],
    )(hs, q, degp, wcat, bcat)


@jax.jit
def _pipeline(x, edges, W1, b1, Wmu, bmu, Wlv, blv):
    src = edges[0].reshape(NW, NSUPER, IDXBLK, CH)
    dst = edges[1].reshape(NW, NSUPER, IDXBLK, CH)

    degp = _deg_sc(dst)[:, :N, :]
    h1s = _mm1s(x, W1, degp)
    p = _agg_sc(h1s, src, dst)[:, :N, :]
    hs = _combine1(h1s, p, degp, b1.reshape(1, D))
    q = _agg_sc(hs, src, dst)[:, :N, :]
    wcat = jnp.concatenate([Wmu, Wlv], axis=1)
    bcat = jnp.concatenate([bmu, blv]).reshape(1, 2 * EMB)
    return _final(hs, q, degp, wcat, bcat)


def kernel(x, edges, W1, b1, Wmu, bmu, Wlv, blv):
    mu, lv = _pipeline(x, edges.astype(jnp.int32), W1, b1, Wmu, bmu, Wlv, blv)
    return (mu, lv)

# --- scband reference (transcript-rebuilt; emitter-appended) ---
"""Pipeline reference for scband-gcnencoder-28286654612005 (READ-ONLY COPY).

The authoritative reference and input builder live on the scoring server;
editing this copy changes nothing except your own understanding.
"""

import jax, jax.numpy as jnp
import numpy as np

N_NODES = 10000
N_EDGES = 320000
IN_CH = 128
HID = 128
EMB = 64


def setup_inputs(seed: int = 0) -> dict:
    key = jax.random.key(seed)
    ks = jax.random.split(key, 8)
    x = jax.random.normal(ks[0], (N_NODES, IN_CH), dtype=jnp.float32)
    edges = jax.random.randint(ks[1], (2, N_EDGES), 0, N_NODES, dtype=jnp.int64)
    W1 = jax.random.normal(ks[2], (IN_CH, HID), dtype=jnp.float32) * 0.05
    b1 = jnp.zeros((HID,), dtype=jnp.float32)
    Wmu = jax.random.normal(ks[3], (HID, EMB), dtype=jnp.float32) * 0.05
    bmu = jnp.zeros((EMB,), dtype=jnp.float32)
    Wlv = jax.random.normal(ks[4], (HID, EMB), dtype=jnp.float32) * 0.05
    blv = jnp.zeros((EMB,), dtype=jnp.float32)
    return {"x": x, "edges": edges, "W1": W1, "b1": b1, "Wmu": Wmu, "bmu": bmu, "Wlv": Wlv, "blv": blv}


def _add_self_loops(edges, num_nodes):
    loop = jnp.arange(num_nodes, dtype=edges.dtype)
    src = jnp.concatenate([edges[0], loop])
    dst = jnp.concatenate([edges[1], loop])
    return src, dst


def _gcn_conv(x, src, dst, norm, W, b, num_nodes):
    # PyG GCNConv: linear transform, then normalized scatter-add aggregation, then bias
    h = x @ W
    msgs = h[src] * norm[:, None]
    out = jax.ops.segment_sum(msgs, dst, num_segments=num_nodes)
    return out + b


def reference(x, edges, W1, b1, Wmu, bmu, Wlv, blv):
    src, dst = _add_self_loops(edges, N_NODES)
    deg = jax.ops.segment_sum(jnp.ones_like(dst, dtype=x.dtype), dst, num_segments=N_NODES)
    dinv = jnp.where(deg > 0, jax.lax.rsqrt(deg), 0.0)
    norm = dinv[src] * dinv[dst]
    h = _gcn_conv(x, src, dst, norm, W1, b1, N_NODES)
    h = jax.nn.relu(h)
    mu = _gcn_conv(h, src, dst, norm, Wmu, bmu, N_NODES)
    logvar = _gcn_conv(h, src, dst, norm, Wlv, blv, N_NODES)
    return (mu, logvar)

if __name__ == "__main__":
    import jax
    _d = setup_inputs()
    print(jax.jit(kernel)(*tuple(_d.values())))

</pallas_src>

<mosaic_0001>
#map = affine_map<(d0, d1) -> (0, 0)>
#map1 = affine_map<(d0, d1) -> (0, 0, 0, 0)>
#map2 = affine_map<(d0, d1) -> (0, 0, 0)>
module attributes {stable_mosaic.version = 14 : i64} {
  func.func @_agg_sc(%arg0: i32, %arg1: i32, %arg2: memref<10000x128xf32, #tpu.memory_space<hbm>>, %arg3: memref<32x5x25x80xi32, #tpu.memory_space<hbm>>, %arg4: memref<32x5x25x80xi32, #tpu.memory_space<hbm>>, %arg5: memref<2x10112x128xf32, #tpu.memory_space<hbm>>, %arg6: memref<25x80xi32, #tpu.memory_space<vmem>>, %arg7: memref<25x80xi32, #tpu.memory_space<vmem>>, %arg8: memref<80x128xf32, #tpu.memory_space<vmem>>, %arg9: memref<80x128xf32, #tpu.memory_space<vmem>>, %arg10: memref<80x128xf32, #tpu.memory_space<vmem>>, %arg11: memref<80x128xf32, #tpu.memory_space<vmem>>, %arg12: memref<!tpu.dma_semaphore, #tpu.memory_space<semaphore_mem>>, %arg13: memref<!tpu.dma_semaphore, #tpu.memory_space<semaphore_mem>>, %arg14: memref<!tpu.dma_semaphore, #tpu.memory_space<semaphore_mem>>, %arg15: memref<!tpu.dma_semaphore, #tpu.memory_space<semaphore_mem>>, %arg16: memref<!tpu.dma_semaphore, #tpu.memory_space<semaphore_mem>>, %arg17: memref<!tpu.dma_semaphore, #tpu.memory_space<semaphore_mem>>, %arg18: memref<!tpu.dma_semaphore, #tpu.memory_space<semaphore_mem>>, %arg19: memref<!tpu.dma_semaphore, #tpu.memory_space<semaphore_mem>>, %arg20: memref<10112x128xf32, #tpu.memory_space<vmem_shared>>) attributes {dimension_semantics = [#tpu.dimension_semantics<core_parallel>, #tpu.dimension_semantics<subcore_parallel>], iteration_bounds = array<i64: 2, 16>, scalar_prefetch = 0 : i64, scratch_operands = 15 : i64, tpu.core_type = #tpu.core_type<sc_vector_subcore>, window_params = [{transform_indices = #map}, {transform_indices = #map1}, {transform_indices = #map1}, {transform_indices = #map2}]} {
    %mul3A = arith.constant 16 : i32
    %mul3A_0 = arith.muli %arg0, %mul3A : i32
    %add3A = arith.addi %mul3A_0, %arg1 : i32
    %scan3A = arith.constant 0 : i32
    %scan3A_1 = arith.constant 80 : i32
    %scan3A_2 = arith.addi %scan3A, %scan3A_1 : i32
    %scan3A_3 = arith.constant 1 : i32
    scf.for %scan3A_20 = %scan3A to %scan3A_2 step %scan3A_3  : i32 {
      %mul3A_21 = arith.constant 1 : i32
      %mul3A_22 = arith.muli %scan3A_20, %mul3A_21 : i32
      %add3A_23 = arith.constant 0 : i32
      %add3A_24 = arith.addi %add3A_23, %mul3A_22 : i32
      %scan3A_25 = arith.constant 0 : i32
      %scan3A_26 = arith.constant 8 : i32
      %scan3A_27 = arith.addi %scan3A_25, %scan3A_26 : i32
      %scan3A_28 = arith.constant 1 : i32
      scf.for %scan3A_30 = %scan3A_25 to %scan3A_27 step %scan3A_28  : i32 {
        %mul3A_31 = arith.constant 1 : i32
        %mul3A_32 = arith.muli %scan3A_30, %mul3A_31 : i32
        %add3A_33 = arith.constant 0 : i32
        %add3A_34 = arith.addi %add3A_33, %mul3A_32 : i32
        %broadcast_in_dim3A = arith.constant 0.000000e+00 : f32
        %broadcast_in_dim3A_35 = vector.broadcast %broadcast_in_dim3A : f32 to vector<16xf32>
        %mul3A_36 = arith.constant 16 : i32
        %mul3A_37 = arith.muli %add3A_34, %mul3A_36 : i32
        %swap3A = arith.index_cast %add3A_24 : i32 to index
        %swap3A_38 = arith.index_cast %mul3A_37 : i32 to index
        %swap3A_39 = tpu.vector_load %arg8[%swap3A, %swap3A_38] {strides = array<i32>} : memref<80x128xf32, #tpu.memory_space<vmem>>, vector<1x16xf32>,
        %swap3A_40 = vector.shape_cast %swap3A_39 : vector<1x16xf32> to vector<16xf32>
        %swap3A_41 = vector.shape_cast %broadcast_in_dim3A_35 : vector<16xf32> to vector<1x16xf32>
        tpu.vector_store %arg8[%swap3A, %swap3A_38], %swap3A_41 {strides = array<i32>} : memref<80x128xf32, #tpu.memory_space<vmem>>, vector<1x16xf32>,
      }
      %scan3A_29 = arith.constant 8 : i32
    }
    %scan3A_4 = arith.constant 80 : i32
    %scan3A_5 = arith.constant 0 : i32
    %scan3A_6 = arith.constant 8 : i32
    %scan3A_7 = arith.addi %scan3A_5, %scan3A_6 : i32
    %scan3A_8 = arith.constant 1 : i32
    scf.for %scan3A_20 = %scan3A_5 to %scan3A_7 step %scan3A_8  : i32 {
      %mul3A_21 = arith.constant 1 : i32
      %mul3A_22 = arith.muli %scan3A_20, %mul3A_21 : i32
      %add3A_23 = arith.constant 0 : i32
      %add3A_24 = arith.addi %add3A_23, %mul3A_22 : i32
      %mul3A_25 = arith.constant 632 : i32
      %mul3A_26 = arith.muli %arg1, %mul3A_25 : i32
      %mul3A_27 = arith.constant 79 : i32
      %mul3A_28 = arith.muli %add3A_24, %mul3A_27 : i32
      %add3A_29 = arith.addi %mul3A_26, %mul3A_28 : i32
      "tpu.region"() ({
        %run_scoped3A = tpu.sem_alloc : memref<!tpu.dma_semaphore, #tpu.memory_space<semaphore_mem>>
        %dma_start3A = arith.constant 0 : i32
        %dma_start3A_30 = arith.constant 0 : i32
        %dma_start3A_31 = tpu.memref_slice %arg8[%dma_start3A, %dma_start3A_30] : memref<80x128xf32, #tpu.memory_space<vmem>> -> memref<79x128xf32, #tpu.memory_space<vmem>>
        %dma_start3A_32 = arith.constant 0 : i32
        %dma_start3A_33 = tpu.memref_slice %arg20[%add3A_29, %dma_start3A_32] : memref<10112x128xf32, #tpu.memory_space<vmem_shared>> -> memref<79x128xf32, #tpu.memory_space<vmem_shared>>
        %dma_start3A_34 = arith.constant 0 : i32
        %dma_start3A_35 = tpu.memref_slice %arg20[%add3A_29, %dma_start3A_34] : memref<10112x128xf32, #tpu.memory_space<vmem_shared>> -> memref<79x128xf32, #tpu.memory_space<vmem_shared>>
        %dma_start3A_36 = arith.constant 0 : i32
        %dma_start3A_37 = arith.constant 0 : i32
        %dma_start3A_38 = tpu.memref_slice %arg8[%dma_start3A_36, %dma_start3A_37] : memref<80x128xf32, #tpu.memory_space<vmem>> -> memref<79x128xf32, #tpu.memory_space<vmem>>
        tpu.enqueue_dma source(%dma_start3A_38 : memref<79x128xf32, #tpu.memory_space<vmem>>) target(%dma_start3A_35 : memref<79x128xf32, #tpu.memory_space<vmem_shared>>) target_semaphore(%run_scoped3A : memref<!tpu.dma_semaphore, #tpu.memory_space<semaphore_mem>>)
        %dma_wait3A = arith.constant 0 : i32
        %dma_wait3A_39 = arith.constant 0 : i32
        %dma_wait3A_40 = tpu.memref_slice %arg8[%dma_wait3A, %dma_wait3A_39] : memref<80x128xf32, #tpu.memory_space<vmem>> -> memref<79x128xf32, #tpu.memory_space<vmem>>
        %dma_wait3A_41 = arith.constant 0 : i32
        %dma_wait3A_42 = tpu.memref_slice %arg20[%add3A_29, %dma_wait3A_41] : memref<10112x128xf32, #tpu.memory_space<vmem_shared>> -> memref<79x128xf32, #tpu.memory_space<vmem_shared>>
        %dma_wait3A_43 = arith.constant 0 : i32
        %dma_wait3A_44 = tpu.memref_slice %arg20[%add3A_29, %dma_wait3A_43] : memref<10112x128xf32, #tpu.memory_space<vmem_shared>> -> memref<79x128xf32, #tpu.memory_space<vmem_shared>>
        %dma_wait3A_45 = arith.constant 0 : i32
        %dma_wait3A_46 = arith.constant 0 : i32
        %dma_wait3A_47 = tpu.memref_slice %arg8[%dma_wait3A_45, %dma_wait3A_46] : memref<80x128xf32, #tpu.memory_space<vmem>> -> memref<79x128xf32, #tpu.memory_space<vmem>>
        tpu.wait_dma2 semaphore(%run_scoped3A : memref<!tpu.dma_semaphore, #tpu.memory_space<semaphore_mem>>) src(%dma_wait3A_47 : memref<79x128xf32, #tpu.memory_space<vmem>>) dst(%dma_wait3A_44 : memref<79x128xf32, #tpu.memory_space<vmem_shared>>)
        tpu.yield
      }) : () -> ()
    }
    %scan3A_9 = arith.constant 8 : i32
    %barrier3A = arith.constant 0 : index
    tpu.barrier barrier_id(%barrier3A)
    %scan3A_10 = arith.constant 0 : i32
    %scan3A_11 = arith.constant 5 : i32
    %scan3A_12 = arith.addi %scan3A_10, %scan3A_11 : i32
    %scan3A_13 = arith.constant 1 : i32
    scf.for %scan3A_20 = %scan3A_10 to %scan3A_12 step %scan3A_13  : i32 {
      %mul3A_21 = arith.constant 1 : i32
      %mul3A_22 = arith.muli %scan3A_20, %mul3A_21 : i32
      %add3A_23 = arith.constant 0 : i32
      %add3A_24 = arith.addi %add3A_23, %mul3A_22 : i32
      "tpu.region"() ({
        %run_scoped3A = tpu.sem_alloc : memref<!tpu.dma_semaphore, #tpu.memory_space<semaphore_mem>>
        %dma_start3A_723 = arith.constant 0 : i32
        %dma_start3A_724 = arith.constant 0 : i32
        %dma_start3A_725 = tpu.memref_slice %arg3[%add3A, %add3A_24, %dma_start3A_723, %dma_start3A_724] : memref<32x5x25x80xi32, #tpu.memory_space<hbm>> -> memref<1x1x25x80xi32, #tpu.memory_space<hbm>>
        %dma_start3A_726 = tpu.memref_squeeze %dma_start3A_725 : memref<1x1x25x80xi32, #tpu.memory_space<hbm>> -> memref<25x80xi32, #tpu.memory_space<hbm>>
        %dma_start3A_727 = arith.constant 0 : i32
        %dma_start3A_728 = arith.constant 0 : i32
        %dma_start3A_729 = tpu.memref_slice %arg3[%add3A, %add3A_24, %dma_start3A_727, %dma_start3A_728] : memref<32x5x25x80xi32, #tpu.memory_space<hbm>> -> memref<1x1x25x80xi32, #tpu.memory_space<hbm>>
        %dma_start3A_730 = tpu.memref_squeeze %dma_start3A_729 : memref<1x1x25x80xi32, #tpu.memory_space<hbm>> -> memref<25x80xi32, #tpu.memory_space<hbm>>
        tpu.enqueue_dma source(%dma_start3A_730 : memref<25x80xi32, #tpu.memory_space<hbm>>) target(%arg6 : memref<25x80xi32, #tpu.memory_space<vmem>>) target_semaphore(%run_scoped3A : memref<!tpu.dma_semaphore, #tpu.memory_space<semaphore_mem>>)
        %dma_wait3A_731 = arith.constant 0 : i32
        %dma_wait3A_732 = arith.constant 0 : i32
        %dma_wait3A_733 = tpu.memref_slice %arg3[%add3A, %add3A_24, %dma_wait3A_731, %dma_wait3A_732] : memref<32x5x25x80xi32, #tpu.memory_space<hbm>> -> memref<1x1x25x80xi32, #tpu.memory_space<hbm>>
        %dma_wait3A_734 = tpu.memref_squeeze %dma_wait3A_733 : memref<1x1x25x80xi32, #tpu.memory_space<hbm>> -> memref<25x80xi32, #tpu.memory_space<hbm>>
        %dma_wait3A_735 = arith.constant 0 : i32
        %dma_wait3A_736 = arith.constant 0 : i32
        %dma_wait3A_737 = tpu.memref_slice %arg3[%add3A, %add3A_24, %dma_wait3A_735, %dma_wait3A_736] : memref<32x5x25x80xi32, #tpu.memory_space<hbm>> -> memref<1x1x25x80xi32, #tpu.memory_space<hbm>>
        %dma_wait3A_738 = tpu.memref_squeeze %dma_wait3A_737 : memref<1x1x25x80xi32, #tpu.memory_space<hbm>> -> memref<25x80xi32, #tpu.memory_space<hbm>>
        tpu.wait_dma2 semaphore(%run_scoped3A : memref<!tpu.dma_semaphore, #tpu.memory_space<semaphore_mem>>) src(%dma_wait3A_738 : memref<25x80xi32, #tpu.memory_space<hbm>>) dst(%arg6 : memref<25x80xi32, #tpu.memory_space<vmem>>)
        tpu.yield
      }) : () -> ()
      "tpu.region"() ({
        %run_scoped3A = tpu.sem_alloc : memref<!tpu.dma_semaphore, #tpu.memory_space<semaphore_mem>>
        %dma_start3A_723 = arith.constant 0 : i32
        %dma_start3A_724 = arith.constant 0 : i32
        %dma_start3A_725 = tpu.memref_slice %arg4[%add3A, %add3A_24, %dma_start3A_723, %dma_start3A_724] : memref<32x5x25x80xi32, #tpu.memory_space<hbm>> -> memref<1x1x25x80xi32, #tpu.memory_space<hbm>>
        %dma_start3A_726 = tpu.memref_squeeze %dma_start3A_725 : memref<1x1x25x80xi32, #tpu.memory_space<hbm>> -> memref<25x80xi32, #tpu.memory_space<hbm>>
        %dma_start3A_727 = arith.constant 0 : i32
        %dma_start3A_728 = arith.constant 0 : i32
        %dma_start3A_729 = tpu.memref_slice %arg4[%add3A, %add3A_24, %dma_start3A_727, %dma_start3A_728] : memref<32x5x25x80xi32, #tpu.memory_space<hbm>> -> memref<1x1x25x80xi32, #tpu.memory_space<hbm>>
        %dma_start3A_730 = tpu.memref_squeeze %dma_start3A_729 : memref<1x1x25x80xi32, #tpu.memory_space<hbm>> -> memref<25x80xi32, #tpu.memory_space<hbm>>
        tpu.enqueue_dma source(%dma_start3A_730 : memref<25x80xi32, #tpu.memory_space<hbm>>) target(%arg7 : memref<25x80xi32, #tpu.memory_space<vmem>>) target_semaphore(%run_scoped3A : memref<!tpu.dma_semaphore, #tpu.memory_space<semaphore_mem>>)
        %dma_wait3A_731 = arith.constant 0 : i32
        %dma_wait3A_732 = arith.constant 0 : i32
        %dma_wait3A_733 = tpu.memref_slice %arg4[%add3A, %add3A_24, %dma_wait3A_731, %dma_wait3A_732] : memref<32x5x25x80xi32, #tpu.memory_space<hbm>> -> memref<1x1x25x80xi32, #tpu.memory_space<hbm>>
        %dma_wait3A_734 = tpu.memref_squeeze %dma_wait3A_733 : memref<1x1x25x80xi32, #tpu.memory_space<hbm>> -> memref<25x80xi32, #tpu.memory_space<hbm>>
        %dma_wait3A_735 = arith.constant 0 : i32
        %dma_wait3A_736 = arith.constant 0 : i32
        %dma_wait3A_737 = tpu.memref_slice %arg4[%add3A, %add3A_24, %dma_wait3A_735, %dma_wait3A_736] : memref<32x5x25x80xi32, #tpu.memory_space<hbm>> -> memref<1x1x25x80xi32, #tpu.memory_space<hbm>>
        %dma_wait3A_738 = tpu.memref_squeeze %dma_wait3A_737 : memref<1x1x25x80xi32, #tpu.memory_space<hbm>> -> memref<25x80xi32, #tpu.memory_space<hbm>>
        tpu.wait_dma2 semaphore(%run_scoped3A : memref<!tpu.dma_semaphore, #tpu.memory_space<semaphore_mem>>) src(%dma_wait3A_738 : memref<25x80xi32, #tpu.memory_space<hbm>>) dst(%arg7 : memref<25x80xi32, #tpu.memory_space<vmem>>)
        tpu.yield
      }) : () -> ()
      %dma_start3A = arith.constant 0 : i32
      %dma_start3A_25 = arith.constant 0 : i32
      %dma_start3A_26 = tpu.memref_slice %arg6[%dma_start3A, %dma_start3A_25] : memref<25x80xi32, #tpu.memory_space<vmem>> -> memref<1x80xi32, #tpu.memory_space<vmem>>
      %dma_start3A_27 = tpu.memref_squeeze %dma_start3A_26 : memref<1x80xi32, #tpu.memory_space<vmem>> -> memref<80xi32, #tpu.memory_space<vmem>>
      %dma_start3A_28 = arith.constant 0 : i32
      %dma_start3A_29 = arith.constant 0 : i32
      %dma_start3A_30 = tpu.memref_slice %arg2[%dma_start3A_28, %dma_start3A_29] : memref<10000x128xf32, #tpu.memory_space<hbm>> -> memref<10000x128xf32, #tpu.memory_space<hbm>>
      tpu.enqueue_indirect_dma source(%dma_start3A_30 : memref<10000x128xf32, #tpu.memory_space<hbm>>) target(%arg8 : memref<80x128xf32, #tpu.memory_space<vmem>>) offsets(%dma_start3A_27 : memref<80xi32, #tpu.memory_space<vmem>>) semaphore(%arg12 : memref<!tpu.dma_semaphore, #tpu.memory_space<semaphore_mem>>)
      %dma_start3A_31 = arith.constant 1 : i32
      %dma_start3A_32 = arith.constant 0 : i32
      %dma_start3A_33 = tpu.memref_slice %arg6[%dma_start3A_31, %dma_start3A_32] : memref<25x80xi32, #tpu.memory_space<vmem>> -> memref<1x80xi32, #tpu.memory_space<vmem>>
      %dma_start3A_34 = tpu.memref_squeeze %dma_start3A_33 : memref<1x80xi32, #tpu.memory_space<vmem>> -> memref<80xi32, #tpu.memory_space<vmem>>
      %dma_start3A_35 = arith.constant 0 : i32
      %dma_start3A_36 = arith.constant 0 : i32
      %dma_start3A_37 = tpu.memref_slice %arg2[%dma_start3A_35, %dma_start3A_36] : memref<10000x128xf32, #tpu.memory_space<hbm>> -> memref<10000x128xf32, #tpu.memory_space<hbm>>
      tpu.enqueue_indirect_dma source(%dma_start3A_37 : memref<10000x128xf32, #tpu.memory_space<hbm>>) target(%arg9 : memref<80x128xf32, #tpu.memory_space<vmem>>) offsets(%dma_start3A_34 : memref<80xi32, #tpu.memory_space<vmem>>) semaphore(%arg13 : memref<!tpu.dma_semaphore, #tpu.memory_space<semaphore_mem>>)
      %dma_start3A_38 = arith.constant 2 : i32
      %dma_start3A_39 = arith.constant 0 : i32
      %dma_start3A_40 = tpu.memref_slice %arg6[%dma_start3A_38, %dma_start3A_39] : memref<25x80xi32, #tpu.memory_space<vmem>> -> memref<1x80xi32, #tpu.memory_space<vmem>>
      %dma_start3A_41 = tpu.memref_squeeze %dma_start3A_40 : memref<1x80xi32, #tpu.memory_space<vmem>> -> memref<80xi32, #tpu.memory_space<vmem>>
      %dma_start3A_42 = arith.constant 0 : i32
      %dma_start3A_43 = arith.constant 0 : i32
      %dma_start3A_44 = tpu.memref_slice %arg2[%dma_start3A_42, %dma_start3A_43] : memref<10000x128xf32, #tpu.memory_space<hbm>> -> memref<10000x128xf32, #tpu.memory_space<hbm>>
      tpu.enqueue_indirect_dma source(%dma_start3A_44 : memref<10000x128xf32, #tpu.memory_space<hbm>>) target(%arg10 : memref<80x128xf32, #tpu.memory_space<vmem>>) offsets(%dma_start3A_41 : memref<80xi32, #tpu.memory_space<vmem>>) semaphore(%arg14 : memref<!tpu.dma_semaphore, #tpu.memory_space<semaphore_mem>>)
      %dma_start3A_45 = arith.constant 3 : i32
      %dma_start3A_46 = arith.constant 0 : i32
      %dma_start3A_47 = tpu.memref_slice %arg6[%dma_start3A_45, %dma_start3A_46] : memref<25x80xi32, #tpu.memory_space<vmem>> -> memref<1x80xi32, #tpu.memory_space<vmem>>
      %dma_start3A_48 = tpu.memref_squeeze %dma_start3A_47 : memref<1x80xi32, #tpu.memory_space<vmem>> -> memref<80xi32, #tpu.memory_space<vmem>>
      %dma_start3A_49 = arith.constant 0 : i32
      %dma_start3A_50 = arith.constant 0 : i32
      %dma_start3A_51 = tpu.memref_slice %arg2[%dma_start3A_49, %dma_start3A_50] : memref<10000x128xf32, #tpu.memory_space<hbm>> -> memref<10000x128xf32, #tpu.memory_space<hbm>>
      tpu.enqueue_indirect_dma source(%dma_start3A_51 : memref<10000x128xf32, #tpu.memory_space<hbm>>) target(%arg11 : memref<80x128xf32, #tpu.memory_space<vmem>>) offsets(%dma_start3A_48 : memref<80xi32, #tpu.memory_space<vmem>>) semaphore(%arg15 : memref<!tpu.dma_semaphore, #tpu.memory_space<semaphore_mem>>)
      %dma_wait3A = arith.constant 0 : i32
      %dma_wait3A_52 = arith.constant 0 : i32
      %dma_wait3A_53 = tpu.memref_slice %arg6[%dma_wait3A, %dma_wait3A_52] : memref<25x80xi32, #tpu.memory_space<vmem>> -> memref<1x80xi32, #tpu.memory_space<vmem>>
      %dma_wait3A_54 = tpu.memref_squeeze %dma_wait3A_53 : memref<1x80xi32, #tpu.memory_space<vmem>> -> memref<80xi32, #tpu.memory_space<vmem>>
      %dma_wait3A_55 = arith.constant 0 : i32
      %dma_wait3A_56 = arith.constant 0 : i32
      %dma_wait3A_57 = tpu.memref_slice %arg2[%dma_wait3A_55, %dma_wait3A_56] : memref<10000x128xf32, #tpu.memory_space<hbm>> -> memref<10000x128xf32, #tpu.memory_space<hbm>>
      tpu.wait_indirect_dma semaphore(%arg12 : memref<!tpu.dma_semaphore, #tpu.memory_space<semaphore_mem>>) src(%dma_wait3A_57 : memref<10000x128xf32, #tpu.memory_space<hbm>>) dst(%arg8 : memref<80x128xf32, #tpu.memory_space<vmem>>)
      %dma_start3A_58 = arith.constant 0 : i32
      %dma_start3A_59 = arith.constant 0 : i32
      %dma_start3A_60 = tpu.memref_slice %arg7[%dma_start3A_58, %dma_start3A_59] : memref<25x80xi32, #tpu.memory_space<vmem>> -> memref<1x80xi32, #tpu.memory_space<vmem>>
      %dma_start3A_61 = tpu.memref_squeeze %dma_start3A_60 : memref<1x80xi32, #tpu.memory_space<vmem>> -> memref<80xi32, #tpu.memory_space<vmem>>
      %dma_start3A_62 = arith.constant 0 : i32
      %dma_start3A_63 = arith.constant 0 : i32
      %dma_start3A_64 = tpu.memref_slice %arg20[%dma_start3A_62, %dma_start3A_63] : memref<10112x128xf32, #tpu.memory_space<vmem_shared>> -> memref<10112x128xf32, #tpu.memory_space<vmem_shared>>
      tpu.enqueue_indirect_dma source(%arg8 : memref<80x128xf32, #tpu.memory_space<vmem>>) target(%dma_start3A_64 : memref<10112x128xf32, #tpu.memory_space<vmem_shared>>) offsets(%dma_start3A_61 : memref<80xi32, #tpu.memory_space<vmem>>) semaphore(%arg16 : memref<!tpu.dma_semaphore, #tpu.memory_space<semaphore_mem>>) {add = true}
      %dma_wait3A_65 = arith.constant 0 : i32
      %dma_wait3A_66 = arith.constant 0 : i32
      %dma_wait3A_67 = tpu.memref_slice %arg7[%dma_wait3A_65, %dma_wait3A_66] : memref<25x80xi32, #tpu.memory_space<vmem>> -> memref<1x80xi32, #tpu.memory_space<vmem>>
      %dma_wait3A_68 = tpu.memref_squeeze %dma_wait3A_67 : memref<1x80xi32, #tpu.memory_space<vmem>> -> memref<80xi32, #tpu.memory_space<vmem>>
      %dma_wait3A_69 = arith.constant 0 : i32
      %dma_wait3A_70 = arith.constant 0 : i32
      %dma_wait3A_71 = tpu.memref_slice %arg20[%dma_wait3A_69, %dma_wait3A_70] : memref<10112x128xf32, #tpu.memory_space<vmem_shared>> -> memref<10112x128xf32, #tpu.memory_space<vmem_shared>>
      tpu.wait_indirect_dma semaphore(%arg16 : memref<!tpu.dma_semaphore, #tpu.memory_space<semaphore_mem>>) src(%arg8 : memref<80x128xf32, #tpu.memory_space<vmem>>) dst(%dma_wait3A_71 : memref<10112x128xf32, #tpu.memory_space<vmem_shared>>)
      %dma_start3A_72 = arith.constant 4 : i32
      %dma_start3A_73 = arith.constant 0 : i32
      %dma_start3A_74 = tpu.memref_slice %arg6[%dma_start3A_72, %dma_start3A_73] : memref<25x80xi32, #tpu.memory_space<vmem>> -> memref<1x80xi32, #tpu.memory_space<vmem>>
      %dma_start3A_75 = tpu.memref_squeeze %dma_start3A_74 : memref<1x80xi32, #tpu.memory_space<vmem>> -> memref<80xi32, #tpu.memory_space<vmem>>
      %dma_start3A_76 = arith.constant 0 : i32
      %dma_start3A_77 = arith.constant 0 : i32
      %dma_start3A_78 = tpu.memref_slice %arg2[%dma_start3A_76, %dma_start3A_77] : memref<10000x128xf32, #tpu.memory_space<hbm>> -> memref<10000x128xf32, #tpu.memory_space<hbm>>
      tpu.enqueue_indirect_dma source(%dma_start3A_78 : memref<10000x128xf32, #tpu.memory_space<hbm>>) target(%arg8 : memref<80x128xf32, #tpu.memory_space<vmem>>) offsets(%dma_start3A_75 : memref<80xi32, #tpu.memory_space<vmem>>) semaphore(%arg12 : memref<!tpu.dma_semaphore, #tpu.memory_space<semaphore_mem>>)
      %dma_wait3A_79 = arith.constant 1 : i32
      %dma_wait3A_80 = arith.constant 0 : i32
      %dma_wait3A_81 = tpu.memref_slice %arg6[%dma_wait3A_79, %dma_wait3A_80] : memref<25x80xi32, #tpu.memory_space<vmem>> -> memref<1x80xi32, #tpu.memory_space<vmem>>
      %dma_wait3A_82 = tpu.memref_squeeze %dma_wait3A_81 : memref<1x80xi32, #tpu.memory_space<vmem>> -> memref<80xi32, #tpu.memory_space<vmem>>
      %dma_wait3A_83 = arith.constant 0 : i32
      %dma_wait3A_84 = arith.constant 0 : i32
      %dma_wait3A_85 = tpu.memref_slice %arg2[%dma_wait3A_83, %dma_wait3A_84] : memref<10000x128xf32, #tpu.memory_space<hbm>> -> memref<10000x128xf32, #tpu.memory_space<hbm>>
      tpu.wait_indirect_dma semaphore(%arg13 : memref<!tpu.dma_semaphore, #tpu.memory_space<semaphore_mem>>) src(%dma_wait3A_85 : memref<10000x128xf32, #tpu.memory_space<hbm>>) dst(%arg9 : memref<80x128xf32, #tpu.memory_space<vmem>>)
      %dma_start3A_86 = arith.constant 1 : i32
      %dma_start3A_87 = arith.constant 0 : i32
      %dma_start3A_88 = tpu.memref_slice %arg7[%dma_start3A_86, %dma_start3A_87] : memref<25x80xi32, #tpu.memory_space<vmem>> -> memref<1x80xi32, #tpu.memory_space<vmem>>
      %dma_start3A_89 = tpu.memref_squeeze %dma_start3A_88 : memref<1x80xi32, #tpu.memory_space<vmem>> -> memref<80xi32, #tpu.memory_space<vmem>>
      %dma_start3A_90 = arith.constant 0 : i32
      %dma_start3A_91 = arith.constant 0 : i32
      %dma_start3A_92 = tpu.memref_slice %arg20[%dma_start3A_90, %dma_start3A_91] : memref<10112x128xf32, #tpu.memory_space<vmem_shared>> -> memref<10112x128xf32, #tpu.memory_space<vmem_shared>>
      tpu.enqueue_indirect_dma source(%arg9 : memref<80x128xf32, #tpu.memory_space<vmem>>) target(%dma_start3A_92 : memref<10112x128xf32, #tpu.memory_space<vmem_shared>>) offsets(%dma_start3A_89 : memref<80xi32, #tpu.memory_space<vmem>>) semaphore(%arg17 : memref<!tpu.dma_semaphore, #tpu.memory_space<semaphore_mem>>) {add = true}
      %dma_wait3A_93 = arith.constant 1 : i32
      %dma_wait3A_94 = arith.constant 0 : i32
      %dma_wait3A_95 = tpu.memref_slice %arg7[%dma_wait3A_93, %dma_wait3A_94] : memref<25x80xi32, #tpu.memory_space<vmem>> -> memref<1x80xi32, #tpu.memory_space<vmem>>
      %dma_wait3A_96 = tpu.memref_squeeze %dma_wait3A_95 : memref<1x80xi32, #tpu.memory_space<vmem>> -> memref<80xi32, #tpu.memory_space<vmem>>
      %dma_wait3A_97 = arith.constant 0 : i32
      %dma_wait3A_98 = arith.constant 0 : i32
      %dma_wait3A_99 = tpu.memref_slice %arg20[%dma_wait3A_97, %dma_wait3A_98] : memref<10112x128xf32, #tpu.memory_space<vmem_shared>> -> memref<10112x128xf32, #tpu.memory_space<vmem_shared>>
      tpu.wait_indirect_dma semaphore(%arg17 : memref<!tpu.dma_semaphore, #tpu.memory_space<semaphore_mem>>) src(%arg9 : memref<80x128xf32, #tpu.memory_space<vmem>>) dst(%dma_wait3A_99 : memref<10112x128xf32, #tpu.memory_space<vmem_shared>>)
      %dma_start3A_100 = arith.constant 5 : i32
      %dma_start3A_101 = arith.constant 0 : i32
      %dma_start3A_102 = tpu.memref_slice %arg6[%dma_start3A_100, %dma_start3A_101] : memref<25x80xi32, #tpu.memory_space<vmem>> -> memref<1x80xi32, #tpu.memory_space<vmem>>
      %dma_start3A_103 = tpu.memref_squeeze %dma_start3A_102 : memref<1x80xi32, #tpu.memory_space<vmem>> -> memref<80xi32, #tpu.memory_space<vmem>>
      %dma_start3A_104 = arith.constant 0 : i32
      %dma_start3A_105 = arith.constant 0 : i32
      %dma_start3A_106 = tpu.memref_slice %arg2[%dma_start3A_104, %dma_start3A_105] : memref<10000x128xf32, #tpu.memory_space<hbm>> -> memref<10000x128xf32, #tpu.memory_space<hbm>>
      tpu.enqueue_indirect_dma source(%dma_start3A_106 : memref<10000x128xf32, #tpu.memory_space<hbm>>) target(%arg9 : memref<80x128xf32, #tpu.memory_space<vmem>>) offsets(%dma_start3A_103 : memref<80xi32, #tpu.memory_space<vmem>>) semaphore(%arg13 : memref<!tpu.dma_semaphore, #tpu.memory_space<semaphore_mem>>)
      %dma_wait3A_107 = arith.constant 2 : i32
      %dma_wait3A_108 = arith.constant 0 : i32
      %dma_wait3A_109 = tpu.memref_slice %arg6[%dma_wait3A_107, %dma_wait3A_108] : memref<25x80xi32, #tpu.memory_space<vmem>> -> memref<1x80xi32, #tpu.memory_space<vmem>>
      %dma_wait3A_110 = tpu.memref_squeeze %dma_wait3A_109 : memref<1x80xi32, #tpu.memory_space<vmem>> -> memref<80xi32, #tpu.memory_space<vmem>>
      %dma_wait3A_111 = arith.constant 0 : i32
      %dma_wait3A_112 = arith.constant 0 : i32
      %dma_wait3A_113 = tpu.memref_slice %arg2[%dma_wait3A_111, %dma_wait3A_112] : memref<10000x128xf32, #tpu.memory_space<hbm>> -> memref<10000x128xf32, #tpu.memory_space<hbm>>
      tpu.wait_indirect_dma semaphore(%arg14 : memref<!tpu.dma_semaphore, #tpu.memory_space<semaphore_mem>>) src(%dma_wait3A_113 : memref<10000x128xf32, #tpu.memory_space<hbm>>) dst(%arg10 : memref<80x128xf32, #tpu.memory_space<vmem>>)
      %dma_start3A_114 = arith.constant 2 : i32
      %dma_start3A_115 = arith.constant 0 : i32
      %dma_start3A_116 = tpu.memref_slice %arg7[%dma_start3A_114, %dma_start3A_115] : memref<25x80xi32, #tpu.memory_space<vmem>> -> memref<1x80xi32, #tpu.memory_space<vmem>>
      %dma_start3A_117 = tpu.memref_squeeze %dma_start3A_116 : memref<1x80xi32, #tpu.memory_space<vmem>> -> memref<80xi32, #tpu.memory_space<vmem>>
      %dma_start3A_118 = arith.constant 0 : i32
      %dma_start3A_119 = arith.constant 0 : i32
      %dma_start3A_120 = tpu.memref_slice %arg20[%dma_start3A_118, %dma_start3A_119] : memref<10112x128xf32, #tpu.memory_space<vmem_shared>> -> memref<10112x128xf32, #tpu.memory_space<vmem_shared>>
      tpu.enqueue_indirect_dma source(%arg10 : memref<80x128xf32, #tpu.memory_space<vmem>>) target(%dma_start3A_120 : memref<10112x128xf32, #tpu.memory_space<vmem_shared>>) offsets(%dma_start3A_117 : memref<80xi32, #tpu.memory_space<vmem>>) semaphore(%arg18 : memref<!tpu.dma_semaphore, #tpu.memory_space<semaphore_mem>>) {add = true}
      %dma_wait3A_121 = arith.constant 2 : i32
      %dma_wait3A_122 = arith.constant 0 : i32
      %dma_wait3A_123 = tpu.memref_slice %arg7[%dma_wait3A_121, %dma_wait3A_122] : memref<25x80xi32, #tpu.memory_space<vmem>> -> memref<1x80xi32, #tpu.memory_space<vmem>>
      %dma_wait3A_124 = tpu.memref_squeeze %dma_wait3A_123 : memref<1x80xi32, #tpu.memory_space<vmem>> -> memref<80xi32, #tpu.memory_space<vmem>>
      %dma_wait3A_125 = arith.constant 0 : i32
      %dma_wait3A_126 = arith.constant 0 : i32
      %dma_wait3A_127 = tpu.memref_slice %arg20[%dma_wait3A_125, %dma_wait3A_126] : memref<10112x128xf32, #tpu.memory_space<vmem_shared>> -> memref<10112x128xf32, #tpu.memory_space<vmem_shared>>
      tpu.wait_indirect_dma semaphore(%arg18 : memref<!tpu.dma_semaphore, #tpu.memory_space<semaphore_mem>>) src(%arg10 : memref<80x128xf32, #tpu.memory_space<vmem>>) dst(%dma_wait3A_127 : memref<10112x128xf32, #tpu.memory_space<vmem_shared>>)
      %dma_start3A_128 = arith.constant 6 : i32
      %dma_start3A_129 = arith.constant 0 : i32
      %dma_start3A_130 = tpu.memref_slice %arg6[%dma_start3A_128, %dma_start3A_129] : memref<25x80xi32, #tpu.memory_space<vmem>> -> memref<1x80xi32, #tpu.memory_space<vmem>>
      %dma_start3A_131 = tpu.memref_squeeze %dma_start3A_130 : memref<1x80xi32, #tpu.memory_space<vmem>> -> memref<80xi32, #tpu.memory_space<vmem>>
      %dma_start3A_132 = arith.constant 0 : i32
      %dma_start3A_133 = arith.constant 0 : i32
      %dma_start3A_134 = tpu.memref_slice %arg2[%dma_start3A_132, %dma_start3A_133] : memref<10000x128xf32, #tpu.memory_space<hbm>> -> memref<10000x128xf32, #tpu.memory_space<hbm>>
      tpu.enqueue_indirect_dma source(%dma_start3A_134 : memref<10000x128xf32, #tpu.memory_space<hbm>>) target(%arg10 : memref<80x128xf32, #tpu.memory_space<vmem>>) offsets(%dma_start3A_131 : memref<80xi32, #tpu.memory_space<vmem>>) semaphore(%arg14 : memref<!tpu.dma_semaphore, #tpu.memory_space<semaphore_mem>>)
      %dma_wait3A_135 = arith.constant 3 : i32
      %dma_wait3A_136 = arith.constant 0 : i32
      %dma_wait3A_137 = tpu.memref_slice %arg6[%dma_wait3A_135, %dma_wait3A_136] : memref<25x80xi32, #tpu.memory_space<vmem>> -> memref<1x80xi32, #tpu.memory_space<vmem>>
      %dma_wait3A_138 = tpu.memref_squeeze %dma_wait3A_137 : memref<1x80xi32, #tpu.memory_space<vmem>> -> memref<80xi32, #tpu.memory_space<vmem>>
      %dma_wait3A_139 = arith.constant 0 : i32
      %dma_wait3A_140 = arith.constant 0 : i32
      %dma_wait3A_141 = tpu.memref_slice %arg2[%dma_wait3A_139, %dma_wait3A_140] : memref<10000x128xf32, #tpu.memory_space<hbm>> -> memref<10000x128xf32, #tpu.memory_space<hbm>>
      tpu.wait_indirect_dma semaphore(%arg15 : memref<!tpu.dma_semaphore, #tpu.memory_space<semaphore_mem>>) src(%dma_wait3A_141 : memref<10000x128xf32, #tpu.memory_space<hbm>>) dst(%arg11 : memref<80x128xf32, #tpu.memory_space<vmem>>)
      %dma_start3A_142 = arith.constant 3 : i32
      %dma_start3A_143 = arith.constant 0 : i32
      %dma_start3A_144 = tpu.memref_slice %arg7[%dma_start3A_142, %dma_start3A_143] : memref<25x80xi32, #tpu.memory_space<vmem>> -> memref<1x80xi32, #tpu.memory_space<vmem>>
      %dma_start3A_145 = tpu.memref_squeeze %dma_start3A_144 : memref<1x80xi32, #tpu.memory_space<vmem>> -> memref<80xi32, #tpu.memory_space<vmem>>
      %dma_start3A_146 = arith.constant 0 : i32
      %dma_start3A_147 = arith.constant 0 : i32
      %dma_start3A_148 = tpu.memref_slice %arg20[%dma_start3A_146, %dma_start3A_147] : memref<10112x128xf32, #tpu.memory_space<vmem_shared>> -> memref<10112x128xf32, #tpu.memory_space<vmem_shared>>
      tpu.enqueue_indirect_dma source(%arg11 : memref<80x128xf32, #tpu.memory_space<vmem>>) target(%dma_start3A_148 : memref<10112x128xf32, #tpu.memory_space<vmem_shared>>) offsets(%dma_start3A_145 : memref<80xi32, #tpu.memory_space<vmem>>) semaphore(%arg19 : memref<!tpu.dma_semaphore, #tpu.memory_space<semaphore_mem>>) {add = true}
      %dma_wait3A_149 = arith.constant 3 : i32
      %dma_wait3A_150 = arith.constant 0 : i32
      %dma_wait3A_151 = tpu.memref_slice %arg7[%dma_wait3A_149, %dma_wait3A_150] : memref<25x80xi32, #tpu.memory_space<vmem>> -> memref<1x80xi32, #tpu.memory_space<vmem>>
      %dma_wait3A_152 = tpu.memref_squeeze %dma_wait3A_151 : memref<1x80xi32, #tpu.memory_space<vmem>> -> memref<80xi32, #tpu.memory_space<vmem>>
      %dma_wait3A_153 = arith.constant 0 : i32
      %dma_wait3A_154 = arith.constant 0 : i32
      %dma_wait3A_155 = tpu.memref_slice %arg20[%dma_wait3A_153, %dma_wait3A_154] : memref<10112x128xf32, #tpu.memory_space<vmem_shared>> -> memref<10112x128xf32, #tpu.memory_space<vmem_shared>>
      tpu.wait_indirect_dma semaphore(%arg19 : memref<!tpu.dma_semaphore, #tpu.memory_space<semaphore_mem>>) src(%arg11 : memref<80x128xf32, #tpu.memory_space<vmem>>) dst(%dma_wait3A_155 : memref<10112x128xf32, #tpu.memory_space<vmem_shared>>)
      %dma_start3A_156 = arith.constant 7 : i32
      %dma_start3A_157 = arith.constant 0 : i32
      %dma_start3A_158 = tpu.memref_slice %arg6[%dma_start3A_156, %dma_start3A_157] : memref<25x80xi32, #tpu.memory_space<vmem>> -> memref<1x80xi32, #tpu.memory_space<vmem>>
      %dma_start3A_159 = tpu.memref_squeeze %dma_start3A_158 : memref<1x80xi32, #tpu.memory_space<vmem>> -> memref<80xi32, #tpu.memory_space<vmem>>
      %dma_start3A_160 = arith.constant 0 : i32
      %dma_start3A_161 = arith.constant 0 : i32
      %dma_start3A_162 = tpu.memref_slice %arg2[%dma_start3A_160, %dma_start3A_161] : memref<10000x128xf32, #tpu.memory_space<hbm>> -> memref<10000x128xf32, #tpu.memory_space<hbm>>
      tpu.enqueue_indirect_dma source(%dma_start3A_162 : memref<10000x128xf32, #tpu.memory_space<hbm>>) target(%arg11 : memref<80x128xf32, #tpu.memory_space<vmem>>) offsets(%dma_start3A_159 : memref<80xi32, #tpu.memory_space<vmem>>) semaphore(%arg15 : memref<!tpu.dma_semaphore, #tpu.memory_space<semaphore_mem>>)
      %dma_wait3A_163 = arith.constant 4 : i32
      %dma_wait3A_164 = arith.constant 0 : i32
      %dma_wait3A_165 = tpu.memref_slice %arg6[%dma_wait3A_163, %dma_wait3A_164] : memref<25x80xi32, #tpu.memory_space<vmem>> -> memref<1x80xi32, #tpu.memory_space<vmem>>
      %dma_wait3A_166 = tpu.memref_squeeze %dma_wait3A_165 : memref<1x80xi32, #tpu.memory_space<vmem>> -> memref<80xi32, #tpu.memory_space<vmem>>
      %dma_wait3A_167 = arith.constant 0 : i32
      %dma_wait3A_168 = arith.constant 0 : i32
      %dma_wait3A_169 = tpu.memref_slice %arg2[%dma_wait3A_167, %dma_wait3A_168] : memref<10000x128xf32, #tpu.memory_space<hbm>> -> memref<10000x128xf32, #tpu.memory_space<hbm>>
      tpu.wait_indirect_dma semaphore(%arg12 : memref<!tpu.dma_semaphore, #tpu.memory_space<semaphore_mem>>) src(%dma_wait3A_169 : memref<10000x128xf32, #tpu.memory_space<hbm>>) dst(%arg8 : memref<80x128xf32, #tpu.memory_space<vmem>>)
      %dma_start3A_170 = arith.constant 4 : i32
      %dma_start3A_171 = arith.constant 0 : i32
      %dma_start3A_172 = tpu.memref_slice %arg7[%dma_start3A_170, %dma_start3A_171] : memref<25x80xi32, #tpu.memory_space<vmem>> -> memref<1x80xi32, #tpu.memory_space<vmem>>
      %dma_start3A_173 = tpu.memref_squeeze %dma_start3A_172 : memref<1x80xi32, #tpu.memory_space<vmem>> -> memref<80xi32, #tpu.memory_space<vmem>>
      %dma_start3A_174 = arith.constant 0 : i32
      %dma_start3A_175 = arith.constant 0 : i32
      %dma_start3A_176 = tpu.memref_slice %arg20[%dma_start3A_174, %dma_start3A_175] : memref<10112x128xf32, #tpu.memory_space<vmem_shared>> -> memref<10112x128xf32, #tpu.memory_space<vmem_shared>>
      tpu.enqueue_indirect_dma source(%arg8 : memref<80x128xf32, #tpu.memory_space<vmem>>) target(%dma_start3A_176 : memref<10112x128xf32, #tpu.memory_space<vmem_shared>>) offsets(%dma_start3A_173 : memref<80xi32, #tpu.memory_space<vmem>>) semaphore(%arg16 : memref<!tpu.dma_semaphore, #tpu.memory_space<semaphore_mem>>) {add = true}
      %dma_wait3A_177 = arith.constant 4 : i32
      %dma_wait3A_178 = arith.constant 0 : i32
      %dma_wait3A_179 = tpu.memref_slice %arg7[%dma_wait3A_177, %dma_wait3A_178] : memref<25x80xi32, #tpu.memory_space<vmem>> -> memref<1x80xi32, #tpu.memory_space<vmem>>
      %dma_wait3A_180 = tpu.memref_squeeze %dma_wait3A_179 : memref<1x80xi32, #tpu.memory_space<vmem>> -> memref<80xi32, #tpu.memory_space<vmem>>
      %dma_wait3A_181 = arith.constant 0 : i32
      %dma_wait3A_182 = arith.constant 0 : i32
      %dma_wait3A_183 = tpu.memref_slice %arg20[%dma_wait3A_181, %dma_wait3A_182] : memref<10112x128xf32, #tpu.memory_space<vmem_shared>> -> memref<10112x128xf32, #tpu.memory_space<vmem_shared>>
      tpu.wait_indirect_dma semaphore(%arg16 : memref<!tpu.dma_semaphore, #tpu.memory_space<semaphore_mem>>) src(%arg8 : memref<80x128xf32, #tpu.memory_space<vmem>>) dst(%dma_wait3A_183 : memref<10112x128xf32, #tpu.memory_space<vmem_shared>>)
      %dma_start3A_184 = arith.constant 8 : i32
      %dma_start3A_185 = arith.constant 0 : i32
      %dma_start3A_186 = tpu.memref_slice %arg6[%dma_start3A_184, %dma_start3A_185] : memref<25x80xi32, #tpu.memory_space<vmem>> -> memref<1x80xi32, #tpu.memory_space<vmem>>
      %dma_start3A_187 = tpu.memref_squeeze %dma_start3A_186 : memref<1x80xi32, #tpu.memory_space<vmem>> -> memref<80xi32, #tpu.memory_space<vmem>>
      %dma_start3A_188 = arith.constant 0 : i32
      %dma_start3A_189 = arith.constant 0 : i32
      %dma_start3A_190 = tpu.memref_slice %arg2[%dma_start3A_188, %dma_start3A_189] : memref<10000x128xf32, #tpu.memory_space<hbm>> -> memref<10000x128xf32, #tpu.memory_space<hbm>>
      tpu.enqueue_indirect_dma source(%dma_start3A_190 : memref<10000x128xf32, #tpu.memory_space<hbm>>) target(%arg8 : memref<80x128xf32, #tpu.memory_space<vmem>>) offsets(%dma_start3A_187 : memref<80xi32, #tpu.memory_space<vmem>>) semaphore(%arg12 : memref<!tpu.dma_semaphore, #tpu.memory_space<semaphore_mem>>)
      %dma_wait3A_191 = arith.constant 5 : i32
      %dma_wait3A_192 = arith.constant 0 : i32
      %dma_wait3A_193 = tpu.memref_slice %arg6[%dma_wait3A_191, %dma_wait3A_192] : memref<25x80xi32, #tpu.memory_space<vmem>> -> memref<1x80xi32, #tpu.memory_space<vmem>>
      %dma_wait3A_194 = tpu.memref_squeeze %dma_wait3A_193 : memref<1x80xi32, #tpu.memory_space<vmem>> -> memref<80xi32, #tpu.memory_space<vmem>>
      %dma_wait3A_195 = arith.constant 0 : i32
      %dma_wait3A_196 = arith.constant 0 : i32
      %dma_wait3A_197 = tpu.memref_slice %arg2[%dma_wait3A_195, %dma_wait3A_196] : memref<10000x128xf32, #tpu.memory_space<hbm>> -> memref<10000x128xf32, #tpu.memory_space<hbm>>
      tpu.wait_indirect_dma semaphore(%arg13 : memref<!tpu.dma_semaphore, #tpu.memory_space<semaphore_mem>>) src(%dma_wait3A_197 : memref<10000x128xf32, #tpu.memory_space<hbm>>) dst(%arg9 : memref<80x128xf32, #tpu.memory_space<vmem>>)
      %dma_start3A_198 = arith.constant 5 : i32
      %dma_start3A_199 = arith.constant 0 : i32
      %dma_start3A_200 = tpu.memref_slice %arg7[%dma_start3A_198, %dma_start3A_199] : memref<25x80xi32, #tpu.memory_space<vmem>> -> memref<1x80xi32, #tpu.memory_space<vmem>>
      %dma_start3A_201 = tpu.memref_squeeze %dma_start3A_200 : memref<1x80xi32, #tpu.memory_space<vmem>> -> memref<80xi32, #tpu.memory_space<vmem>>
      %dma_start3A_202 = arith.constant 0 : i32
      %dma_start3A_203 = arith.constant 0 : i32
      %dma_start3A_204 = tpu.memref_slice %arg20[%dma_start3A_202, %dma_start3A_203] : memref<10112x128xf32, #tpu.memory_space<vmem_shared>> -> memref<10112x128xf32, #tpu.memory_space<vmem_shared>>
      tpu.enqueue_indirect_dma source(%arg9 : memref<80x128xf32, #tpu.memory_space<vmem>>) target(%dma_start3A_204 : memref<10112x128xf32, #tpu.memory_space<vmem_shared>>) offsets(%dma_start3A_201 : memref<80xi32, #tpu.memory_space<vmem>>) semaphore(%arg17 : memref<!tpu.dma_semaphore, #tpu.memory_space<semaphore_mem>>) {add = true}
      %dma_wait3A_205 = arith.constant 5 : i32
      %dma_wait3A_206 = arith.constant 0 : i32
      %dma_wait3A_207 = tpu.memref_slice %arg7[%dma_wait3A_205, %dma_wait3A_206] : memref<25x80xi32, #tpu.memory_space<vmem>> -> memref<1x80xi32, #tpu.memory_space<vmem>>
      %dma_wait3A_208 = tpu.memref_squeeze %dma_wait3A_207 : memref<1x80xi32, #tpu.memory_space<vmem>> -> memref<80xi32, #tpu.memory_space<vmem>>
      %dma_wait3A_209 = arith.constant 0 : i32
      %dma_wait3A_210 = arith.constant 0 : i32
      %dma_wait3A_211 = tpu.memref_slice %arg20[%dma_wait3A_209, %dma_wait3A_210] : memref<10112x128xf32, #tpu.memory_space<vmem_shared>> -> memref<10112x128xf32, #tpu.memory_space<vmem_shared>>
      tpu.wait_indirect_dma semaphore(%arg17 : memref<!tpu.dma_semaphore, #tpu.memory_space<semaphore_mem>>) src(%arg9 : memref<80x128xf32, #tpu.memory_space<vmem>>) dst(%dma_wait3A_211 : memref<10112x128xf32, #tpu.memory_space<vmem_shared>>)
      %dma_start3A_212 = arith.constant 9 : i32
      %dma_start3A_213 = arith.constant 0 : i32
      %dma_start3A_214 = tpu.memref_slice %arg6[%dma_start3A_212, %dma_start3A_213] : memref<25x80xi32, #tpu.memory_space<vmem>> -> memref<1x80xi32, #tpu.memory_space<vmem>>
      %dma_start3A_215 = tpu.memref_squeeze %dma_start3A_214 : memref<1x80xi32, #tpu.memory_space<vmem>> -> memref<80xi32, #tpu.memory_space<vmem>>
      %dma_start3A_216 = arith.constant 0 : i32
      %dma_start3A_217 = arith.constant 0 : i32
      %dma_start3A_218 = tpu.memref_slice %arg2[%dma_start3A_216, %dma_start3A_217] : memref<10000x128xf32, #tpu.memory_space<hbm>> -> memref<10000x128xf32, #tpu.memory_space<hbm>>
      tpu.enqueue_indirect_dma source(%dma_start3A_218 : memref<10000x128xf32, #tpu.memory_space<hbm>>) target(%arg9 : memref<80x128xf32, #tpu.memory_space<vmem>>) offsets(%dma_start3A_215 : memref<80xi32, #tpu.memory_space<vmem>>) semaphore(%arg13 : memref<!tpu.dma_semaphore, #tpu.memory_space<semaphore_mem>>)
      %dma_wait3A_219 = arith.constant 6 : i32
      %dma_wait3A_220 = arith.constant 0 : i32
      %dma_wait3A_221 = tpu.memref_slice %arg6[%dma_wait3A_219, %dma_wait3A_220] : memref<25x80xi32, #tpu.memory_space<vmem>> -> memref<1x80xi32, #tpu.memory_space<vmem>>
      %dma_wait3A_222 = tpu.memref_squeeze %dma_wait3A_221 : memref<1x80xi32, #tpu.memory_space<vmem>> -> memref<80xi32, #tpu.memory_space<vmem>>
      %dma_wait3A_223 = arith.constant 0 : i32
      %dma_wait3A_224 = arith.constant 0 : i32
      %dma_wait3A_225 = tpu.memref_slice %arg2[%dma_wait3A_223, %dma_wait3A_224] : memref<10000x128xf32, #tpu.memory_space<hbm>> -> memref<10000x128xf32, #tpu.memory_space<hbm>>
      tpu.wait_indirect_dma semaphore(%arg14 : memref<!tpu.dma_semaphore, #tpu.memory_space<semaphore_mem>>) src(%dma_wait3A_225 : memref<10000x128xf32, #tpu.memory_space<hbm>>) dst(%arg10 : memref<80x128xf32, #tpu.memory_space<vmem>>)
      %dma_start3A_226 = arith.constant 6 : i32
      %dma_start3A_227 = arith.constant 0 : i32
      %dma_start3A_228 = tpu.memref_slice %arg7[%dma_start3A_226, %dma_start3A_227] : memref<25x80xi32, #tpu.memory_space<vmem>> -> memref<1x80xi32, #tpu.memory_space<vmem>>
      %dma_start3A_229 = tpu.memref_squeeze %dma_start3A_228 : memref<1x80xi32, #tpu.memory_space<vmem>> -> memref<80xi32, #tpu.memory_space<vmem>>
      %dma_start3A_230 = arith.constant 0 : i32
      %dma_start3A_231 = arith.constant 0 : i32
      %dma_start3A_232 = tpu.memref_slice %arg20[%dma_start3A_230, %dma_start3A_231] : memref<10112x128xf32, #tpu.memory_space<vmem_shared>> -> memref<10112x128xf32, #tpu.memory_space<vmem_shared>>
      tpu.enqueue_indirect_dma source(%arg10 : memref<80x128xf32, #tpu.memory_space<vmem>>) target(%dma_start3A_232 : memref<10112x128xf32, #tpu.memory_space<vmem_shared>>) offsets(%dma_start3A_229 : memref<80xi32, #tpu.memory_space<vmem>>) semaphore(%arg18 : memref<!tpu.dma_semaphore, #tpu.memory_space<semaphore_mem>>) {add = true}
      %dma_wait3A_233 = arith.constant 6 : i32
      %dma_wait3A_234 = arith.constant 0 : i32
      %dma_wait3A_235 = tpu.memref_slice %arg7[%dma_wait3A_233, %dma_wait3A_234] : memref<25x80xi32, #tpu.memory_space<vmem>> -> memref<1x80xi32, #tpu.memory_space<vmem>>
      %dma_wait3A_236 = tpu.memref_squeeze %dma_wait3A_235 : memref<1x80xi32, #tpu.memory_space<vmem>> -> memref<80xi32, #tpu.memory_space<vmem>>
      %dma_wait3A_237 = arith.constant 0 : i32
      %dma_wait3A_238 = arith.constant 0 : i32
      %dma_wait3A_239 = tpu.memref_slice %arg20[%dma_wait3A_237, %dma_wait3A_238] : memref<10112x128xf32, #tpu.memory_space<vmem_shared>> -> memref<10112x128xf32, #tpu.memory_space<vmem_shared>>
      tpu.wait_indirect_dma semaphore(%arg18 : memref<!tpu.dma_semaphore, #tpu.memory_space<semaphore_mem>>) src(%arg10 : memref<80x128xf32, #tpu.memory_space<vmem>>) dst(%dma_wait3A_239 : memref<10112x128xf32, #tpu.memory_space<vmem_shared>>)
      %dma_start3A_240 = arith.constant 10 : i32
      %dma_start3A_241 = arith.constant 0 : i32
      %dma_start3A_242 = tpu.memref_slice %arg6[%dma_start3A_240, %dma_start3A_241] : memref<25x80xi32, #tpu.memory_space<vmem>> -> memref<1x80xi32, #tpu.memory_space<vmem>>
      %dma_start3A_243 = tpu.memref_squeeze %dma_start3A_242 : memref<1x80xi32, #tpu.memory_space<vmem>> -> memref<80xi32, #tpu.memory_space<vmem>>
      %dma_start3A_244 = arith.constant 0 : i32
      %dma_start3A_245 = arith.constant 0 : i32
      %dma_start3A_246 = tpu.memref_slice %arg2[%dma_start3A_244, %dma_start3A_245] : memref<10000x128xf32, #tpu.memory_space<hbm>> -> memref<10000x128xf32, #tpu.memory_space<hbm>>
      tpu.enqueue_indirect_dma source(%dma_start3A_246 : memref<10000x128xf32, #tpu.memory_space<hbm>>) target(%arg10 : memref<80x128xf32, #tpu.memory_space<vmem>>) offsets(%dma_start3A_243 : memref<80xi32, #tpu.memory_space<vmem>>) semaphore(%arg14 : memref<!tpu.dma_semaphore, #tpu.memory_space<semaphore_mem>>)
      %dma_wait3A_247 = arith.constant 7 : i32
      %dma_wait3A_248 = arith.constant 0 : i32
      %dma_wait3A_249 = tpu.memref_slice %arg6[%dma_wait3A_247, %dma_wait3A_248] : memref<25x80xi32, #tpu.memory_space<vmem>> -> memref<1x80xi32, #tpu.memory_space<vmem>>
      %dma_wait3A_250 = tpu.memref_squeeze %dma_wait3A_249 : memref<1x80xi32, #tpu.memory_space<vmem>> -> memref<80xi32, #tpu.memory_space<vmem>>
      %dma_wait3A_251 = arith.constant 0 : i32
      %dma_wait3A_252 = arith.constant 0 : i32
      %dma_wait3A_253 = tpu.memref_slice %arg2[%dma_wait3A_251, %dma_wait3A_252] : memref<10000x128xf32, #tpu.memory_space<hbm>> -> memref<10000x128xf32, #tpu.memory_space<hbm>>
      tpu.wait_indirect_dma semaphore(%arg15 : memref<!tpu.dma_semaphore, #tpu.memory_space<semaphore_mem>>) src(%dma_wait3A_253 : memref<10000x128xf32, #tpu.memory_space<hbm>>) dst(%arg11 : memref<80x128xf32, #tpu.memory_space<vmem>>)
      %dma_start3A_254 = arith.constant 7 : i32
      %dma_start3A_255 = arith.constant 0 : i32
      %dma_start3A_256 = tpu.memref_slice %arg7[%dma_start3A_254, %dma_start3A_255] : memref<25x80xi32, #tpu.memory_space<vmem>> -> memref<1x80xi32, #tpu.memory_space<vmem>>
      %dma_start3A_257 = tpu.memref_squeeze %dma_start3A_256 : memref<1x80xi32, #tpu.memory_space<vmem>> -> memref<80xi32, #tpu.memory_space<vmem>>
      %dma_start3A_258 = arith.constant 0 : i32
      %dma_start3A_259 = arith.constant 0 : i32
      %dma_start3A_260 = tpu.memref_slice %arg20[%dma_start3A_258, %dma_start3A_259] : memref<10112x128xf32, #tpu.memory_space<vmem_shared>> -> memref<10112x128xf32, #tpu.memory_space<vmem_shared>>
      tpu.enqueue_indirect_dma source(%arg11 : memref<80x128xf32, #tpu.memory_space<vmem>>) target(%dma_start3A_260 : memref<10112x128xf32, #tpu.memory_space<vmem_shared>>) offsets(%dma_start3A_257 : memref<80xi32, #tpu.memory_space<vmem>>) semaphore(%arg19 : memref<!tpu.dma_semaphore, #tpu.memory_space<semaphore_mem>>) {add = true}
      %dma_wait3A_261 = arith.constant 7 : i32
      %dma_wait3A_262 = arith.constant 0 : i32
      %dma_wait3A_263 = tpu.memref_slice %arg7[%dma_wait3A_261, %dma_wait3A_262] : memref<25x80xi32, #tpu.memory_space<vmem>> -> memref<1x80xi32, #tpu.memory_space<vmem>>
      %dma_wait3A_264 = tpu.memref_squeeze %dma_wait3A_263 : memref<1x80xi32, #tpu.memory_space<vmem>> -> memref<80xi32, #tpu.memory_space<vmem>>
      %dma_wait3A_265 = arith.constant 0 : i32
      %dma_wait3A_266 = arith.constant 0 : i32
      %dma_wait3A_267 = tpu.memref_slice %arg20[%dma_wait3A_265, %dma_wait3A_266] : memref<10112x128xf32, #tpu.memory_space<vmem_shared>> -> memref<10112x128xf32, #tpu.memory_space<vmem_shared>>
      tpu.wait_indirect_dma semaphore(%arg19 : memref<!tpu.dma_semaphore, #tpu.memory_space<semaphore_mem>>) src(%arg11 : memref<80x128xf32, #tpu.memory_space<vmem>>) dst(%dma_wait3A_267 : memref<10112x128xf32, #tpu.memory_space<vmem_shared>>)
      %dma_start3A_268 = arith.constant 11 : i32
      %dma_start3A_269 = arith.constant 0 : i32
      %dma_start3A_270 = tpu.memref_slice %arg6[%dma_start3A_268, %dma_start3A_269] : memref<25x80xi32, #tpu.memory_space<vmem>> -> memref<1x80xi32, #tpu.memory_space<vmem>>
      %dma_start3A_271 = tpu.memref_squeeze %dma_start3A_270 : memref<1x80xi32, #tpu.memory_space<vmem>> -> memref<80xi32, #tpu.memory_space<vmem>>
      %dma_start3A_272 = arith.constant 0 : i32
      %dma_start3A_273 = arith.constant 0 : i32
      %dma_start3A_274 = tpu.memref_slice %arg2[%dma_start3A_272, %dma_start3A_273] : memref<10000x128xf32, #tpu.memory_space<hbm>> -> memref<10000x128xf32, #tpu.memory_space<hbm>>
      tpu.enqueue_indirect_dma source(%dma_start3A_274 : memref<10000x128xf32, #tpu.memory_space<hbm>>) target(%arg11 : memref<80x128xf32, #tpu.memory_space<vmem>>) offsets(%dma_start3A_271 : memref<80xi32, #tpu.memory_space<vmem>>) semaphore(%arg15 : memref<!tpu.dma_semaphore, #tpu.memory_space<semaphore_mem>>)
      %dma_wait3A_275 = arith.constant 8 : i32
      %dma_wait3A_276 = arith.constant 0 : i32
      %dma_wait3A_277 = tpu.memref_slice %arg6[%dma_wait3A_275, %dma_wait3A_276] : memref<25x80xi32, #tpu.memory_space<vmem>> -> memref<1x80xi32, #tpu.memory_space<vmem>>
      %dma_wait3A_278 = tpu.memref_squeeze %dma_wait3A_277 : memref<1x80xi32, #tpu.memory_space<vmem>> -> memref<80xi32, #tpu.memory_space<vmem>>
      %dma_wait3A_279 = arith.constant 0 : i32
      %dma_wait3A_280 = arith.constant 0 : i32
      %dma_wait3A_281 = tpu.memref_slice %arg2[%dma_wait3A_279, %dma_wait3A_280] : memref<10000x128xf32, #tpu.memory_space<hbm>> -> memref<10000x128xf32, #tpu.memory_space<hbm>>
      tpu.wait_indirect_dma semaphore(%arg12 : memref<!tpu.dma_semaphore, #tpu.memory_space<semaphore_mem>>) src(%dma_wait3A_281 : memref<10000x128xf32, #tpu.memory_space<hbm>>) dst(%arg8 : memref<80x128xf32, #tpu.memory_space<vmem>>)
      %dma_start3A_282 = arith.constant 8 : i32
      %dma_start3A_283 = arith.constant 0 : i32
      %dma_start3A_284 = tpu.memref_slice %arg7[%dma_start3A_282, %dma_start3A_283] : memref<25x80xi32, #tpu.memory_space<vmem>> -> memref<1x80xi32, #tpu.memory_space<vmem>>
      %dma_start3A_285 = tpu.memref_squeeze %dma_start3A_284 : memref<1x80xi32, #tpu.memory_space<vmem>> -> memref<80xi32, #tpu.memory_space<vmem>>
      %dma_start3A_286 = arith.constant 0 : i32
      %dma_start3A_287 = arith.constant 0 : i32
      %dma_start3A_288 = tpu.memref_slice %arg20[%dma_start3A_286, %dma_start3A_287] : memref<10112x128xf32, #tpu.memory_space<vmem_shared>> -> memref<10112x128xf32, #tpu.memory_space<vmem_shared>>
      tpu.enqueue_indirect_dma source(%arg8 : memref<80x128xf32, #tpu.memory_space<vmem>>) target(%dma_start3A_288 : memref<10112x128xf32, #tpu.memory_space<vmem_shared>>) offsets(%dma_start3A_285 : memref<80xi32, #tpu.memory_space<vmem>>) semaphore(%arg16 : memref<!tpu.dma_semaphore, #tpu.memory_space<semaphore_mem>>) {add = true}
      %dma_wait3A_289 = arith.constant 8 : i32
      %dma_wait3A_290 = arith.constant 0 : i32
      %dma_wait3A_291 = tpu.memref_slice %arg7[%dma_wait3A_289, %dma_wait3A_290] : memref<25x80xi32, #tpu.memory_space<vmem>> -> memref<1x80xi32, #tpu.memory_space<vmem>>
      %dma_wait3A_292 = tpu.memref_squeeze %dma_wait3A_291 : memref<1x80xi32, #tpu.memory_space<vmem>> -> memref<80xi32, #tpu.memory_space<vmem>>
      %dma_wait3A_293 = arith.constant 0 : i32
      %dma_wait3A_294 = arith.constant 0 : i32
      %dma_wait3A_295 = tpu.memref_slice %arg20[%dma_wait3A_293, %dma_wait3A_294] : memref<10112x128xf32, #tpu.memory_space<vmem_shared>> -> memref<10112x128xf32, #tpu.memory_space<vmem_shared>>
      tpu.wait_indirect_dma semaphore(%arg16 : memref<!tpu.dma_semaphore, #tpu.memory_space<semaphore_mem>>) src(%arg8 : memref<80x128xf32, #tpu.memory_space<vmem>>) dst(%dma_wait3A_295 : memref<10112x128xf32, #tpu.memory_space<vmem_shared>>)
      %dma_start3A_296 = arith.constant 12 : i32
      %dma_start3A_297 = arith.constant 0 : i32
      %dma_start3A_298 = tpu.memref_slice %arg6[%dma_start3A_296, %dma_start3A_297] : memref<25x80xi32, #tpu.memory_space<vmem>> -> memref<1x80xi32, #tpu.memory_space<vmem>>
      %dma_start3A_299 = tpu.memref_squeeze %dma_start3A_298 : memref<1x80xi32, #tpu.memory_space<vmem>> -> memref<80xi32, #tpu.memory_space<vmem>>
      %dma_start3A_300 = arith.constant 0 : i32
      %dma_start3A_301 = arith.constant 0 : i32
      %dma_start3A_302 = tpu.memref_slice %arg2[%dma_start3A_300, %dma_start3A_301] : memref<10000x128xf32, #tpu.memory_space<hbm>> -> memref<10000x128xf32, #tpu.memory_space<hbm>>
      tpu.enqueue_indirect_dma source(%dma_start3A_302 : memref<10000x128xf32, #tpu.memory_space<hbm>>) target(%arg8 : memref<80x128xf32, #tpu.memory_space<vmem>>) offsets(%dma_start3A_299 : memref<80xi32, #tpu.memory_space<vmem>>) semaphore(%arg12 : memref<!tpu.dma_semaphore, #tpu.memory_space<semaphore_mem>>)
      %dma_wait3A_303 = arith.constant 9 : i32
      %dma_wait3A_304 = arith.constant 0 : i32
      %dma_wait3A_305 = tpu.memref_slice %arg6[%dma_wait3A_303, %dma_wait3A_304] : memref<25x80xi32, #tpu.memory_space<vmem>> -> memref<1x80xi32, #tpu.memory_space<vmem>>
      %dma_wait3A_306 = tpu.memref_squeeze %dma_wait3A_305 : memref<1x80xi32, #tpu.memory_space<vmem>> -> memref<80xi32, #tpu.memory_space<vmem>>
      %dma_wait3A_307 = arith.constant 0 : i32
      %dma_wait3A_308 = arith.constant 0 : i32
      %dma_wait3A_309 = tpu.memref_slice %arg2[%dma_wait3A_307, %dma_wait3A_308] : memref<10000x128xf32, #tpu.memory_space<hbm>> -> memref<10000x128xf32, #tpu.memory_space<hbm>>
      tpu.wait_indirect_dma semaphore(%arg13 : memref<!tpu.dma_semaphore, #tpu.memory_space<semaphore_mem>>) src(%dma_wait3A_309 : memref<10000x128xf32, #tpu.memory_space<hbm>>) dst(%arg9 : memref<80x128xf32, #tpu.memory_space<vmem>>)
      %dma_start3A_310 = arith.constant 9 : i32
      %dma_start3A_311 = arith.constant 0 : i32
      %dma_start3A_312 = tpu.memref_slice %arg7[%dma_start3A_310, %dma_start3A_311] : memref<25x80xi32, #tpu.memory_space<vmem>> -> memref<1x80xi32, #tpu.memory_space<vmem>>
      %dma_start3A_313 = tpu.memref_squeeze %dma_start3A_312 : memref<1x80xi32, #tpu.memory_space<vmem>> -> memref<80xi32, #tpu.memory_space<vmem>>
      %dma_start3A_314 = arith.constant 0 : i32
      %dma_start3A_315 = arith.constant 0 : i32
      %dma_start3A_316 = tpu.memref_slice %arg20[%dma_start3A_314, %dma_start3A_315] : memref<10112x128xf32, #tpu.memory_space<vmem_shared>> -> memref<10112x128xf32, #tpu.memory_space<vmem_shared>>
      tpu.enqueue_indirect_dma source(%arg9 : memref<80x128xf32, #tpu.memory_space<vmem>>) target(%dma_start3A_316 : memref<10112x128xf32, #tpu.memory_space<vmem_shared>>) offsets(%dma_start3A_313 : memref<80xi32, #tpu.memory_space<vmem>>) semaphore(%arg17 : memref<!tpu.dma_semaphore, #tpu.memory_space<semaphore_mem>>) {add = true}
      %dma_wait3A_317 = arith.constant 9 : i32
      %dma_wait3A_318 = arith.constant 0 : i32
      %dma_wait3A_319 = tpu.memref_slice %arg7[%dma_wait3A_317, %dma_wait3A_318] : memref<25x80xi32, #tpu.memory_space<vmem>> -> memref<1x80xi32, #tpu.memory_space<vmem>>
      %dma_wait3A_320 = tpu.memref_squeeze %dma_wait3A_319 : memref<1x80xi32, #tpu.memory_space<vmem>> -> memref<80xi32, #tpu.memory_space<vmem>>
      %dma_wait3A_321 = arith.constant 0 : i32
      %dma_wait3A_322 = arith.constant 0 : i32
      %dma_wait3A_323 = tpu.memref_slice %arg20[%dma_wait3A_321, %dma_wait3A_322] : memref<10112x128xf32, #tpu.memory_space<vmem_shared>> -> memref<10112x128xf32, #tpu.memory_space<vmem_shared>>
      tpu.wait_indirect_dma semaphore(%arg17 : memref<!tpu.dma_semaphore, #tpu.memory_space<semaphore_mem>>) src(%arg9 : memref<80x128xf32, #tpu.memory_space<vmem>>) dst(%dma_wait3A_323 : memref<10112x128xf32, #tpu.memory_space<vmem_shared>>)
      %dma_start3A_324 = arith.constant 13 : i32
      %dma_start3A_325 = arith.constant 0 : i32
      %dma_start3A_326 = tpu.memref_slice %arg6[%dma_start3A_324, %dma_start3A_325] : memref<25x80xi32, #tpu.memory_space<vmem>> -> memref<1x80xi32, #tpu.memory_space<vmem>>
      %dma_start3A_327 = tpu.memref_squeeze %dma_start3A_326 : memref<1x80xi32, #tpu.memory_space<vmem>> -> memref<80xi32, #tpu.memory_space<vmem>>
      %dma_start3A_328 = arith.constant 0 : i32
      %dma_start3A_329 = arith.constant 0 : i32
      %dma_start3A_330 = tpu.memref_slice %arg2[%dma_start3A_328, %dma_start3A_329] : memref<10000x128xf32, #tpu.memory_space<hbm>> -> memref<10000x128xf32, #tpu.memory_space<hbm>>
      tpu.enqueue_indirect_dma source(%dma_start3A_330 : memref<10000x128xf32, #tpu.memory_space<hbm>>) target(%arg9 : memref<80x128xf32, #tpu.memory_space<vmem>>) offsets(%dma_start3A_327 : memref<80xi32, #tpu.memory_space<vmem>>) semaphore(%arg13 : memref<!tpu.dma_semaphore, #tpu.memory_space<semaphore_mem>>)
      %dma_wait3A_331 = arith.constant 10 : i32
      %dma_wait3A_332 = arith.constant 0 : i32
      %dma_wait3A_333 = tpu.memref_slice %arg6[%dma_wait3A_331, %dma_wait3A_332] : memref<25x80xi32, #tpu.memory_space<vmem>> -> memref<1x80xi32, #tpu.memory_space<vmem>>
      %dma_wait3A_334 = tpu.memref_squeeze %dma_wait3A_333 : memref<1x80xi32, #tpu.memory_space<vmem>> -> memref<80xi32, #tpu.memory_space<vmem>>
      %dma_wait3A_335 = arith.constant 0 : i32
      %dma_wait3A_336 = arith.constant 0 : i32
      %dma_wait3A_337 = tpu.memref_slice %arg2[%dma_wait3A_335, %dma_wait3A_336] : memref<10000x128xf32, #tpu.memory_space<hbm>> -> memref<10000x128xf32, #tpu.memory_space<hbm>>
      tpu.wait_indirect_dma semaphore(%arg14 : memref<!tpu.dma_semaphore, #tpu.memory_space<semaphore_mem>>) src(%dma_wait3A_337 : memref<10000x128xf32, #tpu.memory_space<hbm>>) dst(%arg10 : memref<80x128xf32, #tpu.memory_space<vmem>>)
      %dma_start3A_338 = arith.constant 10 : i32
      %dma_start3A_339 = arith.constant 0 : i32
      %dma_start3A_340 = tpu.memref_slice %arg7[%dma_start3A_338, %dma_start3A_339] : memref<25x80xi32, #tpu.memory_space<vmem>> -> memref<1x80xi32, #tpu.memory_space<vmem>>
      %dma_start3A_341 = tpu.memref_squeeze %dma_start3A_340 : memref<1x80xi32, #tpu.memory_space<vmem>> -> memref<80xi32, #tpu.memory_space<vmem>>
      %dma_start3A_342 = arith.constant 0 : i32
      %dma_start3A_343 = arith.constant 0 : i32
      %dma_start3A_344 = tpu.memref_slice %arg20[%dma_start3A_342, %dma_start3A_343] : memref<10112x128xf32, #tpu.memory_space<vmem_shared>> -> memref<10112x128xf32, #tpu.memory_space<vmem_shared>>
      tpu.enqueue_indirect_dma source(%arg10 : memref<80x128xf32, #tpu.memory_space<vmem>>) target(%dma_start3A_344 : memref<10112x128xf32, #tpu.memory_space<vmem_shared>>) offsets(%dma_start3A_341 : memref<80xi32, #tpu.memory_space<vmem>>) semaphore(%arg18 : memref<!tpu.dma_semaphore, #tpu.memory_space<semaphore_mem>>) {add = true}
      %dma_wait3A_345 = arith.constant 10 : i32
      %dma_wait3A_346 = arith.constant 0 : i32
      %dma_wait3A_347 = tpu.memref_slice %arg7[%dma_wait3A_345, %dma_wait3A_346] : memref<25x80xi32, #tpu.memory_space<vmem>> -> memref<1x80xi32, #tpu.memory_space<vmem>>
      %dma_wait3A_348 = tpu.memref_squeeze %dma_wait3A_347 : memref<1x80xi32, #tpu.memory_space<vmem>> -> memref<80xi32, #tpu.memory_space<vmem>>
      %dma_wait3A_349 = arith.constant 0 : i32
      %dma_wait3A_350 = arith.constant 0 : i32
      %dma_wait3A_351 = tpu.memref_slice %arg20[%dma_wait3A_349, %dma_wait3A_350] : memref<10112x128xf32, #tpu.memory_space<vmem_shared>> -> memref<10112x128xf32, #tpu.memory_space<vmem_shared>>
      tpu.wait_indirect_dma semaphore(%arg18 : memref<!tpu.dma_semaphore, #tpu.memory_space<semaphore_mem>>) src(%arg10 : memref<80x128xf32, #tpu.memory_space<vmem>>) dst(%dma_wait3A_351 : memref<10112x128xf32, #tpu.memory_space<vmem_shared>>)
      %dma_start3A_352 = arith.constant 14 : i32
      %dma_start3A_353 = arith.constant 0 : i32
      %dma_start3A_354 = tpu.memref_slice %arg6[%dma_start3A_352, %dma_start3A_353] : memref<25x80xi32, #tpu.memory_space<vmem>> -> memref<1x80xi32, #tpu.memory_space<vmem>>
      %dma_start3A_355 = tpu.memref_squeeze %dma_start3A_354 : memref<1x80xi32, #tpu.memory_space<vmem>> -> memref<80xi32, #tpu.memory_space<vmem>>
      %dma_start3A_356 = arith.constant 0 : i32
      %dma_start3A_357 = arith.constant 0 : i32
      %dma_start3A_358 = tpu.memref_slice %arg2[%dma_start3A_356, %dma_start3A_357] : memref<10000x128xf32, #tpu.memory_space<hbm>> -> memref<10000x128xf32, #tpu.memory_space<hbm>>
      tpu.enqueue_indirect_dma source(%dma_start3A_358 : memref<10000x128xf32, #tpu.memory_space<hbm>>) target(%arg10 : memref<80x128xf32, #tpu.memory_space<vmem>>) offsets(%dma_start3A_355 : memref<80xi32, #tpu.memory_space<vmem>>) semaphore(%arg14 : memref<!tpu.dma_semaphore, #tpu.memory_space<semaphore_mem>>)
      %dma_wait3A_359 = arith.constant 11 : i32
      %dma_wait3A_360 = arith.constant 0 : i32
      %dma_wait3A_361 = tpu.memref_slice %arg6[%dma_wait3A_359, %dma_wait3A_360] : memref<25x80xi32, #tpu.memory_space<vmem>> -> memref<1x80xi32, #tpu.memory_space<vmem>>
      %dma_wait3A_362 = tpu.memref_squeeze %dma_wait3A_361 : memref<1x80xi32, #tpu.memory_space<vmem>> -> memref<80xi32, #tpu.memory_space<vmem>>
      %dma_wait3A_363 = arith.constant 0 : i32
      %dma_wait3A_364 = arith.constant 0 : i32
      %dma_wait3A_365 = tpu.memref_slice %arg2[%dma_wait3A_363, %dma_wait3A_364] : memref<10000x128xf32, #tpu.memory_space<hbm>> -> memref<10000x128xf32, #tpu.memory_space<hbm>>
      tpu.wait_indirect_dma semaphore(%arg15 : memref<!tpu.dma_semaphore, #tpu.memory_space<semaphore_mem>>) src(%dma_wait3A_365 : memref<10000x128xf32, #tpu.memory_space<hbm>>) dst(%arg11 : memref<80x128xf32, #tpu.memory_space<vmem>>)
      %dma_start3A_366 = arith.constant 11 : i32
      %dma_start3A_367 = arith.constant 0 : i32
      %dma_start3A_368 = tpu.memref_slice %arg7[%dma_start3A_366, %dma_start3A_367] : memref<25x80xi32, #tpu.memory_space<vmem>> -> memref<1x80xi32, #tpu.memory_space<vmem>>
      %dma_start3A_369 = tpu.memref_squeeze %dma_start3A_368 : memref<1x80xi32, #tpu.memory_space<vmem>> -> memref<80xi32, #tpu.memory_space<vmem>>
      %dma_start3A_370 = arith.constant 0 : i32
      %dma_start3A_371 = arith.constant 0 : i32
      %dma_start3A_372 = tpu.memref_slice %arg20[%dma_start3A_370, %dma_start3A_371] : memref<10112x128xf32, #tpu.memory_space<vmem_shared>> -> memref<10112x128xf32, #tpu.memory_space<vmem_shared>>
      tpu.enqueue_indirect_dma source(%arg11 : memref<80x128xf32, #tpu.memory_space<vmem>>) target(%dma_start3A_372 : memref<10112x128xf32, #tpu.memory_space<vmem_shared>>) offsets(%dma_start3A_369 : memref<80xi32, #tpu.memory_space<vmem>>) semaphore(%arg19 : memref<!tpu.dma_semaphore, #tpu.memory_space<semaphore_mem>>) {add = true}
      %dma_wait3A_373 = arith.constant 11 : i32
      %dma_wait3A_374 = arith.constant 0 : i32
      %dma_wait3A_375 = tpu.memref_slice %arg7[%dma_wait3A_373, %dma_wait3A_374] : memref<25x80xi32, #tpu.memory_space<vmem>> -> memref<1x80xi32, #tpu.memory_space<vmem>>
      %dma_wait3A_376 = tpu.memref_squeeze %dma_wait3A_375 : memref<1x80xi32, #tpu.memory_space<vmem>> -> memref<80xi32, #tpu.memory_space<vmem>>
      %dma_wait3A_377 = arith.constant 0 : i32
      %dma_wait3A_378 = arith.constant 0 : i32
      %dma_wait3A_379 = tpu.memref_slice %arg20[%dma_wait3A_377, %dma_wait3A_378] : memref<10112x128xf32, #tpu.memory_space<vmem_shared>> -> memref<10112x128xf32, #tpu.memory_space<vmem_shared>>
      tpu.wait_indirect_dma semaphore(%arg19 : memref<!tpu.dma_semaphore, #tpu.memory_space<semaphore_mem>>) src(%arg11 : memref<80x128xf32, #tpu.memory_space<vmem>>) dst(%dma_wait3A_379 : memref<10112x128xf32, #tpu.memory_space<vmem_shared>>)
      %dma_start3A_380 = arith.constant 15 : i32
      %dma_start3A_381 = arith.constant 0 : i32
      %dma_start3A_382 = tpu.memref_slice %arg6[%dma_start3A_380, %dma_start3A_381] : memref<25x80xi32, #tpu.memory_space<vmem>> -> memref<1x80xi32, #tpu.memory_space<vmem>>
      %dma_start3A_383 = tpu.memref_squeeze %dma_start3A_382 : memref<1x80xi32, #tpu.memory_space<vmem>> -> memref<80xi32, #tpu.memory_space<vmem>>
      %dma_start3A_384 = arith.constant 0 : i32
      %dma_start3A_385 = arith.constant 0 : i32
      %dma_start3A_386 = tpu.memref_slice %arg2[%dma_start3A_384, %dma_start3A_385] : memref<10000x128xf32, #tpu.memory_space<hbm>> -> memref<10000x128xf32, #tpu.memory_space<hbm>>
      tpu.enqueue_indirect_dma source(%dma_start3A_386 : memref<10000x128xf32, #tpu.memory_space<hbm>>) target(%arg11 : memref<80x128xf32, #tpu.memory_space<vmem>>) offsets(%dma_start3A_383 : memref<80xi32, #tpu.memory_space<vmem>>) semaphore(%arg15 : memref<!tpu.dma_semaphore, #tpu.memory_space<semaphore_mem>>)
      %dma_wait3A_387 = arith.constant 12 : i32
      %dma_wait3A_388 = arith.constant 0 : i32
      %dma_wait3A_389 = tpu.memref_slice %arg6[%dma_wait3A_387, %dma_wait3A_388] : memref<25x80xi32, #tpu.memory_space<vmem>> -> memref<1x80xi32, #tpu.memory_space<vmem>>
      %dma_wait3A_390 = tpu.memref_squeeze %dma_wait3A_389 : memref<1x80xi32, #tpu.memory_space<vmem>> -> memref<80xi32, #tpu.memory_space<vmem>>
      %dma_wait3A_391 = arith.constant 0 : i32
      %dma_wait3A_392 = arith.constant 0 : i32
      %dma_wait3A_393 = tpu.memref_slice %arg2[%dma_wait3A_391, %dma_wait3A_392] : memref<10000x128xf32, #tpu.memory_space<hbm>> -> memref<10000x128xf32, #tpu.memory_space<hbm>>
      tpu.wait_indirect_dma semaphore(%arg12 : memref<!tpu.dma_semaphore, #tpu.memory_space<semaphore_mem>>) src(%dma_wait3A_393 : memref<10000x128xf32, #tpu.memory_space<hbm>>) dst(%arg8 : memref<80x128xf32, #tpu.memory_space<vmem>>)
      %dma_start3A_394 = arith.constant 12 : i32
      %dma_start3A_395 = arith.constant 0 : i32
      %dma_start3A_396 = tpu.memref_slice %arg7[%dma_start3A_394, %dma_start3A_395] : memref<25x80xi32, #tpu.memory_space<vmem>> -> memref<1x80xi32, #tpu.memory_space<vmem>>
      %dma_start3A_397 = tpu.memref_squeeze %dma_start3A_396 : memref<1x80xi32, #tpu.memory_space<vmem>> -> memref<80xi32, #tpu.memory_space<vmem>>
      %dma_start3A_398 = arith.constant 0 : i32
      %dma_start3A_399 = arith.constant 0 : i32
      %dma_start3A_400 = tpu.memref_slice %arg20[%dma_start3A_398, %dma_start3A_399] : memref<10112x128xf32, #tpu.memory_space<vmem_shared>> -> memref<10112x128xf32, #tpu.memory_space<vmem_shared>>
      tpu.enqueue_indirect_dma source(%arg8 : memref<80x128xf32, #tpu.memory_space<vmem>>) target(%dma_start3A_400 : memref<10112x128xf32, #tpu.memory_space<vmem_shared>>) offsets(%dma_start3A_397 : memref<80xi32, #tpu.memory_space<vmem>>) semaphore(%arg16 : memref<!tpu.dma_semaphore, #tpu.memory_space<semaphore_mem>>) {add = true}
      %dma_wait3A_401 = arith.constant 12 : i32
      %dma_wait3A_402 = arith.constant 0 : i32
      %dma_wait3A_403 = tpu.memref_slice %arg7[%dma_wait3A_401, %dma_wait3A_402] : memref<25x80xi32, #tpu.memory_space<vmem>> -> memref<1x80xi32, #tpu.memory_space<vmem>>
      %dma_wait3A_404 = tpu.memref_squeeze %dma_wait3A_403 : memref<1x80xi32, #tpu.memory_space<vmem>> -> memref<80xi32, #tpu.memory_space<vmem>>
      %dma_wait3A_405 = arith.constant 0 : i32
      %dma_wait3A_406 = arith.constant 0 : i32
      %dma_wait3A_407 = tpu.memref_slice %arg20[%dma_wait3A_405, %dma_wait3A_406] : memref<10112x128xf32, #tpu.memory_space<vmem_shared>> -> memref<10112x128xf32, #tpu.memory_space<vmem_shared>>
      tpu.wait_indirect_dma semaphore(%arg16 : memref<!tpu.dma_semaphore, #tpu.memory_space<semaphore_mem>>) src(%arg8 : memref<80x128xf32, #tpu.memory_space<vmem>>) dst(%dma_wait3A_407 : memref<10112x128xf32, #tpu.memory_space<vmem_shared>>)
      %dma_start3A_408 = arith.constant 16 : i32
      %dma_start3A_409 = arith.constant 0 : i32
      %dma_start3A_410 = tpu.memref_slice %arg6[%dma_start3A_408, %dma_start3A_409] : memref<25x80xi32, #tpu.memory_space<vmem>> -> memref<1x80xi32, #tpu.memory_space<vmem>>
      %dma_start3A_411 = tpu.memref_squeeze %dma_start3A_410 : memref<1x80xi32, #tpu.memory_space<vmem>> -> memref<80xi32, #tpu.memory_space<vmem>>
      %dma_start3A_412 = arith.constant 0 : i32
      %dma_start3A_413 = arith.constant 0 : i32
      %dma_start3A_414 = tpu.memref_slice %arg2[%dma_start3A_412, %dma_start3A_413] : memref<10000x128xf32, #tpu.memory_space<hbm>> -> memref<10000x128xf32, #tpu.memory_space<hbm>>
      tpu.enqueue_indirect_dma source(%dma_start3A_414 : memref<10000x128xf32, #tpu.memory_space<hbm>>) target(%arg8 : memref<80x128xf32, #tpu.memory_space<vmem>>) offsets(%dma_start3A_411 : memref<80xi32, #tpu.memory_space<vmem>>) semaphore(%arg12 : memref<!tpu.dma_semaphore, #tpu.memory_space<semaphore_mem>>)
      %dma_wait3A_415 = arith.constant 13 : i32
      %dma_wait3A_416 = arith.constant 0 : i32
      %dma_wait3A_417 = tpu.memref_slice %arg6[%dma_wait3A_415, %dma_wait3A_416] : memref<25x80xi32, #tpu.memory_space<vmem>> -> memref<1x80xi32, #tpu.memory_space<vmem>>
      %dma_wait3A_418 = tpu.memref_squeeze %dma_wait3A_417 : memref<1x80xi32, #tpu.memory_space<vmem>> -> memref<80xi32, #tpu.memory_space<vmem>>
      %dma_wait3A_419 = arith.constant 0 : i32
      %dma_wait3A_420 = arith.constant 0 : i32
      %dma_wait3A_421 = tpu.memref_slice %arg2[%dma_wait3A_419, %dma_wait3A_420] : memref<10000x128xf32, #tpu.memory_space<hbm>> -> memref<10000x128xf32, #tpu.memory_space<hbm>>
      tpu.wait_indirect_dma semaphore(%arg13 : memref<!tpu.dma_semaphore, #tpu.memory_space<semaphore_mem>>) src(%dma_wait3A_421 : memref<10000x128xf32, #tpu.memory_space<hbm>>) dst(%arg9 : memref<80x128xf32, #tpu.memory_space<vmem>>)
      %dma_start3A_422 = arith.constant 13 : i32
      %dma_start3A_423 = arith.constant 0 : i32
      %dma_start3A_424 = tpu.memref_slice %arg7[%dma_start3A_422, %dma_start3A_423] : memref<25x80xi32, #tpu.memory_space<vmem>> -> memref<1x80xi32, #tpu.memory_space<vmem>>
      %dma_start3A_425 = tpu.memref_squeeze %dma_start3A_424 : memref<1x80xi32, #tpu.memory_space<vmem>> -> memref<80xi32, #tpu.memory_space<vmem>>
      %dma_start3A_426 = arith.constant 0 : i32
      %dma_start3A_427 = arith.constant 0 : i32
      %dma_start3A_428 = tpu.memref_slice %arg20[%dma_start3A_426, %dma_start3A_427] : memref<10112x128xf32, #tpu.memory_space<vmem_shared>> -> memref<10112x128xf32, #tpu.memory_space<vmem_shared>>
      tpu.enqueue_indirect_dma source(%arg9 : memref<80x128xf32, #tpu.memory_space<vmem>>) target(%dma_start3A_428 : memref<10112x128xf32, #tpu.memory_space<vmem_shared>>) offsets(%dma_start3A_425 : memref<80xi32, #tpu.memory_space<vmem>>) semaphore(%arg17 : memref<!tpu.dma_semaphore, #tpu.memory_space<semaphore_mem>>) {add = true}
      %dma_wait3A_429 = arith.constant 13 : i32
      %dma_wait3A_430 = arith.constant 0 : i32
      %dma_wait3A_431 = tpu.memref_slice %arg7[%dma_wait3A_429, %dma_wait3A_430] : memref<25x80xi32, #tpu.memory_space<vmem>> -> memref<1x80xi32, #tpu.memory_space<vmem>>
      %dma_wait3A_432 = tpu.memref_squeeze %dma_wait3A_431 : memref<1x80xi32, #tpu.memory_space<vmem>> -> memref<80xi32, #tpu.memory_space<vmem>>
      %dma_wait3A_433 = arith.constant 0 : i32
      %dma_wait3A_434 = arith.constant 0 : i32
      %dma_wait3A_435 = tpu.memref_slice %arg20[%dma_wait3A_433, %dma_wait3A_434] : memref<10112x128xf32, #tpu.memory_space<vmem_shared>> -> memref<10112x128xf32, #tpu.memory_space<vmem_shared>>
      tpu.wait_indirect_dma semaphore(%arg17 : memref<!tpu.dma_semaphore, #tpu.memory_space<semaphore_mem>>) src(%arg9 : memref<80x128xf32, #tpu.memory_space<vmem>>) dst(%dma_wait3A_435 : memref<10112x128xf32, #tpu.memory_space<vmem_shared>>)
      %dma_start3A_436 = arith.constant 17 : i32
      %dma_start3A_437 = arith.constant 0 : i32
      %dma_start3A_438 = tpu.memref_slice %arg6[%dma_start3A_436, %dma_start3A_437] : memref<25x80xi32, #tpu.memory_space<vmem>> -> memref<1x80xi32, #tpu.memory_space<vmem>>
      %dma_start3A_439 = tpu.memref_squeeze %dma_start3A_438 : memref<1x80xi32, #tpu.memory_space<vmem>> -> memref<80xi32, #tpu.memory_space<vmem>>
      %dma_start3A_440 = arith.constant 0 : i32
      %dma_start3A_441 = arith.constant 0 : i32
      %dma_start3A_442 = tpu.memref_slice %arg2[%dma_start3A_440, %dma_start3A_441] : memref<10000x128xf32, #tpu.memory_space<hbm>> -> memref<10000x128xf32, #tpu.memory_space<hbm>>
      tpu.enqueue_indirect_dma source(%dma_start3A_442 : memref<10000x128xf32, #tpu.memory_space<hbm>>) target(%arg9 : memref<80x128xf32, #tpu.memory_space<vmem>>) offsets(%dma_start3A_439 : memref<80xi32, #tpu.memory_space<vmem>>) semaphore(%arg13 : memref<!tpu.dma_semaphore, #tpu.memory_space<semaphore_mem>>)
      %dma_wait3A_443 = arith.constant 14 : i32
      %dma_wait3A_444 = arith.constant 0 : i32
      %dma_wait3A_445 = tpu.memref_slice %arg6[%dma_wait3A_443, %dma_wait3A_444] : memref<25x80xi32, #tpu.memory_space<vmem>> -> memref<1x80xi32, #tpu.memory_space<vmem>>
      %dma_wait3A_446 = tpu.memref_squeeze %dma_wait3A_445 : memref<1x80xi32, #tpu.memory_space<vmem>> -> memref<80xi32, #tpu.memory_space<vmem>>
      %dma_wait3A_447 = arith.constant 0 : i32
      %dma_wait3A_448 = arith.constant 0 : i32
      %dma_wait3A_449 = tpu.memref_slice %arg2[%dma_wait3A_447, %dma_wait3A_448] : memref<10000x128xf32, #tpu.memory_space<hbm>> -> memref<10000x128xf32, #tpu.memory_space<hbm>>
      tpu.wait_indirect_dma semaphore(%arg14 : memref<!tpu.dma_semaphore, #tpu.memory_space<semaphore_mem>>) src(%dma_wait3A_449 : memref<10000x128xf32, #tpu.memory_space<hbm>>) dst(%arg10 : memref<80x128xf32, #tpu.memory_space<vmem>>)
      %dma_start3A_450 = arith.constant 14 : i32
      %dma_start3A_451 = arith.constant 0 : i32
      %dma_start3A_452 = tpu.memref_slice %arg7[%dma_start3A_450, %dma_start3A_451] : memref<25x80xi32, #tpu.memory_space<vmem>> -> memref<1x80xi32, #tpu.memory_space<vmem>>
      %dma_start3A_453 = tpu.memref_squeeze %dma_start3A_452 : memref<1x80xi32, #tpu.memory_space<vmem>> -> memref<80xi32, #tpu.memory_space<vmem>>
      %dma_start3A_454 = arith.constant 0 : i32
      %dma_start3A_455 = arith.constant 0 : i32
      %dma_start3A_456 = tpu.memref_slice %arg20[%dma_start3A_454, %dma_start3A_455] : memref<10112x128xf32, #tpu.memory_space<vmem_shared>> -> memref<10112x128xf32, #tpu.memory_space<vmem_shared>>
      tpu.enqueue_indirect_dma source(%arg10 : memref<80x128xf32, #tpu.memory_space<vmem>>) target(%dma_start3A_456 : memref<10112x128xf32, #tpu.memory_space<vmem_shared>>) offsets(%dma_start3A_453 : memref<80xi32, #tpu.memory_space<vmem>>) semaphore(%arg18 : memref<!tpu.dma_semaphore, #tpu.memory_space<semaphore_mem>>) {add = true}
      %dma_wait3A_457 = arith.constant 14 : i32
      %dma_wait3A_458 = arith.constant 0 : i32
      %dma_wait3A_459 = tpu.memref_slice %arg7[%dma_wait3A_457, %dma_wait3A_458] : memref<25x80xi32, #tpu.memory_space<vmem>> -> memref<1x80xi32, #tpu.memory_space<vmem>>
      %dma_wait3A_460 = tpu.memref_squeeze %dma_wait3A_459 : memref<1x80xi32, #tpu.memory_space<vmem>> -> memref<80xi32, #tpu.memory_space<vmem>>
      %dma_wait3A_461 = arith.constant 0 : i32
      %dma_wait3A_462 = arith.constant 0 : i32
      %dma_wait3A_463 = tpu.memref_slice %arg20[%dma_wait3A_461, %dma_wait3A_462] : memref<10112x128xf32, #tpu.memory_space<vmem_shared>> -> memref<10112x128xf32, #tpu.memory_space<vmem_shared>>
      tpu.wait_indirect_dma semaphore(%arg18 : memref<!tpu.dma_semaphore, #tpu.memory_space<semaphore_mem>>) src(%arg10 : memref<80x128xf32, #tpu.memory_space<vmem>>) dst(%dma_wait3A_463 : memref<10112x128xf32, #tpu.memory_space<vmem_shared>>)
      %dma_start3A_464 = arith.constant 18 : i32
      %dma_start3A_465 = arith.constant 0 : i32
      %dma_start3A_466 = tpu.memref_slice %arg6[%dma_start3A_464, %dma_start3A_465] : memref<25x80xi32, #tpu.memory_space<vmem>> -> memref<1x80xi32, #tpu.memory_space<vmem>>
      %dma_start3A_467 = tpu.memref_squeeze %dma_start3A_466 : memref<1x80xi32, #tpu.memory_space<vmem>> -> memref<80xi32, #tpu.memory_space<vmem>>
      %dma_start3A_468 = arith.constant 0 : i32
      %dma_start3A_469 = arith.constant 0 : i32
      %dma_start3A_470 = tpu.memref_slice %arg2[%dma_start3A_468, %dma_start3A_469] : memref<10000x128xf32, #tpu.memory_space<hbm>> -> memref<10000x128xf32, #tpu.memory_space<hbm>>
      tpu.enqueue_indirect_dma source(%dma_start3A_470 : memref<10000x128xf32, #tpu.memory_space<hbm>>) target(%arg10 : memref<80x128xf32, #tpu.memory_space<vmem>>) offsets(%dma_start3A_467 : memref<80xi32, #tpu.memory_space<vmem>>) semaphore(%arg14 : memref<!tpu.dma_semaphore, #tpu.memory_space<semaphore_mem>>)
      %dma_wait3A_471 = arith.constant 15 : i32
      %dma_wait3A_472 = arith.constant 0 : i32
      %dma_wait3A_473 = tpu.memref_slice %arg6[%dma_wait3A_471, %dma_wait3A_472] : memref<25x80xi32, #tpu.memory_space<vmem>> -> memref<1x80xi32, #tpu.memory_space<vmem>>
      %dma_wait3A_474 = tpu.memref_squeeze %dma_wait3A_473 : memref<1x80xi32, #tpu.memory_space<vmem>> -> memref<80xi32, #tpu.memory_space<vmem>>
      %dma_wait3A_475 = arith.constant 0 : i32
      %dma_wait3A_476 = arith.constant 0 : i32
      %dma_wait3A_477 = tpu.memref_slice %arg2[%dma_wait3A_475, %dma_wait3A_476] : memref<10000x128xf32, #tpu.memory_space<hbm>> -> memref<10000x128xf32, #tpu.memory_space<hbm>>
      tpu.wait_indirect_dma semaphore(%arg15 : memref<!tpu.dma_semaphore, #tpu.memory_space<semaphore_mem>>) src(%dma_wait3A_477 : memref<10000x128xf32, #tpu.memory_space<hbm>>) dst(%arg11 : memref<80x128xf32, #tpu.memory_space<vmem>>)
      %dma_start3A_478 = arith.constant 15 : i32
      %dma_start3A_479 = arith.constant 0 : i32
      %dma_start3A_480 = tpu.memref_slice %arg7[%dma_start3A_478, %dma_start3A_479] : memref<25x80xi32, #tpu.memory_space<vmem>> -> memref<1x80xi32, #tpu.memory_space<vmem>>
      %dma_start3A_481 = tpu.memref_squeeze %dma_start3A_480 : memref<1x80xi32, #tpu.memory_space<vmem>> -> memref<80xi32, #tpu.memory_space<vmem>>
      %dma_start3A_482 = arith.constant 0 : i32
      %dma_start3A_483 = arith.constant 0 : i32
      %dma_start3A_484 = tpu.memref_slice %arg20[%dma_start3A_482, %dma_start3A_483] : memref<10112x128xf32, #tpu.memory_space<vmem_shared>> -> memref<10112x128xf32, #tpu.memory_space<vmem_shared>>
      tpu.enqueue_indirect_dma source(%arg11 : memref<80x128xf32, #tpu.memory_space<vmem>>) target(%dma_start3A_484 : memref<10112x128xf32, #tpu.memory_space<vmem_shared>>) offsets(%dma_start3A_481 : memref<80xi32, #tpu.memory_space<vmem>>) semaphore(%arg19 : memref<!tpu.dma_semaphore, #tpu.memory_space<semaphore_mem>>) {add = true}
      %dma_wait3A_485 = arith.constant 15 : i32
      %dma_wait3A_486 = arith.constant 0 : i32
      %dma_wait3A_487 = tpu.memref_slice %arg7[%dma_wait3A_485, %dma_wait3A_486] : memref<25x80xi32, #tpu.memory_space<vmem>> -> memref<1x80xi32, #tpu.memory_space<vmem>>
      %dma_wait3A_488 = tpu.memref_squeeze %dma_wait3A_487 : memref<1x80xi32, #tpu.memory_space<vmem>> -> memref<80xi32, #tpu.memory_space<vmem>>
      %dma_wait3A_489 = arith.constant 0 : i32
      %dma_wait3A_490 = arith.constant 0 : i32
      %dma_wait3A_491 = tpu.memref_slice %arg20[%dma_wait3A_489, %dma_wait3A_490] : memref<10112x128xf32, #tpu.memory_space<vmem_shared>> -> memref<10112x128xf32, #tpu.memory_space<vmem_shared>>
      tpu.wait_indirect_dma semaphore(%arg19 : memref<!tpu.dma_semaphore, #tpu.memory_space<semaphore_mem>>) src(%arg11 : memref<80x128xf32, #tpu.memory_space<vmem>>) dst(%dma_wait3A_491 : memref<10112x128xf32, #tpu.memory_space<vmem_shared>>)
      %dma_start3A_492 = arith.constant 19 : i32
      %dma_start3A_493 = arith.constant 0 : i32
      %dma_start3A_494 = tpu.memref_slice %arg6[%dma_start3A_492, %dma_start3A_493] : memref<25x80xi32, #tpu.memory_space<vmem>> -> memref<1x80xi32, #tpu.memory_space<vmem>>
      %dma_start3A_495 = tpu.memref_squeeze %dma_start3A_494 : memref<1x80xi32, #tpu.memory_space<vmem>> -> memref<80xi32, #tpu.memory_space<vmem>>
      %dma_start3A_496 = arith.constant 0 : i32
      %dma_start3A_497 = arith.constant 0 : i32
      %dma_start3A_498 = tpu.memref_slice %arg2[%dma_start3A_496, %dma_start3A_497] : memref<10000x128xf32, #tpu.memory_space<hbm>> -> memref<10000x128xf32, #tpu.memory_space<hbm>>
      tpu.enqueue_indirect_dma source(%dma_start3A_498 : memref<10000x128xf32, #tpu.memory_space<hbm>>) target(%arg11 : memref<80x128xf32, #tpu.memory_space<vmem>>) offsets(%dma_start3A_495 : memref<80xi32, #tpu.memory_space<vmem>>) semaphore(%arg15 : memref<!tpu.dma_semaphore, #tpu.memory_space<semaphore_mem>>)
      %dma_wait3A_499 = arith.constant 16 : i32
      %dma_wait3A_500 = arith.constant 0 : i32
      %dma_wait3A_501 = tpu.memref_slice %arg6[%dma_wait3A_499, %dma_wait3A_500] : memref<25x80xi32, #tpu.memory_space<vmem>> -> memref<1x80xi32, #tpu.memory_space<vmem>>
      %dma_wait3A_502 = tpu.memref_squeeze %dma_wait3A_501 : memref<1x80xi32, #tpu.memory_space<vmem>> -> memref<80xi32, #tpu.memory_space<vmem>>
      %dma_wait3A_503 = arith.constant 0 : i32
      %dma_wait3A_504 = arith.constant 0 : i32
      %dma_wait3A_505 = tpu.memref_slice %arg2[%dma_wait3A_503, %dma_wait3A_504] : memref<10000x128xf32, #tpu.memory_space<hbm>> -> memref<10000x128xf32, #tpu.memory_space<hbm>>
      tpu.wait_indirect_dma semaphore(%arg12 : memref<!tpu.dma_semaphore, #tpu.memory_space<semaphore_mem>>) src(%dma_wait3A_505 : memref<10000x128xf32, #tpu.memory_space<hbm>>) dst(%arg8 : memref<80x128xf32, #tpu.memory_space<vmem>>)
      %dma_start3A_506 = arith.constant 16 : i32
      %dma_start3A_507 = arith.constant 0 : i32
      %dma_start3A_508 = tpu.memref_slice %arg7[%dma_start3A_506, %dma_start3A_507] : memref<25x80xi32, #tpu.memory_space<vmem>> -> memref<1x80xi32, #tpu.memory_space<vmem>>
      %dma_start3A_509 = tpu.memref_squeeze %dma_start3A_508 : memref<1x80xi32, #tpu.memory_space<vmem>> -> memref<80xi32, #tpu.memory_space<vmem>>
      %dma_start3A_510 = arith.constant 0 : i32
      %dma_start3A_511 = arith.constant 0 : i32
      %dma_start3A_512 = tpu.memref_slice %arg20[%dma_start3A_510, %dma_start3A_511] : memref<10112x128xf32, #tpu.memory_space<vmem_shared>> -> memref<10112x128xf32, #tpu.memory_space<vmem_shared>>
      tpu.enqueue_indirect_dma source(%arg8 : memref<80x128xf32, #tpu.memory_space<vmem>>) target(%dma_start3A_512 : memref<10112x128xf32, #tpu.memory_space<vmem_shared>>) offsets(%dma_start3A_509 : memref<80xi32, #tpu.memory_space<vmem>>) semaphore(%arg16 : memref<!tpu.dma_semaphore, #tpu.memory_space<semaphore_mem>>) {add = true}
      %dma_wait3A_513 = arith.constant 16 : i32
      %dma_wait3A_514 = arith.constant 0 : i32
      %dma_wait3A_515 = tpu.memref_slice %arg7[%dma_wait3A_513, %dma_wait3A_514] : memref<25x80xi32, #tpu.memory_space<vmem>> -> memref<1x80xi32, #tpu.memory_space<vmem>>
      %dma_wait3A_516 = tpu.memref_squeeze %dma_wait3A_515 : memref<1x80xi32, #tpu.memory_space<vmem>> -> memref<80xi32, #tpu.memory_space<vmem>>
      %dma_wait3A_517 = arith.constant 0 : i32
      %dma_wait3A_518 = arith.constant 0 : i32
      %dma_wait3A_519 = tpu.memref_slice %arg20[%dma_wait3A_517, %dma_wait3A_518] : memref<10112x128xf32, #tpu.memory_space<vmem_shared>> -> memref<10112x128xf32, #tpu.memory_space<vmem_shared>>
      tpu.wait_indirect_dma semaphore(%arg16 : memref<!tpu.dma_semaphore, #tpu.memory_space<semaphore_mem>>) src(%arg8 : memref<80x128xf32, #tpu.memory_space<vmem>>) dst(%dma_wait3A_519 : memref<10112x128xf32, #tpu.memory_space<vmem_shared>>)
      %dma_start3A_520 = arith.constant 20 : i32
      %dma_start3A_521 = arith.constant 0 : i32
      %dma_start3A_522 = tpu.memref_slice %arg6[%dma_start3A_520, %dma_start3A_521] : memref<25x80xi32, #tpu.memory_space<vmem>> -> memref<1x80xi32, #tpu.memory_space<vmem>>
      %dma_start3A_523 = tpu.memref_squeeze %dma_start3A_522 : memref<1x80xi32, #tpu.memory_space<vmem>> -> memref<80xi32, #tpu.memory_space<vmem>>
      %dma_start3A_524 = arith.constant 0 : i32
      %dma_start3A_525 = arith.constant 0 : i32
      %dma_start3A_526 = tpu.memref_slice %arg2[%dma_start3A_524, %dma_start3A_525] : memref<10000x128xf32, #tpu.memory_space<hbm>> -> memref<10000x128xf32, #tpu.memory_space<hbm>>
      tpu.enqueue_indirect_dma source(%dma_start3A_526 : memref<10000x128xf32, #tpu.memory_space<hbm>>) target(%arg8 : memref<80x128xf32, #tpu.memory_space<vmem>>) offsets(%dma_start3A_523 : memref<80xi32, #tpu.memory_space<vmem>>) semaphore(%arg12 : memref<!tpu.dma_semaphore, #tpu.memory_space<semaphore_mem>>)
      %dma_wait3A_527 = arith.constant 17 : i32
      %dma_wait3A_528 = arith.constant 0 : i32
      %dma_wait3A_529 = tpu.memref_slice %arg6[%dma_wait3A_527, %dma_wait3A_528] : memref<25x80xi32, #tpu.memory_space<vmem>> -> memref<1x80xi32, #tpu.memory_space<vmem>>
      %dma_wait3A_530 = tpu.memref_squeeze %dma_wait3A_529 : memref<1x80xi32, #tpu.memory_space<vmem>> -> memref<80xi32, #tpu.memory_space<vmem>>
      %dma_wait3A_531 = arith.constant 0 : i32
      %dma_wait3A_532 = arith.constant 0 : i32
      %dma_wait3A_533 = tpu.memref_slice %arg2[%dma_wait3A_531, %dma_wait3A_532] : memref<10000x128xf32, #tpu.memory_space<hbm>> -> memref<10000x128xf32, #tpu.memory_space<hbm>>
      tpu.wait_indirect_dma semaphore(%arg13 : memref<!tpu.dma_semaphore, #tpu.memory_space<semaphore_mem>>) src(%dma_wait3A_533 : memref<10000x128xf32, #tpu.memory_space<hbm>>) dst(%arg9 : memref<80x128xf32, #tpu.memory_space<vmem>>)
      %dma_start3A_534 = arith.constant 17 : i32
      %dma_start3A_535 = arith.constant 0 : i32
      %dma_start3A_536 = tpu.memref_slice %arg7[%dma_start3A_534, %dma_start3A_535] : memref<25x80xi32, #tpu.memory_space<vmem>> -> memref<1x80xi32, #tpu.memory_space<vmem>>
      %dma_start3A_537 = tpu.memref_squeeze %dma_start3A_536 : memref<1x80xi32, #tpu.memory_space<vmem>> -> memref<80xi32, #tpu.memory_space<vmem>>
      %dma_start3A_538 = arith.constant 0 : i32
      %dma_start3A_539 = arith.constant 0 : i32
      %dma_start3A_540 = tpu.memref_slice %arg20[%dma_start3A_538, %dma_start3A_539] : memref<10112x128xf32, #tpu.memory_space<vmem_shared>> -> memref<10112x128xf32, #tpu.memory_space<vmem_shared>>
      tpu.enqueue_indirect_dma source(%arg9 : memref<80x128xf32, #tpu.memory_space<vmem>>) target(%dma_start3A_540 : memref<10112x128xf32, #tpu.memory_space<vmem_shared>>) offsets(%dma_start3A_537 : memref<80xi32, #tpu.memory_space<vmem>>) semaphore(%arg17 : memref<!tpu.dma_semaphore, #tpu.memory_space<semaphore_mem>>) {add = true}
      %dma_wait3A_541 = arith.constant 17 : i32
      %dma_wait3A_542 = arith.constant 0 : i32
      %dma_wait3A_543 = tpu.memref_slice %arg7[%dma_wait3A_541, %dma_wait3A_542] : memref<25x80xi32, #tpu.memory_space<vmem>> -> memref<1x80xi32, #tpu.memory_space<vmem>>
      %dma_wait3A_544 = tpu.memref_squeeze %dma_wait3A_543 : memref<1x80xi32, #tpu.memory_space<vmem>> -> memref<80xi32, #tpu.memory_space<vmem>>
      %dma_wait3A_545 = arith.constant 0 : i32
      %dma_wait3A_546 = arith.constant 0 : i32
      %dma_wait3A_547 = tpu.memref_slice %arg20[%dma_wait3A_545, %dma_wait3A_546] : memref<10112x128xf32, #tpu.memory_space<vmem_shared>> -> memref<10112x128xf32, #tpu.memory_space<vmem_shared>>
      tpu.wait_indirect_dma semaphore(%arg17 : memref<!tpu.dma_semaphore, #tpu.memory_space<semaphore_mem>>) src(%arg9 : memref<80x128xf32, #tpu.memory_space<vmem>>) dst(%dma_wait3A_547 : memref<10112x128xf32, #tpu.memory_space<vmem_shared>>)
      %dma_start3A_548 = arith.constant 21 : i32
      %dma_start3A_549 = arith.constant 0 : i32
      %dma_start3A_550 = tpu.memref_slice %arg6[%dma_start3A_548, %dma_start3A_549] : memref<25x80xi32, #tpu.memory_space<vmem>> -> memref<1x80xi32, #tpu.memory_space<vmem>>
      %dma_start3A_551 = tpu.memref_squeeze %dma_start3A_550 : memref<1x80xi32, #tpu.memory_space<vmem>> -> memref<80xi32, #tpu.memory_space<vmem>>
      %dma_start3A_552 = arith.constant 0 : i32
      %dma_start3A_553 = arith.constant 0 : i32
      %dma_start3A_554 = tpu.memref_slice %arg2[%dma_start3A_552, %dma_start3A_553] : memref<10000x128xf32, #tpu.memory_space<hbm>> -> memref<10000x128xf32, #tpu.memory_space<hbm>>
      tpu.enqueue_indirect_dma source(%dma_start3A_554 : memref<10000x128xf32, #tpu.memory_space<hbm>>) target(%arg9 : memref<80x128xf32, #tpu.memory_space<vmem>>) offsets(%dma_start3A_551 : memref<80xi32, #tpu.memory_space<vmem>>) semaphore(%arg13 : memref<!tpu.dma_semaphore, #tpu.memory_space<semaphore_mem>>)
      %dma_wait3A_555 = arith.constant 18 : i32
      %dma_wait3A_556 = arith.constant 0 : i32
      %dma_wait3A_557 = tpu.memref_slice %arg6[%dma_wait3A_555, %dma_wait3A_556] : memref<25x80xi32, #tpu.memory_space<vmem>> -> memref<1x80xi32, #tpu.memory_space<vmem>>
      %dma_wait3A_558 = tpu.memref_squeeze %dma_wait3A_557 : memref<1x80xi32, #tpu.memory_space<vmem>> -> memref<80xi32, #tpu.memory_space<vmem>>
      %dma_wait3A_559 = arith.constant 0 : i32
      %dma_wait3A_560 = arith.constant 0 : i32
      %dma_wait3A_561 = tpu.memref_slice %arg2[%dma_wait3A_559, %dma_wait3A_560] : memref<10000x128xf32, #tpu.memory_space<hbm>> -> memref<10000x128xf32, #tpu.memory_space<hbm>>
      tpu.wait_indirect_dma semaphore(%arg14 : memref<!tpu.dma_semaphore, #tpu.memory_space<semaphore_mem>>) src(%dma_wait3A_561 : memref<10000x128xf32, #tpu.memory_space<hbm>>) dst(%arg10 : memref<80x128xf32, #tpu.memory_space<vmem>>)
      %dma_start3A_562 = arith.constant 18 : i32
      %dma_start3A_563 = arith.constant 0 : i32
      %dma_start3A_564 = tpu.memref_slice %arg7[%dma_start3A_562, %dma_start3A_563] : memref<25x80xi32, #tpu.memory_space<vmem>> -> memref<1x80xi32, #tpu.memory_space<vmem>>
      %dma_start3A_565 = tpu.memref_squeeze %dma_start3A_564 : memref<1x80xi32, #tpu.memory_space<vmem>> -> memref<80xi32, #tpu.memory_space<vmem>>
      %dma_start3A_566 = arith.constant 0 : i32
      %dma_start3A_567 = arith.constant 0 : i32
      %dma_start3A_568 = tpu.memref_slice %arg20[%dma_start3A_566, %dma_start3A_567] : memref<10112x128xf32, #tpu.memory_space<vmem_shared>> -> memref<10112x128xf32, #tpu.memory_space<vmem_shared>>
      tpu.enqueue_indirect_dma source(%arg10 : memref<80x128xf32, #tpu.memory_space<vmem>>) target(%dma_start3A_568 : memref<10112x128xf32, #tpu.memory_space<vmem_shared>>) offsets(%dma_start3A_565 : memref<80xi32, #tpu.memory_space<vmem>>) semaphore(%arg18 : memref<!tpu.dma_semaphore, #tpu.memory_space<semaphore_mem>>) {add = true}
      %dma_wait3A_569 = arith.constant 18 : i32
      %dma_wait3A_570 = arith.constant 0 : i32
      %dma_wait3A_571 = tpu.memref_slice %arg7[%dma_wait3A_569, %dma_wait3A_570] : memref<25x80xi32, #tpu.memory_space<vmem>> -> memref<1x80xi32, #tpu.memory_space<vmem>>
      %dma_wait3A_572 = tpu.memref_squeeze %dma_wait3A_571 : memref<1x80xi32, #tpu.memory_space<vmem>> -> memref<80xi32, #tpu.memory_space<vmem>>
      %dma_wait3A_573 = arith.constant 0 : i32
      %dma_wait3A_574 = arith.constant 0 : i32
      %dma_wait3A_575 = tpu.memref_slice %arg20[%dma_wait3A_573, %dma_wait3A_574] : memref<10112x128xf32, #tpu.memory_space<vmem_shared>> -> memref<10112x128xf32, #tpu.memory_space<vmem_shared>>
      tpu.wait_indirect_dma semaphore(%arg18 : memref<!tpu.dma_semaphore, #tpu.memory_space<semaphore_mem>>) src(%arg10 : memref<80x128xf32, #tpu.memory_space<vmem>>) dst(%dma_wait3A_575 : memref<10112x128xf32, #tpu.memory_space<vmem_shared>>)
      %dma_start3A_576 = arith.constant 22 : i32
      %dma_start3A_577 = arith.constant 0 : i32
      %dma_start3A_578 = tpu.memref_slice %arg6[%dma_start3A_576, %dma_start3A_577] : memref<25x80xi32, #tpu.memory_space<vmem>> -> memref<1x80xi32, #tpu.memory_space<vmem>>
      %dma_start3A_579 = tpu.memref_squeeze %dma_start3A_578 : memref<1x80xi32, #tpu.memory_space<vmem>> -> memref<80xi32, #tpu.memory_space<vmem>>
      %dma_start3A_580 = arith.constant 0 : i32
      %dma_start3A_581 = arith.constant 0 : i32
      %dma_start3A_582 = tpu.memref_slice %arg2[%dma_start3A_580, %dma_start3A_581] : memref<10000x128xf32, #tpu.memory_space<hbm>> -> memref<10000x128xf32, #tpu.memory_space<hbm>>
      tpu.enqueue_indirect_dma source(%dma_start3A_582 : memref<10000x128xf32, #tpu.memory_space<hbm>>) target(%arg10 : memref<80x128xf32, #tpu.memory_space<vmem>>) offsets(%dma_start3A_579 : memref<80xi32, #tpu.memory_space<vmem>>) semaphore(%arg14 : memref<!tpu.dma_semaphore, #tpu.memory_space<semaphore_mem>>)
      %dma_wait3A_583 = arith.constant 19 : i32
      %dma_wait3A_584 = arith.constant 0 : i32
      %dma_wait3A_585 = tpu.memref_slice %arg6[%dma_wait3A_583, %dma_wait3A_584] : memref<25x80xi32, #tpu.memory_space<vmem>> -> memref<1x80xi32, #tpu.memory_space<vmem>>
      %dma_wait3A_586 = tpu.memref_squeeze %dma_wait3A_585 : memref<1x80xi32, #tpu.memory_space<vmem>> -> memref<80xi32, #tpu.memory_space<vmem>>
      %dma_wait3A_587 = arith.constant 0 : i32
      %dma_wait3A_588 = arith.constant 0 : i32
      %dma_wait3A_589 = tpu.memref_slice %arg2[%dma_wait3A_587, %dma_wait3A_588] : memref<10000x128xf32, #tpu.memory_space<hbm>> -> memref<10000x128xf32, #tpu.memory_space<hbm>>
      tpu.wait_indirect_dma semaphore(%arg15 : memref<!tpu.dma_semaphore, #tpu.memory_space<semaphore_mem>>) src(%dma_wait3A_589 : memref<10000x128xf32, #tpu.memory_space<hbm>>) dst(%arg11 : memref<80x128xf32, #tpu.memory_space<vmem>>)
      %dma_start3A_590 = arith.constant 19 : i32
      %dma_start3A_591 = arith.constant 0 : i32
      %dma_start3A_592 = tpu.memref_slice %arg7[%dma_start3A_590, %dma_start3A_591] : memref<25x80xi32, #tpu.memory_space<vmem>> -> memref<1x80xi32, #tpu.memory_space<vmem>>
      %dma_start3A_593 = tpu.memref_squeeze %dma_start3A_592 : memref<1x80xi32, #tpu.memory_space<vmem>> -> memref<80xi32, #tpu.memory_space<vmem>>
      %dma_start3A_594 = arith.constant 0 : i32
      %dma_start3A_595 = arith.constant 0 : i32
      %dma_start3A_596 = tpu.memref_slice %arg20[%dma_start3A_594, %dma_start3A_595] : memref<10112x128xf32, #tpu.memory_space<vmem_shared>> -> memref<10112x128xf32, #tpu.memory_space<vmem_shared>>
      tpu.enqueue_indirect_dma source(%arg11 : memref<80x128xf32, #tpu.memory_space<vmem>>) target(%dma_start3A_596 : memref<10112x128xf32, #tpu.memory_space<vmem_shared>>) offsets(%dma_start3A_593 : memref<80xi32, #tpu.memory_space<vmem>>) semaphore(%arg19 : memref<!tpu.dma_semaphore, #tpu.memory_space<semaphore_mem>>) {add = true}
      %dma_wait3A_597 = arith.constant 19 : i32
      %dma_wait3A_598 = arith.constant 0 : i32
      %dma_wait3A_599 = tpu.memref_slice %arg7[%dma_wait3A_597, %dma_wait3A_598] : memref<25x80xi32, #tpu.memory_space<vmem>> -> memref<1x80xi32, #tpu.memory_space<vmem>>
      %dma_wait3A_600 = tpu.memref_squeeze %dma_wait3A_599 : memref<1x80xi32, #tpu.memory_space<vmem>> -> memref<80xi32, #tpu.memory_space<vmem>>
      %dma_wait3A_601 = arith.constant 0 : i32
      %dma_wait3A_602 = arith.constant 0 : i32
      %dma_wait3A_603 = tpu.memref_slice %arg20[%dma_wait3A_601, %dma_wait3A_602] : memref<10112x128xf32, #tpu.memory_space<vmem_shared>> -> memref<10112x128xf32, #tpu.memory_space<vmem_shared>>
      tpu.wait_indirect_dma semaphore(%arg19 : memref<!tpu.dma_semaphore, #tpu.memory_space<semaphore_mem>>) src(%arg11 : memref<80x128xf32, #tpu.memory_space<vmem>>) dst(%dma_wait3A_603 : memref<10112x128xf32, #tpu.memory_space<vmem_shared>>)
      %dma_start3A_604 = arith.constant 23 : i32
      %dma_start3A_605 = arith.constant 0 : i32
      %dma_start3A_606 = tpu.memref_slice %arg6[%dma_start3A_604, %dma_start3A_605] : memref<25x80xi32, #tpu.memory_space<vmem>> -> memref<1x80xi32, #tpu.memory_space<vmem>>
      %dma_start3A_607 = tpu.memref_squeeze %dma_start3A_606 : memref<1x80xi32, #tpu.memory_space<vmem>> -> memref<80xi32, #tpu.memory_space<vmem>>
      %dma_start3A_608 = arith.constant 0 : i32
      %dma_start3A_609 = arith.constant 0 : i32
      %dma_start3A_610 = tpu.memref_slice %arg2[%dma_start3A_608, %dma_start3A_609] : memref<10000x128xf32, #tpu.memory_space<hbm>> -> memref<10000x128xf32, #tpu.memory_space<hbm>>
      tpu.enqueue_indirect_dma source(%dma_start3A_610 : memref<10000x128xf32, #tpu.memory_space<hbm>>) target(%arg11 : memref<80x128xf32, #tpu.memory_space<vmem>>) offsets(%dma_start3A_607 : memref<80xi32, #tpu.memory_space<vmem>>) semaphore(%arg15 : memref<!tpu.dma_semaphore, #tpu.memory_space<semaphore_mem>>)
      %dma_wait3A_611 = arith.constant 20 : i32
      %dma_wait3A_612 = arith.constant 0 : i32
      %dma_wait3A_613 = tpu.memref_slice %arg6[%dma_wait3A_611, %dma_wait3A_612] : memref<25x80xi32, #tpu.memory_space<vmem>> -> memref<1x80xi32, #tpu.memory_space<vmem>>
      %dma_wait3A_614 = tpu.memref_squeeze %dma_wait3A_613 : memref<1x80xi32, #tpu.memory_space<vmem>> -> memref<80xi32, #tpu.memory_space<vmem>>
      %dma_wait3A_615 = arith.constant 0 : i32
      %dma_wait3A_616 = arith.constant 0 : i32
      %dma_wait3A_617 = tpu.memref_slice %arg2[%dma_wait3A_615, %dma_wait3A_616] : memref<10000x128xf32, #tpu.memory_space<hbm>> -> memref<10000x128xf32, #tpu.memory_space<hbm>>
      tpu.wait_indirect_dma semaphore(%arg12 : memref<!tpu.dma_semaphore, #tpu.memory_space<semaphore_mem>>) src(%dma_wait3A_617 : memref<10000x128xf32, #tpu.memory_space<hbm>>) dst(%arg8 : memref<80x128xf32, #tpu.memory_space<vmem>>)
      %dma_start3A_618 = arith.constant 20 : i32
      %dma_start3A_619 = arith.constant 0 : i32
      %dma_start3A_620 = tpu.memref_slice %arg7[%dma_start3A_618, %dma_start3A_619] : memref<25x80xi32, #tpu.memory_space<vmem>> -> memref<1x80xi32, #tpu.memory_space<vmem>>
      %dma_start3A_621 = tpu.memref_squeeze %dma_start3A_620 : memref<1x80xi32, #tpu.memory_space<vmem>> -> memref<80xi32, #tpu.memory_space<vmem>>
      %dma_start3A_622 = arith.constant 0 : i32
      %dma_start3A_623 = arith.constant 0 : i32
      %dma_start3A_624 = tpu.memref_slice %arg20[%dma_start3A_622, %dma_start3A_623] : memref<10112x128xf32, #tpu.memory_space<vmem_shared>> -> memref<10112x128xf32, #tpu.memory_space<vmem_shared>>
      tpu.enqueue_indirect_dma source(%arg8 : memref<80x128xf32, #tpu.memory_space<vmem>>) target(%dma_start3A_624 : memref<10112x128xf32, #tpu.memory_space<vmem_shared>>) offsets(%dma_start3A_621 : memref<80xi32, #tpu.memory_space<vmem>>) semaphore(%arg16 : memref<!tpu.dma_semaphore, #tpu.memory_space<semaphore_mem>>) {add = true}
      %dma_wait3A_625 = arith.constant 20 : i32
      %dma_wait3A_626 = arith.constant 0 : i32
      %dma_wait3A_627 = tpu.memref_slice %arg7[%dma_wait3A_625, %dma_wait3A_626] : memref<25x80xi32, #tpu.memory_space<vmem>> -> memref<1x80xi32, #tpu.memory_space<vmem>>
      %dma_wait3A_628 = tpu.memref_squeeze %dma_wait3A_627 : memref<1x80xi32, #tpu.memory_space<vmem>> -> memref<80xi32, #tpu.memory_space<vmem>>
      %dma_wait3A_629 = arith.constant 0 : i32
      %dma_wait3A_630 = arith.constant 0 : i32
      %dma_wait3A_631 = tpu.memref_slice %arg20[%dma_wait3A_629, %dma_wait3A_630] : memref<10112x128xf32, #tpu.memory_space<vmem_shared>> -> memref<10112x128xf32, #tpu.memory_space<vmem_shared>>
      tpu.wait_indirect_dma semaphore(%arg16 : memref<!tpu.dma_semaphore, #tpu.memory_space<semaphore_mem>>) src(%arg8 : memref<80x128xf32, #tpu.memory_space<vmem>>) dst(%dma_wait3A_631 : memref<10112x128xf32, #tpu.memory_space<vmem_shared>>)
      %dma_start3A_632 = arith.constant 24 : i32
      %dma_start3A_633 = arith.constant 0 : i32
      %dma_start3A_634 = tpu.memref_slice %arg6[%dma_start3A_632, %dma_start3A_633] : memref<25x80xi32, #tpu.memory_space<vmem>> -> memref<1x80xi32, #tpu.memory_space<vmem>>
      %dma_start3A_635 = tpu.memref_squeeze %dma_start3A_634 : memref<1x80xi32, #tpu.memory_space<vmem>> -> memref<80xi32, #tpu.memory_space<vmem>>
      %dma_start3A_636 = arith.constant 0 : i32
      %dma_start3A_637 = arith.constant 0 : i32
      %dma_start3A_638 = tpu.memref_slice %arg2[%dma_start3A_636, %dma_start3A_637] : memref<10000x128xf32, #tpu.memory_space<hbm>> -> memref<10000x128xf32, #tpu.memory_space<hbm>>
      tpu.enqueue_indirect_dma source(%dma_start3A_638 : memref<10000x128xf32, #tpu.memory_space<hbm>>) target(%arg8 : memref<80x128xf32, #tpu.memory_space<vmem>>) offsets(%dma_start3A_635 : memref<80xi32, #tpu.memory_space<vmem>>) semaphore(%arg12 : memref<!tpu.dma_semaphore, #tpu.memory_space<semaphore_mem>>)
      %dma_wait3A_639 = arith.constant 21 : i32
      %dma_wait3A_640 = arith.constant 0 : i32
      %dma_wait3A_641 = tpu.memref_slice %arg6[%dma_wait3A_639, %dma_wait3A_640] : memref<25x80xi32, #tpu.memory_space<vmem>> -> memref<1x80xi32, #tpu.memory_space<vmem>>
      %dma_wait3A_642 = tpu.memref_squeeze %dma_wait3A_641 : memref<1x80xi32, #tpu.memory_space<vmem>> -> memref<80xi32, #tpu.memory_space<vmem>>
      %dma_wait3A_643 = arith.constant 0 : i32
      %dma_wait3A_644 = arith.constant 0 : i32
      %dma_wait3A_645 = tpu.memref_slice %arg2[%dma_wait3A_643, %dma_wait3A_644] : memref<10000x128xf32, #tpu.memory_space<hbm>> -> memref<10000x128xf32, #tpu.memory_space<hbm>>
      tpu.wait_indirect_dma semaphore(%arg13 : memref<!tpu.dma_semaphore, #tpu.memory_space<semaphore_mem>>) src(%dma_wait3A_645 : memref<10000x128xf32, #tpu.memory_space<hbm>>) dst(%arg9 : memref<80x128xf32, #tpu.memory_space<vmem>>)
      %dma_start3A_646 = arith.constant 21 : i32
      %dma_start3A_647 = arith.constant 0 : i32
      %dma_start3A_648 = tpu.memref_slice %arg7[%dma_start3A_646, %dma_start3A_647] : memref<25x80xi32, #tpu.memory_space<vmem>> -> memref<1x80xi32, #tpu.memory_space<vmem>>
      %dma_start3A_649 = tpu.memref_squeeze %dma_start3A_648 : memref<1x80xi32, #tpu.memory_space<vmem>> -> memref<80xi32, #tpu.memory_space<vmem>>
      %dma_start3A_650 = arith.constant 0 : i32
      %dma_start3A_651 = arith.constant 0 : i32
      %dma_start3A_652 = tpu.memref_slice %arg20[%dma_start3A_650, %dma_start3A_651] : memref<10112x128xf32, #tpu.memory_space<vmem_shared>> -> memref<10112x128xf32, #tpu.memory_space<vmem_shared>>
      tpu.enqueue_indirect_dma source(%arg9 : memref<80x128xf32, #tpu.memory_space<vmem>>) target(%dma_start3A_652 : memref<10112x128xf32, #tpu.memory_space<vmem_shared>>) offsets(%dma_start3A_649 : memref<80xi32, #tpu.memory_space<vmem>>) semaphore(%arg17 : memref<!tpu.dma_semaphore, #tpu.memory_space<semaphore_mem>>) {add = true}
      %dma_wait3A_653 = arith.constant 22 : i32
      %dma_wait3A_654 = arith.constant 0 : i32
      %dma_wait3A_655 = tpu.memref_slice %arg6[%dma_wait3A_653, %dma_wait3A_654] : memref<25x80xi32, #tpu.memory_space<vmem>> -> memref<1x80xi32, #tpu.memory_space<vmem>>
      %dma_wait3A_656 = tpu.memref_squeeze %dma_wait3A_655 : memref<1x80xi32, #tpu.memory_space<vmem>> -> memref<80xi32, #tpu.memory_space<vmem>>
      %dma_wait3A_657 = arith.constant 0 : i32
      %dma_wait3A_658 = arith.constant 0 : i32
      %dma_wait3A_659 = tpu.memref_slice %arg2[%dma_wait3A_657, %dma_wait3A_658] : memref<10000x128xf32, #tpu.memory_space<hbm>> -> memref<10000x128xf32, #tpu.memory_space<hbm>>
      tpu.wait_indirect_dma semaphore(%arg14 : memref<!tpu.dma_semaphore, #tpu.memory_space<semaphore_mem>>) src(%dma_wait3A_659 : memref<10000x128xf32, #tpu.memory_space<hbm>>) dst(%arg10 : memref<80x128xf32, #tpu.memory_space<vmem>>)
      %dma_start3A_660 = arith.constant 22 : i32
      %dma_start3A_661 = arith.constant 0 : i32
      %dma_start3A_662 = tpu.memref_slice %arg7[%dma_start3A_660, %dma_start3A_661] : memref<25x80xi32, #tpu.memory_space<vmem>> -> memref<1x80xi32, #tpu.memory_space<vmem>>
      %dma_start3A_663 = tpu.memref_squeeze %dma_start3A_662 : memref<1x80xi32, #tpu.memory_space<vmem>> -> memref<80xi32, #tpu.memory_space<vmem>>
      %dma_start3A_664 = arith.constant 0 : i32
      %dma_start3A_665 = arith.constant 0 : i32
      %dma_start3A_666 = tpu.memref_slice %arg20[%dma_start3A_664, %dma_start3A_665] : memref<10112x128xf32, #tpu.memory_space<vmem_shared>> -> memref<10112x128xf32, #tpu.memory_space<vmem_shared>>
      tpu.enqueue_indirect_dma source(%arg10 : memref<80x128xf32, #tpu.memory_space<vmem>>) target(%dma_start3A_666 : memref<10112x128xf32, #tpu.memory_space<vmem_shared>>) offsets(%dma_start3A_663 : memref<80xi32, #tpu.memory_space<vmem>>) semaphore(%arg18 : memref<!tpu.dma_semaphore, #tpu.memory_space<semaphore_mem>>) {add = true}
      %dma_wait3A_667 = arith.constant 23 : i32
      %dma_wait3A_668 = arith.constant 0 : i32
      %dma_wait3A_669 = tpu.memref_slice %arg6[%dma_wait3A_667, %dma_wait3A_668] : memref<25x80xi32, #tpu.memory_space<vmem>> -> memref<1x80xi32, #tpu.memory_space<vmem>>
      %dma_wait3A_670 = tpu.memref_squeeze %dma_wait3A_669 : memref<1x80xi32, #tpu.memory_space<vmem>> -> memref<80xi32, #tpu.memory_space<vmem>>
      %dma_wait3A_671 = arith.constant 0 : i32
      %dma_wait3A_672 = arith.constant 0 : i32
      %dma_wait3A_673 = tpu.memref_slice %arg2[%dma_wait3A_671, %dma_wait3A_672] : memref<10000x128xf32, #tpu.memory_space<hbm>> -> memref<10000x128xf32, #tpu.memory_space<hbm>>
      tpu.wait_indirect_dma semaphore(%arg15 : memref<!tpu.dma_semaphore, #tpu.memory_space<semaphore_mem>>) src(%dma_wait3A_673 : memref<10000x128xf32, #tpu.memory_space<hbm>>) dst(%arg11 : memref<80x128xf32, #tpu.memory_space<vmem>>)
      %dma_start3A_674 = arith.constant 23 : i32
      %dma_start3A_675 = arith.constant 0 : i32
      %dma_start3A_676 = tpu.memref_slice %arg7[%dma_start3A_674, %dma_start3A_675] : memref<25x80xi32, #tpu.memory_space<vmem>> -> memref<1x80xi32, #tpu.memory_space<vmem>>
      %dma_start3A_677 = tpu.memref_squeeze %dma_start3A_676 : memref<1x80xi32, #tpu.memory_space<vmem>> -> memref<80xi32, #tpu.memory_space<vmem>>
      %dma_start3A_678 = arith.constant 0 : i32
      %dma_start3A_679 = arith.constant 0 : i32
      %dma_start3A_680 = tpu.memref_slice %arg20[%dma_start3A_678, %dma_start3A_679] : memref<10112x128xf32, #tpu.memory_space<vmem_shared>> -> memref<10112x128xf32, #tpu.memory_space<vmem_shared>>
      tpu.enqueue_indirect_dma source(%arg11 : memref<80x128xf32, #tpu.memory_space<vmem>>) target(%dma_start3A_680 : memref<10112x128xf32, #tpu.memory_space<vmem_shared>>) offsets(%dma_start3A_677 : memref<80xi32, #tpu.memory_space<vmem>>) semaphore(%arg19 : memref<!tpu.dma_semaphore, #tpu.memory_space<semaphore_mem>>) {add = true}
      %dma_wait3A_681 = arith.constant 24 : i32
      %dma_wait3A_682 = arith.constant 0 : i32
      %dma_wait3A_683 = tpu.memref_slice %arg6[%dma_wait3A_681, %dma_wait3A_682] : memref<25x80xi32, #tpu.memory_space<vmem>> -> memref<1x80xi32, #tpu.memory_space<vmem>>
      %dma_wait3A_684 = tpu.memref_squeeze %dma_wait3A_683 : memref<1x80xi32, #tpu.memory_space<vmem>> -> memref<80xi32, #tpu.memory_space<vmem>>
      %dma_wait3A_685 = arith.constant 0 : i32
      %dma_wait3A_686 = arith.constant 0 : i32
      %dma_wait3A_687 = tpu.memref_slice %arg2[%dma_wait3A_685, %dma_wait3A_686] : memref<10000x128xf32, #tpu.memory_space<hbm>> -> memref<10000x128xf32, #tpu.memory_space<hbm>>
      tpu.wait_indirect_dma semaphore(%arg12 : memref<!tpu.dma_semaphore, #tpu.memory_space<semaphore_mem>>) src(%dma_wait3A_687 : memref<10000x128xf32, #tpu.memory_space<hbm>>) dst(%arg8 : memref<80x128xf32, #tpu.memory_space<vmem>>)
      %dma_start3A_688 = arith.constant 24 : i32
      %dma_start3A_689 = arith.constant 0 : i32
      %dma_start3A_690 = tpu.memref_slice %arg7[%dma_start3A_688, %dma_start3A_689] : memref<25x80xi32, #tpu.memory_space<vmem>> -> memref<1x80xi32, #tpu.memory_space<vmem>>
      %dma_start3A_691 = tpu.memref_squeeze %dma_start3A_690 : memref<1x80xi32, #tpu.memory_space<vmem>> -> memref<80xi32, #tpu.memory_space<vmem>>
      %dma_start3A_692 = arith.constant 0 : i32
      %dma_start3A_693 = arith.constant 0 : i32
      %dma_start3A_694 = tpu.memref_slice %arg20[%dma_start3A_692, %dma_start3A_693] : memref<10112x128xf32, #tpu.memory_space<vmem_shared>> -> memref<10112x128xf32, #tpu.memory_space<vmem_shared>>
      tpu.enqueue_indirect_dma source(%arg8 : memref<80x128xf32, #tpu.memory_space<vmem>>) target(%dma_start3A_694 : memref<10112x128xf32, #tpu.memory_space<vmem_shared>>) offsets(%dma_start3A_691 : memref<80xi32, #tpu.memory_space<vmem>>) semaphore(%arg16 : memref<!tpu.dma_semaphore, #tpu.memory_space<semaphore_mem>>) {add = true}
      %dma_wait3A_695 = arith.constant 21 : i32
      %dma_wait3A_696 = arith.constant 0 : i32
      %dma_wait3A_697 = tpu.memref_slice %arg7[%dma_wait3A_695, %dma_wait3A_696] : memref<25x80xi32, #tpu.memory_space<vmem>> -> memref<1x80xi32, #tpu.memory_space<vmem>>
      %dma_wait3A_698 = tpu.memref_squeeze %dma_wait3A_697 : memref<1x80xi32, #tpu.memory_space<vmem>> -> memref<80xi32, #tpu.memory_space<vmem>>
      %dma_wait3A_699 = arith.constant 0 : i32
      %dma_wait3A_700 = arith.constant 0 : i32
      %dma_wait3A_701 = tpu.memref_slice %arg20[%dma_wait3A_699, %dma_wait3A_700] : memref<10112x128xf32, #tpu.memory_space<vmem_shared>> -> memref<10112x128xf32, #tpu.memory_space<vmem_shared>>
      tpu.wait_indirect_dma semaphore(%arg17 : memref<!tpu.dma_semaphore, #tpu.memory_space<semaphore_mem>>) src(%arg9 : memref<80x128xf32, #tpu.memory_space<vmem>>) dst(%dma_wait3A_701 : memref<10112x128xf32, #tpu.memory_space<vmem_shared>>)
      %dma_wait3A_702 = arith.constant 22 : i32
      %dma_wait3A_703 = arith.constant 0 : i32
      %dma_wait3A_704 = tpu.memref_slice %arg7[%dma_wait3A_702, %dma_wait3A_703] : memref<25x80xi32, #tpu.memory_space<vmem>> -> memref<1x80xi32, #tpu.memory_space<vmem>>
      %dma_wait3A_705 = tpu.memref_squeeze %dma_wait3A_704 : memref<1x80xi32, #tpu.memory_space<vmem>> -> memref<80xi32, #tpu.memory_space<vmem>>
      %dma_wait3A_706 = arith.constant 0 : i32
      %dma_wait3A_707 = arith.constant 0 : i32
      %dma_wait3A_708 = tpu.memref_slice %arg20[%dma_wait3A_706, %dma_wait3A_707] : memref<10112x128xf32, #tpu.memory_space<vmem_shared>> -> memref<10112x128xf32, #tpu.memory_space<vmem_shared>>
      tpu.wait_indirect_dma semaphore(%arg18 : memref<!tpu.dma_semaphore, #tpu.memory_space<semaphore_mem>>) src(%arg10 : memref<80x128xf32, #tpu.memory_space<vmem>>) dst(%dma_wait3A_708 : memref<10112x128xf32, #tpu.memory_space<vmem_shared>>)
      %dma_wait3A_709 = arith.constant 23 : i32
      %dma_wait3A_710 = arith.constant 0 : i32
      %dma_wait3A_711 = tpu.memref_slice %arg7[%dma_wait3A_709, %dma_wait3A_710] : memref<25x80xi32, #tpu.memory_space<vmem>> -> memref<1x80xi32, #tpu.memory_space<vmem>>
      %dma_wait3A_712 = tpu.memref_squeeze %dma_wait3A_711 : memref<1x80xi32, #tpu.memory_space<vmem>> -> memref<80xi32, #tpu.memory_space<vmem>>
      %dma_wait3A_713 = arith.constant 0 : i32
      %dma_wait3A_714 = arith.constant 0 : i32
      %dma_wait3A_715 = tpu.memref_slice %arg20[%dma_wait3A_713, %dma_wait3A_714] : memref<10112x128xf32, #tpu.memory_space<vmem_shared>> -> memref<10112x128xf32, #tpu.memory_space<vmem_shared>>
      tpu.wait_indirect_dma semaphore(%arg19 : memref<!tpu.dma_semaphore, #tpu.memory_space<semaphore_mem>>) src(%arg11 : memref<80x128xf32, #tpu.memory_space<vmem>>) dst(%dma_wait3A_715 : memref<10112x128xf32, #tpu.memory_space<vmem_shared>>)
      %dma_wait3A_716 = arith.constant 24 : i32
      %dma_wait3A_717 = arith.constant 0 : i32
      %dma_wait3A_718 = tpu.memref_slice %arg7[%dma_wait3A_716, %dma_wait3A_717] : memref<25x80xi32, #tpu.memory_space<vmem>> -> memref<1x80xi32, #tpu.memory_space<vmem>>
      %dma_wait3A_719 = tpu.memref_squeeze %dma_wait3A_718 : memref<1x80xi32, #tpu.memory_space<vmem>> -> memref<80xi32, #tpu.memory_space<vmem>>
      %dma_wait3A_720 = arith.constant 0 : i32
      %dma_wait3A_721 = arith.constant 0 : i32
      %dma_wait3A_722 = tpu.memref_slice %arg20[%dma_wait3A_720, %dma_wait3A_721] : memref<10112x128xf32, #tpu.memory_space<vmem_shared>> -> memref<10112x128xf32, #tpu.memory_space<vmem_shared>>
      tpu.wait_indirect_dma semaphore(%arg16 : memref<!tpu.dma_semaphore, #tpu.memory_space<semaphore_mem>>) src(%arg8 : memref<80x128xf32, #tpu.memory_space<vmem>>) dst(%dma_wait3A_722 : memref<10112x128xf32, #tpu.memory_space<vmem_shared>>)
    }
    %scan3A_14 = arith.constant 5 : i32
    %barrier3A_15 = arith.constant 0 : index
    tpu.barrier barrier_id(%barrier3A_15)
    %mul3A_16 = arith.constant 632 : i32
    %mul3A_17 = arith.muli %arg1, %mul3A_16 : i32
    %mul3A_18 = arith.constant 632 : i32
    %mul3A_19 = arith.muli %arg1, %mul3A_18 : i32
    "tpu.region"() ({
      %run_scoped3A = tpu.sem_alloc : memref<!tpu.dma_semaphore, #tpu.memory_space<semaphore_mem>>
      %dma_start3A = arith.constant 0 : i32
      %dma_start3A_20 = tpu.memref_slice %arg5[%arg0, %mul3A_19, %dma_start3A] : memref<2x10112x128xf32, #tpu.memory_space<hbm>> -> memref<1x632x128xf32, #tpu.memory_space<hbm>>
      %dma_start3A_21 = tpu.memref_squeeze %dma_start3A_20 : memref<1x632x128xf32, #tpu.memory_space<hbm>> -> memref<632x128xf32, #tpu.memory_space<hbm>>
      %dma_start3A_22 = arith.constant 0 : i32
      %dma_start3A_23 = tpu.memref_slice %arg20[%mul3A_17, %dma_start3A_22] : memref<10112x128xf32, #tpu.memory_space<vmem_shared>> -> memref<632x128xf32, #tpu.memory_space<vmem_shared>>
      tpu.enqueue_dma source(%dma_start3A_23 : memref<632x128xf32, #tpu.memory_space<vmem_shared>>) target(%dma_start3A_21 : memref<632x128xf32, #tpu.memory_space<hbm>>) target_semaphore(%run_scoped3A : memref<!tpu.dma_semaphore, #tpu.memory_space<semaphore_mem>>)
      %dma_wait3A = arith.constant 0 : i32
      %dma_wait3A_24 = tpu.memref_slice %arg5[%arg0, %mul3A_19, %dma_wait3A] : memref<2x10112x128xf32, #tpu.memory_space<hbm>> -> memref<1x632x128xf32, #tpu.memory_space<hbm>>
      %dma_wait3A_25 = tpu.memref_squeeze %dma_wait3A_24 : memref<1x632x128xf32, #tpu.memory_space<hbm>> -> memref<632x128xf32, #tpu.memory_space<hbm>>
      %dma_wait3A_26 = arith.constant 0 : i32
      %dma_wait3A_27 = tpu.memref_slice %arg20[%mul3A_17, %dma_wait3A_26] : memref<10112x128xf32, #tpu.memory_space<vmem_shared>> -> memref<632x128xf32, #tpu.memory_space<vmem_shared>>
      tpu.wait_dma2 semaphore(%run_scoped3A : memref<!tpu.dma_semaphore, #tpu.memory_space<semaphore_mem>>) src(%dma_wait3A_27 : memref<632x128xf32, #tpu.memory_space<vmem_shared>>) dst(%dma_wait3A_25 : memref<632x128xf32, #tpu.memory_space<hbm>>)
      tpu.yield
    }) : () -> ()
    return
  }
}

#map = affine_map<(d0, d1) -> (0, 0, 0, 0)>
#map1 = affine_map<(d0, d1) -> (0, 0, 0)>
module attributes {stable_mosaic.version = 14 : i64} {
  func.func @_deg_sc(%arg0: i32, %arg1: i32, %arg2: memref<32x5x25x80xi32, #tpu.memory_space<hbm>>, %arg3: memref<2x10112x128xf32, #tpu.memory_space<hbm>>, %arg4: memref<5x25x80xi32, #tpu.memory_space<vmem>>, %arg5: memref<80x128xf32, #tpu.memory_space<vmem>>, %arg6: memref<10112x128xf32, #tpu.memory_space<vmem_shared>>) attributes {dimension_semantics = [#tpu.dimension_semantics<core_parallel>, #tpu.dimension_semantics<subcore_parallel>], iteration_bounds = array<i64: 2, 16>, scalar_prefetch = 0 : i64, scratch_operands = 3 : i64, tpu.core_type = #tpu.core_type<sc_vector_subcore>, window_params = [{transform_indices = #map}, {transform_indices = #map1}]} {
    %mul3A = arith.constant 16 : i32
    %mul3A_0 = arith.muli %arg0, %mul3A : i32
    %add3A = arith.addi %mul3A_0, %arg1 : i32
    %scan3A = arith.constant 0 : i32
    %scan3A_1 = arith.constant 80 : i32
    %scan3A_2 = arith.addi %scan3A, %scan3A_1 : i32
    %scan3A_3 = arith.constant 1 : i32
    scf.for %scan3A_25 = %scan3A to %scan3A_2 step %scan3A_3  : i32 {
      %mul3A_26 = arith.constant 1 : i32
      %mul3A_27 = arith.muli %scan3A_25, %mul3A_26 : i32
      %add3A_28 = arith.constant 0 : i32
      %add3A_29 = arith.addi %add3A_28, %mul3A_27 : i32
      %scan3A_30 = arith.constant 0 : i32
      %scan3A_31 = arith.constant 8 : i32
      %scan3A_32 = arith.addi %scan3A_30, %scan3A_31 : i32
      %scan3A_33 = arith.constant 1 : i32
      scf.for %scan3A_35 = %scan3A_30 to %scan3A_32 step %scan3A_33  : i32 {
        %mul3A_36 = arith.constant 1 : i32
        %mul3A_37 = arith.muli %scan3A_35, %mul3A_36 : i32
        %add3A_38 = arith.constant 0 : i32
        %add3A_39 = arith.addi %add3A_38, %mul3A_37 : i32
        %broadcast_in_dim3A = arith.constant 0.000000e+00 : f32
        %broadcast_in_dim3A_40 = vector.broadcast %broadcast_in_dim3A : f32 to vector<16xf32>
        %mul3A_41 = arith.constant 16 : i32
        %mul3A_42 = arith.muli %add3A_39, %mul3A_41 : i32
        %swap3A = arith.index_cast %add3A_29 : i32 to index
        %swap3A_43 = arith.index_cast %mul3A_42 : i32 to index
        %swap3A_44 = tpu.vector_load %arg5[%swap3A, %swap3A_43] {strides = array<i32>} : memref<80x128xf32, #tpu.memory_space<vmem>>, vector<1x16xf32>,
        %swap3A_45 = vector.shape_cast %swap3A_44 : vector<1x16xf32> to vector<16xf32>
        %swap3A_46 = vector.shape_cast %broadcast_in_dim3A_40 : vector<16xf32> to vector<1x16xf32>
        tpu.vector_store %arg5[%swap3A, %swap3A_43], %swap3A_46 {strides = array<i32>} : memref<80x128xf32, #tpu.memory_space<vmem>>, vector<1x16xf32>,
      }
      %scan3A_34 = arith.constant 8 : i32
    }
    %scan3A_4 = arith.constant 80 : i32
    %scan3A_5 = arith.constant 0 : i32
    %scan3A_6 = arith.constant 8 : i32
    %scan3A_7 = arith.addi %scan3A_5, %scan3A_6 : i32
    %scan3A_8 = arith.constant 1 : i32
    scf.for %scan3A_25 = %scan3A_5 to %scan3A_7 step %scan3A_8  : i32 {
      %mul3A_26 = arith.constant 1 : i32
      %mul3A_27 = arith.muli %scan3A_25, %mul3A_26 : i32
      %add3A_28 = arith.constant 0 : i32
      %add3A_29 = arith.addi %add3A_28, %mul3A_27 : i32
      %mul3A_30 = arith.constant 632 : i32
      %mul3A_31 = arith.muli %arg1, %mul3A_30 : i32
      %mul3A_32 = arith.constant 79 : i32
      %mul3A_33 = arith.muli %add3A_29, %mul3A_32 : i32
      %add3A_34 = arith.addi %mul3A_31, %mul3A_33 : i32
      "tpu.region"() ({
        %run_scoped3A = tpu.sem_alloc : memref<!tpu.dma_semaphore, #tpu.memory_space<semaphore_mem>>
        %dma_start3A = arith.constant 0 : i32
        %dma_start3A_35 = arith.constant 0 : i32
        %dma_start3A_36 = tpu.memref_slice %arg5[%dma_start3A, %dma_start3A_35] : memref<80x128xf32, #tpu.memory_space<vmem>> -> memref<79x128xf32, #tpu.memory_space<vmem>>
        %dma_start3A_37 = arith.constant 0 : i32
        %dma_start3A_38 = tpu.memref_slice %arg6[%add3A_34, %dma_start3A_37] : memref<10112x128xf32, #tpu.memory_space<vmem_shared>> -> memref<79x128xf32, #tpu.memory_space<vmem_shared>>
        %dma_start3A_39 = arith.constant 0 : i32
        %dma_start3A_40 = tpu.memref_slice %arg6[%add3A_34, %dma_start3A_39] : memref<10112x128xf32, #tpu.memory_space<vmem_shared>> -> memref<79x128xf32, #tpu.memory_space<vmem_shared>>
        %dma_start3A_41 = arith.constant 0 : i32
        %dma_start3A_42 = arith.constant 0 : i32
        %dma_start3A_43 = tpu.memref_slice %arg5[%dma_start3A_41, %dma_start3A_42] : memref<80x128xf32, #tpu.memory_space<vmem>> -> memref<79x128xf32, #tpu.memory_space<vmem>>
        tpu.enqueue_dma source(%dma_start3A_43 : memref<79x128xf32, #tpu.memory_space<vmem>>) target(%dma_start3A_40 : memref<79x128xf32, #tpu.memory_space<vmem_shared>>) target_semaphore(%run_scoped3A : memref<!tpu.dma_semaphore, #tpu.memory_space<semaphore_mem>>)
        %dma_wait3A = arith.constant 0 : i32
        %dma_wait3A_44 = arith.constant 0 : i32
        %dma_wait3A_45 = tpu.memref_slice %arg5[%dma_wait3A, %dma_wait3A_44] : memref<80x128xf32, #tpu.memory_space<vmem>> -> memref<79x128xf32, #tpu.memory_space<vmem>>
        %dma_wait3A_46 = arith.constant 0 : i32
        %dma_wait3A_47 = tpu.memref_slice %arg6[%add3A_34, %dma_wait3A_46] : memref<10112x128xf32, #tpu.memory_space<vmem_shared>> -> memref<79x128xf32, #tpu.memory_space<vmem_shared>>
        %dma_wait3A_48 = arith.constant 0 : i32
        %dma_wait3A_49 = tpu.memref_slice %arg6[%add3A_34, %dma_wait3A_48] : memref<10112x128xf32, #tpu.memory_space<vmem_shared>> -> memref<79x128xf32, #tpu.memory_space<vmem_shared>>
        %dma_wait3A_50 = arith.constant 0 : i32
        %dma_wait3A_51 = arith.constant 0 : i32
        %dma_wait3A_52 = tpu.memref_slice %arg5[%dma_wait3A_50, %dma_wait3A_51] : memref<80x128xf32, #tpu.memory_space<vmem>> -> memref<79x128xf32, #tpu.memory_space<vmem>>
        tpu.wait_dma2 semaphore(%run_scoped3A : memref<!tpu.dma_semaphore, #tpu.memory_space<semaphore_mem>>) src(%dma_wait3A_52 : memref<79x128xf32, #tpu.memory_space<vmem>>) dst(%dma_wait3A_49 : memref<79x128xf32, #tpu.memory_space<vmem_shared>>)
        tpu.yield
      }) : () -> ()
    }
    %scan3A_9 = arith.constant 8 : i32
    %scan3A_10 = arith.constant 0 : i32
    %scan3A_11 = arith.constant 80 : i32
    %scan3A_12 = arith.addi %scan3A_10, %scan3A_11 : i32
    %scan3A_13 = arith.constant 1 : i32
    scf.for %scan3A_25 = %scan3A_10 to %scan3A_12 step %scan3A_13  : i32 {
      %mul3A_26 = arith.constant 1 : i32
      %mul3A_27 = arith.muli %scan3A_25, %mul3A_26 : i32
      %add3A_28 = arith.constant 0 : i32
      %add3A_29 = arith.addi %add3A_28, %mul3A_27 : i32
      %scan3A_30 = arith.constant 0 : i32
      %scan3A_31 = arith.constant 8 : i32
      %scan3A_32 = arith.addi %scan3A_30, %scan3A_31 : i32
      %scan3A_33 = arith.constant 1 : i32
      scf.for %scan3A_35 = %scan3A_30 to %scan3A_32 step %scan3A_33  : i32 {
        %mul3A_36 = arith.constant 1 : i32
        %mul3A_37 = arith.muli %scan3A_35, %mul3A_36 : i32
        %add3A_38 = arith.constant 0 : i32
        %add3A_39 = arith.addi %add3A_38, %mul3A_37 : i32
        %broadcast_in_dim3A = arith.constant 1.000000e+00 : f32
        %broadcast_in_dim3A_40 = vector.broadcast %broadcast_in_dim3A : f32 to vector<16xf32>
        %mul3A_41 = arith.constant 16 : i32
        %mul3A_42 = arith.muli %add3A_39, %mul3A_41 : i32
        %swap3A = arith.index_cast %add3A_29 : i32 to index
        %swap3A_43 = arith.index_cast %mul3A_42 : i32 to index
        %swap3A_44 = tpu.vector_load %arg5[%swap3A, %swap3A_43] {strides = array<i32>} : memref<80x128xf32, #tpu.memory_space<vmem>>, vector<1x16xf32>,
        %swap3A_45 = vector.shape_cast %swap3A_44 : vector<1x16xf32> to vector<16xf32>
        %swap3A_46 = vector.shape_cast %broadcast_in_dim3A_40 : vector<16xf32> to vector<1x16xf32>
        tpu.vector_store %arg5[%swap3A, %swap3A_43], %swap3A_46 {strides = array<i32>} : memref<80x128xf32, #tpu.memory_space<vmem>>, vector<1x16xf32>,
      }
      %scan3A_34 = arith.constant 8 : i32
    }
    %scan3A_14 = arith.constant 80 : i32
    "tpu.region"() ({
      %run_scoped3A = tpu.sem_alloc : memref<!tpu.dma_semaphore, #tpu.memory_space<semaphore_mem>>
      %dma_start3A = arith.constant 0 : i32
      %dma_start3A_25 = arith.constant 0 : i32
      %dma_start3A_26 = arith.constant 0 : i32
      %dma_start3A_27 = tpu.memref_slice %arg2[%add3A, %dma_start3A, %dma_start3A_25, %dma_start3A_26] : memref<32x5x25x80xi32, #tpu.memory_space<hbm>> -> memref<1x5x25x80xi32, #tpu.memory_space<hbm>>
      %dma_start3A_28 = tpu.memref_squeeze %dma_start3A_27 : memref<1x5x25x80xi32, #tpu.memory_space<hbm>> -> memref<5x25x80xi32, #tpu.memory_space<hbm>>
      %dma_start3A_29 = arith.constant 0 : i32
      %dma_start3A_30 = arith.constant 0 : i32
      %dma_start3A_31 = arith.constant 0 : i32
      %dma_start3A_32 = tpu.memref_slice %arg2[%add3A, %dma_start3A_29, %dma_start3A_30, %dma_start3A_31] : memref<32x5x25x80xi32, #tpu.memory_space<hbm>> -> memref<1x5x25x80xi32, #tpu.memory_space<hbm>>
      %dma_start3A_33 = tpu.memref_squeeze %dma_start3A_32 : memref<1x5x25x80xi32, #tpu.memory_space<hbm>> -> memref<5x25x80xi32, #tpu.memory_space<hbm>>
      tpu.enqueue_dma source(%dma_start3A_33 : memref<5x25x80xi32, #tpu.memory_space<hbm>>) target(%arg4 : memref<5x25x80xi32, #tpu.memory_space<vmem>>) target_semaphore(%run_scoped3A : memref<!tpu.dma_semaphore, #tpu.memory_space<semaphore_mem>>)
      %dma_wait3A = arith.constant 0 : i32
      %dma_wait3A_34 = arith.constant 0 : i32
      %dma_wait3A_35 = arith.constant 0 : i32
      %dma_wait3A_36 = tpu.memref_slice %arg2[%add3A, %dma_wait3A, %dma_wait3A_34, %dma_wait3A_35] : memref<32x5x25x80xi32, #tpu.memory_space<hbm>> -> memref<1x5x25x80xi32, #tpu.memory_space<hbm>>
      %dma_wait3A_37 = tpu.memref_squeeze %dma_wait3A_36 : memref<1x5x25x80xi32, #tpu.memory_space<hbm>> -> memref<5x25x80xi32, #tpu.memory_space<hbm>>
      %dma_wait3A_38 = arith.constant 0 : i32
      %dma_wait3A_39 = arith.constant 0 : i32
      %dma_wait3A_40 = arith.constant 0 : i32
      %dma_wait3A_41 = tpu.memref_slice %arg2[%add3A, %dma_wait3A_38, %dma_wait3A_39, %dma_wait3A_40] : memref<32x5x25x80xi32, #tpu.memory_space<hbm>> -> memref<1x5x25x80xi32, #tpu.memory_space<hbm>>
      %dma_wait3A_42 = tpu.memref_squeeze %dma_wait3A_41 : memref<1x5x25x80xi32, #tpu.memory_space<hbm>> -> memref<5x25x80xi32, #tpu.memory_space<hbm>>
      tpu.wait_dma2 semaphore(%run_scoped3A : memref<!tpu.dma_semaphore, #tpu.memory_space<semaphore_mem>>) src(%dma_wait3A_42 : memref<5x25x80xi32, #tpu.memory_space<hbm>>) dst(%arg4 : memref<5x25x80xi32, #tpu.memory_space<vmem>>)
      tpu.yield
    }) : () -> ()
    %barrier3A = arith.constant 0 : index
    tpu.barrier barrier_id(%barrier3A)
    %scan3A_15 = arith.constant 0 : i32
    %scan3A_16 = arith.constant 5 : i32
    %scan3A_17 = arith.addi %scan3A_15, %scan3A_16 : i32
    %scan3A_18 = arith.constant 1 : i32
    scf.for %scan3A_25 = %scan3A_15 to %scan3A_17 step %scan3A_18  : i32 {
      %mul3A_26 = arith.constant 1 : i32
      %mul3A_27 = arith.muli %scan3A_25, %mul3A_26 : i32
      %add3A_28 = arith.constant 0 : i32
      %add3A_29 = arith.addi %add3A_28, %mul3A_27 : i32
      %scan3A_30 = arith.constant 0 : i32
      %scan3A_31 = arith.constant 25 : i32
      %scan3A_32 = arith.addi %scan3A_30, %scan3A_31 : i32
      %scan3A_33 = arith.constant 1 : i32
      scf.for %scan3A_35 = %scan3A_30 to %scan3A_32 step %scan3A_33  : i32 {
        %mul3A_36 = arith.constant 1 : i32
        %mul3A_37 = arith.muli %scan3A_35, %mul3A_36 : i32
        %add3A_38 = arith.constant 0 : i32
        %add3A_39 = arith.addi %add3A_38, %mul3A_37 : i32
        "tpu.region"() ({
          %run_scoped3A = tpu.sem_alloc : memref<!tpu.dma_semaphore, #tpu.memory_space<semaphore_mem>>
          %dma_start3A = arith.constant 0 : i32
          %dma_start3A_40 = tpu.memref_slice %arg4[%add3A_29, %add3A_39, %dma_start3A] : memref<5x25x80xi32, #tpu.memory_space<vmem>> -> memref<1x1x80xi32, #tpu.memory_space<vmem>>
          %dma_start3A_41 = tpu.memref_squeeze %dma_start3A_40 : memref<1x1x80xi32, #tpu.memory_space<vmem>> -> memref<80xi32, #tpu.memory_space<vmem>>
          %dma_start3A_42 = arith.constant 0 : i32
          %dma_start3A_43 = arith.constant 0 : i32
          %dma_start3A_44 = tpu.memref_slice %arg6[%dma_start3A_42, %dma_start3A_43] : memref<10112x128xf32, #tpu.memory_space<vmem_shared>> -> memref<10112x128xf32, #tpu.memory_space<vmem_shared>>
          tpu.enqueue_indirect_dma source(%arg5 : memref<80x128xf32, #tpu.memory_space<vmem>>) target(%dma_start3A_44 : memref<10112x128xf32, #tpu.memory_space<vmem_shared>>) offsets(%dma_start3A_41 : memref<80xi32, #tpu.memory_space<vmem>>) semaphore(%run_scoped3A : memref<!tpu.dma_semaphore, #tpu.memory_space<semaphore_mem>>) {add = true}
          %dma_wait3A = arith.constant 0 : i32
          %dma_wait3A_45 = tpu.memref_slice %arg4[%add3A_29, %add3A_39, %dma_wait3A] : memref<5x25x80xi32, #tpu.memory_space<vmem>> -> memref<1x1x80xi32, #tpu.memory_space<vmem>>
          %dma_wait3A_46 = tpu.memref_squeeze %dma_wait3A_45 : memref<1x1x80xi32, #tpu.memory_space<vmem>> -> memref<80xi32, #tpu.memory_space<vmem>>
          %dma_wait3A_47 = arith.constant 0 : i32
          %dma_wait3A_48 = arith.constant 0 : i32
          %dma_wait3A_49 = tpu.memref_slice %arg6[%dma_wait3A_47, %dma_wait3A_48] : memref<10112x128xf32, #tpu.memory_space<vmem_shared>> -> memref<10112x128xf32, #tpu.memory_space<vmem_shared>>
          tpu.wait_indirect_dma semaphore(%run_scoped3A : memref<!tpu.dma_semaphore, #tpu.memory_space<semaphore_mem>>) src(%arg5 : memref<80x128xf32, #tpu.memory_space<vmem>>) dst(%dma_wait3A_49 : memref<10112x128xf32, #tpu.memory_space<vmem_shared>>)
          tpu.yield
        }) : () -> ()
      }
      %scan3A_34 = arith.constant 25 : i32
    }
    %scan3A_19 = arith.constant 5 : i32
    %barrier3A_20 = arith.constant 0 : index
    tpu.barrier barrier_id(%barrier3A_20)
    %mul3A_21 = arith.constant 632 : i32
    %mul3A_22 = arith.muli %arg1, %mul3A_21 : i32
    %mul3A_23 = arith.constant 632 : i32
    %mul3A_24 = arith.muli %arg1, %mul3A_23 : i32
    "tpu.region"() ({
      %run_scoped3A = tpu.sem_alloc : memref<!tpu.dma_semaphore, #tpu.memory_space<semaphore_mem>>
      %dma_start3A = arith.constant 0 : i32
      %dma_start3A_25 = tpu.memref_slice %arg3[%arg0, %mul3A_24, %dma_start3A] : memref<2x10112x128xf32, #tpu.memory_space<hbm>> -> memref<1x632x128xf32, #tpu.memory_space<hbm>>
      %dma_start3A_26 = tpu.memref_squeeze %dma_start3A_25 : memref<1x632x128xf32, #tpu.memory_space<hbm>> -> memref<632x128xf32, #tpu.memory_space<hbm>>
      %dma_start3A_27 = arith.constant 0 : i32
      %dma_start3A_28 = tpu.memref_slice %arg6[%mul3A_22, %dma_start3A_27] : memref<10112x128xf32, #tpu.memory_space<vmem_shared>> -> memref<632x128xf32, #tpu.memory_space<vmem_shared>>
      tpu.enqueue_dma source(%dma_start3A_28 : memref<632x128xf32, #tpu.memory_space<vmem_shared>>) target(%dma_start3A_26 : memref<632x128xf32, #tpu.memory_space<hbm>>) target_semaphore(%run_scoped3A : memref<!tpu.dma_semaphore, #tpu.memory_space<semaphore_mem>>)
      %dma_wait3A = arith.constant 0 : i32
      %dma_wait3A_29 = tpu.memref_slice %arg3[%arg0, %mul3A_24, %dma_wait3A] : memref<2x10112x128xf32, #tpu.memory_space<hbm>> -> memref<1x632x128xf32, #tpu.memory_space<hbm>>
      %dma_wait3A_30 = tpu.memref_squeeze %dma_wait3A_29 : memref<1x632x128xf32, #tpu.memory_space<hbm>> -> memref<632x128xf32, #tpu.memory_space<hbm>>
      %dma_wait3A_31 = arith.constant 0 : i32
      %dma_wait3A_32 = tpu.memref_slice %arg6[%mul3A_22, %dma_wait3A_31] : memref<10112x128xf32, #tpu.memory_space<vmem_shared>> -> memref<632x128xf32, #tpu.memory_space<vmem_shared>>
      tpu.wait_dma2 semaphore(%run_scoped3A : memref<!tpu.dma_semaphore, #tpu.memory_space<semaphore_mem>>) src(%dma_wait3A_32 : memref<632x128xf32, #tpu.memory_space<vmem_shared>>) dst(%dma_wait3A_30 : memref<632x128xf32, #tpu.memory_space<hbm>>)
      tpu.yield
    }) : () -> ()
    return
  }
}

#map = affine_map<(d0, d1) -> (0, 0)>
#map1 = affine_map<(d0, d1) -> (0, 0, 0, 0)>
#map2 = affine_map<(d0, d1) -> (0, 0, 0)>
module attributes {stable_mosaic.version = 14 : i64} {
  func.func @_agg_sc(%arg0: i32, %arg1: i32, %arg2: memref<10000x128xf32, #tpu.memory_space<hbm>>, %arg3: memref<32x5x25x80xi32, #tpu.memory_space<hbm>>, %arg4: memref<32x5x25x80xi32, #tpu.memory_space<hbm>>, %arg5: memref<2x10112x128xf32, #tpu.memory_space<hbm>>, %arg6: memref<25x80xi32, #tpu.memory_space<vmem>>, %arg7: memref<25x80xi32, #tpu.memory_space<vmem>>, %arg8: memref<80x128xf32, #tpu.memory_space<vmem>>, %arg9: memref<80x128xf32, #tpu.memory_space<vmem>>, %arg10: memref<80x128xf32, #tpu.memory_space<vmem>>, %arg11: memref<80x128xf32, #tpu.memory_space<vmem>>, %arg12: memref<!tpu.dma_semaphore, #tpu.memory_space<semaphore_mem>>, %arg13: memref<!tpu.dma_semaphore, #tpu.memory_space<semaphore_mem>>, %arg14: memref<!tpu.dma_semaphore, #tpu.memory_space<semaphore_mem>>, %arg15: memref<!tpu.dma_semaphore, #tpu.memory_space<semaphore_mem>>, %arg16: memref<!tpu.dma_semaphore, #tpu.memory_space<semaphore_mem>>, %arg17: memref<!tpu.dma_semaphore, #tpu.memory_space<semaphore_mem>>, %arg18: memref<!tpu.dma_semaphore, #tpu.memory_space<semaphore_mem>>, %arg19: memref<!tpu.dma_semaphore, #tpu.memory_space<semaphore_mem>>, %arg20: memref<10112x128xf32, #tpu.memory_space<vmem_shared>>) attributes {dimension_semantics = [#tpu.dimension_semantics<core_parallel>, #tpu.dimension_semantics<subcore_parallel>], iteration_bounds = array<i64: 2, 16>, scalar_prefetch = 0 : i64, scratch_operands = 15 : i64, tpu.core_type = #tpu.core_type<sc_vector_subcore>, window_params = [{transform_indices = #map}, {transform_indices = #map1}, {transform_indices = #map1}, {transform_indices = #map2}]} {
    %mul3A = arith.constant 16 : i32
    %mul3A_0 = arith.muli %arg0, %mul3A : i32
    %add3A = arith.addi %mul3A_0, %arg1 : i32
    %scan3A = arith.constant 0 : i32
    %scan3A_1 = arith.constant 80 : i32
    %scan3A_2 = arith.addi %scan3A, %scan3A_1 : i32
    %scan3A_3 = arith.constant 1 : i32
    scf.for %scan3A_20 = %scan3A to %scan3A_2 step %scan3A_3  : i32 {
      %mul3A_21 = arith.constant 1 : i32
      %mul3A_22 = arith.muli %scan3A_20, %mul3A_21 : i32
      %add3A_23 = arith.constant 0 : i32
      %add3A_24 = arith.addi %add3A_23, %mul3A_22 : i32
      %scan3A_25 = arith.constant 0 : i32
      %scan3A_26 = arith.constant 8 : i32
      %scan3A_27 = arith.addi %scan3A_25, %scan3A_26 : i32
      %scan3A_28 = arith.constant 1 : i32
      scf.for %scan3A_30 = %scan3A_25 to %scan3A_27 step %scan3A_28  : i32 {
        %mul3A_31 = arith.constant 1 : i32
        %mul3A_32 = arith.muli %scan3A_30, %mul3A_31 : i32
        %add3A_33 = arith.constant 0 : i32
        %add3A_34 = arith.addi %add3A_33, %mul3A_32 : i32
        %broadcast_in_dim3A = arith.constant 0.000000e+00 : f32
        %broadcast_in_dim3A_35 = vector.broadcast %broadcast_in_dim3A : f32 to vector<16xf32>
        %mul3A_36 = arith.constant 16 : i32
        %mul3A_37 = arith.muli %add3A_34, %mul3A_36 : i32
        %swap3A = arith.index_cast %add3A_24 : i32 to index
        %swap3A_38 = arith.index_cast %mul3A_37 : i32 to index
        %swap3A_39 = tpu.vector_load %arg8[%swap3A, %swap3A_38] {strides = array<i32>} : memref<80x128xf32, #tpu.memory_space<vmem>>, vector<1x16xf32>,
        %swap3A_40 = vector.shape_cast %swap3A_39 : vector<1x16xf32> to vector<16xf32>
        %swap3A_41 = vector.shape_cast %broadcast_in_dim3A_35 : vector<16xf32> to vector<1x16xf32>
        tpu.vector_store %arg8[%swap3A, %swap3A_38], %swap3A_41 {strides = array<i32>} : memref<80x128xf32, #tpu.memory_space<vmem>>, vector<1x16xf32>,
      }
      %scan3A_29 = arith.constant 8 : i32
    }
    %scan3A_4 = arith.constant 80 : i32
    %scan3A_5 = arith.constant 0 : i32
    %scan3A_6 = arith.constant 8 : i32
    %scan3A_7 = arith.addi %scan3A_5, %scan3A_6 : i32
    %scan3A_8 = arith.constant 1 : i32
    scf.for %scan3A_20 = %scan3A_5 to %scan3A_7 step %scan3A_8  : i32 {
      %mul3A_21 = arith.constant 1 : i32
      %mul3A_22 = arith.muli %scan3A_20, %mul3A_21 : i32
      %add3A_23 = arith.constant 0 : i32
      %add3A_24 = arith.addi %add3A_23, %mul3A_22 : i32
      %mul3A_25 = arith.constant 632 : i32
      %mul3A_26 = arith.muli %arg1, %mul3A_25 : i32
      %mul3A_27 = arith.constant 79 : i32
      %mul3A_28 = arith.muli %add3A_24, %mul3A_27 : i32
      %add3A_29 = arith.addi %mul3A_26, %mul3A_28 : i32
      "tpu.region"() ({
        %run_scoped3A = tpu.sem_alloc : memref<!tpu.dma_semaphore, #tpu.memory_space<semaphore_mem>>
        %dma_start3A = arith.constant 0 : i32
        %dma_start3A_30 = arith.constant 0 : i32
        %dma_start3A_31 = tpu.memref_slice %arg8[%dma_start3A, %dma_start3A_30] : memref<80x128xf32, #tpu.memory_space<vmem>> -> memref<79x128xf32, #tpu.memory_space<vmem>>
        %dma_start3A_32 = arith.constant 0 : i32
        %dma_start3A_33 = tpu.memref_slice %arg20[%add3A_29, %dma_start3A_32] : memref<10112x128xf32, #tpu.memory_space<vmem_shared>> -> memref<79x128xf32, #tpu.memory_space<vmem_shared>>
        %dma_start3A_34 = arith.constant 0 : i32
        %dma_start3A_35 = tpu.memref_slice %arg20[%add3A_29, %dma_start3A_34] : memref<10112x128xf32, #tpu.memory_space<vmem_shared>> -> memref<79x128xf32, #tpu.memory_space<vmem_shared>>
        %dma_start3A_36 = arith.constant 0 : i32
        %dma_start3A_37 = arith.constant 0 : i32
        %dma_start3A_38 = tpu.memref_slice %arg8[%dma_start3A_36, %dma_start3A_37] : memref<80x128xf32, #tpu.memory_space<vmem>> -> memref<79x128xf32, #tpu.memory_space<vmem>>
        tpu.enqueue_dma source(%dma_start3A_38 : memref<79x128xf32, #tpu.memory_space<vmem>>) target(%dma_start3A_35 : memref<79x128xf32, #tpu.memory_space<vmem_shared>>) target_semaphore(%run_scoped3A : memref<!tpu.dma_semaphore, #tpu.memory_space<semaphore_mem>>)
        %dma_wait3A = arith.constant 0 : i32
        %dma_wait3A_39 = arith.constant 0 : i32
        %dma_wait3A_40 = tpu.memref_slice %arg8[%dma_wait3A, %dma_wait3A_39] : memref<80x128xf32, #tpu.memory_space<vmem>> -> memref<79x128xf32, #tpu.memory_space<vmem>>
        %dma_wait3A_41 = arith.constant 0 : i32
        %dma_wait3A_42 = tpu.memref_slice %arg20[%add3A_29, %dma_wait3A_41] : memref<10112x128xf32, #tpu.memory_space<vmem_shared>> -> memref<79x128xf32, #tpu.memory_space<vmem_shared>>
        %dma_wait3A_43 = arith.constant 0 : i32
        %dma_wait3A_44 = tpu.memref_slice %arg20[%add3A_29, %dma_wait3A_43] : memref<10112x128xf32, #tpu.memory_space<vmem_shared>> -> memref<79x128xf32, #tpu.memory_space<vmem_shared>>
        %dma_wait3A_45 = arith.constant 0 : i32
        %dma_wait3A_46 = arith.constant 0 : i32
        %dma_wait3A_47 = tpu.memref_slice %arg8[%dma_wait3A_45, %dma_wait3A_46] : memref<80x128xf32, #tpu.memory_space<vmem>> -> memref<79x128xf32, #tpu.memory_space<vmem>>
        tpu.wait_dma2 semaphore(%run_scoped3A : memref<!tpu.dma_semaphore, #tpu.memory_space<semaphore_mem>>) src(%dma_wait3A_47 : memref<79x128xf32, #tpu.memory_space<vmem>>) dst(%dma_wait3A_44 : memref<79x128xf32, #tpu.memory_space<vmem_shared>>)
        tpu.yield
      }) : () -> ()
    }
    %scan3A_9 = arith.constant 8 : i32
    %barrier3A = arith.constant 0 : index
    tpu.barrier barrier_id(%barrier3A)
    %scan3A_10 = arith.constant 0 : i32
    %scan3A_11 = arith.constant 5 : i32
    %scan3A_12 = arith.addi %scan3A_10, %scan3A_11 : i32
    %scan3A_13 = arith.constant 1 : i32
    scf.for %scan3A_20 = %scan3A_10 to %scan3A_12 step %scan3A_13  : i32 {
      %mul3A_21 = arith.constant 1 : i32
      %mul3A_22 = arith.muli %scan3A_20, %mul3A_21 : i32
      %add3A_23 = arith.constant 0 : i32
      %add3A_24 = arith.addi %add3A_23, %mul3A_22 : i32
      "tpu.region"() ({
        %run_scoped3A = tpu.sem_alloc : memref<!tpu.dma_semaphore, #tpu.memory_space<semaphore_mem>>
        %dma_start3A_723 = arith.constant 0 : i32
        %dma_start3A_724 = arith.constant 0 : i32
        %dma_start3A_725 = tpu.memref_slice %arg3[%add3A, %add3A_24, %dma_start3A_723, %dma_start3A_724] : memref<32x5x25x80xi32, #tpu.memory_space<hbm>> -> memref<1x1x25x80xi32, #tpu.memory_space<hbm>>
        %dma_start3A_726 = tpu.memref_squeeze %dma_start3A_725 : memref<1x1x25x80xi32, #tpu.memory_space<hbm>> -> memref<25x80xi32, #tpu.memory_space<hbm>>
        %dma_start3A_727 = arith.constant 0 : i32
        %dma_start3A_728 = arith.constant 0 : i32
        %dma_start3A_729 = tpu.memref_slice %arg3[%add3A, %add3A_24, %dma_start3A_727, %dma_start3A_728] : memref<32x5x25x80xi32, #tpu.memory_space<hbm>> -> memref<1x1x25x80xi32, #tpu.memory_space<hbm>>
        %dma_start3A_730 = tpu.memref_squeeze %dma_start3A_729 : memref<1x1x25x80xi32, #tpu.memory_space<hbm>> -> memref<25x80xi32, #tpu.memory_space<hbm>>
        tpu.enqueue_dma source(%dma_start3A_730 : memref<25x80xi32, #tpu.memory_space<hbm>>) target(%arg6 : memref<25x80xi32, #tpu.memory_space<vmem>>) target_semaphore(%run_scoped3A : memref<!tpu.dma_semaphore, #tpu.memory_space<semaphore_mem>>)
        %dma_wait3A_731 = arith.constant 0 : i32
        %dma_wait3A_732 = arith.constant 0 : i32
        %dma_wait3A_733 = tpu.memref_slice %arg3[%add3A, %add3A_24, %dma_wait3A_731, %dma_wait3A_732] : memref<32x5x25x80xi32, #tpu.memory_space<hbm>> -> memref<1x1x25x80xi32, #tpu.memory_space<hbm>>
        %dma_wait3A_734 = tpu.memref_squeeze %dma_wait3A_733 : memref<1x1x25x80xi32, #tpu.memory_space<hbm>> -> memref<25x80xi32, #tpu.memory_space<hbm>>
        %dma_wait3A_735 = arith.constant 0 : i32
        %dma_wait3A_736 = arith.constant 0 : i32
        %dma_wait3A_737 = tpu.memref_slice %arg3[%add3A, %add3A_24, %dma_wait3A_735, %dma_wait3A_736] : memref<32x5x25x80xi32, #tpu.memory_space<hbm>> -> memref<1x1x25x80xi32, #tpu.memory_space<hbm>>
        %dma_wait3A_738 = tpu.memref_squeeze %dma_wait3A_737 : memref<1x1x25x80xi32, #tpu.memory_space<hbm>> -> memref<25x80xi32, #tpu.memory_space<hbm>>
        tpu.wait_dma2 semaphore(%run_scoped3A : memref<!tpu.dma_semaphore, #tpu.memory_space<semaphore_mem>>) src(%dma_wait3A_738 : memref<25x80xi32, #tpu.memory_space<hbm>>) dst(%arg6 : memref<25x80xi32, #tpu.memory_space<vmem>>)
        tpu.yield
      }) : () -> ()
      "tpu.region"() ({
        %run_scoped3A = tpu.sem_alloc : memref<!tpu.dma_semaphore, #tpu.memory_space<semaphore_mem>>
        %dma_start3A_723 = arith.constant 0 : i32
        %dma_start3A_724 = arith.constant 0 : i32
        %dma_start3A_725 = tpu.memref_slice %arg4[%add3A, %add3A_24, %dma_start3A_723, %dma_start3A_724] : memref<32x5x25x80xi32, #tpu.memory_space<hbm>> -> memref<1x1x25x80xi32, #tpu.memory_space<hbm>>
        %dma_start3A_726 = tpu.memref_squeeze %dma_start3A_725 : memref<1x1x25x80xi32, #tpu.memory_space<hbm>> -> memref<25x80xi32, #tpu.memory_space<hbm>>
        %dma_start3A_727 = arith.constant 0 : i32
        %dma_start3A_728 = arith.constant 0 : i32
        %dma_start3A_729 = tpu.memref_slice %arg4[%add3A, %add3A_24, %dma_start3A_727, %dma_start3A_728] : memref<32x5x25x80xi32, #tpu.memory_space<hbm>> -> memref<1x1x25x80xi32, #tpu.memory_space<hbm>>
        %dma_start3A_730 = tpu.memref_squeeze %dma_start3A_729 : memref<1x1x25x80xi32, #tpu.memory_space<hbm>> -> memref<25x80xi32, #tpu.memory_space<hbm>>
        tpu.enqueue_dma source(%dma_start3A_730 : memref<25x80xi32, #tpu.memory_space<hbm>>) target(%arg7 : memref<25x80xi32, #tpu.memory_space<vmem>>) target_semaphore(%run_scoped3A : memref<!tpu.dma_semaphore, #tpu.memory_space<semaphore_mem>>)
        %dma_wait3A_731 = arith.constant 0 : i32
        %dma_wait3A_732 = arith.constant 0 : i32
        %dma_wait3A_733 = tpu.memref_slice %arg4[%add3A, %add3A_24, %dma_wait3A_731, %dma_wait3A_732] : memref<32x5x25x80xi32, #tpu.memory_space<hbm>> -> memref<1x1x25x80xi32, #tpu.memory_space<hbm>>
        %dma_wait3A_734 = tpu.memref_squeeze %dma_wait3A_733 : memref<1x1x25x80xi32, #tpu.memory_space<hbm>> -> memref<25x80xi32, #tpu.memory_space<hbm>>
        %dma_wait3A_735 = arith.constant 0 : i32
        %dma_wait3A_736 = arith.constant 0 : i32
        %dma_wait3A_737 = tpu.memref_slice %arg4[%add3A, %add3A_24, %dma_wait3A_735, %dma_wait3A_736] : memref<32x5x25x80xi32, #tpu.memory_space<hbm>> -> memref<1x1x25x80xi32, #tpu.memory_space<hbm>>
        %dma_wait3A_738 = tpu.memref_squeeze %dma_wait3A_737 : memref<1x1x25x80xi32, #tpu.memory_space<hbm>> -> memref<25x80xi32, #tpu.memory_space<hbm>>
        tpu.wait_dma2 semaphore(%run_scoped3A : memref<!tpu.dma_semaphore, #tpu.memory_space<semaphore_mem>>) src(%dma_wait3A_738 : memref<25x80xi32, #tpu.memory_space<hbm>>) dst(%arg7 : memref<25x80xi32, #tpu.memory_space<vmem>>)
        tpu.yield
      }) : () -> ()
      %dma_start3A = arith.constant 0 : i32
      %dma_start3A_25 = arith.constant 0 : i32
      %dma_start3A_26 = tpu.memref_slice %arg6[%dma_start3A, %dma_start3A_25] : memref<25x80xi32, #tpu.memory_space<vmem>> -> memref<1x80xi32, #tpu.memory_space<vmem>>
      %dma_start3A_27 = tpu.memref_squeeze %dma_start3A_26 : memref<1x80xi32, #tpu.memory_space<vmem>> -> memref<80xi32, #tpu.memory_space<vmem>>
      %dma_start3A_28 = arith.constant 0 : i32
      %dma_start3A_29 = arith.constant 0 : i32
      %dma_start3A_30 = tpu.memref_slice %arg2[%dma_start3A_28, %dma_start3A_29] : memref<10000x128xf32, #tpu.memory_space<hbm>> -> memref<10000x128xf32, #tpu.memory_space<hbm>>
      tpu.enqueue_indirect_dma source(%dma_start3A_30 : memref<10000x128xf32, #tpu.memory_space<hbm>>) target(%arg8 : memref<80x128xf32, #tpu.memory_space<vmem>>) offsets(%dma_start3A_27 : memref<80xi32, #tpu.memory_space<vmem>>) semaphore(%arg12 : memref<!tpu.dma_semaphore, #tpu.memory_space<semaphore_mem>>)
      %dma_start3A_31 = arith.constant 1 : i32
      %dma_start3A_32 = arith.constant 0 : i32
      %dma_start3A_33 = tpu.memref_slice %arg6[%dma_start3A_31, %dma_start3A_32] : memref<25x80xi32, #tpu.memory_space<vmem>> -> memref<1x80xi32, #tpu.memory_space<vmem>>
      %dma_start3A_34 = tpu.memref_squeeze %dma_start3A_33 : memref<1x80xi32, #tpu.memory_space<vmem>> -> memref<80xi32, #tpu.memory_space<vmem>>
      %dma_start3A_35 = arith.constant 0 : i32
      %dma_start3A_36 = arith.constant 0 : i32
      %dma_start3A_37 = tpu.memref_slice %arg2[%dma_start3A_35, %dma_start3A_36] : memref<10000x128xf32, #tpu.memory_space<hbm>> -> memref<10000x128xf32, #tpu.memory_space<hbm>>
      tpu.enqueue_indirect_dma source(%dma_start3A_37 : memref<10000x128xf32, #tpu.memory_space<hbm>>) target(%arg9 : memref<80x128xf32, #tpu.memory_space<vmem>>) offsets(%dma_start3A_34 : memref<80xi32, #tpu.memory_space<vmem>>) semaphore(%arg13 : memref<!tpu.dma_semaphore, #tpu.memory_space<semaphore_mem>>)
      %dma_start3A_38 = arith.constant 2 : i32
      %dma_start3A_39 = arith.constant 0 : i32
      %dma_start3A_40 = tpu.memref_slice %arg6[%dma_start3A_38, %dma_start3A_39] : memref<25x80xi32, #tpu.memory_space<vmem>> -> memref<1x80xi32, #tpu.memory_space<vmem>>
      %dma_start3A_41 = tpu.memref_squeeze %dma_start3A_40 : memref<1x80xi32, #tpu.memory_space<vmem>> -> memref<80xi32, #tpu.memory_space<vmem>>
      %dma_start3A_42 = arith.constant 0 : i32
      %dma_start3A_43 = arith.constant 0 : i32
      %dma_start3A_44 = tpu.memref_slice %arg2[%dma_start3A_42, %dma_start3A_43] : memref<10000x128xf32, #tpu.memory_space<hbm>> -> memref<10000x128xf32, #tpu.memory_space<hbm>>
      tpu.enqueue_indirect_dma source(%dma_start3A_44 : memref<10000x128xf32, #tpu.memory_space<hbm>>) target(%arg10 : memref<80x128xf32, #tpu.memory_space<vmem>>) offsets(%dma_start3A_41 : memref<80xi32, #tpu.memory_space<vmem>>) semaphore(%arg14 : memref<!tpu.dma_semaphore, #tpu.memory_space<semaphore_mem>>)
      %dma_start3A_45 = arith.constant 3 : i32
      %dma_start3A_46 = arith.constant 0 : i32
      %dma_start3A_47 = tpu.memref_slice %arg6[%dma_start3A_45, %dma_start3A_46] : memref<25x80xi32, #tpu.memory_space<vmem>> -> memref<1x80xi32, #tpu.memory_space<vmem>>
      %dma_start3A_48 = tpu.memref_squeeze %dma_start3A_47 : memref<1x80xi32, #tpu.memory_space<vmem>> -> memref<80xi32, #tpu.memory_space<vmem>>
      %dma_start3A_49 = arith.constant 0 : i32
      %dma_start3A_50 = arith.constant 0 : i32
      %dma_start3A_51 = tpu.memref_slice %arg2[%dma_start3A_49, %dma_start3A_50] : memref<10000x128xf32, #tpu.memory_space<hbm>> -> memref<10000x128xf32, #tpu.memory_space<hbm>>
      tpu.enqueue_indirect_dma source(%dma_start3A_51 : memref<10000x128xf32, #tpu.memory_space<hbm>>) target(%arg11 : memref<80x128xf32, #tpu.memory_space<vmem>>) offsets(%dma_start3A_48 : memref<80xi32, #tpu.memory_space<vmem>>) semaphore(%arg15 : memref<!tpu.dma_semaphore, #tpu.memory_space<semaphore_mem>>)
      %dma_wait3A = arith.constant 0 : i32
      %dma_wait3A_52 = arith.constant 0 : i32
      %dma_wait3A_53 = tpu.memref_slice %arg6[%dma_wait3A, %dma_wait3A_52] : memref<25x80xi32, #tpu.memory_space<vmem>> -> memref<1x80xi32, #tpu.memory_space<vmem>>
      %dma_wait3A_54 = tpu.memref_squeeze %dma_wait3A_53 : memref<1x80xi32, #tpu.memory_space<vmem>> -> memref<80xi32, #tpu.memory_space<vmem>>
      %dma_wait3A_55 = arith.constant 0 : i32
      %dma_wait3A_56 = arith.constant 0 : i32
      %dma_wait3A_57 = tpu.memref_slice %arg2[%dma_wait3A_55, %dma_wait3A_56] : memref<10000x128xf32, #tpu.memory_space<hbm>> -> memref<10000x128xf32, #tpu.memory_space<hbm>>
      tpu.wait_indirect_dma semaphore(%arg12 : memref<!tpu.dma_semaphore, #tpu.memory_space<semaphore_mem>>) src(%dma_wait3A_57 : memref<10000x128xf32, #tpu.memory_space<hbm>>) dst(%arg8 : memref<80x128xf32, #tpu.memory_space<vmem>>)
      %dma_start3A_58 = arith.constant 0 : i32
      %dma_start3A_59 = arith.constant 0 : i32
      %dma_start3A_60 = tpu.memref_slice %arg7[%dma_start3A_58, %dma_start3A_59] : memref<25x80xi32, #tpu.memory_space<vmem>> -> memref<1x80xi32, #tpu.memory_space<vmem>>
      %dma_start3A_61 = tpu.memref_squeeze %dma_start3A_60 : memref<1x80xi32, #tpu.memory_space<vmem>> -> memref<80xi32, #tpu.memory_space<vmem>>
      %dma_start3A_62 = arith.constant 0 : i32
      %dma_start3A_63 = arith.constant 0 : i32
      %dma_start3A_64 = tpu.memref_slice %arg20[%dma_start3A_62, %dma_start3A_63] : memref<10112x128xf32, #tpu.memory_space<vmem_shared>> -> memref<10112x128xf32, #tpu.memory_space<vmem_shared>>
      tpu.enqueue_indirect_dma source(%arg8 : memref<80x128xf32, #tpu.memory_space<vmem>>) target(%dma_start3A_64 : memref<10112x128xf32, #tpu.memory_space<vmem_shared>>) offsets(%dma_start3A_61 : memref<80xi32, #tpu.memory_space<vmem>>) semaphore(%arg16 : memref<!tpu.dma_semaphore, #tpu.memory_space<semaphore_mem>>) {add = true}
      %dma_wait3A_65 = arith.constant 0 : i32
      %dma_wait3A_66 = arith.constant 0 : i32
      %dma_wait3A_67 = tpu.memref_slice %arg7[%dma_wait3A_65, %dma_wait3A_66] : memref<25x80xi32, #tpu.memory_space<vmem>> -> memref<1x80xi32, #tpu.memory_space<vmem>>
      %dma_wait3A_68 = tpu.memref_squeeze %dma_wait3A_67 : memref<1x80xi32, #tpu.memory_space<vmem>> -> memref<80xi32, #tpu.memory_space<vmem>>
      %dma_wait3A_69 = arith.constant 0 : i32
      %dma_wait3A_70 = arith.constant 0 : i32
      %dma_wait3A_71 = tpu.memref_slice %arg20[%dma_wait3A_69, %dma_wait3A_70] : memref<10112x128xf32, #tpu.memory_space<vmem_shared>> -> memref<10112x128xf32, #tpu.memory_space<vmem_shared>>
      tpu.wait_indirect_dma semaphore(%arg16 : memref<!tpu.dma_semaphore, #tpu.memory_space<semaphore_mem>>) src(%arg8 : memref<80x128xf32, #tpu.memory_space<vmem>>) dst(%dma_wait3A_71 : memref<10112x128xf32, #tpu.memory_space<vmem_shared>>)
      %dma_start3A_72 = arith.constant 4 : i32
      %dma_start3A_73 = arith.constant 0 : i32
      %dma_start3A_74 = tpu.memref_slice %arg6[%dma_start3A_72, %dma_start3A_73] : memref<25x80xi32, #tpu.memory_space<vmem>> -> memref<1x80xi32, #tpu.memory_space<vmem>>
      %dma_start3A_75 = tpu.memref_squeeze %dma_start3A_74 : memref<1x80xi32, #tpu.memory_space<vmem>> -> memref<80xi32, #tpu.memory_space<vmem>>
      %dma_start3A_76 = arith.constant 0 : i32
      %dma_start3A_77 = arith.constant 0 : i32
      %dma_start3A_78 = tpu.memref_slice %arg2[%dma_start3A_76, %dma_start3A_77] : memref<10000x128xf32, #tpu.memory_space<hbm>> -> memref<10000x128xf32, #tpu.memory_space<hbm>>
      tpu.enqueue_indirect_dma source(%dma_start3A_78 : memref<10000x128xf32, #tpu.memory_space<hbm>>) target(%arg8 : memref<80x128xf32, #tpu.memory_space<vmem>>) offsets(%dma_start3A_75 : memref<80xi32, #tpu.memory_space<vmem>>) semaphore(%arg12 : memref<!tpu.dma_semaphore, #tpu.memory_space<semaphore_mem>>)
      %dma_wait3A_79 = arith.constant 1 : i32
      %dma_wait3A_80 = arith.constant 0 : i32
      %dma_wait3A_81 = tpu.memref_slice %arg6[%dma_wait3A_79, %dma_wait3A_80] : memref<25x80xi32, #tpu.memory_space<vmem>> -> memref<1x80xi32, #tpu.memory_space<vmem>>
      %dma_wait3A_82 = tpu.memref_squeeze %dma_wait3A_81 : memref<1x80xi32, #tpu.memory_space<vmem>> -> memref<80xi32, #tpu.memory_space<vmem>>
      %dma_wait3A_83 = arith.constant 0 : i32
      %dma_wait3A_84 = arith.constant 0 : i32
      %dma_wait3A_85 = tpu.memref_slice %arg2[%dma_wait3A_83, %dma_wait3A_84] : memref<10000x128xf32, #tpu.memory_space<hbm>> -> memref<10000x128xf32, #tpu.memory_space<hbm>>
      tpu.wait_indirect_dma semaphore(%arg13 : memref<!tpu.dma_semaphore, #tpu.memory_space<semaphore_mem>>) src(%dma_wait3A_85 : memref<10000x128xf32, #tpu.memory_space<hbm>>) dst(%arg9 : memref<80x128xf32, #tpu.memory_space<vmem>>)
      %dma_start3A_86 = arith.constant 1 : i32
      %dma_start3A_87 = arith.constant 0 : i32
      %dma_start3A_88 = tpu.memref_slice %arg7[%dma_start3A_86, %dma_start3A_87] : memref<25x80xi32, #tpu.memory_space<vmem>> -> memref<1x80xi32, #tpu.memory_space<vmem>>
      %dma_start3A_89 = tpu.memref_squeeze %dma_start3A_88 : memref<1x80xi32, #tpu.memory_space<vmem>> -> memref<80xi32, #tpu.memory_space<vmem>>
      %dma_start3A_90 = arith.constant 0 : i32
      %dma_start3A_91 = arith.constant 0 : i32
      %dma_start3A_92 = tpu.memref_slice %arg20[%dma_start3A_90, %dma_start3A_91] : memref<10112x128xf32, #tpu.memory_space<vmem_shared>> -> memref<10112x128xf32, #tpu.memory_space<vmem_shared>>
      tpu.enqueue_indirect_dma source(%arg9 : memref<80x128xf32, #tpu.memory_space<vmem>>) target(%dma_start3A_92 : memref<10112x128xf32, #tpu.memory_space<vmem_shared>>) offsets(%dma_start3A_89 : memref<80xi32, #tpu.memory_space<vmem>>) semaphore(%arg17 : memref<!tpu.dma_semaphore, #tpu.memory_space<semaphore_mem>>) {add = true}
      %dma_wait3A_93 = arith.constant 1 : i32
      %dma_wait3A_94 = arith.constant 0 : i32
      %dma_wait3A_95 = tpu.memref_slice %arg7[%dma_wait3A_93, %dma_wait3A_94] : memref<25x80xi32, #tpu.memory_space<vmem>> -> memref<1x80xi32, #tpu.memory_space<vmem>>
      %dma_wait3A_96 = tpu.memref_squeeze %dma_wait3A_95 : memref<1x80xi32, #tpu.memory_space<vmem>> -> memref<80xi32, #tpu.memory_space<vmem>>
      %dma_wait3A_97 = arith.constant 0 : i32
      %dma_wait3A_98 = arith.constant 0 : i32
      %dma_wait3A_99 = tpu.memref_slice %arg20[%dma_wait3A_97, %dma_wait3A_98] : memref<10112x128xf32, #tpu.memory_space<vmem_shared>> -> memref<10112x128xf32, #tpu.memory_space<vmem_shared>>
      tpu.wait_indirect_dma semaphore(%arg17 : memref<!tpu.dma_semaphore, #tpu.memory_space<semaphore_mem>>) src(%arg9 : memref<80x128xf32, #tpu.memory_space<vmem>>) dst(%dma_wait3A_99 : memref<10112x128xf32, #tpu.memory_space<vmem_shared>>)
      %dma_start3A_100 = arith.constant 5 : i32
      %dma_start3A_101 = arith.constant 0 : i32
      %dma_start3A_102 = tpu.memref_slice %arg6[%dma_start3A_100, %dma_start3A_101] : memref<25x80xi32, #tpu.memory_space<vmem>> -> memref<1x80xi32, #tpu.memory_space<vmem>>
      %dma_start3A_103 = tpu.memref_squeeze %dma_start3A_102 : memref<1x80xi32, #tpu.memory_space<vmem>> -> memref<80xi32, #tpu.memory_space<vmem>>
      %dma_start3A_104 = arith.constant 0 : i32
      %dma_start3A_105 = arith.constant 0 : i32
      %dma_start3A_106 = tpu.memref_slice %arg2[%dma_start3A_104, %dma_start3A_105] : memref<10000x128xf32, #tpu.memory_space<hbm>> -> memref<10000x128xf32, #tpu.memory_space<hbm>>
      tpu.enqueue_indirect_dma source(%dma_start3A_106 : memref<10000x128xf32, #tpu.memory_space<hbm>>) target(%arg9 : memref<80x128xf32, #tpu.memory_space<vmem>>) offsets(%dma_start3A_103 : memref<80xi32, #tpu.memory_space<vmem>>) semaphore(%arg13 : memref<!tpu.dma_semaphore, #tpu.memory_space<semaphore_mem>>)
      %dma_wait3A_107 = arith.constant 2 : i32
      %dma_wait3A_108 = arith.constant 0 : i32
      %dma_wait3A_109 = tpu.memref_slice %arg6[%dma_wait3A_107, %dma_wait3A_108] : memref<25x80xi32, #tpu.memory_space<vmem>> -> memref<1x80xi32, #tpu.memory_space<vmem>>
      %dma_wait3A_110 = tpu.memref_squeeze %dma_wait3A_109 : memref<1x80xi32, #tpu.memory_space<vmem>> -> memref<80xi32, #tpu.memory_space<vmem>>
      %dma_wait3A_111 = arith.constant 0 : i32
      %dma_wait3A_112 = arith.constant 0 : i32
      %dma_wait3A_113 = tpu.memref_slice %arg2[%dma_wait3A_111, %dma_wait3A_112] : memref<10000x128xf32, #tpu.memory_space<hbm>> -> memref<10000x128xf32, #tpu.memory_space<hbm>>
      tpu.wait_indirect_dma semaphore(%arg14 : memref<!tpu.dma_semaphore, #tpu.memory_space<semaphore_mem>>) src(%dma_wait3A_113 : memref<10000x128xf32, #tpu.memory_space<hbm>>) dst(%arg10 : memref<80x128xf32, #tpu.memory_space<vmem>>)
      %dma_start3A_114 = arith.constant 2 : i32
      %dma_start3A_115 = arith.constant 0 : i32
      %dma_start3A_116 = tpu.memref_slice %arg7[%dma_start3A_114, %dma_start3A_115] : memref<25x80xi32, #tpu.memory_space<vmem>> -> memref<1x80xi32, #tpu.memory_space<vmem>>
      %dma_start3A_117 = tpu.memref_squeeze %dma_start3A_116 : memref<1x80xi32, #tpu.memory_space<vmem>> -> memref<80xi32, #tpu.memory_space<vmem>>
      %dma_start3A_118 = arith.constant 0 : i32
      %dma_start3A_119 = arith.constant 0 : i32
      %dma_start3A_120 = tpu.memref_slice %arg20[%dma_start3A_118, %dma_start3A_119] : memref<10112x128xf32, #tpu.memory_space<vmem_shared>> -> memref<10112x128xf32, #tpu.memory_space<vmem_shared>>
      tpu.enqueue_indirect_dma source(%arg10 : memref<80x128xf32, #tpu.memory_space<vmem>>) target(%dma_start3A_120 : memref<10112x128xf32, #tpu.memory_space<vmem_shared>>) offsets(%dma_start3A_117 : memref<80xi32, #tpu.memory_space<vmem>>) semaphore(%arg18 : memref<!tpu.dma_semaphore, #tpu.memory_space<semaphore_mem>>) {add = true}
      %dma_wait3A_121 = arith.constant 2 : i32
      %dma_wait3A_122 = arith.constant 0 : i32
      %dma_wait3A_123 = tpu.memref_slice %arg7[%dma_wait3A_121, %dma_wait3A_122] : memref<25x80xi32, #tpu.memory_space<vmem>> -> memref<1x80xi32, #tpu.memory_space<vmem>>
      %dma_wait3A_124 = tpu.memref_squeeze %dma_wait3A_123 : memref<1x80xi32, #tpu.memory_space<vmem>> -> memref<80xi32, #tpu.memory_space<vmem>>
      %dma_wait3A_125 = arith.constant 0 : i32
      %dma_wait3A_126 = arith.constant 0 : i32
      %dma_wait3A_127 = tpu.memref_slice %arg20[%dma_wait3A_125, %dma_wait3A_126] : memref<10112x128xf32, #tpu.memory_space<vmem_shared>> -> memref<10112x128xf32, #tpu.memory_space<vmem_shared>>
      tpu.wait_indirect_dma semaphore(%arg18 : memref<!tpu.dma_semaphore, #tpu.memory_space<semaphore_mem>>) src(%arg10 : memref<80x128xf32, #tpu.memory_space<vmem>>) dst(%dma_wait3A_127 : memref<10112x128xf32, #tpu.memory_space<vmem_shared>>)
      %dma_start3A_128 = arith.constant 6 : i32
      %dma_start3A_129 = arith.constant 0 : i32
      %dma_start3A_130 = tpu.memref_slice %arg6[%dma_start3A_128, %dma_start3A_129] : memref<25x80xi32, #tpu.memory_space<vmem>> -> memref<1x80xi32, #tpu.memory_space<vmem>>
      %dma_start3A_131 = tpu.memref_squeeze %dma_start3A_130 : memref<1x80xi32, #tpu.memory_space<vmem>> -> memref<80xi32, #tpu.memory_space<vmem>>
      %dma_start3A_132 = arith.constant 0 : i32
      %dma_start3A_133 = arith.constant 0 : i32
      %dma_start3A_134 = tpu.memref_slice %arg2[%dma_start3A_132, %dma_start3A_133] : memref<10000x128xf32, #tpu.memory_space<hbm>> -> memref<10000x128xf32, #tpu.memory_space<hbm>>
      tpu.enqueue_indirect_dma source(%dma_start3A_134 : memref<10000x128xf32, #tpu.memory_space<hbm>>) target(%arg10 : memref<80x128xf32, #tpu.memory_space<vmem>>) offsets(%dma_start3A_131 : memref<80xi32, #tpu.memory_space<vmem>>) semaphore(%arg14 : memref<!tpu.dma_semaphore, #tpu.memory_space<semaphore_mem>>)
      %dma_wait3A_135 = arith.constant 3 : i32
      %dma_wait3A_136 = arith.constant 0 : i32
      %dma_wait3A_137 = tpu.memref_slice %arg6[%dma_wait3A_135, %dma_wait3A_136] : memref<25x80xi32, #tpu.memory_space<vmem>> -> memref<1x80xi32, #tpu.memory_space<vmem>>
      %dma_wait3A_138 = tpu.memref_squeeze %dma_wait3A_137 : memref<1x80xi32, #tpu.memory_space<vmem>> -> memref<80xi32, #tpu.memory_space<vmem>>
      %dma_wait3A_139 = arith.constant 0 : i32
      %dma_wait3A_140 = arith.constant 0 : i32
      %dma_wait3A_141 = tpu.memref_slice %arg2[%dma_wait3A_139, %dma_wait3A_140] : memref<10000x128xf32, #tpu.memory_space<hbm>> -> memref<10000x128xf32, #tpu.memory_space<hbm>>
      tpu.wait_indirect_dma semaphore(%arg15 : memref<!tpu.dma_semaphore, #tpu.memory_space<semaphore_mem>>) src(%dma_wait3A_141 : memref<10000x128xf32, #tpu.memory_space<hbm>>) dst(%arg11 : memref<80x128xf32, #tpu.memory_space<vmem>>)
      %dma_start3A_142 = arith.constant 3 : i32
      %dma_start3A_143 = arith.constant 0 : i32
      %dma_start3A_144 = tpu.memref_slice %arg7[%dma_start3A_142, %dma_start3A_143] : memref<25x80xi32, #tpu.memory_space<vmem>> -> memref<1x80xi32, #tpu.memory_space<vmem>>
      %dma_start3A_145 = tpu.memref_squeeze %dma_start3A_144 : memref<1x80xi32, #tpu.memory_space<vmem>> -> memref<80xi32, #tpu.memory_space<vmem>>
      %dma_start3A_146 = arith.constant 0 : i32
      %dma_start3A_147 = arith.constant 0 : i32
      %dma_start3A_148 = tpu.memref_slice %arg20[%dma_start3A_146, %dma_start3A_147] : memref<10112x128xf32, #tpu.memory_space<vmem_shared>> -> memref<10112x128xf32, #tpu.memory_space<vmem_shared>>
      tpu.enqueue_indirect_dma source(%arg11 : memref<80x128xf32, #tpu.memory_space<vmem>>) target(%dma_start3A_148 : memref<10112x128xf32, #tpu.memory_space<vmem_shared>>) offsets(%dma_start3A_145 : memref<80xi32, #tpu.memory_space<vmem>>) semaphore(%arg19 : memref<!tpu.dma_semaphore, #tpu.memory_space<semaphore_mem>>) {add = true}
      %dma_wait3A_149 = arith.constant 3 : i32
      %dma_wait3A_150 = arith.constant 0 : i32
      %dma_wait3A_151 = tpu.memref_slice %arg7[%dma_wait3A_149, %dma_wait3A_150] : memref<25x80xi32, #tpu.memory_space<vmem>> -> memref<1x80xi32, #tpu.memory_space<vmem>>
      %dma_wait3A_152 = tpu.memref_squeeze %dma_wait3A_151 : memref<1x80xi32, #tpu.memory_space<vmem>> -> memref<80xi32, #tpu.memory_space<vmem>>
      %dma_wait3A_153 = arith.constant 0 : i32
      %dma_wait3A_154 = arith.constant 0 : i32
      %dma_wait3A_155 = tpu.memref_slice %arg20[%dma_wait3A_153, %dma_wait3A_154] : memref<10112x128xf32, #tpu.memory_space<vmem_shared>> -> memref<10112x128xf32, #tpu.memory_space<vmem_shared>>
      tpu.wait_indirect_dma semaphore(%arg19 : memref<!tpu.dma_semaphore, #tpu.memory_space<semaphore_mem>>) src(%arg11 : memref<80x128xf32, #tpu.memory_space<vmem>>) dst(%dma_wait3A_155 : memref<10112x128xf32, #tpu.memory_space<vmem_shared>>)
      %dma_start3A_156 = arith.constant 7 : i32
      %dma_start3A_157 = arith.constant 0 : i32
      %dma_start3A_158 = tpu.memref_slice %arg6[%dma_start3A_156, %dma_start3A_157] : memref<25x80xi32, #tpu.memory_space<vmem>> -> memref<1x80xi32, #tpu.memory_space<vmem>>
      %dma_start3A_159 = tpu.memref_squeeze %dma_start3A_158 : memref<1x80xi32, #tpu.memory_space<vmem>> -> memref<80xi32, #tpu.memory_space<vmem>>
      %dma_start3A_160 = arith.constant 0 : i32
      %dma_start3A_161 = arith.constant 0 : i32
      %dma_start3A_162 = tpu.memref_slice %arg2[%dma_start3A_160, %dma_start3A_161] : memref<10000x128xf32, #tpu.memory_space<hbm>> -> memref<10000x128xf32, #tpu.memory_space<hbm>>
      tpu.enqueue_indirect_dma source(%dma_start3A_162 : memref<10000x128xf32, #tpu.memory_space<hbm>>) target(%arg11 : memref<80x128xf32, #tpu.memory_space<vmem>>) offsets(%dma_start3A_159 : memref<80xi32, #tpu.memory_space<vmem>>) semaphore(%arg15 : memref<!tpu.dma_semaphore, #tpu.memory_space<semaphore_mem>>)
      %dma_wait3A_163 = arith.constant 4 : i32
      %dma_wait3A_164 = arith.constant 0 : i32
      %dma_wait3A_165 = tpu.memref_slice %arg6[%dma_wait3A_163, %dma_wait3A_164] : memref<25x80xi32, #tpu.memory_space<vmem>> -> memref<1x80xi32, #tpu.memory_space<vmem>>
      %dma_wait3A_166 = tpu.memref_squeeze %dma_wait3A_165 : memref<1x80xi32, #tpu.memory_space<vmem>> -> memref<80xi32, #tpu.memory_space<vmem>>
      %dma_wait3A_167 = arith.constant 0 : i32
      %dma_wait3A_168 = arith.constant 0 : i32
      %dma_wait3A_169 = tpu.memref_slice %arg2[%dma_wait3A_167, %dma_wait3A_168] : memref<10000x128xf32, #tpu.memory_space<hbm>> -> memref<10000x128xf32, #tpu.memory_space<hbm>>
      tpu.wait_indirect_dma semaphore(%arg12 : memref<!tpu.dma_semaphore, #tpu.memory_space<semaphore_mem>>) src(%dma_wait3A_169 : memref<10000x128xf32, #tpu.memory_space<hbm>>) dst(%arg8 : memref<80x128xf32, #tpu.memory_space<vmem>>)
      %dma_start3A_170 = arith.constant 4 : i32
      %dma_start3A_171 = arith.constant 0 : i32
      %dma_start3A_172 = tpu.memref_slice %arg7[%dma_start3A_170, %dma_start3A_171] : memref<25x80xi32, #tpu.memory_space<vmem>> -> memref<1x80xi32, #tpu.memory_space<vmem>>
      %dma_start3A_173 = tpu.memref_squeeze %dma_start3A_172 : memref<1x80xi32, #tpu.memory_space<vmem>> -> memref<80xi32, #tpu.memory_space<vmem>>
      %dma_start3A_174 = arith.constant 0 : i32
      %dma_start3A_175 = arith.constant 0 : i32
      %dma_start3A_176 = tpu.memref_slice %arg20[%dma_start3A_174, %dma_start3A_175] : memref<10112x128xf32, #tpu.memory_space<vmem_shared>> -> memref<10112x128xf32, #tpu.memory_space<vmem_shared>>
      tpu.enqueue_indirect_dma source(%arg8 : memref<80x128xf32, #tpu.memory_space<vmem>>) target(%dma_start3A_176 : memref<10112x128xf32, #tpu.memory_space<vmem_shared>>) offsets(%dma_start3A_173 : memref<80xi32, #tpu.memory_space<vmem>>) semaphore(%arg16 : memref<!tpu.dma_semaphore, #tpu.memory_space<semaphore_mem>>) {add = true}
      %dma_wait3A_177 = arith.constant 4 : i32
      %dma_wait3A_178 = arith.constant 0 : i32
      %dma_wait3A_179 = tpu.memref_slice %arg7[%dma_wait3A_177, %dma_wait3A_178] : memref<25x80xi32, #tpu.memory_space<vmem>> -> memref<1x80xi32, #tpu.memory_space<vmem>>
      %dma_wait3A_180 = tpu.memref_squeeze %dma_wait3A_179 : memref<1x80xi32, #tpu.memory_space<vmem>> -> memref<80xi32, #tpu.memory_space<vmem>>
      %dma_wait3A_181 = arith.constant 0 : i32
      %dma_wait3A_182 = arith.constant 0 : i32
      %dma_wait3A_183 = tpu.memref_slice %arg20[%dma_wait3A_181, %dma_wait3A_182] : memref<10112x128xf32, #tpu.memory_space<vmem_shared>> -> memref<10112x128xf32, #tpu.memory_space<vmem_shared>>
      tpu.wait_indirect_dma semaphore(%arg16 : memref<!tpu.dma_semaphore, #tpu.memory_space<semaphore_mem>>) src(%arg8 : memref<80x128xf32, #tpu.memory_space<vmem>>) dst(%dma_wait3A_183 : memref<10112x128xf32, #tpu.memory_space<vmem_shared>>)
      %dma_start3A_184 = arith.constant 8 : i32
      %dma_start3A_185 = arith.constant 0 : i32
      %dma_start3A_186 = tpu.memref_slice %arg6[%dma_start3A_184, %dma_start3A_185] : memref<25x80xi32, #tpu.memory_space<vmem>> -> memref<1x80xi32, #tpu.memory_space<vmem>>
      %dma_start3A_187 = tpu.memref_squeeze %dma_start3A_186 : memref<1x80xi32, #tpu.memory_space<vmem>> -> memref<80xi32, #tpu.memory_space<vmem>>
      %dma_start3A_188 = arith.constant 0 : i32
      %dma_start3A_189 = arith.constant 0 : i32
      %dma_start3A_190 = tpu.memref_slice %arg2[%dma_start3A_188, %dma_start3A_189] : memref<10000x128xf32, #tpu.memory_space<hbm>> -> memref<10000x128xf32, #tpu.memory_space<hbm>>
      tpu.enqueue_indirect_dma source(%dma_start3A_190 : memref<10000x128xf32, #tpu.memory_space<hbm>>) target(%arg8 : memref<80x128xf32, #tpu.memory_space<vmem>>) offsets(%dma_start3A_187 : memref<80xi32, #tpu.memory_space<vmem>>) semaphore(%arg12 : memref<!tpu.dma_semaphore, #tpu.memory_space<semaphore_mem>>)
      %dma_wait3A_191 = arith.constant 5 : i32
      %dma_wait3A_192 = arith.constant 0 : i32
      %dma_wait3A_193 = tpu.memref_slice %arg6[%dma_wait3A_191, %dma_wait3A_192] : memref<25x80xi32, #tpu.memory_space<vmem>> -> memref<1x80xi32, #tpu.memory_space<vmem>>
      %dma_wait3A_194 = tpu.memref_squeeze %dma_wait3A_193 : memref<1x80xi32, #tpu.memory_space<vmem>> -> memref<80xi32, #tpu.memory_space<vmem>>
      %dma_wait3A_195 = arith.constant 0 : i32
      %dma_wait3A_196 = arith.constant 0 : i32
      %dma_wait3A_197 = tpu.memref_slice %arg2[%dma_wait3A_195, %dma_wait3A_196] : memref<10000x128xf32, #tpu.memory_space<hbm>> -> memref<10000x128xf32, #tpu.memory_space<hbm>>
      tpu.wait_indirect_dma semaphore(%arg13 : memref<!tpu.dma_semaphore, #tpu.memory_space<semaphore_mem>>) src(%dma_wait3A_197 : memref<10000x128xf32, #tpu.memory_space<hbm>>) dst(%arg9 : memref<80x128xf32, #tpu.memory_space<vmem>>)
      %dma_start3A_198 = arith.constant 5 : i32
      %dma_start3A_199 = arith.constant 0 : i32
      %dma_start3A_200 = tpu.memref_slice %arg7[%dma_start3A_198, %dma_start3A_199] : memref<25x80xi32, #tpu.memory_space<vmem>> -> memref<1x80xi32, #tpu.memory_space<vmem>>
      %dma_start3A_201 = tpu.memref_squeeze %dma_start3A_200 : memref<1x80xi32, #tpu.memory_space<vmem>> -> memref<80xi32, #tpu.memory_space<vmem>>
      %dma_start3A_202 = arith.constant 0 : i32
      %dma_start3A_203 = arith.constant 0 : i32
      %dma_start3A_204 = tpu.memref_slice %arg20[%dma_start3A_202, %dma_start3A_203] : memref<10112x128xf32, #tpu.memory_space<vmem_shared>> -> memref<10112x128xf32, #tpu.memory_space<vmem_shared>>
      tpu.enqueue_indirect_dma source(%arg9 : memref<80x128xf32, #tpu.memory_space<vmem>>) target(%dma_start3A_204 : memref<10112x128xf32, #tpu.memory_space<vmem_shared>>) offsets(%dma_start3A_201 : memref<80xi32, #tpu.memory_space<vmem>>) semaphore(%arg17 : memref<!tpu.dma_semaphore, #tpu.memory_space<semaphore_mem>>) {add = true}
      %dma_wait3A_205 = arith.constant 5 : i32
      %dma_wait3A_206 = arith.constant 0 : i32
      %dma_wait3A_207 = tpu.memref_slice %arg7[%dma_wait3A_205, %dma_wait3A_206] : memref<25x80xi32, #tpu.memory_space<vmem>> -> memref<1x80xi32, #tpu.memory_space<vmem>>
      %dma_wait3A_208 = tpu.memref_squeeze %dma_wait3A_207 : memref<1x80xi32, #tpu.memory_space<vmem>> -> memref<80xi32, #tpu.memory_space<vmem>>
      %dma_wait3A_209 = arith.constant 0 : i32
      %dma_wait3A_210 = arith.constant 0 : i32
      %dma_wait3A_211 = tpu.memref_slice %arg20[%dma_wait3A_209, %dma_wait3A_210] : memref<10112x128xf32, #tpu.memory_space<vmem_shared>> -> memref<10112x128xf32, #tpu.memory_space<vmem_shared>>
      tpu.wait_indirect_dma semaphore(%arg17 : memref<!tpu.dma_semaphore, #tpu.memory_space<semaphore_mem>>) src(%arg9 : memref<80x128xf32, #tpu.memory_space<vmem>>) dst(%dma_wait3A_211 : memref<10112x128xf32, #tpu.memory_space<vmem_shared>>)
      %dma_start3A_212 = arith.constant 9 : i32
      %dma_start3A_213 = arith.constant 0 : i32
      %dma_start3A_214 = tpu.memref_slice %arg6[%dma_start3A_212, %dma_start3A_213] : memref<25x80xi32, #tpu.memory_space<vmem>> -> memref<1x80xi32, #tpu.memory_space<vmem>>
      %dma_start3A_215 = tpu.memref_squeeze %dma_start3A_214 : memref<1x80xi32, #tpu.memory_space<vmem>> -> memref<80xi32, #tpu.memory_space<vmem>>
      %dma_start3A_216 = arith.constant 0 : i32
      %dma_start3A_217 = arith.constant 0 : i32
      %dma_start3A_218 = tpu.memref_slice %arg2[%dma_start3A_216, %dma_start3A_217] : memref<10000x128xf32, #tpu.memory_space<hbm>> -> memref<10000x128xf32, #tpu.memory_space<hbm>>
      tpu.enqueue_indirect_dma source(%dma_start3A_218 : memref<10000x128xf32, #tpu.memory_space<hbm>>) target(%arg9 : memref<80x128xf32, #tpu.memory_space<vmem>>) offsets(%dma_start3A_215 : memref<80xi32, #tpu.memory_space<vmem>>) semaphore(%arg13 : memref<!tpu.dma_semaphore, #tpu.memory_space<semaphore_mem>>)
      %dma_wait3A_219 = arith.constant 6 : i32
      %dma_wait3A_220 = arith.constant 0 : i32
      %dma_wait3A_221 = tpu.memref_slice %arg6[%dma_wait3A_219, %dma_wait3A_220] : memref<25x80xi32, #tpu.memory_space<vmem>> -> memref<1x80xi32, #tpu.memory_space<vmem>>
      %dma_wait3A_222 = tpu.memref_squeeze %dma_wait3A_221 : memref<1x80xi32, #tpu.memory_space<vmem>> -> memref<80xi32, #tpu.memory_space<vmem>>
      %dma_wait3A_223 = arith.constant 0 : i32
      %dma_wait3A_224 = arith.constant 0 : i32
      %dma_wait3A_225 = tpu.memref_slice %arg2[%dma_wait3A_223, %dma_wait3A_224] : memref<10000x128xf32, #tpu.memory_space<hbm>> -> memref<10000x128xf32, #tpu.memory_space<hbm>>
      tpu.wait_indirect_dma semaphore(%arg14 : memref<!tpu.dma_semaphore, #tpu.memory_space<semaphore_mem>>) src(%dma_wait3A_225 : memref<10000x128xf32, #tpu.memory_space<hbm>>) dst(%arg10 : memref<80x128xf32, #tpu.memory_space<vmem>>)
      %dma_start3A_226 = arith.constant 6 : i32
      %dma_start3A_227 = arith.constant 0 : i32
      %dma_start3A_228 = tpu.memref_slice %arg7[%dma_start3A_226, %dma_start3A_227] : memref<25x80xi32, #tpu.memory_space<vmem>> -> memref<1x80xi32, #tpu.memory_space<vmem>>
      %dma_start3A_229 = tpu.memref_squeeze %dma_start3A_228 : memref<1x80xi32, #tpu.memory_space<vmem>> -> memref<80xi32, #tpu.memory_space<vmem>>
      %dma_start3A_230 = arith.constant 0 : i32
      %dma_start3A_231 = arith.constant 0 : i32
      %dma_start3A_232 = tpu.memref_slice %arg20[%dma_start3A_230, %dma_start3A_231] : memref<10112x128xf32, #tpu.memory_space<vmem_shared>> -> memref<10112x128xf32, #tpu.memory_space<vmem_shared>>
      tpu.enqueue_indirect_dma source(%arg10 : memref<80x128xf32, #tpu.memory_space<vmem>>) target(%dma_start3A_232 : memref<10112x128xf32, #tpu.memory_space<vmem_shared>>) offsets(%dma_start3A_229 : memref<80xi32, #tpu.memory_space<vmem>>) semaphore(%arg18 : memref<!tpu.dma_semaphore, #tpu.memory_space<semaphore_mem>>) {add = true}
      %dma_wait3A_233 = arith.constant 6 : i32
      %dma_wait3A_234 = arith.constant 0 : i32
      %dma_wait3A_235 = tpu.memref_slice %arg7[%dma_wait3A_233, %dma_wait3A_234] : memref<25x80xi32, #tpu.memory_space<vmem>> -> memref<1x80xi32, #tpu.memory_space<vmem>>
      %dma_wait3A_236 = tpu.memref_squeeze %dma_wait3A_235 : memref<1x80xi32, #tpu.memory_space<vmem>> -> memref<80xi32, #tpu.memory_space<vmem>>
      %dma_wait3A_237 = arith.constant 0 : i32
      %dma_wait3A_238 = arith.constant 0 : i32
      %dma_wait3A_239 = tpu.memref_slice %arg20[%dma_wait3A_237, %dma_wait3A_238] : memref<10112x128xf32, #tpu.memory_space<vmem_shared>> -> memref<10112x128xf32, #tpu.memory_space<vmem_shared>>
      tpu.wait_indirect_dma semaphore(%arg18 : memref<!tpu.dma_semaphore, #tpu.memory_space<semaphore_mem>>) src(%arg10 : memref<80x128xf32, #tpu.memory_space<vmem>>) dst(%dma_wait3A_239 : memref<10112x128xf32, #tpu.memory_space<vmem_shared>>)
      %dma_start3A_240 = arith.constant 10 : i32
      %dma_start3A_241 = arith.constant 0 : i32
      %dma_start3A_242 = tpu.memref_slice %arg6[%dma_start3A_240, %dma_start3A_241] : memref<25x80xi32, #tpu.memory_space<vmem>> -> memref<1x80xi32, #tpu.memory_space<vmem>>
      %dma_start3A_243 = tpu.memref_squeeze %dma_start3A_242 : memref<1x80xi32, #tpu.memory_space<vmem>> -> memref<80xi32, #tpu.memory_space<vmem>>
      %dma_start3A_244 = arith.constant 0 : i32
      %dma_start3A_245 = arith.constant 0 : i32
      %dma_start3A_246 = tpu.memref_slice %arg2[%dma_start3A_244, %dma_start3A_245] : memref<10000x128xf32, #tpu.memory_space<hbm>> -> memref<10000x128xf32, #tpu.memory_space<hbm>>
      tpu.enqueue_indirect_dma source(%dma_start3A_246 : memref<10000x128xf32, #tpu.memory_space<hbm>>) target(%arg10 : memref<80x128xf32, #tpu.memory_space<vmem>>) offsets(%dma_start3A_243 : memref<80xi32, #tpu.memory_space<vmem>>) semaphore(%arg14 : memref<!tpu.dma_semaphore, #tpu.memory_space<semaphore_mem>>)
      %dma_wait3A_247 = arith.constant 7 : i32
      %dma_wait3A_248 = arith.constant 0 : i32
      %dma_wait3A_249 = tpu.memref_slice %arg6[%dma_wait3A_247, %dma_wait3A_248] : memref<25x80xi32, #tpu.memory_space<vmem>> -> memref<1x80xi32, #tpu.memory_space<vmem>>
      %dma_wait3A_250 = tpu.memref_squeeze %dma_wait3A_249 : memref<1x80xi32, #tpu.memory_space<vmem>> -> memref<80xi32, #tpu.memory_space<vmem>>
      %dma_wait3A_251 = arith.constant 0 : i32
      %dma_wait3A_252 = arith.constant 0 : i32
      %dma_wait3A_253 = tpu.memref_slice %arg2[%dma_wait3A_251, %dma_wait3A_252] : memref<10000x128xf32, #tpu.memory_space<hbm>> -> memref<10000x128xf32, #tpu.memory_space<hbm>>
      tpu.wait_indirect_dma semaphore(%arg15 : memref<!tpu.dma_semaphore, #tpu.memory_space<semaphore_mem>>) src(%dma_wait3A_253 : memref<10000x128xf32, #tpu.memory_space<hbm>>) dst(%arg11 : memref<80x128xf32, #tpu.memory_space<vmem>>)
      %dma_start3A_254 = arith.constant 7 : i32
      %dma_start3A_255 = arith.constant 0 : i32
      %dma_start3A_256 = tpu.memref_slice %arg7[%dma_start3A_254, %dma_start3A_255] : memref<25x80xi32, #tpu.memory_space<vmem>> -> memref<1x80xi32, #tpu.memory_space<vmem>>
      %dma_start3A_257 = tpu.memref_squeeze %dma_start3A_256 : memref<1x80xi32, #tpu.memory_space<vmem>> -> memref<80xi32, #tpu.memory_space<vmem>>
      %dma_start3A_258 = arith.constant 0 : i32
      %dma_start3A_259 = arith.constant 0 : i32
      %dma_start3A_260 = tpu.memref_slice %arg20[%dma_start3A_258, %dma_start3A_259] : memref<10112x128xf32, #tpu.memory_space<vmem_shared>> -> memref<10112x128xf32, #tpu.memory_space<vmem_shared>>
      tpu.enqueue_indirect_dma source(%arg11 : memref<80x128xf32, #tpu.memory_space<vmem>>) target(%dma_start3A_260 : memref<10112x128xf32, #tpu.memory_space<vmem_shared>>) offsets(%dma_start3A_257 : memref<80xi32, #tpu.memory_space<vmem>>) semaphore(%arg19 : memref<!tpu.dma_semaphore, #tpu.memory_space<semaphore_mem>>) {add = true}
      %dma_wait3A_261 = arith.constant 7 : i32
      %dma_wait3A_262 = arith.constant 0 : i32
      %dma_wait3A_263 = tpu.memref_slice %arg7[%dma_wait3A_261, %dma_wait3A_262] : memref<25x80xi32, #tpu.memory_space<vmem>> -> memref<1x80xi32, #tpu.memory_space<vmem>>
      %dma_wait3A_264 = tpu.memref_squeeze %dma_wait3A_263 : memref<1x80xi32, #tpu.memory_space<vmem>> -> memref<80xi32, #tpu.memory_space<vmem>>
      %dma_wait3A_265 = arith.constant 0 : i32
      %dma_wait3A_266 = arith.constant 0 : i32
      %dma_wait3A_267 = tpu.memref_slice %arg20[%dma_wait3A_265, %dma_wait3A_266] : memref<10112x128xf32, #tpu.memory_space<vmem_shared>> -> memref<10112x128xf32, #tpu.memory_space<vmem_shared>>
      tpu.wait_indirect_dma semaphore(%arg19 : memref<!tpu.dma_semaphore, #tpu.memory_space<semaphore_mem>>) src(%arg11 : memref<80x128xf32, #tpu.memory_space<vmem>>) dst(%dma_wait3A_267 : memref<10112x128xf32, #tpu.memory_space<vmem_shared>>)
      %dma_start3A_268 = arith.constant 11 : i32
      %dma_start3A_269 = arith.constant 0 : i32
      %dma_start3A_270 = tpu.memref_slice %arg6[%dma_start3A_268, %dma_start3A_269] : memref<25x80xi32, #tpu.memory_space<vmem>> -> memref<1x80xi32, #tpu.memory_space<vmem>>
      %dma_start3A_271 = tpu.memref_squeeze %dma_start3A_270 : memref<1x80xi32, #tpu.memory_space<vmem>> -> memref<80xi32, #tpu.memory_space<vmem>>
      %dma_start3A_272 = arith.constant 0 : i32
      %dma_start3A_273 = arith.constant 0 : i32
      %dma_start3A_274 = tpu.memref_slice %arg2[%dma_start3A_272, %dma_start3A_273] : memref<10000x128xf32, #tpu.memory_space<hbm>> -> memref<10000x128xf32, #tpu.memory_space<hbm>>
      tpu.enqueue_indirect_dma source(%dma_start3A_274 : memref<10000x128xf32, #tpu.memory_space<hbm>>) target(%arg11 : memref<80x128xf32, #tpu.memory_space<vmem>>) offsets(%dma_start3A_271 : memref<80xi32, #tpu.memory_space<vmem>>) semaphore(%arg15 : memref<!tpu.dma_semaphore, #tpu.memory_space<semaphore_mem>>)
      %dma_wait3A_275 = arith.constant 8 : i32
      %dma_wait3A_276 = arith.constant 0 : i32
      %dma_wait3A_277 = tpu.memref_slice %arg6[%dma_wait3A_275, %dma_wait3A_276] : memref<25x80xi32, #tpu.memory_space<vmem>> -> memref<1x80xi32, #tpu.memory_space<vmem>>
      %dma_wait3A_278 = tpu.memref_squeeze %dma_wait3A_277 : memref<1x80xi32, #tpu.memory_space<vmem>> -> memref<80xi32, #tpu.memory_space<vmem>>
      %dma_wait3A_279 = arith.constant 0 : i32
      %dma_wait3A_280 = arith.constant 0 : i32
      %dma_wait3A_281 = tpu.memref_slice %arg2[%dma_wait3A_279, %dma_wait3A_280] : memref<10000x128xf32, #tpu.memory_space<hbm>> -> memref<10000x128xf32, #tpu.memory_space<hbm>>
      tpu.wait_indirect_dma semaphore(%arg12 : memref<!tpu.dma_semaphore, #tpu.memory_space<semaphore_mem>>) src(%dma_wait3A_281 : memref<10000x128xf32, #tpu.memory_space<hbm>>) dst(%arg8 : memref<80x128xf32, #tpu.memory_space<vmem>>)
      %dma_start3A_282 = arith.constant 8 : i32
      %dma_start3A_283 = arith.constant 0 : i32
      %dma_start3A_284 = tpu.memref_slice %arg7[%dma_start3A_282, %dma_start3A_283] : memref<25x80xi32, #tpu.memory_space<vmem>> -> memref<1x80xi32, #tpu.memory_space<vmem>>
      %dma_start3A_285 = tpu.memref_squeeze %dma_start3A_284 : memref<1x80xi32, #tpu.memory_space<vmem>> -> memref<80xi32, #tpu.memory_space<vmem>>
      %dma_start3A_286 = arith.constant 0 : i32
      %dma_start3A_287 = arith.constant 0 : i32
      %dma_start3A_288 = tpu.memref_slice %arg20[%dma_start3A_286, %dma_start3A_287] : memref<10112x128xf32, #tpu.memory_space<vmem_shared>> -> memref<10112x128xf32, #tpu.memory_space<vmem_shared>>
      tpu.enqueue_indirect_dma source(%arg8 : memref<80x128xf32, #tpu.memory_space<vmem>>) target(%dma_start3A_288 : memref<10112x128xf32, #tpu.memory_space<vmem_shared>>) offsets(%dma_start3A_285 : memref<80xi32, #tpu.memory_space<vmem>>) semaphore(%arg16 : memref<!tpu.dma_semaphore, #tpu.memory_space<semaphore_mem>>) {add = true}
      %dma_wait3A_289 = arith.constant 8 : i32
      %dma_wait3A_290 = arith.constant 0 : i32
      %dma_wait3A_291 = tpu.memref_slice %arg7[%dma_wait3A_289, %dma_wait3A_290] : memref<25x80xi32, #tpu.memory_space<vmem>> -> memref<1x80xi32, #tpu.memory_space<vmem>>
      %dma_wait3A_292 = tpu.memref_squeeze %dma_wait3A_291 : memref<1x80xi32, #tpu.memory_space<vmem>> -> memref<80xi32, #tpu.memory_space<vmem>>
      %dma_wait3A_293 = arith.constant 0 : i32
      %dma_wait3A_294 = arith.constant 0 : i32
      %dma_wait3A_295 = tpu.memref_slice %arg20[%dma_wait3A_293, %dma_wait3A_294] : memref<10112x128xf32, #tpu.memory_space<vmem_shared>> -> memref<10112x128xf32, #tpu.memory_space<vmem_shared>>
      tpu.wait_indirect_dma semaphore(%arg16 : memref<!tpu.dma_semaphore, #tpu.memory_space<semaphore_mem>>) src(%arg8 : memref<80x128xf32, #tpu.memory_space<vmem>>) dst(%dma_wait3A_295 : memref<10112x128xf32, #tpu.memory_space<vmem_shared>>)
      %dma_start3A_296 = arith.constant 12 : i32
      %dma_start3A_297 = arith.constant 0 : i32
      %dma_start3A_298 = tpu.memref_slice %arg6[%dma_start3A_296, %dma_start3A_297] : memref<25x80xi32, #tpu.memory_space<vmem>> -> memref<1x80xi32, #tpu.memory_space<vmem>>
      %dma_start3A_299 = tpu.memref_squeeze %dma_start3A_298 : memref<1x80xi32, #tpu.memory_space<vmem>> -> memref<80xi32, #tpu.memory_space<vmem>>
      %dma_start3A_300 = arith.constant 0 : i32
      %dma_start3A_301 = arith.constant 0 : i32
      %dma_start3A_302 = tpu.memref_slice %arg2[%dma_start3A_300, %dma_start3A_301] : memref<10000x128xf32, #tpu.memory_space<hbm>> -> memref<10000x128xf32, #tpu.memory_space<hbm>>
      tpu.enqueue_indirect_dma source(%dma_start3A_302 : memref<10000x128xf32, #tpu.memory_space<hbm>>) target(%arg8 : memref<80x128xf32, #tpu.memory_space<vmem>>) offsets(%dma_start3A_299 : memref<80xi32, #tpu.memory_space<vmem>>) semaphore(%arg12 : memref<!tpu.dma_semaphore, #tpu.memory_space<semaphore_mem>>)
      %dma_wait3A_303 = arith.constant 9 : i32
      %dma_wait3A_304 = arith.constant 0 : i32
      %dma_wait3A_305 = tpu.memref_slice %arg6[%dma_wait3A_303, %dma_wait3A_304] : memref<25x80xi32, #tpu.memory_space<vmem>> -> memref<1x80xi32, #tpu.memory_space<vmem>>
      %dma_wait3A_306 = tpu.memref_squeeze %dma_wait3A_305 : memref<1x80xi32, #tpu.memory_space<vmem>> -> memref<80xi32, #tpu.memory_space<vmem>>
      %dma_wait3A_307 = arith.constant 0 : i32
      %dma_wait3A_308 = arith.constant 0 : i32
      %dma_wait3A_309 = tpu.memref_slice %arg2[%dma_wait3A_307, %dma_wait3A_308] : memref<10000x128xf32, #tpu.memory_space<hbm>> -> memref<10000x128xf32, #tpu.memory_space<hbm>>
      tpu.wait_indirect_dma semaphore(%arg13 : memref<!tpu.dma_semaphore, #tpu.memory_space<semaphore_mem>>) src(%dma_wait3A_309 : memref<10000x128xf32, #tpu.memory_space<hbm>>) dst(%arg9 : memref<80x128xf32, #tpu.memory_space<vmem>>)
      %dma_start3A_310 = arith.constant 9 : i32
      %dma_start3A_311 = arith.constant 0 : i32
      %dma_start3A_312 = tpu.memref_slice %arg7[%dma_start3A_310, %dma_start3A_311] : memref<25x80xi32, #tpu.memory_space<vmem>> -> memref<1x80xi32, #tpu.memory_space<vmem>>
      %dma_start3A_313 = tpu.memref_squeeze %dma_start3A_312 : memref<1x80xi32, #tpu.memory_space<vmem>> -> memref<80xi32, #tpu.memory_space<vmem>>
      %dma_start3A_314 = arith.constant 0 : i32
      %dma_start3A_315 = arith.constant 0 : i32
      %dma_start3A_316 = tpu.memref_slice %arg20[%dma_start3A_314, %dma_start3A_315] : memref<10112x128xf32, #tpu.memory_space<vmem_shared>> -> memref<10112x128xf32, #tpu.memory_space<vmem_shared>>
      tpu.enqueue_indirect_dma source(%arg9 : memref<80x128xf32, #tpu.memory_space<vmem>>) target(%dma_start3A_316 : memref<10112x128xf32, #tpu.memory_space<vmem_shared>>) offsets(%dma_start3A_313 : memref<80xi32, #tpu.memory_space<vmem>>) semaphore(%arg17 : memref<!tpu.dma_semaphore, #tpu.memory_space<semaphore_mem>>) {add = true}
      %dma_wait3A_317 = arith.constant 9 : i32
      %dma_wait3A_318 = arith.constant 0 : i32
      %dma_wait3A_319 = tpu.memref_slice %arg7[%dma_wait3A_317, %dma_wait3A_318] : memref<25x80xi32, #tpu.memory_space<vmem>> -> memref<1x80xi32, #tpu.memory_space<vmem>>
      %dma_wait3A_320 = tpu.memref_squeeze %dma_wait3A_319 : memref<1x80xi32, #tpu.memory_space<vmem>> -> memref<80xi32, #tpu.memory_space<vmem>>
      %dma_wait3A_321 = arith.constant 0 : i32
      %dma_wait3A_322 = arith.constant 0 : i32
      %dma_wait3A_323 = tpu.memref_slice %arg20[%dma_wait3A_321, %dma_wait3A_322] : memref<10112x128xf32, #tpu.memory_space<vmem_shared>> -> memref<10112x128xf32, #tpu.memory_space<vmem_shared>>
      tpu.wait_indirect_dma semaphore(%arg17 : memref<!tpu.dma_semaphore, #tpu.memory_space<semaphore_mem>>) src(%arg9 : memref<80x128xf32, #tpu.memory_space<vmem>>) dst(%dma_wait3A_323 : memref<10112x128xf32, #tpu.memory_space<vmem_shared>>)
      %dma_start3A_324 = arith.constant 13 : i32
      %dma_start3A_325 = arith.constant 0 : i32
      %dma_start3A_326 = tpu.memref_slice %arg6[%dma_start3A_324, %dma_start3A_325] : memref<25x80xi32, #tpu.memory_space<vmem>> -> memref<1x80xi32, #tpu.memory_space<vmem>>
      %dma_start3A_327 = tpu.memref_squeeze %dma_start3A_326 : memref<1x80xi32, #tpu.memory_space<vmem>> -> memref<80xi32, #tpu.memory_space<vmem>>
      %dma_start3A_328 = arith.constant 0 : i32
      %dma_start3A_329 = arith.constant 0 : i32
      %dma_start3A_330 = tpu.memref_slice %arg2[%dma_start3A_328, %dma_start3A_329] : memref<10000x128xf32, #tpu.memory_space<hbm>> -> memref<10000x128xf32, #tpu.memory_space<hbm>>
      tpu.enqueue_indirect_dma source(%dma_start3A_330 : memref<10000x128xf32, #tpu.memory_space<hbm>>) target(%arg9 : memref<80x128xf32, #tpu.memory_space<vmem>>) offsets(%dma_start3A_327 : memref<80xi32, #tpu.memory_space<vmem>>) semaphore(%arg13 : memref<!tpu.dma_semaphore, #tpu.memory_space<semaphore_mem>>)
      %dma_wait3A_331 = arith.constant 10 : i32
      %dma_wait3A_332 = arith.constant 0 : i32
      %dma_wait3A_333 = tpu.memref_slice %arg6[%dma_wait3A_331, %dma_wait3A_332] : memref<25x80xi32, #tpu.memory_space<vmem>> -> memref<1x80xi32, #tpu.memory_space<vmem>>
      %dma_wait3A_334 = tpu.memref_squeeze %dma_wait3A_333 : memref<1x80xi32, #tpu.memory_space<vmem>> -> memref<80xi32, #tpu.memory_space<vmem>>
      %dma_wait3A_335 = arith.constant 0 : i32
      %dma_wait3A_336 = arith.constant 0 : i32
      %dma_wait3A_337 = tpu.memref_slice %arg2[%dma_wait3A_335, %dma_wait3A_336] : memref<10000x128xf32, #tpu.memory_space<hbm>> -> memref<10000x128xf32, #tpu.memory_space<hbm>>
      tpu.wait_indirect_dma semaphore(%arg14 : memref<!tpu.dma_semaphore, #tpu.memory_space<semaphore_mem>>) src(%dma_wait3A_337 : memref<10000x128xf32, #tpu.memory_space<hbm>>) dst(%arg10 : memref<80x128xf32, #tpu.memory_space<vmem>>)
      %dma_start3A_338 = arith.constant 10 : i32
      %dma_start3A_339 = arith.constant 0 : i32
      %dma_start3A_340 = tpu.memref_slice %arg7[%dma_start3A_338, %dma_start3A_339] : memref<25x80xi32, #tpu.memory_space<vmem>> -> memref<1x80xi32, #tpu.memory_space<vmem>>
      %dma_start3A_341 = tpu.memref_squeeze %dma_start3A_340 : memref<1x80xi32, #tpu.memory_space<vmem>> -> memref<80xi32, #tpu.memory_space<vmem>>
      %dma_start3A_342 = arith.constant 0 : i32
      %dma_start3A_343 = arith.constant 0 : i32
      %dma_start3A_344 = tpu.memref_slice %arg20[%dma_start3A_342, %dma_start3A_343] : memref<10112x128xf32, #tpu.memory_space<vmem_shared>> -> memref<10112x128xf32, #tpu.memory_space<vmem_shared>>
      tpu.enqueue_indirect_dma source(%arg10 : memref<80x128xf32, #tpu.memory_space<vmem>>) target(%dma_start3A_344 : memref<10112x128xf32, #tpu.memory_space<vmem_shared>>) offsets(%dma_start3A_341 : memref<80xi32, #tpu.memory_space<vmem>>) semaphore(%arg18 : memref<!tpu.dma_semaphore, #tpu.memory_space<semaphore_mem>>) {add = true}
      %dma_wait3A_345 = arith.constant 10 : i32
      %dma_wait3A_346 = arith.constant 0 : i32
      %dma_wait3A_347 = tpu.memref_slice %arg7[%dma_wait3A_345, %dma_wait3A_346] : memref<25x80xi32, #tpu.memory_space<vmem>> -> memref<1x80xi32, #tpu.memory_space<vmem>>
      %dma_wait3A_348 = tpu.memref_squeeze %dma_wait3A_347 : memref<1x80xi32, #tpu.memory_space<vmem>> -> memref<80xi32, #tpu.memory_space<vmem>>
      %dma_wait3A_349 = arith.constant 0 : i32
      %dma_wait3A_350 = arith.constant 0 : i32
      %dma_wait3A_351 = tpu.memref_slice %arg20[%dma_wait3A_349, %dma_wait3A_350] : memref<10112x128xf32, #tpu.memory_space<vmem_shared>> -> memref<10112x128xf32, #tpu.memory_space<vmem_shared>>
      tpu.wait_indirect_dma semaphore(%arg18 : memref<!tpu.dma_semaphore, #tpu.memory_space<semaphore_mem>>) src(%arg10 : memref<80x128xf32, #tpu.memory_space<vmem>>) dst(%dma_wait3A_351 : memref<10112x128xf32, #tpu.memory_space<vmem_shared>>)
      %dma_start3A_352 = arith.constant 14 : i32
      %dma_start3A_353 = arith.constant 0 : i32
      %dma_start3A_354 = tpu.memref_slice %arg6[%dma_start3A_352, %dma_start3A_353] : memref<25x80xi32, #tpu.memory_space<vmem>> -> memref<1x80xi32, #tpu.memory_space<vmem>>
      %dma_start3A_355 = tpu.memref_squeeze %dma_start3A_354 : memref<1x80xi32, #tpu.memory_space<vmem>> -> memref<80xi32, #tpu.memory_space<vmem>>
      %dma_start3A_356 = arith.constant 0 : i32
      %dma_start3A_357 = arith.constant 0 : i32
      %dma_start3A_358 = tpu.memref_slice %arg2[%dma_start3A_356, %dma_start3A_357] : memref<10000x128xf32, #tpu.memory_space<hbm>> -> memref<10000x128xf32, #tpu.memory_space<hbm>>
      tpu.enqueue_indirect_dma source(%dma_start3A_358 : memref<10000x128xf32, #tpu.memory_space<hbm>>) target(%arg10 : memref<80x128xf32, #tpu.memory_space<vmem>>) offsets(%dma_start3A_355 : memref<80xi32, #tpu.memory_space<vmem>>) semaphore(%arg14 : memref<!tpu.dma_semaphore, #tpu.memory_space<semaphore_mem>>)
      %dma_wait3A_359 = arith.constant 11 : i32
      %dma_wait3A_360 = arith.constant 0 : i32
      %dma_wait3A_361 = tpu.memref_slice %arg6[%dma_wait3A_359, %dma_wait3A_360] : memref<25x80xi32, #tpu.memory_space<vmem>> -> memref<1x80xi32, #tpu.memory_space<vmem>>
      %dma_wait3A_362 = tpu.memref_squeeze %dma_wait3A_361 : memref<1x80xi32, #tpu.memory_space<vmem>> -> memref<80xi32, #tpu.memory_space<vmem>>
      %dma_wait3A_363 = arith.constant 0 : i32
      %dma_wait3A_364 = arith.constant 0 : i32
      %dma_wait3A_365 = tpu.memref_slice %arg2[%dma_wait3A_363, %dma_wait3A_364] : memref<10000x128xf32, #tpu.memory_space<hbm>> -> memref<10000x128xf32, #tpu.memory_space<hbm>>
      tpu.wait_indirect_dma semaphore(%arg15 : memref<!tpu.dma_semaphore, #tpu.memory_space<semaphore_mem>>) src(%dma_wait3A_365 : memref<10000x128xf32, #tpu.memory_space<hbm>>) dst(%arg11 : memref<80x128xf32, #tpu.memory_space<vmem>>)
      %dma_start3A_366 = arith.constant 11 : i32
      %dma_start3A_367 = arith.constant 0 : i32
      %dma_start3A_368 = tpu.memref_slice %arg7[%dma_start3A_366, %dma_start3A_367] : memref<25x80xi32, #tpu.memory_space<vmem>> -> memref<1x80xi32, #tpu.memory_space<vmem>>
      %dma_start3A_369 = tpu.memref_squeeze %dma_start3A_368 : memref<1x80xi32, #tpu.memory_space<vmem>> -> memref<80xi32, #tpu.memory_space<vmem>>
      %dma_start3A_370 = arith.constant 0 : i32
      %dma_start3A_371 = arith.constant 0 : i32
      %dma_start3A_372 = tpu.memref_slice %arg20[%dma_start3A_370, %dma_start3A_371] : memref<10112x128xf32, #tpu.memory_space<vmem_shared>> -> memref<10112x128xf32, #tpu.memory_space<vmem_shared>>
      tpu.enqueue_indirect_dma source(%arg11 : memref<80x128xf32, #tpu.memory_space<vmem>>) target(%dma_start3A_372 : memref<10112x128xf32, #tpu.memory_space<vmem_shared>>) offsets(%dma_start3A_369 : memref<80xi32, #tpu.memory_space<vmem>>) semaphore(%arg19 : memref<!tpu.dma_semaphore, #tpu.memory_space<semaphore_mem>>) {add = true}
      %dma_wait3A_373 = arith.constant 11 : i32
      %dma_wait3A_374 = arith.constant 0 : i32
      %dma_wait3A_375 = tpu.memref_slice %arg7[%dma_wait3A_373, %dma_wait3A_374] : memref<25x80xi32, #tpu.memory_space<vmem>> -> memref<1x80xi32, #tpu.memory_space<vmem>>
      %dma_wait3A_376 = tpu.memref_squeeze %dma_wait3A_375 : memref<1x80xi32, #tpu.memory_space<vmem>> -> memref<80xi32, #tpu.memory_space<vmem>>
      %dma_wait3A_377 = arith.constant 0 : i32
      %dma_wait3A_378 = arith.constant 0 : i32
      %dma_wait3A_379 = tpu.memref_slice %arg20[%dma_wait3A_377, %dma_wait3A_378] : memref<10112x128xf32, #tpu.memory_space<vmem_shared>> -> memref<10112x128xf32, #tpu.memory_space<vmem_shared>>
      tpu.wait_indirect_dma semaphore(%arg19 : memref<!tpu.dma_semaphore, #tpu.memory_space<semaphore_mem>>) src(%arg11 : memref<80x128xf32, #tpu.memory_space<vmem>>) dst(%dma_wait3A_379 : memref<10112x128xf32, #tpu.memory_space<vmem_shared>>)
      %dma_start3A_380 = arith.constant 15 : i32
      %dma_start3A_381 = arith.constant 0 : i32
      %dma_start3A_382 = tpu.memref_slice %arg6[%dma_start3A_380, %dma_start3A_381] : memref<25x80xi32, #tpu.memory_space<vmem>> -> memref<1x80xi32, #tpu.memory_space<vmem>>
      %dma_start3A_383 = tpu.memref_squeeze %dma_start3A_382 : memref<1x80xi32, #tpu.memory_space<vmem>> -> memref<80xi32, #tpu.memory_space<vmem>>
      %dma_start3A_384 = arith.constant 0 : i32
      %dma_start3A_385 = arith.constant 0 : i32
      %dma_start3A_386 = tpu.memref_slice %arg2[%dma_start3A_384, %dma_start3A_385] : memref<10000x128xf32, #tpu.memory_space<hbm>> -> memref<10000x128xf32, #tpu.memory_space<hbm>>
      tpu.enqueue_indirect_dma source(%dma_start3A_386 : memref<10000x128xf32, #tpu.memory_space<hbm>>) target(%arg11 : memref<80x128xf32, #tpu.memory_space<vmem>>) offsets(%dma_start3A_383 : memref<80xi32, #tpu.memory_space<vmem>>) semaphore(%arg15 : memref<!tpu.dma_semaphore, #tpu.memory_space<semaphore_mem>>)
      %dma_wait3A_387 = arith.constant 12 : i32
      %dma_wait3A_388 = arith.constant 0 : i32
      %dma_wait3A_389 = tpu.memref_slice %arg6[%dma_wait3A_387, %dma_wait3A_388] : memref<25x80xi32, #tpu.memory_space<vmem>> -> memref<1x80xi32, #tpu.memory_space<vmem>>
      %dma_wait3A_390 = tpu.memref_squeeze %dma_wait3A_389 : memref<1x80xi32, #tpu.memory_space<vmem>> -> memref<80xi32, #tpu.memory_space<vmem>>
      %dma_wait3A_391 = arith.constant 0 : i32
      %dma_wait3A_392 = arith.constant 0 : i32
      %dma_wait3A_393 = tpu.memref_slice %arg2[%dma_wait3A_391, %dma_wait3A_392] : memref<10000x128xf32, #tpu.memory_space<hbm>> -> memref<10000x128xf32, #tpu.memory_space<hbm>>
      tpu.wait_indirect_dma semaphore(%arg12 : memref<!tpu.dma_semaphore, #tpu.memory_space<semaphore_mem>>) src(%dma_wait3A_393 : memref<10000x128xf32, #tpu.memory_space<hbm>>) dst(%arg8 : memref<80x128xf32, #tpu.memory_space<vmem>>)
      %dma_start3A_394 = arith.constant 12 : i32
      %dma_start3A_395 = arith.constant 0 : i32
      %dma_start3A_396 = tpu.memref_slice %arg7[%dma_start3A_394, %dma_start3A_395] : memref<25x80xi32, #tpu.memory_space<vmem>> -> memref<1x80xi32, #tpu.memory_space<vmem>>
      %dma_start3A_397 = tpu.memref_squeeze %dma_start3A_396 : memref<1x80xi32, #tpu.memory_space<vmem>> -> memref<80xi32, #tpu.memory_space<vmem>>
      %dma_start3A_398 = arith.constant 0 : i32
      %dma_start3A_399 = arith.constant 0 : i32
      %dma_start3A_400 = tpu.memref_slice %arg20[%dma_start3A_398, %dma_start3A_399] : memref<10112x128xf32, #tpu.memory_space<vmem_shared>> -> memref<10112x128xf32, #tpu.memory_space<vmem_shared>>
      tpu.enqueue_indirect_dma source(%arg8 : memref<80x128xf32, #tpu.memory_space<vmem>>) target(%dma_start3A_400 : memref<10112x128xf32, #tpu.memory_space<vmem_shared>>) offsets(%dma_start3A_397 : memref<80xi32, #tpu.memory_space<vmem>>) semaphore(%arg16 : memref<!tpu.dma_semaphore, #tpu.memory_space<semaphore_mem>>) {add = true}
      %dma_wait3A_401 = arith.constant 12 : i32
      %dma_wait3A_402 = arith.constant 0 : i32
      %dma_wait3A_403 = tpu.memref_slice %arg7[%dma_wait3A_401, %dma_wait3A_402] : memref<25x80xi32, #tpu.memory_space<vmem>> -> memref<1x80xi32, #tpu.memory_space<vmem>>
      %dma_wait3A_404 = tpu.memref_squeeze %dma_wait3A_403 : memref<1x80xi32, #tpu.memory_space<vmem>> -> memref<80xi32, #tpu.memory_space<vmem>>
      %dma_wait3A_405 = arith.constant 0 : i32
      %dma_wait3A_406 = arith.constant 0 : i32
      %dma_wait3A_407 = tpu.memref_slice %arg20[%dma_wait3A_405, %dma_wait3A_406] : memref<10112x128xf32, #tpu.memory_space<vmem_shared>> -> memref<10112x128xf32, #tpu.memory_space<vmem_shared>>
      tpu.wait_indirect_dma semaphore(%arg16 : memref<!tpu.dma_semaphore, #tpu.memory_space<semaphore_mem>>) src(%arg8 : memref<80x128xf32, #tpu.memory_space<vmem>>) dst(%dma_wait3A_407 : memref<10112x128xf32, #tpu.memory_space<vmem_shared>>)
      %dma_start3A_408 = arith.constant 16 : i32
      %dma_start3A_409 = arith.constant 0 : i32
      %dma_start3A_410 = tpu.memref_slice %arg6[%dma_start3A_408, %dma_start3A_409] : memref<25x80xi32, #tpu.memory_space<vmem>> -> memref<1x80xi32, #tpu.memory_space<vmem>>
      %dma_start3A_411 = tpu.memref_squeeze %dma_start3A_410 : memref<1x80xi32, #tpu.memory_space<vmem>> -> memref<80xi32, #tpu.memory_space<vmem>>
      %dma_start3A_412 = arith.constant 0 : i32
      %dma_start3A_413 = arith.constant 0 : i32
      %dma_start3A_414 = tpu.memref_slice %arg2[%dma_start3A_412, %dma_start3A_413] : memref<10000x128xf32, #tpu.memory_space<hbm>> -> memref<10000x128xf32, #tpu.memory_space<hbm>>
      tpu.enqueue_indirect_dma source(%dma_start3A_414 : memref<10000x128xf32, #tpu.memory_space<hbm>>) target(%arg8 : memref<80x128xf32, #tpu.memory_space<vmem>>) offsets(%dma_start3A_411 : memref<80xi32, #tpu.memory_space<vmem>>) semaphore(%arg12 : memref<!tpu.dma_semaphore, #tpu.memory_space<semaphore_mem>>)
      %dma_wait3A_415 = arith.constant 13 : i32
      %dma_wait3A_416 = arith.constant 0 : i32
      %dma_wait3A_417 = tpu.memref_slice %arg6[%dma_wait3A_415, %dma_wait3A_416] : memref<25x80xi32, #tpu.memory_space<vmem>> -> memref<1x80xi32, #tpu.memory_space<vmem>>
      %dma_wait3A_418 = tpu.memref_squeeze %dma_wait3A_417 : memref<1x80xi32, #tpu.memory_space<vmem>> -> memref<80xi32, #tpu.memory_space<vmem>>
      %dma_wait3A_419 = arith.constant 0 : i32
      %dma_wait3A_420 = arith.constant 0 : i32
      %dma_wait3A_421 = tpu.memref_slice %arg2[%dma_wait3A_419, %dma_wait3A_420] : memref<10000x128xf32, #tpu.memory_space<hbm>> -> memref<10000x128xf32, #tpu.memory_space<hbm>>
      tpu.wait_indirect_dma semaphore(%arg13 : memref<!tpu.dma_semaphore, #tpu.memory_space<semaphore_mem>>) src(%dma_wait3A_421 : memref<10000x128xf32, #tpu.memory_space<hbm>>) dst(%arg9 : memref<80x128xf32, #tpu.memory_space<vmem>>)
      %dma_start3A_422 = arith.constant 13 : i32
      %dma_start3A_423 = arith.constant 0 : i32
      %dma_start3A_424 = tpu.memref_slice %arg7[%dma_start3A_422, %dma_start3A_423] : memref<25x80xi32, #tpu.memory_space<vmem>> -> memref<1x80xi32, #tpu.memory_space<vmem>>
      %dma_start3A_425 = tpu.memref_squeeze %dma_start3A_424 : memref<1x80xi32, #tpu.memory_space<vmem>> -> memref<80xi32, #tpu.memory_space<vmem>>
      %dma_start3A_426 = arith.constant 0 : i32
      %dma_start3A_427 = arith.constant 0 : i32
      %dma_start3A_428 = tpu.memref_slice %arg20[%dma_start3A_426, %dma_start3A_427] : memref<10112x128xf32, #tpu.memory_space<vmem_shared>> -> memref<10112x128xf32, #tpu.memory_space<vmem_shared>>
      tpu.enqueue_indirect_dma source(%arg9 : memref<80x128xf32, #tpu.memory_space<vmem>>) target(%dma_start3A_428 : memref<10112x128xf32, #tpu.memory_space<vmem_shared>>) offsets(%dma_start3A_425 : memref<80xi32, #tpu.memory_space<vmem>>) semaphore(%arg17 : memref<!tpu.dma_semaphore, #tpu.memory_space<semaphore_mem>>) {add = true}
      %dma_wait3A_429 = arith.constant 13 : i32
      %dma_wait3A_430 = arith.constant 0 : i32
      %dma_wait3A_431 = tpu.memref_slice %arg7[%dma_wait3A_429, %dma_wait3A_430] : memref<25x80xi32, #tpu.memory_space<vmem>> -> memref<1x80xi32, #tpu.memory_space<vmem>>
      %dma_wait3A_432 = tpu.memref_squeeze %dma_wait3A_431 : memref<1x80xi32, #tpu.memory_space<vmem>> -> memref<80xi32, #tpu.memory_space<vmem>>
      %dma_wait3A_433 = arith.constant 0 : i32
      %dma_wait3A_434 = arith.constant 0 : i32
      %dma_wait3A_435 = tpu.memref_slice %arg20[%dma_wait3A_433, %dma_wait3A_434] : memref<10112x128xf32, #tpu.memory_space<vmem_shared>> -> memref<10112x128xf32, #tpu.memory_space<vmem_shared>>
      tpu.wait_indirect_dma semaphore(%arg17 : memref<!tpu.dma_semaphore, #tpu.memory_space<semaphore_mem>>) src(%arg9 : memref<80x128xf32, #tpu.memory_space<vmem>>) dst(%dma_wait3A_435 : memref<10112x128xf32, #tpu.memory_space<vmem_shared>>)
      %dma_start3A_436 = arith.constant 17 : i32
      %dma_start3A_437 = arith.constant 0 : i32
      %dma_start3A_438 = tpu.memref_slice %arg6[%dma_start3A_436, %dma_start3A_437] : memref<25x80xi32, #tpu.memory_space<vmem>> -> memref<1x80xi32, #tpu.memory_space<vmem>>
      %dma_start3A_439 = tpu.memref_squeeze %dma_start3A_438 : memref<1x80xi32, #tpu.memory_space<vmem>> -> memref<80xi32, #tpu.memory_space<vmem>>
      %dma_start3A_440 = arith.constant 0 : i32
      %dma_start3A_441 = arith.constant 0 : i32
      %dma_start3A_442 = tpu.memref_slice %arg2[%dma_start3A_440, %dma_start3A_441] : memref<10000x128xf32, #tpu.memory_space<hbm>> -> memref<10000x128xf32, #tpu.memory_space<hbm>>
      tpu.enqueue_indirect_dma source(%dma_start3A_442 : memref<10000x128xf32, #tpu.memory_space<hbm>>) target(%arg9 : memref<80x128xf32, #tpu.memory_space<vmem>>) offsets(%dma_start3A_439 : memref<80xi32, #tpu.memory_space<vmem>>) semaphore(%arg13 : memref<!tpu.dma_semaphore, #tpu.memory_space<semaphore_mem>>)
      %dma_wait3A_443 = arith.constant 14 : i32
      %dma_wait3A_444 = arith.constant 0 : i32
      %dma_wait3A_445 = tpu.memref_slice %arg6[%dma_wait3A_443, %dma_wait3A_444] : memref<25x80xi32, #tpu.memory_space<vmem>> -> memref<1x80xi32, #tpu.memory_space<vmem>>
      %dma_wait3A_446 = tpu.memref_squeeze %dma_wait3A_445 : memref<1x80xi32, #tpu.memory_space<vmem>> -> memref<80xi32, #tpu.memory_space<vmem>>
      %dma_wait3A_447 = arith.constant 0 : i32
      %dma_wait3A_448 = arith.constant 0 : i32
      %dma_wait3A_449 = tpu.memref_slice %arg2[%dma_wait3A_447, %dma_wait3A_448] : memref<10000x128xf32, #tpu.memory_space<hbm>> -> memref<10000x128xf32, #tpu.memory_space<hbm>>
      tpu.wait_indirect_dma semaphore(%arg14 : memref<!tpu.dma_semaphore, #tpu.memory_space<semaphore_mem>>) src(%dma_wait3A_449 : memref<10000x128xf32, #tpu.memory_space<hbm>>) dst(%arg10 : memref<80x128xf32, #tpu.memory_space<vmem>>)
      %dma_start3A_450 = arith.constant 14 : i32
      %dma_start3A_451 = arith.constant 0 : i32
      %dma_start3A_452 = tpu.memref_slice %arg7[%dma_start3A_450, %dma_start3A_451] : memref<25x80xi32, #tpu.memory_space<vmem>> -> memref<1x80xi32, #tpu.memory_space<vmem>>
      %dma_start3A_453 = tpu.memref_squeeze %dma_start3A_452 : memref<1x80xi32, #tpu.memory_space<vmem>> -> memref<80xi32, #tpu.memory_space<vmem>>
      %dma_start3A_454 = arith.constant 0 : i32
      %dma_start3A_455 = arith.constant 0 : i32
      %dma_start3A_456 = tpu.memref_slice %arg20[%dma_start3A_454, %dma_start3A_455] : memref<10112x128xf32, #tpu.memory_space<vmem_shared>> -> memref<10112x128xf32, #tpu.memory_space<vmem_shared>>
      tpu.enqueue_indirect_dma source(%arg10 : memref<80x128xf32, #tpu.memory_space<vmem>>) target(%dma_start3A_456 : memref<10112x128xf32, #tpu.memory_space<vmem_shared>>) offsets(%dma_start3A_453 : memref<80xi32, #tpu.memory_space<vmem>>) semaphore(%arg18 : memref<!tpu.dma_semaphore, #tpu.memory_space<semaphore_mem>>) {add = true}
      %dma_wait3A_457 = arith.constant 14 : i32
      %dma_wait3A_458 = arith.constant 0 : i32
      %dma_wait3A_459 = tpu.memref_slice %arg7[%dma_wait3A_457, %dma_wait3A_458] : memref<25x80xi32, #tpu.memory_space<vmem>> -> memref<1x80xi32, #tpu.memory_space<vmem>>
      %dma_wait3A_460 = tpu.memref_squeeze %dma_wait3A_459 : memref<1x80xi32, #tpu.memory_space<vmem>> -> memref<80xi32, #tpu.memory_space<vmem>>
      %dma_wait3A_461 = arith.constant 0 : i32
      %dma_wait3A_462 = arith.constant 0 : i32
      %dma_wait3A_463 = tpu.memref_slice %arg20[%dma_wait3A_461, %dma_wait3A_462] : memref<10112x128xf32, #tpu.memory_space<vmem_shared>> -> memref<10112x128xf32, #tpu.memory_space<vmem_shared>>
      tpu.wait_indirect_dma semaphore(%arg18 : memref<!tpu.dma_semaphore, #tpu.memory_space<semaphore_mem>>) src(%arg10 : memref<80x128xf32, #tpu.memory_space<vmem>>) dst(%dma_wait3A_463 : memref<10112x128xf32, #tpu.memory_space<vmem_shared>>)
      %dma_start3A_464 = arith.constant 18 : i32
      %dma_start3A_465 = arith.constant 0 : i32
      %dma_start3A_466 = tpu.memref_slice %arg6[%dma_start3A_464, %dma_start3A_465] : memref<25x80xi32, #tpu.memory_space<vmem>> -> memref<1x80xi32, #tpu.memory_space<vmem>>
      %dma_start3A_467 = tpu.memref_squeeze %dma_start3A_466 : memref<1x80xi32, #tpu.memory_space<vmem>> -> memref<80xi32, #tpu.memory_space<vmem>>
      %dma_start3A_468 = arith.constant 0 : i32
      %dma_start3A_469 = arith.constant 0 : i32
      %dma_start3A_470 = tpu.memref_slice %arg2[%dma_start3A_468, %dma_start3A_469] : memref<10000x128xf32, #tpu.memory_space<hbm>> -> memref<10000x128xf32, #tpu.memory_space<hbm>>
      tpu.enqueue_indirect_dma source(%dma_start3A_470 : memref<10000x128xf32, #tpu.memory_space<hbm>>) target(%arg10 : memref<80x128xf32, #tpu.memory_space<vmem>>) offsets(%dma_start3A_467 : memref<80xi32, #tpu.memory_space<vmem>>) semaphore(%arg14 : memref<!tpu.dma_semaphore, #tpu.memory_space<semaphore_mem>>)
      %dma_wait3A_471 = arith.constant 15 : i32
      %dma_wait3A_472 = arith.constant 0 : i32
      %dma_wait3A_473 = tpu.memref_slice %arg6[%dma_wait3A_471, %dma_wait3A_472] : memref<25x80xi32, #tpu.memory_space<vmem>> -> memref<1x80xi32, #tpu.memory_space<vmem>>
      %dma_wait3A_474 = tpu.memref_squeeze %dma_wait3A_473 : memref<1x80xi32, #tpu.memory_space<vmem>> -> memref<80xi32, #tpu.memory_space<vmem>>
      %dma_wait3A_475 = arith.constant 0 : i32
      %dma_wait3A_476 = arith.constant 0 : i32
      %dma_wait3A_477 = tpu.memref_slice %arg2[%dma_wait3A_475, %dma_wait3A_476] : memref<10000x128xf32, #tpu.memory_space<hbm>> -> memref<10000x128xf32, #tpu.memory_space<hbm>>
      tpu.wait_indirect_dma semaphore(%arg15 : memref<!tpu.dma_semaphore, #tpu.memory_space<semaphore_mem>>) src(%dma_wait3A_477 : memref<10000x128xf32, #tpu.memory_space<hbm>>) dst(%arg11 : memref<80x128xf32, #tpu.memory_space<vmem>>)
      %dma_start3A_478 = arith.constant 15 : i32
      %dma_start3A_479 = arith.constant 0 : i32
      %dma_start3A_480 = tpu.memref_slice %arg7[%dma_start3A_478, %dma_start3A_479] : memref<25x80xi32, #tpu.memory_space<vmem>> -> memref<1x80xi32, #tpu.memory_space<vmem>>
      %dma_start3A_481 = tpu.memref_squeeze %dma_start3A_480 : memref<1x80xi32, #tpu.memory_space<vmem>> -> memref<80xi32, #tpu.memory_space<vmem>>
      %dma_start3A_482 = arith.constant 0 : i32
      %dma_start3A_483 = arith.constant 0 : i32
      %dma_start3A_484 = tpu.memref_slice %arg20[%dma_start3A_482, %dma_start3A_483] : memref<10112x128xf32, #tpu.memory_space<vmem_shared>> -> memref<10112x128xf32, #tpu.memory_space<vmem_shared>>
      tpu.enqueue_indirect_dma source(%arg11 : memref<80x128xf32, #tpu.memory_space<vmem>>) target(%dma_start3A_484 : memref<10112x128xf32, #tpu.memory_space<vmem_shared>>) offsets(%dma_start3A_481 : memref<80xi32, #tpu.memory_space<vmem>>) semaphore(%arg19 : memref<!tpu.dma_semaphore, #tpu.memory_space<semaphore_mem>>) {add = true}
      %dma_wait3A_485 = arith.constant 15 : i32
      %dma_wait3A_486 = arith.constant 0 : i32
      %dma_wait3A_487 = tpu.memref_slice %arg7[%dma_wait3A_485, %dma_wait3A_486] : memref<25x80xi32, #tpu.memory_space<vmem>> -> memref<1x80xi32, #tpu.memory_space<vmem>>
      %dma_wait3A_488 = tpu.memref_squeeze %dma_wait3A_487 : memref<1x80xi32, #tpu.memory_space<vmem>> -> memref<80xi32, #tpu.memory_space<vmem>>
      %dma_wait3A_489 = arith.constant 0 : i32
      %dma_wait3A_490 = arith.constant 0 : i32
      %dma_wait3A_491 = tpu.memref_slice %arg20[%dma_wait3A_489, %dma_wait3A_490] : memref<10112x128xf32, #tpu.memory_space<vmem_shared>> -> memref<10112x128xf32, #tpu.memory_space<vmem_shared>>
      tpu.wait_indirect_dma semaphore(%arg19 : memref<!tpu.dma_semaphore, #tpu.memory_space<semaphore_mem>>) src(%arg11 : memref<80x128xf32, #tpu.memory_space<vmem>>) dst(%dma_wait3A_491 : memref<10112x128xf32, #tpu.memory_space<vmem_shared>>)
      %dma_start3A_492 = arith.constant 19 : i32
      %dma_start3A_493 = arith.constant 0 : i32
      %dma_start3A_494 = tpu.memref_slice %arg6[%dma_start3A_492, %dma_start3A_493] : memref<25x80xi32, #tpu.memory_space<vmem>> -> memref<1x80xi32, #tpu.memory_space<vmem>>
      %dma_start3A_495 = tpu.memref_squeeze %dma_start3A_494 : memref<1x80xi32, #tpu.memory_space<vmem>> -> memref<80xi32, #tpu.memory_space<vmem>>
      %dma_start3A_496 = arith.constant 0 : i32
      %dma_start3A_497 = arith.constant 0 : i32
      %dma_start3A_498 = tpu.memref_slice %arg2[%dma_start3A_496, %dma_start3A_497] : memref<10000x128xf32, #tpu.memory_space<hbm>> -> memref<10000x128xf32, #tpu.memory_space<hbm>>
      tpu.enqueue_indirect_dma source(%dma_start3A_498 : memref<10000x128xf32, #tpu.memory_space<hbm>>) target(%arg11 : memref<80x128xf32, #tpu.memory_space<vmem>>) offsets(%dma_start3A_495 : memref<80xi32, #tpu.memory_space<vmem>>) semaphore(%arg15 : memref<!tpu.dma_semaphore, #tpu.memory_space<semaphore_mem>>)
      %dma_wait3A_499 = arith.constant 16 : i32
      %dma_wait3A_500 = arith.constant 0 : i32
      %dma_wait3A_501 = tpu.memref_slice %arg6[%dma_wait3A_499, %dma_wait3A_500] : memref<25x80xi32, #tpu.memory_space<vmem>> -> memref<1x80xi32, #tpu.memory_space<vmem>>
      %dma_wait3A_502 = tpu.memref_squeeze %dma_wait3A_501 : memref<1x80xi32, #tpu.memory_space<vmem>> -> memref<80xi32, #tpu.memory_space<vmem>>
      %dma_wait3A_503 = arith.constant 0 : i32
      %dma_wait3A_504 = arith.constant 0 : i32
      %dma_wait3A_505 = tpu.memref_slice %arg2[%dma_wait3A_503, %dma_wait3A_504] : memref<10000x128xf32, #tpu.memory_space<hbm>> -> memref<10000x128xf32, #tpu.memory_space<hbm>>
      tpu.wait_indirect_dma semaphore(%arg12 : memref<!tpu.dma_semaphore, #tpu.memory_space<semaphore_mem>>) src(%dma_wait3A_505 : memref<10000x128xf32, #tpu.memory_space<hbm>>) dst(%arg8 : memref<80x128xf32, #tpu.memory_space<vmem>>)
      %dma_start3A_506 = arith.constant 16 : i32
      %dma_start3A_507 = arith.constant 0 : i32
      %dma_start3A_508 = tpu.memref_slice %arg7[%dma_start3A_506, %dma_start3A_507] : memref<25x80xi32, #tpu.memory_space<vmem>> -> memref<1x80xi32, #tpu.memory_space<vmem>>
      %dma_start3A_509 = tpu.memref_squeeze %dma_start3A_508 : memref<1x80xi32, #tpu.memory_space<vmem>> -> memref<80xi32, #tpu.memory_space<vmem>>
      %dma_start3A_510 = arith.constant 0 : i32
      %dma_start3A_511 = arith.constant 0 : i32
      %dma_start3A_512 = tpu.memref_slice %arg20[%dma_start3A_510, %dma_start3A_511] : memref<10112x128xf32, #tpu.memory_space<vmem_shared>> -> memref<10112x128xf32, #tpu.memory_space<vmem_shared>>
      tpu.enqueue_indirect_dma source(%arg8 : memref<80x128xf32, #tpu.memory_space<vmem>>) target(%dma_start3A_512 : memref<10112x128xf32, #tpu.memory_space<vmem_shared>>) offsets(%dma_start3A_509 : memref<80xi32, #tpu.memory_space<vmem>>) semaphore(%arg16 : memref<!tpu.dma_semaphore, #tpu.memory_space<semaphore_mem>>) {add = true}
      %dma_wait3A_513 = arith.constant 16 : i32
      %dma_wait3A_514 = arith.constant 0 : i32
      %dma_wait3A_515 = tpu.memref_slice %arg7[%dma_wait3A_513, %dma_wait3A_514] : memref<25x80xi32, #tpu.memory_space<vmem>> -> memref<1x80xi32, #tpu.memory_space<vmem>>
      %dma_wait3A_516 = tpu.memref_squeeze %dma_wait3A_515 : memref<1x80xi32, #tpu.memory_space<vmem>> -> memref<80xi32, #tpu.memory_space<vmem>>
      %dma_wait3A_517 = arith.constant 0 : i32
      %dma_wait3A_518 = arith.constant 0 : i32
      %dma_wait3A_519 = tpu.memref_slice %arg20[%dma_wait3A_517, %dma_wait3A_518] : memref<10112x128xf32, #tpu.memory_space<vmem_shared>> -> memref<10112x128xf32, #tpu.memory_space<vmem_shared>>
      tpu.wait_indirect_dma semaphore(%arg16 : memref<!tpu.dma_semaphore, #tpu.memory_space<semaphore_mem>>) src(%arg8 : memref<80x128xf32, #tpu.memory_space<vmem>>) dst(%dma_wait3A_519 : memref<10112x128xf32, #tpu.memory_space<vmem_shared>>)
      %dma_start3A_520 = arith.constant 20 : i32
      %dma_start3A_521 = arith.constant 0 : i32
      %dma_start3A_522 = tpu.memref_slice %arg6[%dma_start3A_520, %dma_start3A_521] : memref<25x80xi32, #tpu.memory_space<vmem>> -> memref<1x80xi32, #tpu.memory_space<vmem>>
      %dma_start3A_523 = tpu.memref_squeeze %dma_start3A_522 : memref<1x80xi32, #tpu.memory_space<vmem>> -> memref<80xi32, #tpu.memory_space<vmem>>
      %dma_start3A_524 = arith.constant 0 : i32
      %dma_start3A_525 = arith.constant 0 : i32
      %dma_start3A_526 = tpu.memref_slice %arg2[%dma_start3A_524, %dma_start3A_525] : memref<10000x128xf32, #tpu.memory_space<hbm>> -> memref<10000x128xf32, #tpu.memory_space<hbm>>
      tpu.enqueue_indirect_dma source(%dma_start3A_526 : memref<10000x128xf32, #tpu.memory_space<hbm>>) target(%arg8 : memref<80x128xf32, #tpu.memory_space<vmem>>) offsets(%dma_start3A_523 : memref<80xi32, #tpu.memory_space<vmem>>) semaphore(%arg12 : memref<!tpu.dma_semaphore, #tpu.memory_space<semaphore_mem>>)
      %dma_wait3A_527 = arith.constant 17 : i32
      %dma_wait3A_528 = arith.constant 0 : i32
      %dma_wait3A_529 = tpu.memref_slice %arg6[%dma_wait3A_527, %dma_wait3A_528] : memref<25x80xi32, #tpu.memory_space<vmem>> -> memref<1x80xi32, #tpu.memory_space<vmem>>
      %dma_wait3A_530 = tpu.memref_squeeze %dma_wait3A_529 : memref<1x80xi32, #tpu.memory_space<vmem>> -> memref<80xi32, #tpu.memory_space<vmem>>
      %dma_wait3A_531 = arith.constant 0 : i32
      %dma_wait3A_532 = arith.constant 0 : i32
      %dma_wait3A_533 = tpu.memref_slice %arg2[%dma_wait3A_531, %dma_wait3A_532] : memref<10000x128xf32, #tpu.memory_space<hbm>> -> memref<10000x128xf32, #tpu.memory_space<hbm>>
      tpu.wait_indirect_dma semaphore(%arg13 : memref<!tpu.dma_semaphore, #tpu.memory_space<semaphore_mem>>) src(%dma_wait3A_533 : memref<10000x128xf32, #tpu.memory_space<hbm>>) dst(%arg9 : memref<80x128xf32, #tpu.memory_space<vmem>>)
      %dma_start3A_534 = arith.constant 17 : i32
      %dma_start3A_535 = arith.constant 0 : i32
      %dma_start3A_536 = tpu.memref_slice %arg7[%dma_start3A_534, %dma_start3A_535] : memref<25x80xi32, #tpu.memory_space<vmem>> -> memref<1x80xi32, #tpu.memory_space<vmem>>
      %dma_start3A_537 = tpu.memref_squeeze %dma_start3A_536 : memref<1x80xi32, #tpu.memory_space<vmem>> -> memref<80xi32, #tpu.memory_space<vmem>>
      %dma_start3A_538 = arith.constant 0 : i32
      %dma_start3A_539 = arith.constant 0 : i32
      %dma_start3A_540 = tpu.memref_slice %arg20[%dma_start3A_538, %dma_start3A_539] : memref<10112x128xf32, #tpu.memory_space<vmem_shared>> -> memref<10112x128xf32, #tpu.memory_space<vmem_shared>>
      tpu.enqueue_indirect_dma source(%arg9 : memref<80x128xf32, #tpu.memory_space<vmem>>) target(%dma_start3A_540 : memref<10112x128xf32, #tpu.memory_space<vmem_shared>>) offsets(%dma_start3A_537 : memref<80xi32, #tpu.memory_space<vmem>>) semaphore(%arg17 : memref<!tpu.dma_semaphore, #tpu.memory_space<semaphore_mem>>) {add = true}
      %dma_wait3A_541 = arith.constant 17 : i32
      %dma_wait3A_542 = arith.constant 0 : i32
      %dma_wait3A_543 = tpu.memref_slice %arg7[%dma_wait3A_541, %dma_wait3A_542] : memref<25x80xi32, #tpu.memory_space<vmem>> -> memref<1x80xi32, #tpu.memory_space<vmem>>
      %dma_wait3A_544 = tpu.memref_squeeze %dma_wait3A_543 : memref<1x80xi32, #tpu.memory_space<vmem>> -> memref<80xi32, #tpu.memory_space<vmem>>
      %dma_wait3A_545 = arith.constant 0 : i32
      %dma_wait3A_546 = arith.constant 0 : i32
      %dma_wait3A_547 = tpu.memref_slice %arg20[%dma_wait3A_545, %dma_wait3A_546] : memref<10112x128xf32, #tpu.memory_space<vmem_shared>> -> memref<10112x128xf32, #tpu.memory_space<vmem_shared>>
      tpu.wait_indirect_dma semaphore(%arg17 : memref<!tpu.dma_semaphore, #tpu.memory_space<semaphore_mem>>) src(%arg9 : memref<80x128xf32, #tpu.memory_space<vmem>>) dst(%dma_wait3A_547 : memref<10112x128xf32, #tpu.memory_space<vmem_shared>>)
      %dma_start3A_548 = arith.constant 21 : i32
      %dma_start3A_549 = arith.constant 0 : i32
      %dma_start3A_550 = tpu.memref_slice %arg6[%dma_start3A_548, %dma_start3A_549] : memref<25x80xi32, #tpu.memory_space<vmem>> -> memref<1x80xi32, #tpu.memory_space<vmem>>
      %dma_start3A_551 = tpu.memref_squeeze %dma_start3A_550 : memref<1x80xi32, #tpu.memory_space<vmem>> -> memref<80xi32, #tpu.memory_space<vmem>>
      %dma_start3A_552 = arith.constant 0 : i32
      %dma_start3A_553 = arith.constant 0 : i32
      %dma_start3A_554 = tpu.memref_slice %arg2[%dma_start3A_552, %dma_start3A_553] : memref<10000x128xf32, #tpu.memory_space<hbm>> -> memref<10000x128xf32, #tpu.memory_space<hbm>>
      tpu.enqueue_indirect_dma source(%dma_start3A_554 : memref<10000x128xf32, #tpu.memory_space<hbm>>) target(%arg9 : memref<80x128xf32, #tpu.memory_space<vmem>>) offsets(%dma_start3A_551 : memref<80xi32, #tpu.memory_space<vmem>>) semaphore(%arg13 : memref<!tpu.dma_semaphore, #tpu.memory_space<semaphore_mem>>)
      %dma_wait3A_555 = arith.constant 18 : i32
      %dma_wait3A_556 = arith.constant 0 : i32
      %dma_wait3A_557 = tpu.memref_slice %arg6[%dma_wait3A_555, %dma_wait3A_556] : memref<25x80xi32, #tpu.memory_space<vmem>> -> memref<1x80xi32, #tpu.memory_space<vmem>>
      %dma_wait3A_558 = tpu.memref_squeeze %dma_wait3A_557 : memref<1x80xi32, #tpu.memory_space<vmem>> -> memref<80xi32, #tpu.memory_space<vmem>>
      %dma_wait3A_559 = arith.constant 0 : i32
      %dma_wait3A_560 = arith.constant 0 : i32
      %dma_wait3A_561 = tpu.memref_slice %arg2[%dma_wait3A_559, %dma_wait3A_560] : memref<10000x128xf32, #tpu.memory_space<hbm>> -> memref<10000x128xf32, #tpu.memory_space<hbm>>
      tpu.wait_indirect_dma semaphore(%arg14 : memref<!tpu.dma_semaphore, #tpu.memory_space<semaphore_mem>>) src(%dma_wait3A_561 : memref<10000x128xf32, #tpu.memory_space<hbm>>) dst(%arg10 : memref<80x128xf32, #tpu.memory_space<vmem>>)
      %dma_start3A_562 = arith.constant 18 : i32
      %dma_start3A_563 = arith.constant 0 : i32
      %dma_start3A_564 = tpu.memref_slice %arg7[%dma_start3A_562, %dma_start3A_563] : memref<25x80xi32, #tpu.memory_space<vmem>> -> memref<1x80xi32, #tpu.memory_space<vmem>>
      %dma_start3A_565 = tpu.memref_squeeze %dma_start3A_564 : memref<1x80xi32, #tpu.memory_space<vmem>> -> memref<80xi32, #tpu.memory_space<vmem>>
      %dma_start3A_566 = arith.constant 0 : i32
      %dma_start3A_567 = arith.constant 0 : i32
      %dma_start3A_568 = tpu.memref_slice %arg20[%dma_start3A_566, %dma_start3A_567] : memref<10112x128xf32, #tpu.memory_space<vmem_shared>> -> memref<10112x128xf32, #tpu.memory_space<vmem_shared>>
      tpu.enqueue_indirect_dma source(%arg10 : memref<80x128xf32, #tpu.memory_space<vmem>>) target(%dma_start3A_568 : memref<10112x128xf32, #tpu.memory_space<vmem_shared>>) offsets(%dma_start3A_565 : memref<80xi32, #tpu.memory_space<vmem>>) semaphore(%arg18 : memref<!tpu.dma_semaphore, #tpu.memory_space<semaphore_mem>>) {add = true}
      %dma_wait3A_569 = arith.constant 18 : i32
      %dma_wait3A_570 = arith.constant 0 : i32
      %dma_wait3A_571 = tpu.memref_slice %arg7[%dma_wait3A_569, %dma_wait3A_570] : memref<25x80xi32, #tpu.memory_space<vmem>> -> memref<1x80xi32, #tpu.memory_space<vmem>>
      %dma_wait3A_572 = tpu.memref_squeeze %dma_wait3A_571 : memref<1x80xi32, #tpu.memory_space<vmem>> -> memref<80xi32, #tpu.memory_space<vmem>>
      %dma_wait3A_573 = arith.constant 0 : i32
      %dma_wait3A_574 = arith.constant 0 : i32
      %dma_wait3A_575 = tpu.memref_slice %arg20[%dma_wait3A_573, %dma_wait3A_574] : memref<10112x128xf32, #tpu.memory_space<vmem_shared>> -> memref<10112x128xf32, #tpu.memory_space<vmem_shared>>
      tpu.wait_indirect_dma semaphore(%arg18 : memref<!tpu.dma_semaphore, #tpu.memory_space<semaphore_mem>>) src(%arg10 : memref<80x128xf32, #tpu.memory_space<vmem>>) dst(%dma_wait3A_575 : memref<10112x128xf32, #tpu.memory_space<vmem_shared>>)
      %dma_start3A_576 = arith.constant 22 : i32
      %dma_start3A_577 = arith.constant 0 : i32
      %dma_start3A_578 = tpu.memref_slice %arg6[%dma_start3A_576, %dma_start3A_577] : memref<25x80xi32, #tpu.memory_space<vmem>> -> memref<1x80xi32, #tpu.memory_space<vmem>>
      %dma_start3A_579 = tpu.memref_squeeze %dma_start3A_578 : memref<1x80xi32, #tpu.memory_space<vmem>> -> memref<80xi32, #tpu.memory_space<vmem>>
      %dma_start3A_580 = arith.constant 0 : i32
      %dma_start3A_581 = arith.constant 0 : i32
      %dma_start3A_582 = tpu.memref_slice %arg2[%dma_start3A_580, %dma_start3A_581] : memref<10000x128xf32, #tpu.memory_space<hbm>> -> memref<10000x128xf32, #tpu.memory_space<hbm>>
      tpu.enqueue_indirect_dma source(%dma_start3A_582 : memref<10000x128xf32, #tpu.memory_space<hbm>>) target(%arg10 : memref<80x128xf32, #tpu.memory_space<vmem>>) offsets(%dma_start3A_579 : memref<80xi32, #tpu.memory_space<vmem>>) semaphore(%arg14 : memref<!tpu.dma_semaphore, #tpu.memory_space<semaphore_mem>>)
      %dma_wait3A_583 = arith.constant 19 : i32
      %dma_wait3A_584 = arith.constant 0 : i32
      %dma_wait3A_585 = tpu.memref_slice %arg6[%dma_wait3A_583, %dma_wait3A_584] : memref<25x80xi32, #tpu.memory_space<vmem>> -> memref<1x80xi32, #tpu.memory_space<vmem>>
      %dma_wait3A_586 = tpu.memref_squeeze %dma_wait3A_585 : memref<1x80xi32, #tpu.memory_space<vmem>> -> memref<80xi32, #tpu.memory_space<vmem>>
      %dma_wait3A_587 = arith.constant 0 : i32
      %dma_wait3A_588 = arith.constant 0 : i32
      %dma_wait3A_589 = tpu.memref_slice %arg2[%dma_wait3A_587, %dma_wait3A_588] : memref<10000x128xf32, #tpu.memory_space<hbm>> -> memref<10000x128xf32, #tpu.memory_space<hbm>>
      tpu.wait_indirect_dma semaphore(%arg15 : memref<!tpu.dma_semaphore, #tpu.memory_space<semaphore_mem>>) src(%dma_wait3A_589 : memref<10000x128xf32, #tpu.memory_space<hbm>>) dst(%arg11 : memref<80x128xf32, #tpu.memory_space<vmem>>)
      %dma_start3A_590 = arith.constant 19 : i32
      %dma_start3A_591 = arith.constant 0 : i32
      %dma_start3A_592 = tpu.memref_slice %arg7[%dma_start3A_590, %dma_start3A_591] : memref<25x80xi32, #tpu.memory_space<vmem>> -> memref<1x80xi32, #tpu.memory_space<vmem>>
      %dma_start3A_593 = tpu.memref_squeeze %dma_start3A_592 : memref<1x80xi32, #tpu.memory_space<vmem>> -> memref<80xi32, #tpu.memory_space<vmem>>
      %dma_start3A_594 = arith.constant 0 : i32
      %dma_start3A_595 = arith.constant 0 : i32
      %dma_start3A_596 = tpu.memref_slice %arg20[%dma_start3A_594, %dma_start3A_595] : memref<10112x128xf32, #tpu.memory_space<vmem_shared>> -> memref<10112x128xf32, #tpu.memory_space<vmem_shared>>
      tpu.enqueue_indirect_dma source(%arg11 : memref<80x128xf32, #tpu.memory_space<vmem>>) target(%dma_start3A_596 : memref<10112x128xf32, #tpu.memory_space<vmem_shared>>) offsets(%dma_start3A_593 : memref<80xi32, #tpu.memory_space<vmem>>) semaphore(%arg19 : memref<!tpu.dma_semaphore, #tpu.memory_space<semaphore_mem>>) {add = true}
      %dma_wait3A_597 = arith.constant 19 : i32
      %dma_wait3A_598 = arith.constant 0 : i32
      %dma_wait3A_599 = tpu.memref_slice %arg7[%dma_wait3A_597, %dma_wait3A_598] : memref<25x80xi32, #tpu.memory_space<vmem>> -> memref<1x80xi32, #tpu.memory_space<vmem>>
      %dma_wait3A_600 = tpu.memref_squeeze %dma_wait3A_599 : memref<1x80xi32, #tpu.memory_space<vmem>> -> memref<80xi32, #tpu.memory_space<vmem>>
      %dma_wait3A_601 = arith.constant 0 : i32
      %dma_wait3A_602 = arith.constant 0 : i32
      %dma_wait3A_603 = tpu.memref_slice %arg20[%dma_wait3A_601, %dma_wait3A_602] : memref<10112x128xf32, #tpu.memory_space<vmem_shared>> -> memref<10112x128xf32, #tpu.memory_space<vmem_shared>>
      tpu.wait_indirect_dma semaphore(%arg19 : memref<!tpu.dma_semaphore, #tpu.memory_space<semaphore_mem>>) src(%arg11 : memref<80x128xf32, #tpu.memory_space<vmem>>) dst(%dma_wait3A_603 : memref<10112x128xf32, #tpu.memory_space<vmem_shared>>)
      %dma_start3A_604 = arith.constant 23 : i32
      %dma_start3A_605 = arith.constant 0 : i32
      %dma_start3A_606 = tpu.memref_slice %arg6[%dma_start3A_604, %dma_start3A_605] : memref<25x80xi32, #tpu.memory_space<vmem>> -> memref<1x80xi32, #tpu.memory_space<vmem>>
      %dma_start3A_607 = tpu.memref_squeeze %dma_start3A_606 : memref<1x80xi32, #tpu.memory_space<vmem>> -> memref<80xi32, #tpu.memory_space<vmem>>
      %dma_start3A_608 = arith.constant 0 : i32
      %dma_start3A_609 = arith.constant 0 : i32
      %dma_start3A_610 = tpu.memref_slice %arg2[%dma_start3A_608, %dma_start3A_609] : memref<10000x128xf32, #tpu.memory_space<hbm>> -> memref<10000x128xf32, #tpu.memory_space<hbm>>
      tpu.enqueue_indirect_dma source(%dma_start3A_610 : memref<10000x128xf32, #tpu.memory_space<hbm>>) target(%arg11 : memref<80x128xf32, #tpu.memory_space<vmem>>) offsets(%dma_start3A_607 : memref<80xi32, #tpu.memory_space<vmem>>) semaphore(%arg15 : memref<!tpu.dma_semaphore, #tpu.memory_space<semaphore_mem>>)
      %dma_wait3A_611 = arith.constant 20 : i32
      %dma_wait3A_612 = arith.constant 0 : i32
      %dma_wait3A_613 = tpu.memref_slice %arg6[%dma_wait3A_611, %dma_wait3A_612] : memref<25x80xi32, #tpu.memory_space<vmem>> -> memref<1x80xi32, #tpu.memory_space<vmem>>
      %dma_wait3A_614 = tpu.memref_squeeze %dma_wait3A_613 : memref<1x80xi32, #tpu.memory_space<vmem>> -> memref<80xi32, #tpu.memory_space<vmem>>
      %dma_wait3A_615 = arith.constant 0 : i32
      %dma_wait3A_616 = arith.constant 0 : i32
      %dma_wait3A_617 = tpu.memref_slice %arg2[%dma_wait3A_615, %dma_wait3A_616] : memref<10000x128xf32, #tpu.memory_space<hbm>> -> memref<10000x128xf32, #tpu.memory_space<hbm>>
      tpu.wait_indirect_dma semaphore(%arg12 : memref<!tpu.dma_semaphore, #tpu.memory_space<semaphore_mem>>) src(%dma_wait3A_617 : memref<10000x128xf32, #tpu.memory_space<hbm>>) dst(%arg8 : memref<80x128xf32, #tpu.memory_space<vmem>>)
      %dma_start3A_618 = arith.constant 20 : i32
      %dma_start3A_619 = arith.constant 0 : i32
      %dma_start3A_620 = tpu.memref_slice %arg7[%dma_start3A_618, %dma_start3A_619] : memref<25x80xi32, #tpu.memory_space<vmem>> -> memref<1x80xi32, #tpu.memory_space<vmem>>
      %dma_start3A_621 = tpu.memref_squeeze %dma_start3A_620 : memref<1x80xi32, #tpu.memory_space<vmem>> -> memref<80xi32, #tpu.memory_space<vmem>>
      %dma_start3A_622 = arith.constant 0 : i32
      %dma_start3A_623 = arith.constant 0 : i32
      %dma_start3A_624 = tpu.memref_slice %arg20[%dma_start3A_622, %dma_start3A_623] : memref<10112x128xf32, #tpu.memory_space<vmem_shared>> -> memref<10112x128xf32, #tpu.memory_space<vmem_shared>>
      tpu.enqueue_indirect_dma source(%arg8 : memref<80x128xf32, #tpu.memory_space<vmem>>) target(%dma_start3A_624 : memref<10112x128xf32, #tpu.memory_space<vmem_shared>>) offsets(%dma_start3A_621 : memref<80xi32, #tpu.memory_space<vmem>>) semaphore(%arg16 : memref<!tpu.dma_semaphore, #tpu.memory_space<semaphore_mem>>) {add = true}
      %dma_wait3A_625 = arith.constant 20 : i32
      %dma_wait3A_626 = arith.constant 0 : i32
      %dma_wait3A_627 = tpu.memref_slice %arg7[%dma_wait3A_625, %dma_wait3A_626] : memref<25x80xi32, #tpu.memory_space<vmem>> -> memref<1x80xi32, #tpu.memory_space<vmem>>
      %dma_wait3A_628 = tpu.memref_squeeze %dma_wait3A_627 : memref<1x80xi32, #tpu.memory_space<vmem>> -> memref<80xi32, #tpu.memory_space<vmem>>
      %dma_wait3A_629 = arith.constant 0 : i32
      %dma_wait3A_630 = arith.constant 0 : i32
      %dma_wait3A_631 = tpu.memref_slice %arg20[%dma_wait3A_629, %dma_wait3A_630] : memref<10112x128xf32, #tpu.memory_space<vmem_shared>> -> memref<10112x128xf32, #tpu.memory_space<vmem_shared>>
      tpu.wait_indirect_dma semaphore(%arg16 : memref<!tpu.dma_semaphore, #tpu.memory_space<semaphore_mem>>) src(%arg8 : memref<80x128xf32, #tpu.memory_space<vmem>>) dst(%dma_wait3A_631 : memref<10112x128xf32, #tpu.memory_space<vmem_shared>>)
      %dma_start3A_632 = arith.constant 24 : i32
      %dma_start3A_633 = arith.constant 0 : i32
      %dma_start3A_634 = tpu.memref_slice %arg6[%dma_start3A_632, %dma_start3A_633] : memref<25x80xi32, #tpu.memory_space<vmem>> -> memref<1x80xi32, #tpu.memory_space<vmem>>
      %dma_start3A_635 = tpu.memref_squeeze %dma_start3A_634 : memref<1x80xi32, #tpu.memory_space<vmem>> -> memref<80xi32, #tpu.memory_space<vmem>>
      %dma_start3A_636 = arith.constant 0 : i32
      %dma_start3A_637 = arith.constant 0 : i32
      %dma_start3A_638 = tpu.memref_slice %arg2[%dma_start3A_636, %dma_start3A_637] : memref<10000x128xf32, #tpu.memory_space<hbm>> -> memref<10000x128xf32, #tpu.memory_space<hbm>>
      tpu.enqueue_indirect_dma source(%dma_start3A_638 : memref<10000x128xf32, #tpu.memory_space<hbm>>) target(%arg8 : memref<80x128xf32, #tpu.memory_space<vmem>>) offsets(%dma_start3A_635 : memref<80xi32, #tpu.memory_space<vmem>>) semaphore(%arg12 : memref<!tpu.dma_semaphore, #tpu.memory_space<semaphore_mem>>)
      %dma_wait3A_639 = arith.constant 21 : i32
      %dma_wait3A_640 = arith.constant 0 : i32
      %dma_wait3A_641 = tpu.memref_slice %arg6[%dma_wait3A_639, %dma_wait3A_640] : memref<25x80xi32, #tpu.memory_space<vmem>> -> memref<1x80xi32, #tpu.memory_space<vmem>>
      %dma_wait3A_642 = tpu.memref_squeeze %dma_wait3A_641 : memref<1x80xi32, #tpu.memory_space<vmem>> -> memref<80xi32, #tpu.memory_space<vmem>>
      %dma_wait3A_643 = arith.constant 0 : i32
      %dma_wait3A_644 = arith.constant 0 : i32
      %dma_wait3A_645 = tpu.memref_slice %arg2[%dma_wait3A_643, %dma_wait3A_644] : memref<10000x128xf32, #tpu.memory_space<hbm>> -> memref<10000x128xf32, #tpu.memory_space<hbm>>
      tpu.wait_indirect_dma semaphore(%arg13 : memref<!tpu.dma_semaphore, #tpu.memory_space<semaphore_mem>>) src(%dma_wait3A_645 : memref<10000x128xf32, #tpu.memory_space<hbm>>) dst(%arg9 : memref<80x128xf32, #tpu.memory_space<vmem>>)
      %dma_start3A_646 = arith.constant 21 : i32
      %dma_start3A_647 = arith.constant 0 : i32
      %dma_start3A_648 = tpu.memref_slice %arg7[%dma_start3A_646, %dma_start3A_647] : memref<25x80xi32, #tpu.memory_space<vmem>> -> memref<1x80xi32, #tpu.memory_space<vmem>>
      %dma_start3A_649 = tpu.memref_squeeze %dma_start3A_648 : memref<1x80xi32, #tpu.memory_space<vmem>> -> memref<80xi32, #tpu.memory_space<vmem>>
      %dma_start3A_650 = arith.constant 0 : i32
      %dma_start3A_651 = arith.constant 0 : i32
      %dma_start3A_652 = tpu.memref_slice %arg20[%dma_start3A_650, %dma_start3A_651] : memref<10112x128xf32, #tpu.memory_space<vmem_shared>> -> memref<10112x128xf32, #tpu.memory_space<vmem_shared>>
      tpu.enqueue_indirect_dma source(%arg9 : memref<80x128xf32, #tpu.memory_space<vmem>>) target(%dma_start3A_652 : memref<10112x128xf32, #tpu.memory_space<vmem_shared>>) offsets(%dma_start3A_649 : memref<80xi32, #tpu.memory_space<vmem>>) semaphore(%arg17 : memref<!tpu.dma_semaphore, #tpu.memory_space<semaphore_mem>>) {add = true}
      %dma_wait3A_653 = arith.constant 22 : i32
      %dma_wait3A_654 = arith.constant 0 : i32
      %dma_wait3A_655 = tpu.memref_slice %arg6[%dma_wait3A_653, %dma_wait3A_654] : memref<25x80xi32, #tpu.memory_space<vmem>> -> memref<1x80xi32, #tpu.memory_space<vmem>>
      %dma_wait3A_656 = tpu.memref_squeeze %dma_wait3A_655 : memref<1x80xi32, #tpu.memory_space<vmem>> -> memref<80xi32, #tpu.memory_space<vmem>>
      %dma_wait3A_657 = arith.constant 0 : i32
      %dma_wait3A_658 = arith.constant 0 : i32
      %dma_wait3A_659 = tpu.memref_slice %arg2[%dma_wait3A_657, %dma_wait3A_658] : memref<10000x128xf32, #tpu.memory_space<hbm>> -> memref<10000x128xf32, #tpu.memory_space<hbm>>
      tpu.wait_indirect_dma semaphore(%arg14 : memref<!tpu.dma_semaphore, #tpu.memory_space<semaphore_mem>>) src(%dma_wait3A_659 : memref<10000x128xf32, #tpu.memory_space<hbm>>) dst(%arg10 : memref<80x128xf32, #tpu.memory_space<vmem>>)
      %dma_start3A_660 = arith.constant 22 : i32
      %dma_start3A_661 = arith.constant 0 : i32
      %dma_start3A_662 = tpu.memref_slice %arg7[%dma_start3A_660, %dma_start3A_661] : memref<25x80xi32, #tpu.memory_space<vmem>> -> memref<1x80xi32, #tpu.memory_space<vmem>>
      %dma_start3A_663 = tpu.memref_squeeze %dma_start3A_662 : memref<1x80xi32, #tpu.memory_space<vmem>> -> memref<80xi32, #tpu.memory_space<vmem>>
      %dma_start3A_664 = arith.constant 0 : i32
      %dma_start3A_665 = arith.constant 0 : i32
      %dma_start3A_666 = tpu.memref_slice %arg20[%dma_start3A_664, %dma_start3A_665] : memref<10112x128xf32, #tpu.memory_space<vmem_shared>> -> memref<10112x128xf32, #tpu.memory_space<vmem_shared>>
      tpu.enqueue_indirect_dma source(%arg10 : memref<80x128xf32, #tpu.memory_space<vmem>>) target(%dma_start3A_666 : memref<10112x128xf32, #tpu.memory_space<vmem_shared>>) offsets(%dma_start3A_663 : memref<80xi32, #tpu.memory_space<vmem>>) semaphore(%arg18 : memref<!tpu.dma_semaphore, #tpu.memory_space<semaphore_mem>>) {add = true}
      %dma_wait3A_667 = arith.constant 23 : i32
      %dma_wait3A_668 = arith.constant 0 : i32
      %dma_wait3A_669 = tpu.memref_slice %arg6[%dma_wait3A_667, %dma_wait3A_668] : memref<25x80xi32, #tpu.memory_space<vmem>> -> memref<1x80xi32, #tpu.memory_space<vmem>>
      %dma_wait3A_670 = tpu.memref_squeeze %dma_wait3A_669 : memref<1x80xi32, #tpu.memory_space<vmem>> -> memref<80xi32, #tpu.memory_space<vmem>>
      %dma_wait3A_671 = arith.constant 0 : i32
      %dma_wait3A_672 = arith.constant 0 : i32
      %dma_wait3A_673 = tpu.memref_slice %arg2[%dma_wait3A_671, %dma_wait3A_672] : memref<10000x128xf32, #tpu.memory_space<hbm>> -> memref<10000x128xf32, #tpu.memory_space<hbm>>
      tpu.wait_indirect_dma semaphore(%arg15 : memref<!tpu.dma_semaphore, #tpu.memory_space<semaphore_mem>>) src(%dma_wait3A_673 : memref<10000x128xf32, #tpu.memory_space<hbm>>) dst(%arg11 : memref<80x128xf32, #tpu.memory_space<vmem>>)
      %dma_start3A_674 = arith.constant 23 : i32
      %dma_start3A_675 = arith.constant 0 : i32
      %dma_start3A_676 = tpu.memref_slice %arg7[%dma_start3A_674, %dma_start3A_675] : memref<25x80xi32, #tpu.memory_space<vmem>> -> memref<1x80xi32, #tpu.memory_space<vmem>>
      %dma_start3A_677 = tpu.memref_squeeze %dma_start3A_676 : memref<1x80xi32, #tpu.memory_space<vmem>> -> memref<80xi32, #tpu.memory_space<vmem>>
      %dma_start3A_678 = arith.constant 0 : i32
      %dma_start3A_679 = arith.constant 0 : i32
      %dma_start3A_680 = tpu.memref_slice %arg20[%dma_start3A_678, %dma_start3A_679] : memref<10112x128xf32, #tpu.memory_space<vmem_shared>> -> memref<10112x128xf32, #tpu.memory_space<vmem_shared>>
      tpu.enqueue_indirect_dma source(%arg11 : memref<80x128xf32, #tpu.memory_space<vmem>>) target(%dma_start3A_680 : memref<10112x128xf32, #tpu.memory_space<vmem_shared>>) offsets(%dma_start3A_677 : memref<80xi32, #tpu.memory_space<vmem>>) semaphore(%arg19 : memref<!tpu.dma_semaphore, #tpu.memory_space<semaphore_mem>>) {add = true}
      %dma_wait3A_681 = arith.constant 24 : i32
      %dma_wait3A_682 = arith.constant 0 : i32
      %dma_wait3A_683 = tpu.memref_slice %arg6[%dma_wait3A_681, %dma_wait3A_682] : memref<25x80xi32, #tpu.memory_space<vmem>> -> memref<1x80xi32, #tpu.memory_space<vmem>>
      %dma_wait3A_684 = tpu.memref_squeeze %dma_wait3A_683 : memref<1x80xi32, #tpu.memory_space<vmem>> -> memref<80xi32, #tpu.memory_space<vmem>>
      %dma_wait3A_685 = arith.constant 0 : i32
      %dma_wait3A_686 = arith.constant 0 : i32
      %dma_wait3A_687 = tpu.memref_slice %arg2[%dma_wait3A_685, %dma_wait3A_686] : memref<10000x128xf32, #tpu.memory_space<hbm>> -> memref<10000x128xf32, #tpu.memory_space<hbm>>
      tpu.wait_indirect_dma semaphore(%arg12 : memref<!tpu.dma_semaphore, #tpu.memory_space<semaphore_mem>>) src(%dma_wait3A_687 : memref<10000x128xf32, #tpu.memory_space<hbm>>) dst(%arg8 : memref<80x128xf32, #tpu.memory_space<vmem>>)
      %dma_start3A_688 = arith.constant 24 : i32
      %dma_start3A_689 = arith.constant 0 : i32
      %dma_start3A_690 = tpu.memref_slice %arg7[%dma_start3A_688, %dma_start3A_689] : memref<25x80xi32, #tpu.memory_space<vmem>> -> memref<1x80xi32, #tpu.memory_space<vmem>>
      %dma_start3A_691 = tpu.memref_squeeze %dma_start3A_690 : memref<1x80xi32, #tpu.memory_space<vmem>> -> memref<80xi32, #tpu.memory_space<vmem>>
      %dma_start3A_692 = arith.constant 0 : i32
      %dma_start3A_693 = arith.constant 0 : i32
      %dma_start3A_694 = tpu.memref_slice %arg20[%dma_start3A_692, %dma_start3A_693] : memref<10112x128xf32, #tpu.memory_space<vmem_shared>> -> memref<10112x128xf32, #tpu.memory_space<vmem_shared>>
      tpu.enqueue_indirect_dma source(%arg8 : memref<80x128xf32, #tpu.memory_space<vmem>>) target(%dma_start3A_694 : memref<10112x128xf32, #tpu.memory_space<vmem_shared>>) offsets(%dma_start3A_691 : memref<80xi32, #tpu.memory_space<vmem>>) semaphore(%arg16 : memref<!tpu.dma_semaphore, #tpu.memory_space<semaphore_mem>>) {add = true}
      %dma_wait3A_695 = arith.constant 21 : i32
      %dma_wait3A_696 = arith.constant 0 : i32
      %dma_wait3A_697 = tpu.memref_slice %arg7[%dma_wait3A_695, %dma_wait3A_696] : memref<25x80xi32, #tpu.memory_space<vmem>> -> memref<1x80xi32, #tpu.memory_space<vmem>>
      %dma_wait3A_698 = tpu.memref_squeeze %dma_wait3A_697 : memref<1x80xi32, #tpu.memory_space<vmem>> -> memref<80xi32, #tpu.memory_space<vmem>>
      %dma_wait3A_699 = arith.constant 0 : i32
      %dma_wait3A_700 = arith.constant 0 : i32
      %dma_wait3A_701 = tpu.memref_slice %arg20[%dma_wait3A_699, %dma_wait3A_700] : memref<10112x128xf32, #tpu.memory_space<vmem_shared>> -> memref<10112x128xf32, #tpu.memory_space<vmem_shared>>
      tpu.wait_indirect_dma semaphore(%arg17 : memref<!tpu.dma_semaphore, #tpu.memory_space<semaphore_mem>>) src(%arg9 : memref<80x128xf32, #tpu.memory_space<vmem>>) dst(%dma_wait3A_701 : memref<10112x128xf32, #tpu.memory_space<vmem_shared>>)
      %dma_wait3A_702 = arith.constant 22 : i32
      %dma_wait3A_703 = arith.constant 0 : i32
      %dma_wait3A_704 = tpu.memref_slice %arg7[%dma_wait3A_702, %dma_wait3A_703] : memref<25x80xi32, #tpu.memory_space<vmem>> -> memref<1x80xi32, #tpu.memory_space<vmem>>
      %dma_wait3A_705 = tpu.memref_squeeze %dma_wait3A_704 : memref<1x80xi32, #tpu.memory_space<vmem>> -> memref<80xi32, #tpu.memory_space<vmem>>
      %dma_wait3A_706 = arith.constant 0 : i32
      %dma_wait3A_707 = arith.constant 0 : i32
      %dma_wait3A_708 = tpu.memref_slice %arg20[%dma_wait3A_706, %dma_wait3A_707] : memref<10112x128xf32, #tpu.memory_space<vmem_shared>> -> memref<10112x128xf32, #tpu.memory_space<vmem_shared>>
      tpu.wait_indirect_dma semaphore(%arg18 : memref<!tpu.dma_semaphore, #tpu.memory_space<semaphore_mem>>) src(%arg10 : memref<80x128xf32, #tpu.memory_space<vmem>>) dst(%dma_wait3A_708 : memref<10112x128xf32, #tpu.memory_space<vmem_shared>>)
      %dma_wait3A_709 = arith.constant 23 : i32
      %dma_wait3A_710 = arith.constant 0 : i32
      %dma_wait3A_711 = tpu.memref_slice %arg7[%dma_wait3A_709, %dma_wait3A_710] : memref<25x80xi32, #tpu.memory_space<vmem>> -> memref<1x80xi32, #tpu.memory_space<vmem>>
      %dma_wait3A_712 = tpu.memref_squeeze %dma_wait3A_711 : memref<1x80xi32, #tpu.memory_space<vmem>> -> memref<80xi32, #tpu.memory_space<vmem>>
      %dma_wait3A_713 = arith.constant 0 : i32
      %dma_wait3A_714 = arith.constant 0 : i32
      %dma_wait3A_715 = tpu.memref_slice %arg20[%dma_wait3A_713, %dma_wait3A_714] : memref<10112x128xf32, #tpu.memory_space<vmem_shared>> -> memref<10112x128xf32, #tpu.memory_space<vmem_shared>>
      tpu.wait_indirect_dma semaphore(%arg19 : memref<!tpu.dma_semaphore, #tpu.memory_space<semaphore_mem>>) src(%arg11 : memref<80x128xf32, #tpu.memory_space<vmem>>) dst(%dma_wait3A_715 : memref<10112x128xf32, #tpu.memory_space<vmem_shared>>)
      %dma_wait3A_716 = arith.constant 24 : i32
      %dma_wait3A_717 = arith.constant 0 : i32
      %dma_wait3A_718 = tpu.memref_slice %arg7[%dma_wait3A_716, %dma_wait3A_717] : memref<25x80xi32, #tpu.memory_space<vmem>> -> memref<1x80xi32, #tpu.memory_space<vmem>>
      %dma_wait3A_719 = tpu.memref_squeeze %dma_wait3A_718 : memref<1x80xi32, #tpu.memory_space<vmem>> -> memref<80xi32, #tpu.memory_space<vmem>>
      %dma_wait3A_720 = arith.constant 0 : i32
      %dma_wait3A_721 = arith.constant 0 : i32
      %dma_wait3A_722 = tpu.memref_slice %arg20[%dma_wait3A_720, %dma_wait3A_721] : memref<10112x128xf32, #tpu.memory_space<vmem_shared>> -> memref<10112x128xf32, #tpu.memory_space<vmem_shared>>
      tpu.wait_indirect_dma semaphore(%arg16 : memref<!tpu.dma_semaphore, #tpu.memory_space<semaphore_mem>>) src(%arg8 : memref<80x128xf32, #tpu.memory_space<vmem>>) dst(%dma_wait3A_722 : memref<10112x128xf32, #tpu.memory_space<vmem_shared>>)
    }
    %scan3A_14 = arith.constant 5 : i32
    %barrier3A_15 = arith.constant 0 : index
    tpu.barrier barrier_id(%barrier3A_15)
    %mul3A_16 = arith.constant 632 : i32
    %mul3A_17 = arith.muli %arg1, %mul3A_16 : i32
    %mul3A_18 = arith.constant 632 : i32
    %mul3A_19 = arith.muli %arg1, %mul3A_18 : i32
    "tpu.region"() ({
      %run_scoped3A = tpu.sem_alloc : memref<!tpu.dma_semaphore, #tpu.memory_space<semaphore_mem>>
      %dma_start3A = arith.constant 0 : i32
      %dma_start3A_20 = tpu.memref_slice %arg5[%arg0, %mul3A_19, %dma_start3A] : memref<2x10112x128xf32, #tpu.memory_space<hbm>> -> memref<1x632x128xf32, #tpu.memory_space<hbm>>
      %dma_start3A_21 = tpu.memref_squeeze %dma_start3A_20 : memref<1x632x128xf32, #tpu.memory_space<hbm>> -> memref<632x128xf32, #tpu.memory_space<hbm>>
      %dma_start3A_22 = arith.constant 0 : i32
      %dma_start3A_23 = tpu.memref_slice %arg20[%mul3A_17, %dma_start3A_22] : memref<10112x128xf32, #tpu.memory_space<vmem_shared>> -> memref<632x128xf32, #tpu.memory_space<vmem_shared>>
      tpu.enqueue_dma source(%dma_start3A_23 : memref<632x128xf32, #tpu.memory_space<vmem_shared>>) target(%dma_start3A_21 : memref<632x128xf32, #tpu.memory_space<hbm>>) target_semaphore(%run_scoped3A : memref<!tpu.dma_semaphore, #tpu.memory_space<semaphore_mem>>)
      %dma_wait3A = arith.constant 0 : i32
      %dma_wait3A_24 = tpu.memref_slice %arg5[%arg0, %mul3A_19, %dma_wait3A] : memref<2x10112x128xf32, #tpu.memory_space<hbm>> -> memref<1x632x128xf32, #tpu.memory_space<hbm>>
      %dma_wait3A_25 = tpu.memref_squeeze %dma_wait3A_24 : memref<1x632x128xf32, #tpu.memory_space<hbm>> -> memref<632x128xf32, #tpu.memory_space<hbm>>
      %dma_wait3A_26 = arith.constant 0 : i32
      %dma_wait3A_27 = tpu.memref_slice %arg20[%mul3A_17, %dma_wait3A_26] : memref<10112x128xf32, #tpu.memory_space<vmem_shared>> -> memref<632x128xf32, #tpu.memory_space<vmem_shared>>
      tpu.wait_dma2 semaphore(%run_scoped3A : memref<!tpu.dma_semaphore, #tpu.memory_space<semaphore_mem>>) src(%dma_wait3A_27 : memref<632x128xf32, #tpu.memory_space<vmem_shared>>) dst(%dma_wait3A_25 : memref<632x128xf32, #tpu.memory_space<hbm>>)
      tpu.yield
    }) : () -> ()
    return
  }
}

module attributes {stable_mosaic.version = 14 : i64} {
  func.func @_mm1s_body(%arg0: i32, %arg1: memref<5000x128xf32, #tpu.memory_space<vmem>>, %arg2: memref<128x128xf32, #tpu.memory_space<vmem>>, %arg3: memref<2x5000x128xf32, #tpu.memory_space<vmem>>, %arg4: memref<5000x128xf32, #tpu.memory_space<vmem>>) attributes {dimension_semantics = [#tpu.dimension_semantics<arbitrary>], iteration_bounds = array<i64: 2>, scalar_prefetch = 0 : i64, scratch_operands = 0 : i64, tpu.core_type = #tpu.core_type<tc>, window_params = [{transform_indices = @transform_0, window_bounds = array<i64: 5000, 128>}, {pipeline_mode = #tpu.pipeline_mode<synchronous>, transform_indices = @transform_1, window_bounds = array<i64: 128, 128>}, {transform_indices = @transform_2, window_bounds = array<i64: 2, 5000, 128>}, {transform_indices = @transform_3, window_bounds = array<i64: 5000, 128>}]} {
    %get3A = arith.constant 0 : index
    %get3A_0 = arith.constant 0 : index
    %get3A_1 = arith.constant 0 : index
    %get3A_2 = vector.load %arg3[%get3A, %get3A_0, %get3A_1] : memref<2x5000x128xf32, #tpu.memory_space<vmem>>, vector<2x5000x128xf32>
    %slice3A = vector.extract_strided_slice %get3A_2 {offsets = [0, 0, 0], sizes = [1, 5000, 1], strides = [1, 1, 1]} : vector<2x5000x128xf32> to vector<1x5000x1xf32>
    %squeeze3A = vector.shape_cast %slice3A : vector<1x5000x1xf32> to vector<5000xf32>
    %slice3A_3 = vector.extract_strided_slice %get3A_2 {offsets = [1, 0, 0], sizes = [1, 5000, 1], strides = [1, 1, 1]} : vector<2x5000x128xf32> to vector<1x5000x1xf32>
    %squeeze3A_4 = vector.shape_cast %slice3A_3 : vector<1x5000x1xf32> to vector<5000xf32>
    %add3A = arith.addf %squeeze3A, %squeeze3A_4 : vector<5000xf32>
    %add3A_5 = arith.constant 1.000000e+00 : f32
    %add3A_6 = vector.broadcast %add3A_5 : f32 to vector<5000xf32>
    %add3A_7 = arith.addf %add3A, %add3A_6 : vector<5000xf32>
    %rsqrt3A = math.rsqrt %add3A_7 : vector<5000xf32>
    %broadcast_in_dim3A = vector.shape_cast %rsqrt3A : vector<5000xf32> to vector<5000x1xf32>
    %get3A_8 = arith.constant 0 : index
    %get3A_9 = arith.constant 0 : index
    %get3A_10 = vector.load %arg1[%get3A_8, %get3A_9] : memref<5000x128xf32, #tpu.memory_space<vmem>>, vector<5000x128xf32>
    %get3A_11 = arith.constant 0 : index
    %get3A_12 = arith.constant 0 : index
    %get3A_13 = vector.load %arg2[%get3A_11, %get3A_12] : memref<128x128xf32, #tpu.memory_space<vmem>>, vector<128x128xf32>
    %dot_general3A = arith.constant dense<0.000000e+00> : vector<5000x128xf32>
    %dot_general3A_14 = tpu.matmul %get3A_10, %get3A_13, %dot_general3A {dimension_numbers = #tpu.dot_dimension_numbers<[1], [0], [0], [1], [0, 0, 1, 1], [], []>, precision = #tpu.contract_precision<fp32>, transpose_lhs_hint = false} : vector<5000x128xf32>, vector<128x128xf32>, vector<5000x128xf32> -> vector<5000x128xf32>
    %mul3A = vector.broadcast %broadcast_in_dim3A : vector<5000x1xf32> to vector<5000x128xf32>
    %mul3A_15 = arith.mulf %dot_general3A_14, %mul3A : vector<5000x128xf32>
    %swap3A = arith.constant 0 : index
    %swap3A_16 = arith.constant 0 : index
    %swap3A_17 = vector.load %arg4[%swap3A, %swap3A_16] : memref<5000x128xf32, #tpu.memory_space<vmem>>, vector<5000x128xf32>
    tpu.vector_store %arg4[%swap3A, %swap3A_16], %mul3A_15 {strides = array<i32>} : memref<5000x128xf32, #tpu.memory_space<vmem>>, vector<5000x128xf32>,
    return
  }
  func.func @transform_0(%arg0: i32) -> (i32, i32) {
    %c0_i32 = arith.constant 0 : i32
    %c0_i32_0 = arith.constant 0 : i32
    return %arg0, %c0_i32 : i32, i32
  }
  func.func @transform_1(%arg0: i32) -> (i32, i32) {
    %c0_i32 = arith.constant 0 : i32
    %c0_i32_0 = arith.constant 0 : i32
    %c0_i32_1 = arith.constant 0 : i32
    return %c0_i32, %c0_i32_0 : i32, i32
  }
  func.func @transform_2(%arg0: i32) -> (i32, i32, i32) {
    %c0_i32 = arith.constant 0 : i32
    %c0_i32_0 = arith.constant 0 : i32
    %c0_i32_1 = arith.constant 0 : i32
    return %c0_i32, %arg0, %c0_i32_0 : i32, i32, i32
  }
  func.func @transform_3(%arg0: i32) -> (i32, i32) {
    %c0_i32 = arith.constant 0 : i32
    %c0_i32_0 = arith.constant 0 : i32
    return %arg0, %c0_i32 : i32, i32
  }
}

module attributes {stable_mosaic.version = 14 : i64} {
  func.func @_combine1_body(%arg0: i32, %arg1: memref<5000x128xf32, #tpu.memory_space<vmem>>, %arg2: memref<2x5000x128xf32, #tpu.memory_space<vmem>>, %arg3: memref<2x5000x128xf32, #tpu.memory_space<vmem>>, %arg4: memref<1x128xf32, #tpu.memory_space<vmem>>, %arg5: memref<5000x128xf32, #tpu.memory_space<vmem>>) attributes {dimension_semantics = [#tpu.dimension_semantics<arbitrary>], iteration_bounds = array<i64: 2>, scalar_prefetch = 0 : i64, scratch_operands = 0 : i64, tpu.core_type = #tpu.core_type<tc>, window_params = [{transform_indices = @transform_0, window_bounds = array<i64: 5000, 128>}, {transform_indices = @transform_1, window_bounds = array<i64: 2, 5000, 128>}, {transform_indices = @transform_2, window_bounds = array<i64: 2, 5000, 128>}, {pipeline_mode = #tpu.pipeline_mode<synchronous>, transform_indices = @transform_3, window_bounds = array<i64: 1, 128>}, {transform_indices = @transform_4, window_bounds = array<i64: 5000, 128>}]} {
    %get3A = arith.constant 0 : index
    %get3A_0 = arith.constant 0 : index
    %get3A_1 = arith.constant 0 : index
    %get3A_2 = vector.load %arg3[%get3A, %get3A_0, %get3A_1] : memref<2x5000x128xf32, #tpu.memory_space<vmem>>, vector<2x5000x128xf32>
    %slice3A = vector.extract_strided_slice %get3A_2 {offsets = [0, 0, 0], sizes = [1, 5000, 1], strides = [1, 1, 1]} : vector<2x5000x128xf32> to vector<1x5000x1xf32>
    %squeeze3A = vector.shape_cast %slice3A : vector<1x5000x1xf32> to vector<5000xf32>
    %slice3A_3 = vector.extract_strided_slice %get3A_2 {offsets = [1, 0, 0], sizes = [1, 5000, 1], strides = [1, 1, 1]} : vector<2x5000x128xf32> to vector<1x5000x1xf32>
    %squeeze3A_4 = vector.shape_cast %slice3A_3 : vector<1x5000x1xf32> to vector<5000xf32>
    %add3A = arith.addf %squeeze3A, %squeeze3A_4 : vector<5000xf32>
    %add3A_5 = arith.constant 1.000000e+00 : f32
    %add3A_6 = vector.broadcast %add3A_5 : f32 to vector<5000xf32>
    %add3A_7 = arith.addf %add3A, %add3A_6 : vector<5000xf32>
    %rsqrt3A = math.rsqrt %add3A_7 : vector<5000xf32>
    %broadcast_in_dim3A = vector.shape_cast %rsqrt3A : vector<5000xf32> to vector<5000x1xf32>
    %get3A_8 = arith.constant 0 : index
    %get3A_9 = arith.constant 0 : index
    %get3A_10 = arith.constant 0 : index
    %get3A_11 = vector.load %arg2[%get3A_8, %get3A_9, %get3A_10] : memref<2x5000x128xf32, #tpu.memory_space<vmem>>, vector<1x5000x128xf32>
    %get3A_12 = vector.shape_cast %get3A_11 : vector<1x5000x128xf32> to vector<5000x128xf32>
    %get3A_13 = arith.constant 1 : index
    %get3A_14 = arith.constant 0 : index
    %get3A_15 = arith.constant 0 : index
    %get3A_16 = vector.load %arg2[%get3A_13, %get3A_14, %get3A_15] : memref<2x5000x128xf32, #tpu.memory_space<vmem>>, vector<1x5000x128xf32>
    %get3A_17 = vector.shape_cast %get3A_16 : vector<1x5000x128xf32> to vector<5000x128xf32>
    %add3A_18 = arith.addf %get3A_12, %get3A_17 : vector<5000x128xf32>
    %get3A_19 = arith.constant 0 : index
    %get3A_20 = arith.constant 0 : index
    %get3A_21 = vector.load %arg1[%get3A_19, %get3A_20] : memref<5000x128xf32, #tpu.memory_space<vmem>>, vector<5000x128xf32>
    %add3A_22 = arith.addf %add3A_18, %get3A_21 : vector<5000x128xf32>
    %mul3A = vector.broadcast %broadcast_in_dim3A : vector<5000x1xf32> to vector<5000x128xf32>
    %mul3A_23 = arith.mulf %add3A_22, %mul3A : vector<5000x128xf32>
    %get3A_24 = arith.constant 0 : index
    %get3A_25 = arith.constant 0 : index
    %get3A_26 = vector.load %arg4[%get3A_24, %get3A_25] : memref<1x128xf32, #tpu.memory_space<vmem>>, vector<1x128xf32>
    %add3A_27 = vector.broadcast %get3A_26 : vector<1x128xf32> to vector<5000x128xf32>
    %add3A_28 = arith.addf %mul3A_23, %add3A_27 : vector<5000x128xf32>
    %max3A = arith.constant 0.000000e+00 : f32
    %max3A_29 = vector.broadcast %max3A : f32 to vector<5000x128xf32>
    %max3A_30 = arith.maximumf %add3A_28, %max3A_29 : vector<5000x128xf32>
    %mul3A_31 = vector.broadcast %broadcast_in_dim3A : vector<5000x1xf32> to vector<5000x128xf32>
    %mul3A_32 = arith.mulf %max3A_30, %mul3A_31 : vector<5000x128xf32>
    %swap3A = arith.constant 0 : index
    %swap3A_33 = arith.constant 0 : index
    %swap3A_34 = vector.load %arg5[%swap3A, %swap3A_33] : memref<5000x128xf32, #tpu.memory_space<vmem>>, vector<5000x128xf32>
    tpu.vector_store %arg5[%swap3A, %swap3A_33], %mul3A_32 {strides = array<i32>} : memref<5000x128xf32, #tpu.memory_space<vmem>>, vector<5000x128xf32>,
    return
  }
  func.func @transform_0(%arg0: i32) -> (i32, i32) {
    %c0_i32 = arith.constant 0 : i32
    %c0_i32_0 = arith.constant 0 : i32
    return %arg0, %c0_i32 : i32, i32
  }
  func.func @transform_1(%arg0: i32) -> (i32, i32, i32) {
    %c0_i32 = arith.constant 0 : i32
    %c0_i32_0 = arith.constant 0 : i32
    %c0_i32_1 = arith.constant 0 : i32
    return %c0_i32, %arg0, %c0_i32_0 : i32, i32, i32
  }
  func.func @transform_2(%arg0: i32) -> (i32, i32, i32) {
    %c0_i32 = arith.constant 0 : i32
    %c0_i32_0 = arith.constant 0 : i32
    %c0_i32_1 = arith.constant 0 : i32
    return %c0_i32, %arg0, %c0_i32_0 : i32, i32, i32
  }
  func.func @transform_3(%arg0: i32) -> (i32, i32) {
    %c0_i32 = arith.constant 0 : i32
    %c0_i32_0 = arith.constant 0 : i32
    %c0_i32_1 = arith.constant 0 : i32
    return %c0_i32, %c0_i32_0 : i32, i32
  }
  func.func @transform_4(%arg0: i32) -> (i32, i32) {
    %c0_i32 = arith.constant 0 : i32
    %c0_i32_0 = arith.constant 0 : i32
    return %arg0, %c0_i32 : i32, i32
  }
}

module attributes {stable_mosaic.version = 14 : i64} {
  func.func @_final_body(%arg0: i32, %arg1: memref<5000x128xf32, #tpu.memory_space<vmem>>, %arg2: memref<2x5000x128xf32, #tpu.memory_space<vmem>>, %arg3: memref<2x5000x128xf32, #tpu.memory_space<vmem>>, %arg4: memref<128x128xf32, #tpu.memory_space<vmem>>, %arg5: memref<1x128xf32, #tpu.memory_space<vmem>>, %arg6: memref<5000x64xf32, #tpu.memory_space<vmem>>, %arg7: memref<5000x64xf32, #tpu.memory_space<vmem>>) attributes {dimension_semantics = [#tpu.dimension_semantics<arbitrary>], iteration_bounds = array<i64: 2>, scalar_prefetch = 0 : i64, scratch_operands = 0 : i64, tpu.core_type = #tpu.core_type<tc>, window_params = [{transform_indices = @transform_0, window_bounds = array<i64: 5000, 128>}, {transform_indices = @transform_1, window_bounds = array<i64: 2, 5000, 128>}, {transform_indices = @transform_2, window_bounds = array<i64: 2, 5000, 128>}, {pipeline_mode = #tpu.pipeline_mode<synchronous>, transform_indices = @transform_3, window_bounds = array<i64: 128, 128>}, {pipeline_mode = #tpu.pipeline_mode<synchronous>, transform_indices = @transform_4, window_bounds = array<i64: 1, 128>}, {transform_indices = @transform_5, window_bounds = array<i64: 5000, 64>}, {transform_indices = @transform_6, window_bounds = array<i64: 5000, 64>}]} {
    %get3A = arith.constant 0 : index
    %get3A_0 = arith.constant 0 : index
    %get3A_1 = arith.constant 0 : index
    %get3A_2 = vector.load %arg3[%get3A, %get3A_0, %get3A_1] : memref<2x5000x128xf32, #tpu.memory_space<vmem>>, vector<2x5000x128xf32>
    %slice3A = vector.extract_strided_slice %get3A_2 {offsets = [0, 0, 0], sizes = [1, 5000, 1], strides = [1, 1, 1]} : vector<2x5000x128xf32> to vector<1x5000x1xf32>
    %squeeze3A = vector.shape_cast %slice3A : vector<1x5000x1xf32> to vector<5000xf32>
    %slice3A_3 = vector.extract_strided_slice %get3A_2 {offsets = [1, 0, 0], sizes = [1, 5000, 1], strides = [1, 1, 1]} : vector<2x5000x128xf32> to vector<1x5000x1xf32>
    %squeeze3A_4 = vector.shape_cast %slice3A_3 : vector<1x5000x1xf32> to vector<5000xf32>
    %add3A = arith.addf %squeeze3A, %squeeze3A_4 : vector<5000xf32>
    %add3A_5 = arith.constant 1.000000e+00 : f32
    %add3A_6 = vector.broadcast %add3A_5 : f32 to vector<5000xf32>
    %add3A_7 = arith.addf %add3A, %add3A_6 : vector<5000xf32>
    %rsqrt3A = math.rsqrt %add3A_7 : vector<5000xf32>
    %broadcast_in_dim3A = vector.shape_cast %rsqrt3A : vector<5000xf32> to vector<5000x1xf32>
    %get3A_8 = arith.constant 0 : index
    %get3A_9 = arith.constant 0 : index
    %get3A_10 = arith.constant 0 : index
    %get3A_11 = vector.load %arg2[%get3A_8, %get3A_9, %get3A_10] : memref<2x5000x128xf32, #tpu.memory_space<vmem>>, vector<1x5000x128xf32>
    %get3A_12 = vector.shape_cast %get3A_11 : vector<1x5000x128xf32> to vector<5000x128xf32>
    %get3A_13 = arith.constant 1 : index
    %get3A_14 = arith.constant 0 : index
    %get3A_15 = arith.constant 0 : index
    %get3A_16 = vector.load %arg2[%get3A_13, %get3A_14, %get3A_15] : memref<2x5000x128xf32, #tpu.memory_space<vmem>>, vector<1x5000x128xf32>
    %get3A_17 = vector.shape_cast %get3A_16 : vector<1x5000x128xf32> to vector<5000x128xf32>
    %add3A_18 = arith.addf %get3A_12, %get3A_17 : vector<5000x128xf32>
    %get3A_19 = arith.constant 0 : index
    %get3A_20 = arith.constant 0 : index
    %get3A_21 = vector.load %arg1[%get3A_19, %get3A_20] : memref<5000x128xf32, #tpu.memory_space<vmem>>, vector<5000x128xf32>
    %add3A_22 = arith.addf %add3A_18, %get3A_21 : vector<5000x128xf32>
    %mul3A = vector.broadcast %broadcast_in_dim3A : vector<5000x1xf32> to vector<5000x128xf32>
    %mul3A_23 = arith.mulf %add3A_22, %mul3A : vector<5000x128xf32>
    %get3A_24 = arith.constant 0 : index
    %get3A_25 = arith.constant 0 : index
    %get3A_26 = vector.load %arg4[%get3A_24, %get3A_25] : memref<128x128xf32, #tpu.memory_space<vmem>>, vector<128x128xf32>
    %dot_general3A = arith.constant dense<0.000000e+00> : vector<5000x128xf32>
    %dot_general3A_27 = tpu.matmul %mul3A_23, %get3A_26, %dot_general3A {dimension_numbers = #tpu.dot_dimension_numbers<[1], [0], [0], [1], [0, 0, 1, 1], [], []>, precision = #tpu.contract_precision<fp32>, transpose_lhs_hint = false} : vector<5000x128xf32>, vector<128x128xf32>, vector<5000x128xf32> -> vector<5000x128xf32>
    %get3A_28 = arith.constant 0 : index
    %get3A_29 = arith.constant 0 : index
    %get3A_30 = vector.load %arg5[%get3A_28, %get3A_29] : memref<1x128xf32, #tpu.memory_space<vmem>>, vector<1x128xf32>
    %add3A_31 = vector.broadcast %get3A_30 : vector<1x128xf32> to vector<5000x128xf32>
    %add3A_32 = arith.addf %dot_general3A_27, %add3A_31 : vector<5000x128xf32>
    %slice3A_33 = vector.extract_strided_slice %add3A_32 {offsets = [0, 0], sizes = [5000, 64], strides = [1, 1]} : vector<5000x128xf32> to vector<5000x64xf32>
    %swap3A = arith.constant 0 : index
    %swap3A_34 = arith.constant 0 : index
    %swap3A_35 = vector.load %arg6[%swap3A, %swap3A_34] : memref<5000x64xf32, #tpu.memory_space<vmem>>, vector<5000x64xf32>
    tpu.vector_store %arg6[%swap3A, %swap3A_34], %slice3A_33 {strides = array<i32>} : memref<5000x64xf32, #tpu.memory_space<vmem>>, vector<5000x64xf32>,
    %slice3A_36 = vector.extract_strided_slice %add3A_32 {offsets = [0, 64], sizes = [5000, 64], strides = [1, 1]} : vector<5000x128xf32> to vector<5000x64xf32>
    %swap3A_37 = arith.constant 0 : index
    %swap3A_38 = arith.constant 0 : index
    %swap3A_39 = vector.load %arg7[%swap3A_37, %swap3A_38] : memref<5000x64xf32, #tpu.memory_space<vmem>>, vector<5000x64xf32>
    tpu.vector_store %arg7[%swap3A_37, %swap3A_38], %slice3A_36 {strides = array<i32>} : memref<5000x64xf32, #tpu.memory_space<vmem>>, vector<5000x64xf32>,
    return
  }
  func.func @transform_0(%arg0: i32) -> (i32, i32) {
    %c0_i32 = arith.constant 0 : i32
    %c0_i32_0 = arith.constant 0 : i32
    return %arg0, %c0_i32 : i32, i32
  }
  func.func @transform_1(%arg0: i32) -> (i32, i32, i32) {
    %c0_i32 = arith.constant 0 : i32
    %c0_i32_0 = arith.constant 0 : i32
    %c0_i32_1 = arith.constant 0 : i32
    return %c0_i32, %arg0, %c0_i32_0 : i32, i32, i32
  }
  func.func @transform_2(%arg0: i32) -> (i32, i32, i32) {
    %c0_i32 = arith.constant 0 : i32
    %c0_i32_0 = arith.constant 0 : i32
    %c0_i32_1 = arith.constant 0 : i32
    return %c0_i32, %arg0, %c0_i32_0 : i32, i32, i32
  }
  func.func @transform_3(%arg0: i32) -> (i32, i32) {
    %c0_i32 = arith.constant 0 : i32
    %c0_i32_0 = arith.constant 0 : i32
    %c0_i32_1 = arith.constant 0 : i32
    return %c0_i32, %c0_i32_0 : i32, i32
  }
  func.func @transform_4(%arg0: i32) -> (i32, i32) {
    %c0_i32 = arith.constant 0 : i32
    %c0_i32_0 = arith.constant 0 : i32
    %c0_i32_1 = arith.constant 0 : i32
    return %c0_i32, %c0_i32_0 : i32, i32
  }
  func.func @transform_5(%arg0: i32) -> (i32, i32) {
    %c0_i32 = arith.constant 0 : i32
    %c0_i32_0 = arith.constant 0 : i32
    return %arg0, %c0_i32 : i32, i32
  }
  func.func @transform_6(%arg0: i32) -> (i32, i32) {
    %c0_i32 = arith.constant 0 : i32
    %c0_i32_0 = arith.constant 0 : i32
    return %arg0, %c0_i32 : i32, i32
  }
}

</mosaic_0001>

<sc_bundles>
// kernel: _pipeline.11.cloned.1.call-start
scs
__scs_entry_jumppad:
0x0: {  	(pc) =	sbr.rel $0x88, $3  }
0x1: {  	(tag) =	ssettag $0x0;
	lr =	simm.s32 $0x1  }
0x2: {  	[smem:$0x3F99] =	sst lr;
	_ =	strace $0xD0000000  }
0x3: {  	_ = 	snop  }
0x4: {  	_ = 	snop  }
0x5: {  	_ = 	snop  }
0x6: {  	_ = 	snop  }
0x7: {  	_ = 	snop  }
__scs_overlays_trampoline_lowered:
0x8: {  	[smem:$0x3FA8] =	sst s0  }
0x9: {  	[smem:$0x3FA9] =	sst s1  }
0xa: {  	[smem:$0x3FAA] =	sst s2  }
0xb: {  	[smem:$0x3FAB] =	sst s3  }
0xc: {  	[smem:$0x3FAC] =	sst s4  }
0xd: {  	[smem:$0x3FAD] =	sst s5  }
0xe: {  	[smem:$0x3FAE] =	sst s6  }
0xf: {  	[smem:$0x3FAF] =	sst s7  }
0x10: {  	[smem:$0x3FB0] =	sst s8  }
0x11: {  	[smem:$0x3FB1] =	sst s9;
	s0 =	simm.s32 @!p0 $0x0  }
0x12: {  	s1 =	sld [smem:$0x3F97];
	s0 =	simm.s32 @p0 $0x1  }
0x13: {  	[smem:$0x3FB2] =	sst s0;
	s0 =	simm.s32 @!p1 $0x0  }
0x14: {  	s2 =	sld [smem:$0x3F96];
	s0 =	simm.s32 @p1 $0x1  }
0x15: {  	[smem:$0x3FB3] =	sst s0;
	s0 =	simm.s32 @!p2 $0x0  }
0x16: {  	s3 =	sld [smem:$0x3FDB];
	s0 =	simm.s32 @p2 $0x1  }
0x17: {  	s4 =	simm.s32 $0x1BF5;
	[smem:$0x3FB5] =	sst s0  }
0x18: {  	s0 =	sld [smem:$0x3F98];
	_ =	swait.ge [sflag:s4], $0x0  }
0x19: {  	s7 =	sld [smem:$0x3F99]  }
0x1a: {  	s8 =	sadd.s32 $0xFFFFE003, lr  }
0x1b: {  	s9 =	sadd.s32 $0xFFFFFEF7, lr;
	s5 =	simm.s32 $0xFFFFFFFF;
	p2 =	slt.u32 s8, $0xFFFFF086  }
0x1c: {  	p1 =	slt.u32 s9, $0xF7A;
	s5 =	simm.s32 @!p2 $0x0  }
0x1d: {  	s5 =	simm.s32 @p1 $0x1;
	p0 =	seq.s32 s7, s2  }
0x1e: {  	s7 =	smul.u32 @!p0 $0xF7A, s2;
	p2 =	seq.s32 @!p0 s5, $0x0  }
0x1f: {  	s9 =	smul.u32 $0xF7A, s1;
	s8 =	simm.s32 @!p0 $0x1BF5;
	p2 =	por !p2, p0  }
0x20: {  	[sflag:s8] =	ssyncset.s32 @!p0 $0xFFFFF086;
	s6 =	sadd.s32 @!p0 s3, s7;
	s7 =	simm.s32 @!p0 $0x108  }
0x21: {  	s3 =	sadd.s32 s3, s9;
	s6 =	sadd.s32 @!p0 $0x88, s6;
	s7 =	simm.s32 @p2 $0x1082  }
0x22: {  	[simem:s7], [sflag:s8] =	dma.local @!p0 [hbm:s6], $0xF7A  }
0x23: {  	s9 =	sor.u32 $0xD0000000, s2;
	s6 =	simm.s32 $0x108;
	_ =	swait.ge @!p0 [sflag:s8], $0x0  }
0x24: {  	s3 =	sadd.s32 $0x88, s3;
	s6 =	simm.s32 @!p1 $0x1082;
	[sflag:s4] =	ssyncset.s32 $0xFFFFF086  }
0x25: {  	[simem:s6], [sflag:s4] =	dma.local [hbm:s3], $0xF7A  }
0x26: {  	[smem:$0x3F99] =	sst s1;
	(tag) =	ssettag s2;
	_ =	strace s9  }
0x27: {  	s1 =	sld [smem:$0x3FA9]  }
0x28: {  	s2 =	sld [smem:$0x3FAA]  }
0x29: {  	s4 =	sld [smem:$0x3FAC]  }
0x2a: {  	p0 =	seq.s32 s5, $0x0;
	s5 =	sld [smem:$0x3FAD]  }
0x2b: {  	s6 =	sld [smem:$0x3FAE]  }
0x2c: {  	s7 =	sld [smem:$0x3FAF]  }
0x2d: {  	s3 =	simm.s32 $0x108;
	s8 =	sld [smem:$0x3FB0]  }
0x2e: {  	s3 =	simm.s32 @!p0 $0x1082;
	s9 =	sld [smem:$0x3FB1]  }
0x2f: {  	lr =	sadd.s32 s0, s3;
	s0 =	sld [smem:$0x3FA8]  }
0x30: {  	s3 =	sld [smem:$0x3FAB]  }
0x31: {  	[smem:$0x3FB4] =	sst s10  }
0x32: {  	s10 =	sld [smem:$0x3FB2];
	_ =	sdelay $0x3  }
0x33: {  	p0 =	seq.s32 s10, $0x1;
	s10 =	sld [smem:$0x3FB4];
	_ =	sdelay $0x3  }
0x34: {  	[smem:$0x3FB4] =	sst s10  }
0x35: {  	s10 =	sld [smem:$0x3FB3];
	_ =	sdelay $0x3  }
0x36: {  	p1 =	seq.s32 s10, $0x1;
	s10 =	sld [smem:$0x3FB4];
	_ =	sdelay $0x3  }
0x37: {  	[smem:$0x3FB4] =	sst s10  }
0x38: {  	s10 =	sld [smem:$0x3FB5]  }
0x39: {  	_ = 	snop;
	(pc) =	sbr.ind lr, $3  }
0x3a: {  	_ = 	snop  }
0x3b: {  	_ = 	snop  }
0x3c: {  	p2 =	seq.s32 s10, $0x1;
	s10 =	sld [smem:$0x3FB4]  }
0x3d: {  	_ =	shalt  }
0x3e: {  	_ =	shalt  }
0x3f: {  	_ =	shalt  }
0x40: {  	_ =	shalt  }
0x41: {  	_ =	shalt  }
0x42: {  	_ =	shalt  }
0x43: {  	_ =	shalt  }
0x44: {  	_ =	shalt  }
0x45: {  	_ =	shalt  }
0x46: {  	_ =	shalt  }
0x47: {  	_ =	shalt  }
0x48: {  	_ =	shalt  }
0x49: {  	_ =	shalt  }
0x4a: {  	_ =	shalt  }
0x4b: {  	_ =	shalt  }
0x4c: {  	_ =	shalt  }
0x4d: {  	_ =	shalt  }
0x4e: {  	_ =	shalt  }
0x4f: {  	_ =	shalt  }
0x50: {  	_ =	shalt  }
0x51: {  	_ =	shalt  }
0x52: {  	_ =	shalt  }
0x53: {  	_ =	shalt  }
0x54: {  	_ =	shalt  }
0x55: {  	_ =	shalt  }
0x56: {  	_ =	shalt  }
0x57: {  	_ =	shalt  }
0x58: {  	_ =	shalt  }
0x59: {  	_ =	shalt  }
0x5a: {  	_ =	shalt  }
0x5b: {  	_ =	shalt  }
0x5c: {  	_ =	shalt  }
0x5d: {  	_ =	shalt  }
0x5e: {  	_ =	shalt  }
0x5f: {  	_ =	shalt  }
0x60: {  	_ =	shalt  }
0x61: {  	_ =	shalt  }
0x62: {  	_ =	shalt  }
0x63: {  	_ =	shalt  }
0x64: {  	_ =	shalt  }
0x65: {  	_ =	shalt  }
0x66: {  	_ =	shalt  }
0x67: {  	_ =	shalt  }
0x68: {  	_ =	shalt  }
0x69: {  	_ =	shalt  }
0x6a: {  	_ =	shalt  }
0x6b: {  	_ =	shalt  }
0x6c: {  	_ =	shalt  }
0x6d: {  	_ =	shalt  }
0x6e: {  	_ =	shalt  }
0x6f: {  	_ =	shalt  }
0x70: {  	_ =	shalt  }
0x71: {  	_ =	shalt  }
0x72: {  	_ =	shalt  }
0x73: {  	_ =	shalt  }
0x74: {  	_ =	shalt  }
0x75: {  	_ =	shalt  }
0x76: {  	_ =	shalt  }
0x77: {  	_ =	shalt  }
0x78: {  	_ =	shalt  }
0x79: {  	_ =	shalt  }
0x7a: {  	_ =	shalt  }
0x7b: {  	_ =	shalt  }
0x7c: {  	_ =	shalt  }
0x7d: {  	_ =	shalt  }
0x7e: {  	_ =	shalt  }
0x7f: {  	_ =	shalt  }
0x80: {  	_ =	shalt  }
0x81: {  	_ =	shalt  }
0x82: {  	_ =	shalt  }
0x83: {  	_ =	shalt  }
0x84: {  	_ =	shalt  }
0x85: {  	_ =	shalt  }
0x86: {  	_ =	shalt  }
0x87: {  	_ =	shalt  }
.Lfunc_end0:
.L_simem_size_0:
called_computation.1_lowered:
.L_overlay_start_0:
0x88: {  	s2 =	sld [smem:$0x3FD9]  }
0x89: {  	s3 =	sld [smem:$0x3FFE];
	_ =	sdelay $0x1  }
0x8a: {  	s1 =	srdreg.scid  }
0x8b: {  	s0 =	sand.u32 $0x1, s1  }
0x8c: {  	s16 =	sshll.u32 s0, $0xA;
	s2 =	sadd.s32 s3, s2  }
0x8d: {  	s2 =	sadd.s32 s2, s16  }
0x8e: {  	[smem:$0x3FC0] =	sst s2  }
0x8f: {  	_ = 	snop  }
0x90: {  	(tm) =	ssettm $0x1  }
0x91: {  	s17 =	sld [smem:$0x3FFB];
	_ =	sdelay $0x3  }
0x92: {  	_ =	strace s17  }
0x93: {  	s2 =	sld [smem:$0x3FFC];
	_ =	sdelay $0x3  }
0x94: {  	_ =	strace s2  }
0x95: {  	s2 =	sld [smem:$0x3FFD];
	_ =	sdelay $0x3  }
0x96: {  	_ =	strace s2  }
0x97: {  	_ =	strace $0x8FFFFFFF  }
0x98: {  	s18 =	sld [smem:$0x3FDB];
	_ =	sdelay $0x1  }
0x99: {  	s19 =	simm.s32 $_scs_section_size  }
0x9a: {  	s4 =	simm.s32 $_size__tile_overlayer_lowered;
	s5 =	simm.s32 $_tile_overlayer_lowered  }
0x9b: {  	s22 =	simm.s32 $0x1BFF;
	s21 =	sshll.u32 s5, $0x1;
	s2 =	sadd.s32 s19, s18  }
0x9c: {  	s6 =	simm.s32 $0x0;
	s20 =	sshll.u32 s4, $0x1;
	s4 =	sadd.s32 s21, s2  }
0x9d: {  	[timem:s6], [sflag:s22] =	dma.local [hbm:s4], s20  }
0x9e: {  	_ =	swait.ge [sflag:s22], s20  }
0x9f: {  	s3 =	ssub.s32 $0x0, s20;
	[sflag:s22] =	ssyncset.done $0x0  }
0xa0: {  	[sflag:s22] =	ssyncadd.s32 s3;
	_ =	sdelay $0x1  }
0xa1: {  	s23 =	simm.s32 $0x1B8B  }
0xa2: {  	_ =	swait.ge [sflag:s23], $0x1  }
0xa3: {  	[sflag:s23] =	ssyncset.done $0x0  }
0xa4: {  	s25 =	simm.s32 $0x1B8E;
	s24 =	sld [smem:$0x3FFE];
	[sflag:s23] =	ssyncadd.s32 $0xFFFFFFFF  }
0xa5: {  	s26 =	simm.s32 $execute0_lowered;
	[smem:$0x3FD2] =	sst s25  }
0xa6: {  	s4 =	sshll.u32 s26, $0x1;
	_ =	strace $0x80000049;
	[dreg:$0x1] =	wrdreg $0xFFFFFFFF  }
0xa7: {  	s28 =	simm.s32 $_size_execute0_lowered;
	s2 =	sadd.s32 s2, s4;
	[dreg:$0x0] =	wrdreg $0x0  }
0xa8: {  	s4 =	sshll.u32 s28, $0x1;
	[dreg:$0x2] =	wrdreg s2  }
0xa9: {  	[dreg:$0x3] =	wrdreg s4  }
0xaa: {  	[dreg:$0x4] =	wrdreg $0xC0  }
0xab: {  	_ =	task [dreg:s6], $0x5FFFF  }
0xac: {  	[dreg:$0x1] =	wrdreg $0xFFFFFFFF  }
0xad: {  	[dreg:$0x0] =	wrdreg $0x60  }
0xae: {  	[dreg:$0x2] =	wrdreg s24  }
0xaf: {  	[dreg:$0x3] =	wrdreg $0xC0000  }
0xb0: {  	[dreg:$0x4] =	wrdreg $0x9  }
0xb1: {  	_ =	task.clear_ibuf [dreg:s6], $0x5FFFF;
	_ =	strace $0x90000049  }
0xb2: {  	s29 =	simm.s32 $0x9;
	_ =	strace $0x8000004B  }
0xb3: {  	_ =	swait.ge [sflag:s29], $0x1  }
0xb4: {  	[sflag:s29] =	ssyncadd.s32 $0xFFFFFFFF  }
0xb5: {  	_ =	strace $0x9000004B  }
0xb6: {  	_ =	sfence  }
0xb7: {  	s30 =	sld [smem:$0x0];
	_ =	sdelay $0x2  }
0xb8: {  	s31 =	sshll.u32 s1, $0xD;
	s1 =	sshrl.u32 s1, $0x2  }
0xb9: {  	s3 =	sand.u32 $0x4000, s31;
	s1 =	sadd.s32 s1, s30  }
0xba: {  	s0 =	sor.u32 s3, s0;
	s1 =	sshll.u32 s1, $0x11  }
0xbb: {  	s0 =	sor.u32 s1, s0  }
0xbc: {  	s0 =	sadd.s32 $0x8F2B, s0  }
0xbd: {  	[sflag:s0] =	ssyncadd.remote.s32 $0x1  }
0xbe: {  	_ =	sfence.sel $0xFFFF  }
0xbf: {  	[dreg:$0x0] =	wrdreg $0xFFFFFFFF;
	(pc) =	sbr.abs _section_cstart, $3  }
0xc0: {  	[dreg:$0x1] =	wrdreg $0xFFFFFFFF  }
0xc1: {  	_ =	task.clear_ibuf [dreg:s6], $0x2FFFF;
	_ =	strace $0x9FFFFFFF  }
0xc2: {  	(tm) =	ssettm $0x7FFFFFFF  }
0xc3: {  	_ =	shalt  }
tec
execute0_lowered:
.L_overlay_start_1:
0x0: {  	(tag) =	ssettag $0x1  }
0x1: {  	s0 =	srdreg.scid;
	s8 =	stileid.u32  }
0x2: {  	s0 =	sand.u32 $0x1, s0;
	s3 =	smul.u32 $0x5000, s8  }
0x3: {  	s1 =	smul.u32 $0x50000, s0  }
0x4: {  	s5 =	rddreg [dreg:$0x0]  }
0x5: {  	s2 =	rddreg [dreg:$0x1];
	s1 =	sadd.s32 s3, s1;
	s3 =	simm.s32 $0x0  }
0x6: {  	s20 =	simm.s32 $0x80;
	[smem:$0x7FF] =	sst s3  }
0x7: {  	s21 =	simm.s32 $0x100;
	_ =	strace $0x8000004A;
	[dreg:$0x5] =	wrdreg s20  }
0x8: {  	s22 =	simm.s32 $0x180;
	[dreg:$0x6] =	wrdreg s21  }
0x9: {  	s23 =	simm.s32 $0x200;
	[dreg:$0x7] =	wrdreg s22  }
0xa: {  	s24 =	simm.s32 $0x1080;
	[dreg:$0x8] =	wrdreg s23  }
0xb: {  	s25 =	simm.s32 $0x280;
	[dreg:$0x9] =	wrdreg s24  }
0xc: {  	s26 =	simm.s32 $0x1100;
	[dreg:$0xa] =	wrdreg s25  }
0xd: {  	s6 =	simm.s32 $0x1180;
	[dreg:$0xb] =	wrdreg s26  }
0xe: {  	s7 =	simm.s32 $0x380;
	[dreg:$0xd] =	wrdreg s6  }
0xf: {  	s9 =	simm.s32 $0x1200;
	[dreg:$0xe] =	wrdreg s7  }
0x10: {  	s10 =	simm.s32 $0x400;
	[dreg:$0xf] =	wrdreg s9  }
0x11: {  	s11 =	simm.s32 $0x1280;
	[dreg:$0x10] =	wrdreg s10  }
0x12: {  	s12 =	simm.s32 $0x480;
	[dreg:$0x11] =	wrdreg s11  }
0x13: {  	s13 =	simm.s32 $0x1300;
	[dreg:$0x12] =	wrdreg s12  }
0x14: {  	s14 =	simm.s32 $0x500;
	[dreg:$0x13] =	wrdreg s13  }
0x15: {  	s15 =	simm.s32 $0x1380;
	[dreg:$0x14] =	wrdreg s14  }
0x16: {  	s17 =	simm.s32 $0x580;
	[dreg:$0x15] =	wrdreg s15  }
0x17: {  	s18 =	simm.s32 $0x1400;
	[dreg:$0x16] =	wrdreg s17  }
0x18: {  	s28 =	simm.s32 $0x7;
	[dreg:$0x17] =	wrdreg s18;
	s20 =	simm.s32 $0x600  }
0x19: {  	s29 =	simm.s32 $0x4;
	s21 =	simm.s32 $0x1480;
	[dreg:$0x18] =	wrdreg s20  }
0x1a: {  	s30 =	simm.s32 $0x8;
	s23 =	simm.s32 $0x680;
	[dreg:$0x19] =	wrdreg s21  }
0x1b: {  	s31 =	simm.s32 $0xB00;
	s24 =	simm.s32 $0x1500;
	[dreg:$0x1a] =	wrdreg s23  }
0x1c: {  	s19 =	smul.u32 $0x4F000, s8;
	s25 =	simm.s32 $0x700;
	[dreg:$0x1b] =	wrdreg s24  }
0x1d: {  	s7 =	smul.u32 $0x13C00, s8;
	s8 =	simm.s32 $0x780;
	[dreg:$0x1c] =	wrdreg s25  }
0x1e: {  	s1 =	sshrl.u32 s1, $0x3;
	s10 =	simm.s32 $0x1600;
	[dreg:$0x1e] =	wrdreg s8  }
0x1f: {  	s1 =	sadd.s32 s1, s5;
	s12 =	simm.s32 $0x800;
	[dreg:$0x1f] =	wrdreg s10  }
0x20: {  	s6 =	smul.u32 $0x13C000, s0;
	s14 =	simm.s32 $0x1680;
	[smem:$0x7EF] =	sst s12  }
0x21: {  	s0 =	ssub.s32 $0x2, s0;
	s18 =	simm.s32 $0x1700;
	[smem:$0x7F1] =	sst s14  }
0x22: {  	s22 =	sshrl.u32 s19, $0x2;
	s19 =	simm.s32 $0x900;
	[smem:$0x7F5] =	sst s18  }
0x23: {  	s4 =	sadd.s32 $0x2400, s1;
	s1 =	sadd.s32 $0x65400, s1;
	[smem:$0x7F6] =	sst s19  }
0x24: {  	s16 =	sshrl.u32 s0, $0x1;
	s20 =	simm.s32 $0x1780;
	[dreg:$0x3] =	wrdreg s4  }
0x25: {  	s21 =	simm.s32 $0x980;
	s18 =	simm.s32 $0x50;
	[dreg:$0x4] =	wrdreg s1  }
0x26: {  	s19 =	simm.s32 $0x4800;
	s23 =	simm.s32 $0xA00;
	[smem:$0x7F7] =	sst s20  }
0x27: {  	s24 =	simm.s32 $0x1880;
	s25 =	simm.s32 $0xA80;
	[smem:$0x7F8] =	sst s21  }
0x28: {  	s8 =	simm.s32 $0x1A80;
	s10 =	simm.s32 $0x1B80;
	[smem:$0x7FA] =	sst s23  }
0x29: {  	s12 =	simm.s32 $0x0;
	s4 =	simm.s32 $0x300;
	[smem:$0x7FB] =	sst s24  }
0x2a: {  	s6 =	sadd.s32 s7, s6;
	s0 =	ssub.s32 s0, s16;
	[smem:$0x7FC] =	sst s25  }
0x2b: {  	s16 =	simm.s32 $0x880;
	[dreg:$0xc] =	wrdreg s4;
	s4 =	sadd.s32 $0x79400, s5  }
0x2c: {  	s6 =	sshrl.u32 s6, $0x3;
	s0 =	smax.u32 s0, $0x1;
	[smem:$0x7F4] =	sst s16  }
0x2d: {  	s5 =	sadd.s32 s6, s5;
	[smem:$0x7E9] =	sst s0;
	s6 =	simm.s32 $0x1580  }
0x2e: {  	s20 =	simm.s32 $0x7000;
	s5 =	sadd.s32 $0xA0600, s5;
	[dreg:$0x1d] =	wrdreg s6  }
0x2f: {  	s21 =	simm.s32 $0x9800;
	[smem:$0x7E8] =	sst s5;
	s5 =	sadd.s32 s22, s2  }
0x30: {  	s23 =	simm.s32 $0x5;
	s22 =	simm.s32 $0x1800;
	[smem:$0x7F2] =	sst s5  }
0x31: {  	s24 =	simm.s32 $0x2;
	s26 =	sadd.s32 $0x2780, s5;
	[smem:$0x7F9] =	sst s22  }
0x32: {  	s25 =	simm.s32 $0x6;
	s7 =	sadd.s32 $0x4F00, s5;
	[smem:$0x7EA] =	sst s26  }
0x33: {  	s1 =	simm.s32 $0x1980;
	s9 =	sadd.s32 $0x7680, s5;
	[smem:$0x7EB] =	sst s7  }
0x34: {  	s16 =	simm.s32 $0x9;
	s11 =	sadd.s32 $0x9E00, s5;
	[smem:$0x7EC] =	sst s9  }
0x35: {  	s0 =	simm.s32 $0xB80;
	s13 =	sadd.s32 $0xC580, s5;
	[smem:$0x7ED] =	sst s11  }
0x36: {  	s15 =	sadd.s32 $0xED00, s5;
	s17 =	sadd.s32 $0x11480, s5;
	[smem:$0x7EE] =	sst s13  }
0x37: {  	s22 =	simm.s32 $0x1;
	s5 =	simm.s32 $0x1A00;
	[smem:$0x7F0] =	sst s15  }
0x38: {  	[smem:$0x7F3] =	sst s17;
	s15 =	simm.s32 $0x2000;
	s17 =	simm.s32 $0x1000  }
0x39: {  	s26 =	simm.s32 $0x1900;
	s7 =	simm.s32 $0xC00;
	s9 =	simm.s32 $0x1B00  }
0x3a: {  	v0 =	vimm.f32 $0.0e+00;
	s11 =	simm.s32 $0x1C00;
	[smem:$0x7FD] =	sst s26;
	s26 =	simm.s32 $0x3  }
.LBB2_1:
0x3b: {  	s13 =	simm.s32 $0x70;
	s14 =	simm.s32 $0x3C0  }
.LBB2_2:
0x3c: {  	p0 =	sne.s32 s14, $0x9FC0;
	[tilespmem:s13+$0x2000] =	vst v0  }
0x3d: {  	[tilespmem:s13+$0x1F90] =	vst v0  }
0x3e: {  	[tilespmem:s13+$0x1FA0] =	vst v0  }
.Ltmp0:
0x3f: {  	[tilespmem:s13+$0x1FB0] =	vst v0;
	(pc) =	sbr.rel @p0 .LBB2_2-.Ltmp0, $4  }
0x40: {  	[tilespmem:s13+$0x1FC0] =	vst v0  }
0x41: {  	[tilespmem:s13+$0x1FD0] =	vst v0  }
0x42: {  	[tilespmem:s13+$0x1FE0] =	vst v0  }
0x43: {  	[tilespmem:s13+$0x1FF0] =	vst v0;
	s13 =	sshra.s32 s14, $0x2;
	s14 =	sadd.s32 $0x200, s14  }
0x44: {  	[tilespmem:s13+$0x2000] =	vst v0  }
0x45: {  	[tilespmem:s13+$0x1F90] =	vst v0  }
0x46: {  	[tilespmem:s13+$0x1FA0] =	vst v0  }
0x47: {  	[tilespmem:s13+$0x1FB0] =	vst v0  }
0x48: {  	[tilespmem:s13+$0x1FC0] =	vst v0  }
0x49: {  	[tilespmem:s13+$0x1FD0] =	vst v0;
	s6 =	sld [smem:$0x7F2]  }
0x4a: {  	[tilespmem:s13+$0x1FE0] =	vst v0  }
0x4b: {  	[smem:$0x7E7] =	sst s12;
	[tilespmem:s13+$0x1FF0] =	vst v0  }
0x4c: {  	[spmem:s6] =	stream.linear.scatter [tilespmem:s15], [sflag:$0x9], $0x2780, $0x38;
	[tilespmem:$0x1FC00] =	vst v63  }
0x4d: {  	_ =	swait.ge [sflag:s16], $0x2780  }
0x4e: {  	s14 =	sld [smem:$0x7EA]  }
0x4f: {  	[sflag:s16] =	ssyncset.done $0x0  }
0x50: {  	[sflag:s16] =	ssyncadd.s32 $0xFFFFD880  }
0x51: {  	[spmem:s14] =	stream.linear.scatter [tilespmem:s15], [sflag:$0x9], $0x2780, $0x38;
	[tilespmem:$0x1FC00] =	vst v63  }
0x52: {  	_ =	swait.ge [sflag:s16], $0x2780  }
0x53: {  	s12 =	sld [smem:$0x7EB]  }
0x54: {  	[sflag:s16] =	ssyncset.done $0x0  }
0x55: {  	[sflag:s16] =	ssyncadd.s32 $0xFFFFD880  }
0x56: {  	[spmem:s12] =	stream.linear.scatter [tilespmem:s15], [sflag:$0x9], $0x2780, $0x38;
	[tilespmem:$0x1FC00] =	vst v63  }
0x57: {  	_ =	swait.ge [sflag:s16], $0x2780  }
0x58: {  	s13 =	sld [smem:$0x7EC]  }
0x59: {  	[sflag:s16] =	ssyncset.done $0x0  }
0x5a: {  	[sflag:s16] =	ssyncadd.s32 $0xFFFFD880  }
0x5b: {  	[spmem:s13] =	stream.linear.scatter [tilespmem:s15], [sflag:$0x9], $0x2780, $0x38;
	[tilespmem:$0x1FC00] =	vst v63  }
0x5c: {  	_ =	swait.ge [sflag:s16], $0x2780  }
0x5d: {  	s14 =	sld [smem:$0x7ED]  }
0x5e: {  	[sflag:s16] =	ssyncset.done $0x0  }
0x5f: {  	[sflag:s16] =	ssyncadd.s32 $0xFFFFD880  }
0x60: {  	[spmem:s14] =	stream.linear.scatter [tilespmem:s15], [sflag:$0x9], $0x2780, $0x38;
	[tilespmem:$0x1FC00] =	vst v63  }
0x61: {  	_ =	swait.ge [sflag:s16], $0x2780  }
0x62: {  	s12 =	sld [smem:$0x7EE]  }
0x63: {  	[sflag:s16] =	ssyncset.done $0x0  }
0x64: {  	[sflag:s16] =	ssyncadd.s32 $0xFFFFD880  }
0x65: {  	[spmem:s12] =	stream.linear.scatter [tilespmem:s15], [sflag:$0x9], $0x2780, $0x38;
	[tilespmem:$0x1FC00] =	vst v63  }
0x66: {  	_ =	swait.ge [sflag:s16], $0x2780  }
0x67: {  	s13 =	sld [smem:$0x7F0]  }
0x68: {  	[sflag:s16] =	ssyncset.done $0x0  }
0x69: {  	[sflag:s16] =	ssyncadd.s32 $0xFFFFD880  }
0x6a: {  	[spmem:s13] =	stream.linear.scatter [tilespmem:s15], [sflag:$0x9], $0x2780, $0x38;
	[tilespmem:$0x1FC00] =	vst v63  }
0x6b: {  	_ =	swait.ge [sflag:s16], $0x2780  }
0x6c: {  	s14 =	sld [smem:$0x7F3]  }
0x6d: {  	[sflag:s16] =	ssyncset.done $0x0  }
0x6e: {  	[sflag:s16] =	ssyncadd.s32 $0xFFFFD880  }
0x6f: {  	[spmem:s14] =	stream.linear.scatter [tilespmem:s15], [sflag:$0x9], $0x2780, $0x38;
	[tilespmem:$0x1FC00] =	vst v63  }
0x70: {  	_ =	swait.ge [sflag:s16], $0x2780  }
0x71: {  	[sflag:s16] =	ssyncset.done $0x0  }
0x72: {  	[sflag:s16] =	ssyncadd.s32 $0xFFFFD880  }
0x73: {  	[bflag:$0x0] =	sbarrier.arrive $0xFFFF  }
0x74: {  	s12 =	rddreg [dreg:$0x4]  }
0x75: {  	s6 =	sadd.s32 $0x0, s12  }
0x76: {  	[tilespmem:s3], [sflag:$0x9] =	stream.linear.gather [hbm4b:s6+s3], $0xC80, $0x38;
	[tilespmem:$0x1FC00] =	vst v63  }
0x77: {  	_ =	swait.ge [sflag:s16], $0xC80  }
0x78: {  	s13 =	rddreg [dreg:$0x3];
	[sflag:s16] =	ssyncset.done $0x0  }
0x79: {  	[sflag:s16] =	ssyncadd.s32 $0xFFFFF380;
	s6 =	sadd.s32 $0x0, s13  }
0x7a: {  	[tilespmem:s17], [sflag:$0x9] =	stream.linear.gather [hbm4b:s6+s3], $0xC80, $0x38;
	[tilespmem:$0x1FC00] =	vst v63  }
0x7b: {  	_ =	swait.ge [sflag:s16], $0xC80  }
0x7c: {  	[sflag:s16] =	ssyncset.done $0x0  }
0x7d: {  	[sflag:s16] =	ssyncadd.s32 $0xFFFFF380  }
0x7e: {  	[tilespmem:s15], [sflag:$0x1] =	stream.indirect.gather [hbm4b:s4+s18], $0x80, s3, s18, $0xb8;
	[tilespmem:$0x1FC00] =	vst v63  }
0x7f: {  	s14 =	rddreg [dreg:$0x5]  }
0x80: {  	[tilespmem:s19], [sflag:$0x2] =	stream.indirect.gather [hbm4b:s4+s18], $0x80, s14, s18, $0xb8;
	[tilespmem:$0x1FC00] =	vst v63  }
0x81: {  	s12 =	rddreg [dreg:$0x6]  }
0x82: {  	[tilespmem:s20], [sflag:$0x3] =	stream.indirect.gather [hbm4b:s4+s18], $0x80, s12, s18, $0xb8;
	[tilespmem:$0x1FC00] =	vst v63  }
0x83: {  	s14 =	rddreg [dreg:$0x7]  }
0x84: {  	[tilespmem:s21], [sflag:$0x4] =	stream.indirect.gather [hbm4b:s4+s18], $0x80, s14, s18, $0xb8;
	[tilespmem:$0x1FC00] =	vst v63  }
0x85: {  	_ =	swait.ge [sflag:s22], $0x2800  }
0x86: {  	[sflag:s22] =	ssyncset.done $0x0  }
0x87: {  	[sflag:s22] =	ssyncadd.s32 $0xFFFFD800  }
0x88: {  	[spmem:s2] =	stream.indirect.scatter.add.f32 [tilespmem:s15], [sflag:$0x5], $0x80, s17, s18, $0xb8;
	[tilespmem:$0x1FC00] =	vst v63  }
0x89: {  	_ =	swait.ge [sflag:s23], $0x2800  }
0x8a: {  	[sflag:s23] =	ssyncset.done $0x0  }
0x8b: {  	s12 =	rddreg [dreg:$0x8];
	[sflag:s23] =	ssyncadd.s32 $0xFFFFD800  }
0x8c: {  	[tilespmem:s15], [sflag:$0x1] =	stream.indirect.gather [hbm4b:s4+s18], $0x80, s12, s18, $0xb8;
	[tilespmem:$0x1FC00] =	vst v63  }
0x8d: {  	_ =	swait.ge [sflag:s24], $0x2800  }
0x8e: {  	[sflag:s24] =	ssyncset.done $0x0  }
0x8f: {  	s13 =	rddreg [dreg:$0x9];
	[sflag:s24] =	ssyncadd.s32 $0xFFFFD800  }
0x90: {  	[spmem:s2] =	stream.indirect.scatter.add.f32 [tilespmem:s19], [sflag:$0x6], $0x80, s13, s18, $0xb8;
	[tilespmem:$0x1FC00] =	vst v63  }
0x91: {  	_ =	swait.ge [sflag:s25], $0x2800  }
0x92: {  	[sflag:s25] =	ssyncset.done $0x0  }
0x93: {  	s14 =	rddreg [dreg:$0xa];
	[sflag:s25] =	ssyncadd.s32 $0xFFFFD800  }
0x94: {  	[tilespmem:s19], [sflag:$0x2] =	stream.indirect.gather [hbm4b:s4+s18], $0x80, s14, s18, $0xb8;
	[tilespmem:$0x1FC00] =	vst v63  }
0x95: {  	_ =	swait.ge [sflag:s26], $0x2800  }
0x96: {  	[sflag:s26] =	ssyncset.done $0x0  }
0x97: {  	s12 =	rddreg [dreg:$0xb];
	[sflag:s26] =	ssyncadd.s32 $0xFFFFD800  }
0x98: {  	[spmem:s2] =	stream.indirect.scatter.add.f32 [tilespmem:s20], [sflag:$0x7], $0x80, s12, s18, $0xb8;
	[tilespmem:$0x1FC00] =	vst v63  }
0x99: {  	_ =	swait.ge [sflag:s28], $0x2800  }
0x9a: {  	[sflag:s28] =	ssyncset.done $0x0  }
0x9b: {  	s13 =	rddreg [dreg:$0xc];
	[sflag:s28] =	ssyncadd.s32 $0xFFFFD800  }
0x9c: {  	[tilespmem:s20], [sflag:$0x3] =	stream.indirect.gather [hbm4b:s4+s18], $0x80, s13, s18, $0xb8;
	[tilespmem:$0x1FC00] =	vst v63  }
0x9d: {  	_ =	swait.ge [sflag:s29], $0x2800  }
0x9e: {  	[sflag:s29] =	ssyncset.done $0x0  }
0x9f: {  	s14 =	rddreg [dreg:$0xd];
	[sflag:s29] =	ssyncadd.s32 $0xFFFFD800  }
0xa0: {  	[spmem:s2] =	stream.indirect.scatter.add.f32 [tilespmem:s21], [sflag:$0x8], $0x80, s14, s18, $0xb8;
	[tilespmem:$0x1FC00] =	vst v63  }
0xa1: {  	_ =	swait.ge [sflag:s30], $0x2800  }
0xa2: {  	[sflag:s30] =	ssyncset.done $0x0  }
0xa3: {  	s12 =	rddreg [dreg:$0xe];
	[sflag:s30] =	ssyncadd.s32 $0xFFFFD800  }
0xa4: {  	[tilespmem:s21], [sflag:$0x4] =	stream.indirect.gather [hbm4b:s4+s18], $0x80, s12, s18, $0xb8;
	[tilespmem:$0x1FC00] =	vst v63  }
0xa5: {  	_ =	swait.ge [sflag:s22], $0x2800  }
0xa6: {  	[sflag:s22] =	ssyncset.done $0x0  }
0xa7: {  	s13 =	rddreg [dreg:$0xf];
	[sflag:s22] =	ssyncadd.s32 $0xFFFFD800  }
0xa8: {  	[spmem:s2] =	stream.indirect.scatter.add.f32 [tilespmem:s15], [sflag:$0x5], $0x80, s13, s18, $0xb8;
	[tilespmem:$0x1FC00] =	vst v63  }
0xa9: {  	_ =	swait.ge [sflag:s23], $0x2800  }
0xaa: {  	[sflag:s23] =	ssyncset.done $0x0  }
0xab: {  	s14 =	rddreg [dreg:$0x10];
	[sflag:s23] =	ssyncadd.s32 $0xFFFFD800  }
0xac: {  	[tilespmem:s15], [sflag:$0x1] =	stream.indirect.gather [hbm4b:s4+s18], $0x80, s14, s18, $0xb8;
	[tilespmem:$0x1FC00] =	vst v63  }
0xad: {  	_ =	swait.ge [sflag:s24], $0x2800  }
0xae: {  	[sflag:s24] =	ssyncset.done $0x0  }
0xaf: {  	s12 =	rddreg [dreg:$0x11];
	[sflag:s24] =	ssyncadd.s32 $0xFFFFD800  }
0xb0: {  	[spmem:s2] =	stream.indirect.scatter.add.f32 [tilespmem:s19], [sflag:$0x6], $0x80, s12, s18, $0xb8;
	[tilespmem:$0x1FC00] =	vst v63  }
0xb1: {  	_ =	swait.ge [sflag:s25], $0x2800  }
0xb2: {  	[sflag:s25] =	ssyncset.done $0x0  }
0xb3: {  	s13 =	rddreg [dreg:$0x12];
	[sflag:s25] =	ssyncadd.s32 $0xFFFFD800  }
0xb4: {  	[tilespmem:s19], [sflag:$0x2] =	stream.indirect.gather [hbm4b:s4+s18], $0x80, s13, s18, $0xb8;
	[tilespmem:$0x1FC00] =	vst v63  }
0xb5: {  	_ =	swait.ge [sflag:s26], $0x2800  }
0xb6: {  	[sflag:s26] =	ssyncset.done $0x0  }
0xb7: {  	s14 =	rddreg [dreg:$0x13];
	[sflag:s26] =	ssyncadd.s32 $0xFFFFD800  }
0xb8: {  	[spmem:s2] =	stream.indirect.scatter.add.f32 [tilespmem:s20], [sflag:$0x7], $0x80, s14, s18, $0xb8;
	[tilespmem:$0x1FC00] =	vst v63  }
0xb9: {  	_ =	swait.ge [sflag:s28], $0x2800  }
0xba: {  	[sflag:s28] =	ssyncset.done $0x0  }
0xbb: {  	s12 =	rddreg [dreg:$0x14];
	[sflag:s28] =	ssyncadd.s32 $0xFFFFD800  }
0xbc: {  	[tilespmem:s20], [sflag:$0x3] =	stream.indirect.gather [hbm4b:s4+s18], $0x80, s12, s18, $0xb8;
	[tilespmem:$0x1FC00] =	vst v63  }
0xbd: {  	_ =	swait.ge [sflag:s29], $0x2800  }
0xbe: {  	[sflag:s29] =	ssyncset.done $0x0  }
0xbf: {  	s13 =	rddreg [dreg:$0x15];
	[sflag:s29] =	ssyncadd.s32 $0xFFFFD800  }
0xc0: {  	[spmem:s2] =	stream.indirect.scatter.add.f32 [tilespmem:s21], [sflag:$0x8], $0x80, s13, s18, $0xb8;
	[tilespmem:$0x1FC00] =	vst v63  }
0xc1: {  	_ =	swait.ge [sflag:s30], $0x2800  }
0xc2: {  	[sflag:s30] =	ssyncset.done $0x0  }
0xc3: {  	s14 =	rddreg [dreg:$0x16];
	[sflag:s30] =	ssyncadd.s32 $0xFFFFD800  }
0xc4: {  	[tilespmem:s21], [sflag:$0x4] =	stream.indirect.gather [hbm4b:s4+s18], $0x80, s14, s18, $0xb8;
	[tilespmem:$0x1FC00] =	vst v63  }
0xc5: {  	_ =	swait.ge [sflag:s22], $0x2800  }
0xc6: {  	[sflag:s22] =	ssyncset.done $0x0  }
0xc7: {  	s12 =	rddreg [dreg:$0x17];
	[sflag:s22] =	ssyncadd.s32 $0xFFFFD800  }
0xc8: {  	[spmem:s2] =	stream.indirect.scatter.add.f32 [tilespmem:s15], [sflag:$0x5], $0x80, s12, s18, $0xb8;
	[tilespmem:$0x1FC00] =	vst v63  }
0xc9: {  	_ =	swait.ge [sflag:s23], $0x2800  }
0xca: {  	[sflag:s23] =	ssyncset.done $0x0  }
0xcb: {  	s13 =	rddreg [dreg:$0x18];
	[sflag:s23] =	ssyncadd.s32 $0xFFFFD800  }
0xcc: {  	[tilespmem:s15], [sflag:$0x1] =	stream.indirect.gather [hbm4b:s4+s18], $0x80, s13, s18, $0xb8;
	[tilespmem:$0x1FC00] =	vst v63  }
0xcd: {  	_ =	swait.ge [sflag:s24], $0x2800  }
0xce: {  	[sflag:s24] =	ssyncset.done $0x0  }
0xcf: {  	s14 =	rddreg [dreg:$0x19];
	[sflag:s24] =	ssyncadd.s32 $0xFFFFD800  }
0xd0: {  	[spmem:s2] =	stream.indirect.scatter.add.f32 [tilespmem:s19], [sflag:$0x6], $0x80, s14, s18, $0xb8;
	[tilespmem:$0x1FC00] =	vst v63  }
0xd1: {  	_ =	swait.ge [sflag:s25], $0x2800  }
0xd2: {  	[sflag:s25] =	ssyncset.done $0x0  }
0xd3: {  	s12 =	rddreg [dreg:$0x1a];
	[sflag:s25] =	ssyncadd.s32 $0xFFFFD800  }
0xd4: {  	[tilespmem:s19], [sflag:$0x2] =	stream.indirect.gather [hbm4b:s4+s18], $0x80, s12, s18, $0xb8;
	[tilespmem:$0x1FC00] =	vst v63  }
0xd5: {  	_ =	swait.ge [sflag:s26], $0x2800  }
0xd6: {  	[sflag:s26] =	ssyncset.done $0x0  }
0xd7: {  	s13 =	rddreg [dreg:$0x1b];
	[sflag:s26] =	ssyncadd.s32 $0xFFFFD800  }
0xd8: {  	[spmem:s2] =	stream.indirect.scatter.add.f32 [tilespmem:s20], [sflag:$0x7], $0x80, s13, s18, $0xb8;
	[tilespmem:$0x1FC00] =	vst v63  }
0xd9: {  	_ =	swait.ge [sflag:s28], $0x2800  }
0xda: {  	[sflag:s28] =	ssyncset.done $0x0  }
0xdb: {  	s14 =	rddreg [dreg:$0x1c];
	[sflag:s28] =	ssyncadd.s32 $0xFFFFD800  }
0xdc: {  	[tilespmem:s20], [sflag:$0x3] =	stream.indirect.gather [hbm4b:s4+s18], $0x80, s14, s18, $0xb8;
	[tilespmem:$0x1FC00] =	vst v63  }
0xdd: {  	_ =	swait.ge [sflag:s29], $0x2800  }
0xde: {  	[sflag:s29] =	ssyncset.done $0x0  }
0xdf: {  	s12 =	rddreg [dreg:$0x1d];
	[sflag:s29] =	ssyncadd.s32 $0xFFFFD800  }
0xe0: {  	[spmem:s2] =	stream.indirect.scatter.add.f32 [tilespmem:s21], [sflag:$0x8], $0x80, s12, s18, $0xb8;
	[tilespmem:$0x1FC00] =	vst v63  }
0xe1: {  	_ =	swait.ge [sflag:s30], $0x2800  }
0xe2: {  	[sflag:s30] =	ssyncset.done $0x0  }
0xe3: {  	s13 =	rddreg [dreg:$0x1e];
	[sflag:s30] =	ssyncadd.s32 $0xFFFFD800  }
0xe4: {  	[tilespmem:s21], [sflag:$0x4] =	stream.indirect.gather [hbm4b:s4+s18], $0x80, s13, s18, $0xb8;
	[tilespmem:$0x1FC00] =	vst v63  }
0xe5: {  	_ =	swait.ge [sflag:s22], $0x2800  }
0xe6: {  	[sflag:s22] =	ssyncset.done $0x0  }
0xe7: {  	s14 =	rddreg [dreg:$0x1f];
	[sflag:s22] =	ssyncadd.s32 $0xFFFFD800  }
0xe8: {  	[spmem:s2] =	stream.indirect.scatter.add.f32 [tilespmem:s15], [sflag:$0x5], $0x80, s14, s18, $0xb8;
	[tilespmem:$0x1FC00] =	vst v63  }
0xe9: {  	_ =	swait.ge [sflag:s23], $0x2800  }
0xea: {  	s12 =	sld [smem:$0x7EF]  }
0xeb: {  	[sflag:s23] =	ssyncset.done $0x0  }
0xec: {  	[sflag:s23] =	ssyncadd.s32 $0xFFFFD800  }
0xed: {  	[tilespmem:s15], [sflag:$0x1] =	stream.indirect.gather [hbm4b:s4+s18], $0x80, s12, s18, $0xb8;
	[tilespmem:$0x1FC00] =	vst v63  }
0xee: {  	_ =	swait.ge [sflag:s24], $0x2800  }
0xef: {  	s13 =	sld [smem:$0x7F1]  }
0xf0: {  	[sflag:s24] =	ssyncset.done $0x0  }
0xf1: {  	[sflag:s24] =	ssyncadd.s32 $0xFFFFD800  }
0xf2: {  	[spmem:s2] =	stream.indirect.scatter.add.f32 [tilespmem:s19], [sflag:$0x6], $0x80, s13, s18, $0xb8;
	[tilespmem:$0x1FC00] =	vst v63  }
0xf3: {  	_ =	swait.ge [sflag:s25], $0x2800  }
0xf4: {  	s14 =	sld [smem:$0x7F4]  }
0xf5: {  	[sflag:s25] =	ssyncset.done $0x0  }
0xf6: {  	[sflag:s25] =	ssyncadd.s32 $0xFFFFD800  }
0xf7: {  	[tilespmem:s19], [sflag:$0x2] =	stream.indirect.gather [hbm4b:s4+s18], $0x80, s14, s18, $0xb8;
	[tilespmem:$0x1FC00] =	vst v63  }
0xf8: {  	_ =	swait.ge [sflag:s26], $0x2800  }
0xf9: {  	s12 =	sld [smem:$0x7F5]  }
0xfa: {  	[sflag:s26] =	ssyncset.done $0x0  }
0xfb: {  	[sflag:s26] =	ssyncadd.s32 $0xFFFFD800  }
0xfc: {  	[spmem:s2] =	stream.indirect.scatter.add.f32 [tilespmem:s20], [sflag:$0x7], $0x80, s12, s18, $0xb8;
	[tilespmem:$0x1FC00] =	vst v63  }
0xfd: {  	_ =	swait.ge [sflag:s28], $0x2800  }
0xfe: {  	s13 =	sld [smem:$0x7F6]  }
0xff: {  	[sflag:s28] =	ssyncset.done $0x0  }
0x100: {  	[sflag:s28] =	ssyncadd.s32 $0xFFFFD800  }
0x101: {  	[tilespmem:s20], [sflag:$0x3] =	stream.indirect.gather [hbm4b:s4+s18], $0x80, s13, s18, $0xb8;
	[tilespmem:$0x1FC00] =	vst v63  }
0x102: {  	_ =	swait.ge [sflag:s29], $0x2800  }
0x103: {  	s14 =	sld [smem:$0x7F7]  }
0x104: {  	[sflag:s29] =	ssyncset.done $0x0  }
0x105: {  	[sflag:s29] =	ssyncadd.s32 $0xFFFFD800  }
0x106: {  	[spmem:s2] =	stream.indirect.scatter.add.f32 [tilespmem:s21], [sflag:$0x8], $0x80, s14, s18, $0xb8;
	[tilespmem:$0x1FC00] =	vst v63  }
0x107: {  	_ =	swait.ge [sflag:s30], $0x2800  }
0x108: {  	s12 =	sld [smem:$0x7F8]  }
0x109: {  	[sflag:s30] =	ssyncset.done $0x0  }
0x10a: {  	[sflag:s30] =	ssyncadd.s32 $0xFFFFD800  }
0x10b: {  	[tilespmem:s21], [sflag:$0x4] =	stream.indirect.gather [hbm4b:s4+s18], $0x80, s12, s18, $0xb8;
	[tilespmem:$0x1FC00] =	vst v63  }
0x10c: {  	_ =	swait.ge [sflag:s22], $0x2800  }
0x10d: {  	s13 =	sld [smem:$0x7F9]  }
0x10e: {  	[sflag:s22] =	ssyncset.done $0x0  }
0x10f: {  	[sflag:s22] =	ssyncadd.s32 $0xFFFFD800  }
0x110: {  	[spmem:s2] =	stream.indirect.scatter.add.f32 [tilespmem:s15], [sflag:$0x5], $0x80, s13, s18, $0xb8;
	[tilespmem:$0x1FC00] =	vst v63  }
0x111: {  	_ =	swait.ge [sflag:s23], $0x2800  }
0x112: {  	s14 =	sld [smem:$0x7FA]  }
0x113: {  	[sflag:s23] =	ssyncset.done $0x0  }
0x114: {  	[sflag:s23] =	ssyncadd.s32 $0xFFFFD800  }
0x115: {  	[tilespmem:s15], [sflag:$0x1] =	stream.indirect.gather [hbm4b:s4+s18], $0x80, s14, s18, $0xb8;
	[tilespmem:$0x1FC00] =	vst v63  }
0x116: {  	_ =	swait.ge [sflag:s24], $0x2800  }
0x117: {  	s12 =	sld [smem:$0x7FB]  }
0x118: {  	[sflag:s24] =	ssyncset.done $0x0  }
0x119: {  	[sflag:s24] =	ssyncadd.s32 $0xFFFFD800  }
0x11a: {  	[spmem:s2] =	stream.indirect.scatter.add.f32 [tilespmem:s19], [sflag:$0x6], $0x80, s12, s18, $0xb8;
	[tilespmem:$0x1FC00] =	vst v63  }
0x11b: {  	_ =	swait.ge [sflag:s25], $0x2800  }
0x11c: {  	s13 =	sld [smem:$0x7FC]  }
0x11d: {  	[sflag:s25] =	ssyncset.done $0x0  }
0x11e: {  	[sflag:s25] =	ssyncadd.s32 $0xFFFFD800  }
0x11f: {  	[tilespmem:s19], [sflag:$0x2] =	stream.indirect.gather [hbm4b:s4+s18], $0x80, s13, s18, $0xb8;
	[tilespmem:$0x1FC00] =	vst v63  }
0x120: {  	_ =	swait.ge [sflag:s26], $0x2800  }
0x121: {  	s14 =	sld [smem:$0x7FD]  }
0x122: {  	[sflag:s26] =	ssyncset.done $0x0  }
0x123: {  	[sflag:s26] =	ssyncadd.s32 $0xFFFFD800  }
0x124: {  	[spmem:s2] =	stream.indirect.scatter.add.f32 [tilespmem:s20], [sflag:$0x7], $0x80, s14, s18, $0xb8;
	[tilespmem:$0x1FC00] =	vst v63  }
0x125: {  	_ =	swait.ge [sflag:s28], $0x2800  }
0x126: {  	[sflag:s28] =	ssyncset.done $0x0  }
0x127: {  	[sflag:s28] =	ssyncadd.s32 $0xFFFFD800  }
0x128: {  	[tilespmem:s20], [sflag:$0x3] =	stream.indirect.gather [hbm4b:s4+s18], $0x80, s31, s18, $0xb8;
	[tilespmem:$0x1FC00] =	vst v63  }
0x129: {  	_ =	swait.ge [sflag:s29], $0x2800  }
0x12a: {  	[sflag:s29] =	ssyncset.done $0x0  }
0x12b: {  	[sflag:s29] =	ssyncadd.s32 $0xFFFFD800  }
0x12c: {  	[spmem:s2] =	stream.indirect.scatter.add.f32 [tilespmem:s21], [sflag:$0x8], $0x80, s1, s18, $0xb8;
	[tilespmem:$0x1FC00] =	vst v63  }
0x12d: {  	_ =	swait.ge [sflag:s30], $0x2800  }
0x12e: {  	[sflag:s30] =	ssyncset.done $0x0  }
0x12f: {  	[sflag:s30] =	ssyncadd.s32 $0xFFFFD800  }
0x130: {  	[tilespmem:s21], [sflag:$0x4] =	stream.indirect.gather [hbm4b:s4+s18], $0x80, s0, s18, $0xb8;
	[tilespmem:$0x1FC00] =	vst v63  }
0x131: {  	_ =	swait.ge [sflag:s22], $0x2800  }
0x132: {  	[sflag:s22] =	ssyncset.done $0x0  }
0x133: {  	[sflag:s22] =	ssyncadd.s32 $0xFFFFD800  }
0x134: {  	[spmem:s2] =	stream.indirect.scatter.add.f32 [tilespmem:s15], [sflag:$0x5], $0x80, s5, s18, $0xb8;
	[tilespmem:$0x1FC00] =	vst v63  }
0x135: {  	_ =	swait.ge [sflag:s23], $0x2800  }
0x136: {  	[sflag:s23] =	ssyncset.done $0x0  }
0x137: {  	[sflag:s23] =	ssyncadd.s32 $0xFFFFD800  }
0x138: {  	[tilespmem:s15], [sflag:$0x1] =	stream.indirect.gather [hbm4b:s4+s18], $0x80, s7, s18, $0xb8;
	[tilespmem:$0x1FC00] =	vst v63  }
0x139: {  	_ =	swait.ge [sflag:s24], $0x2800  }
0x13a: {  	[sflag:s24] =	ssyncset.done $0x0  }
0x13b: {  	[sflag:s24] =	ssyncadd.s32 $0xFFFFD800  }
0x13c: {  	[spmem:s2] =	stream.indirect.scatter.add.f32 [tilespmem:s19], [sflag:$0x6], $0x80, s8, s18, $0xb8;
	[tilespmem:$0x1FC00] =	vst v63  }
0x13d: {  	_ =	swait.ge [sflag:s26], $0x2800  }
0x13e: {  	[sflag:s26] =	ssyncset.done $0x0  }
0x13f: {  	[sflag:s26] =	ssyncadd.s32 $0xFFFFD800  }
0x140: {  	[spmem:s2] =	stream.indirect.scatter.add.f32 [tilespmem:s20], [sflag:$0x7], $0x80, s9, s18, $0xb8;
	[tilespmem:$0x1FC00] =	vst v63  }
0x141: {  	_ =	swait.ge [sflag:s29], $0x2800  }
0x142: {  	[sflag:s29] =	ssyncset.done $0x0  }
0x143: {  	[sflag:s29] =	ssyncadd.s32 $0xFFFFD800  }
0x144: {  	[spmem:s2] =	stream.indirect.scatter.add.f32 [tilespmem:s21], [sflag:$0x8], $0x80, s10, s18, $0xb8;
	[tilespmem:$0x1FC00] =	vst v63  }
0x145: {  	_ =	swait.ge [sflag:s22], $0x2800  }
0x146: {  	[sflag:s22] =	ssyncset.done $0x0  }
0x147: {  	[sflag:s22] =	ssyncadd.s32 $0xFFFFD800  }
0x148: {  	[spmem:s2] =	stream.indirect.scatter.add.f32 [tilespmem:s15], [sflag:$0x5], $0x80, s11, s18, $0xb8;
	[tilespmem:$0x1FC00] =	vst v63  }
0x149: {  	_ =	swait.ge [sflag:s25], $0x2800  }
0x14a: {  	[sflag:s25] =	ssyncset.done $0x0  }
0x14b: {  	[sflag:s25] =	ssyncadd.s32 $0xFFFFD800  }
0x14c: {  	_ =	swait.ge [sflag:s28], $0x2800  }
0x14d: {  	[sflag:s28] =	ssyncset.done $0x0  }
0x14e: {  	[sflag:s28] =	ssyncadd.s32 $0xFFFFD800  }
0x14f: {  	_ =	swait.ge [sflag:s30], $0x2800  }
0x150: {  	[sflag:s30] =	ssyncset.done $0x0  }
0x151: {  	[sflag:s30] =	ssyncadd.s32 $0xFFFFD800  }
0x152: {  	s13 =	simm.s32 $0x200;
	_ =	swait.ge [sflag:s23], $0x2800  }
0x153: {  	s14 =	simm.s32 $0x400;
	s6 =	rddreg [dreg:$0x4];
	[sflag:s23] =	ssyncset.done $0x0  }
.LBB2_4:
0x154: {  	[sflag:s23] =	ssyncadd.s32 $0xFFFFD800;
	s6 =	sadd.s32 s13, s6  }
0x155: {  	[tilespmem:s3], [sflag:$0x9] =	stream.linear.gather [hbm4b:s6+s3], $0xC80, $0x38;
	[tilespmem:$0x1FC00] =	vst v63  }
0x156: {  	_ =	swait.ge [sflag:s16], $0xC80  }
0x157: {  	s6 =	rddreg [dreg:$0x3];
	[sflag:s16] =	ssyncset.done $0x0  }
0x158: {  	[sflag:s16] =	ssyncadd.s32 $0xFFFFF380;
	s6 =	sadd.s32 s13, s6  }
0x159: {  	[tilespmem:s17], [sflag:$0x9] =	stream.linear.gather [hbm4b:s6+s3], $0xC80, $0x38;
	[tilespmem:$0x1FC00] =	vst v63  }
0x15a: {  	_ =	swait.ge [sflag:s16], $0xC80  }
0x15b: {  	[sflag:s16] =	ssyncset.done $0x0  }
0x15c: {  	[sflag:s16] =	ssyncadd.s32 $0xFFFFF380  }
0x15d: {  	[tilespmem:s15], [sflag:$0x1] =	stream.indirect.gather [hbm4b:s4+s18], $0x80, s3, s18, $0xb8;
	[tilespmem:$0x1FC00] =	vst v63  }
0x15e: {  	s12 =	smov.u32 s14;
	s6 =	rddreg [dreg:$0x5]  }
0x15f: {  	[tilespmem:s19], [sflag:$0x2] =	stream.indirect.gather [hbm4b:s4+s18], $0x80, s6, s18, $0xb8;
	[tilespmem:$0x1FC00] =	vst v63  }
0x160: {  	s13 =	smov.u32 s12;
	s12 =	rddreg [dreg:$0x6]  }
0x161: {  	[tilespmem:s20], [sflag:$0x3] =	stream.indirect.gather [hbm4b:s4+s18], $0x80, s12, s18, $0xb8;
	[tilespmem:$0x1FC00] =	vst v63  }
0x162: {  	s6 =	rddreg [dreg:$0x7]  }
0x163: {  	[tilespmem:s21], [sflag:$0x4] =	stream.indirect.gather [hbm4b:s4+s18], $0x80, s6, s18, $0xb8;
	[tilespmem:$0x1FC00] =	vst v63  }
0x164: {  	_ =	swait.ge [sflag:s22], $0x2800  }
0x165: {  	[sflag:s22] =	ssyncset.done $0x0  }
0x166: {  	[sflag:s22] =	ssyncadd.s32 $0xFFFFD800  }
0x167: {  	[spmem:s2] =	stream.indirect.scatter.add.f32 [tilespmem:s15], [sflag:$0x5], $0x80, s17, s18, $0xb8;
	[tilespmem:$0x1FC00] =	vst v63  }
0x168: {  	_ =	swait.ge [sflag:s23], $0x2800  }
0x169: {  	[sflag:s23] =	ssyncset.done $0x0  }
0x16a: {  	s12 =	rddreg [dreg:$0x8];
	[sflag:s23] =	ssyncadd.s32 $0xFFFFD800  }
0x16b: {  	[tilespmem:s15], [sflag:$0x1] =	stream.indirect.gather [hbm4b:s4+s18], $0x80, s12, s18, $0xb8;
	[tilespmem:$0x1FC00] =	vst v63  }
0x16c: {  	_ =	swait.ge [sflag:s24], $0x2800  }
0x16d: {  	[sflag:s24] =	ssyncset.done $0x0  }
0x16e: {  	s12 =	rddreg [dreg:$0x9];
	[sflag:s24] =	ssyncadd.s32 $0xFFFFD800  }
0x16f: {  	[spmem:s2] =	stream.indirect.scatter.add.f32 [tilespmem:s19], [sflag:$0x6], $0x80, s12, s18, $0xb8;
	[tilespmem:$0x1FC00] =	vst v63  }
0x170: {  	_ =	swait.ge [sflag:s25], $0x2800  }
0x171: {  	[sflag:s25] =	ssyncset.done $0x0  }
0x172: {  	s12 =	rddreg [dreg:$0xa];
	[sflag:s25] =	ssyncadd.s32 $0xFFFFD800  }
0x173: {  	[tilespmem:s19], [sflag:$0x2] =	stream.indirect.gather [hbm4b:s4+s18], $0x80, s12, s18, $0xb8;
	[tilespmem:$0x1FC00] =	vst v63  }
0x174: {  	_ =	swait.ge [sflag:s26], $0x2800  }
0x175: {  	[sflag:s26] =	ssyncset.done $0x0  }
0x176: {  	s12 =	rddreg [dreg:$0xb];
	[sflag:s26] =	ssyncadd.s32 $0xFFFFD800  }
0x177: {  	[spmem:s2] =	stream.indirect.scatter.add.f32 [tilespmem:s20], [sflag:$0x7], $0x80, s12, s18, $0xb8;
	[tilespmem:$0x1FC00] =	vst v63  }
0x178: {  	_ =	swait.ge [sflag:s28], $0x2800  }
0x179: {  	[sflag:s28] =	ssyncset.done $0x0  }
0x17a: {  	s12 =	rddreg [dreg:$0xc];
	[sflag:s28] =	ssyncadd.s32 $0xFFFFD800  }
0x17b: {  	[tilespmem:s20], [sflag:$0x3] =	stream.indirect.gather [hbm4b:s4+s18], $0x80, s12, s18, $0xb8;
	[tilespmem:$0x1FC00] =	vst v63  }
0x17c: {  	_ =	swait.ge [sflag:s29], $0x2800  }
0x17d: {  	[sflag:s29] =	ssyncset.done $0x0  }
0x17e: {  	s12 =	rddreg [dreg:$0xd];
	[sflag:s29] =	ssyncadd.s32 $0xFFFFD800  }
0x17f: {  	[spmem:s2] =	stream.indirect.scatter.add.f32 [tilespmem:s21], [sflag:$0x8], $0x80, s12, s18, $0xb8;
	[tilespmem:$0x1FC00] =	vst v63  }
0x180: {  	_ =	swait.ge [sflag:s30], $0x2800  }
0x181: {  	[sflag:s30] =	ssyncset.done $0x0  }
0x182: {  	s12 =	rddreg [dreg:$0xe];
	[sflag:s30] =	ssyncadd.s32 $0xFFFFD800  }
0x183: {  	[tilespmem:s21], [sflag:$0x4] =	stream.indirect.gather [hbm4b:s4+s18], $0x80, s12, s18, $0xb8;
	[tilespmem:$0x1FC00] =	vst v63  }
0x184: {  	_ =	swait.ge [sflag:s22], $0x2800  }
0x185: {  	[sflag:s22] =	ssyncset.done $0x0  }
0x186: {  	s12 =	rddreg [dreg:$0xf];
	[sflag:s22] =	ssyncadd.s32 $0xFFFFD800  }
0x187: {  	[spmem:s2] =	stream.indirect.scatter.add.f32 [tilespmem:s15], [sflag:$0x5], $0x80, s12, s18, $0xb8;
	[tilespmem:$0x1FC00] =	vst v63  }
0x188: {  	_ =	swait.ge [sflag:s23], $0x2800  }
0x189: {  	[sflag:s23] =	ssyncset.done $0x0  }
0x18a: {  	s12 =	rddreg [dreg:$0x10];
	[sflag:s23] =	ssyncadd.s32 $0xFFFFD800  }
0x18b: {  	[tilespmem:s15], [sflag:$0x1] =	stream.indirect.gather [hbm4b:s4+s18], $0x80, s12, s18, $0xb8;
	[tilespmem:$0x1FC00] =	vst v63  }
0x18c: {  	_ =	swait.ge [sflag:s24], $0x2800  }
0x18d: {  	[sflag:s24] =	ssyncset.done $0x0  }
0x18e: {  	s12 =	rddreg [dreg:$0x11];
	[sflag:s24] =	ssyncadd.s32 $0xFFFFD800  }
0x18f: {  	[spmem:s2] =	stream.indirect.scatter.add.f32 [tilespmem:s19], [sflag:$0x6], $0x80, s12, s18, $0xb8;
	[tilespmem:$0x1FC00] =	vst v63  }
0x190: {  	_ =	swait.ge [sflag:s25], $0x2800  }
0x191: {  	[sflag:s25] =	ssyncset.done $0x0  }
0x192: {  	s12 =	rddreg [dreg:$0x12];
	[sflag:s25] =	ssyncadd.s32 $0xFFFFD800  }
0x193: {  	[tilespmem:s19], [sflag:$0x2] =	stream.indirect.gather [hbm4b:s4+s18], $0x80, s12, s18, $0xb8;
	[tilespmem:$0x1FC00] =	vst v63  }
0x194: {  	_ =	swait.ge [sflag:s26], $0x2800  }
0x195: {  	[sflag:s26] =	ssyncset.done $0x0  }
0x196: {  	s12 =	rddreg [dreg:$0x13];
	[sflag:s26] =	ssyncadd.s32 $0xFFFFD800  }
0x197: {  	[spmem:s2] =	stream.indirect.scatter.add.f32 [tilespmem:s20], [sflag:$0x7], $0x80, s12, s18, $0xb8;
	[tilespmem:$0x1FC00] =	vst v63  }
0x198: {  	_ =	swait.ge [sflag:s28], $0x2800  }
0x199: {  	[sflag:s28] =	ssyncset.done $0x0  }
0x19a: {  	s12 =	rddreg [dreg:$0x14];
	[sflag:s28] =	ssyncadd.s32 $0xFFFFD800  }
0x19b: {  	[tilespmem:s20], [sflag:$0x3] =	stream.indirect.gather [hbm4b:s4+s18], $0x80, s12, s18, $0xb8;
	[tilespmem:$0x1FC00] =	vst v63  }
0x19c: {  	_ =	swait.ge [sflag:s29], $0x2800  }
0x19d: {  	[sflag:s29] =	ssyncset.done $0x0  }
0x19e: {  	s12 =	rddreg [dreg:$0x15];
	[sflag:s29] =	ssyncadd.s32 $0xFFFFD800  }
0x19f: {  	[spmem:s2] =	stream.indirect.scatter.add.f32 [tilespmem:s21], [sflag:$0x8], $0x80, s12, s18, $0xb8;
	[tilespmem:$0x1FC00] =	vst v63  }
0x1a0: {  	_ =	swait.ge [sflag:s30], $0x2800  }
0x1a1: {  	[sflag:s30] =	ssyncset.done $0x0  }
0x1a2: {  	s12 =	rddreg [dreg:$0x16];
	[sflag:s30] =	ssyncadd.s32 $0xFFFFD800  }
0x1a3: {  	[tilespmem:s21], [sflag:$0x4] =	stream.indirect.gather [hbm4b:s4+s18], $0x80, s12, s18, $0xb8;
	[tilespmem:$0x1FC00] =	vst v63  }
0x1a4: {  	_ =	swait.ge [sflag:s22], $0x2800  }
0x1a5: {  	[sflag:s22] =	ssyncset.done $0x0  }
0x1a6: {  	s12 =	rddreg [dreg:$0x17];
	[sflag:s22] =	ssyncadd.s32 $0xFFFFD800  }
0x1a7: {  	[spmem:s2] =	stream.indirect.scatter.add.f32 [tilespmem:s15], [sflag:$0x5], $0x80, s12, s18, $0xb8;
	[tilespmem:$0x1FC00] =	vst v63  }
0x1a8: {  	_ =	swait.ge [sflag:s23], $0x2800  }
0x1a9: {  	[sflag:s23] =	ssyncset.done $0x0  }
0x1aa: {  	s12 =	rddreg [dreg:$0x18];
	[sflag:s23] =	ssyncadd.s32 $0xFFFFD800  }
0x1ab: {  	[tilespmem:s15], [sflag:$0x1] =	stream.indirect.gather [hbm4b:s4+s18], $0x80, s12, s18, $0xb8;
	[tilespmem:$0x1FC00] =	vst v63  }
0x1ac: {  	_ =	swait.ge [sflag:s24], $0x2800  }
0x1ad: {  	[sflag:s24] =	ssyncset.done $0x0  }
0x1ae: {  	s12 =	rddreg [dreg:$0x19];
	[sflag:s24] =	ssyncadd.s32 $0xFFFFD800  }
0x1af: {  	[spmem:s2] =	stream.indirect.scatter.add.f32 [tilespmem:s19], [sflag:$0x6], $0x80, s12, s18, $0xb8;
	[tilespmem:$0x1FC00] =	vst v63  }
0x1b0: {  	_ =	swait.ge [sflag:s25], $0x2800  }
0x1b1: {  	[sflag:s25] =	ssyncset.done $0x0  }
0x1b2: {  	s12 =	rddreg [dreg:$0x1a];
	[sflag:s25] =	ssyncadd.s32 $0xFFFFD800  }
0x1b3: {  	[tilespmem:s19], [sflag:$0x2] =	stream.indirect.gather [hbm4b:s4+s18], $0x80, s12, s18, $0xb8;
	[tilespmem:$0x1FC00] =	vst v63  }
0x1b4: {  	_ =	swait.ge [sflag:s26], $0x2800  }
0x1b5: {  	[sflag:s26] =	ssyncset.done $0x0  }
0x1b6: {  	s12 =	rddreg [dreg:$0x1b];
	[sflag:s26] =	ssyncadd.s32 $0xFFFFD800  }
0x1b7: {  	[spmem:s2] =	stream.indirect.scatter.add.f32 [tilespmem:s20], [sflag:$0x7], $0x80, s12, s18, $0xb8;
	[tilespmem:$0x1FC00] =	vst v63  }
0x1b8: {  	_ =	swait.ge [sflag:s28], $0x2800  }
0x1b9: {  	[sflag:s28] =	ssyncset.done $0x0  }
0x1ba: {  	s12 =	rddreg [dreg:$0x1c];
	[sflag:s28] =	ssyncadd.s32 $0xFFFFD800  }
0x1bb: {  	[tilespmem:s20], [sflag:$0x3] =	stream.indirect.gather [hbm4b:s4+s18], $0x80, s12, s18, $0xb8;
	[tilespmem:$0x1FC00] =	vst v63  }
0x1bc: {  	_ =	swait.ge [sflag:s29], $0x2800  }
0x1bd: {  	[sflag:s29] =	ssyncset.done $0x0  }
0x1be: {  	s12 =	rddreg [dreg:$0x1d];
	[sflag:s29] =	ssyncadd.s32 $0xFFFFD800  }
0x1bf: {  	[spmem:s2] =	stream.indirect.scatter.add.f32 [tilespmem:s21], [sflag:$0x8], $0x80, s12, s18, $0xb8;
	[tilespmem:$0x1FC00] =	vst v63  }
0x1c0: {  	_ =	swait.ge [sflag:s30], $0x2800  }
0x1c1: {  	[sflag:s30] =	ssyncset.done $0x0  }
0x1c2: {  	s12 =	rddreg [dreg:$0x1e];
	[sflag:s30] =	ssyncadd.s32 $0xFFFFD800  }
0x1c3: {  	[tilespmem:s21], [sflag:$0x4] =	stream.indirect.gather [hbm4b:s4+s18], $0x80, s12, s18, $0xb8;
	[tilespmem:$0x1FC00] =	vst v63  }
0x1c4: {  	_ =	swait.ge [sflag:s22], $0x2800  }
0x1c5: {  	[sflag:s22] =	ssyncset.done $0x0  }
0x1c6: {  	s12 =	rddreg [dreg:$0x1f];
	[sflag:s22] =	ssyncadd.s32 $0xFFFFD800  }
0x1c7: {  	[spmem:s2] =	stream.indirect.scatter.add.f32 [tilespmem:s15], [sflag:$0x5], $0x80, s12, s18, $0xb8;
	[tilespmem:$0x1FC00] =	vst v63  }
0x1c8: {  	_ =	swait.ge [sflag:s23], $0x2800  }
0x1c9: {  	s12 =	sld [smem:$0x7EF]  }
0x1ca: {  	[sflag:s23] =	ssyncset.done $0x0  }
0x1cb: {  	[sflag:s23] =	ssyncadd.s32 $0xFFFFD800  }
0x1cc: {  	[tilespmem:s15], [sflag:$0x1] =	stream.indirect.gather [hbm4b:s4+s18], $0x80, s12, s18, $0xb8;
	[tilespmem:$0x1FC00] =	vst v63  }
0x1cd: {  	_ =	swait.ge [sflag:s24], $0x2800  }
0x1ce: {  	s12 =	sld [smem:$0x7F1]  }
0x1cf: {  	[sflag:s24] =	ssyncset.done $0x0  }
0x1d0: {  	[sflag:s24] =	ssyncadd.s32 $0xFFFFD800  }
0x1d1: {  	[spmem:s2] =	stream.indirect.scatter.add.f32 [tilespmem:s19], [sflag:$0x6], $0x80, s12, s18, $0xb8;
	[tilespmem:$0x1FC00] =	vst v63  }
0x1d2: {  	_ =	swait.ge [sflag:s25], $0x2800  }
0x1d3: {  	s12 =	sld [smem:$0x7F4]  }
0x1d4: {  	[sflag:s25] =	ssyncset.done $0x0  }
0x1d5: {  	[sflag:s25] =	ssyncadd.s32 $0xFFFFD800  }
0x1d6: {  	[tilespmem:s19], [sflag:$0x2] =	stream.indirect.gather [hbm4b:s4+s18], $0x80, s12, s18, $0xb8;
	[tilespmem:$0x1FC00] =	vst v63  }
0x1d7: {  	_ =	swait.ge [sflag:s26], $0x2800  }
0x1d8: {  	s12 =	sld [smem:$0x7F5]  }
0x1d9: {  	[sflag:s26] =	ssyncset.done $0x0  }
0x1da: {  	[sflag:s26] =	ssyncadd.s32 $0xFFFFD800  }
0x1db: {  	[spmem:s2] =	stream.indirect.scatter.add.f32 [tilespmem:s20], [sflag:$0x7], $0x80, s12, s18, $0xb8;
	[tilespmem:$0x1FC00] =	vst v63  }
0x1dc: {  	_ =	swait.ge [sflag:s28], $0x2800  }
0x1dd: {  	s12 =	sld [smem:$0x7F6]  }
0x1de: {  	[sflag:s28] =	ssyncset.done $0x0  }
0x1df: {  	[sflag:s28] =	ssyncadd.s32 $0xFFFFD800  }
0x1e0: {  	[tilespmem:s20], [sflag:$0x3] =	stream.indirect.gather [hbm4b:s4+s18], $0x80, s12, s18, $0xb8;
	[tilespmem:$0x1FC00] =	vst v63  }
0x1e1: {  	_ =	swait.ge [sflag:s29], $0x2800  }
0x1e2: {  	s12 =	sld [smem:$0x7F7]  }
0x1e3: {  	[sflag:s29] =	ssyncset.done $0x0  }
0x1e4: {  	[sflag:s29] =	ssyncadd.s32 $0xFFFFD800  }
0x1e5: {  	[spmem:s2] =	stream.indirect.scatter.add.f32 [tilespmem:s21], [sflag:$0x8], $0x80, s12, s18, $0xb8;
	[tilespmem:$0x1FC00] =	vst v63  }
0x1e6: {  	_ =	swait.ge [sflag:s30], $0x2800  }
0x1e7: {  	s12 =	sld [smem:$0x7F8]  }
0x1e8: {  	[sflag:s30] =	ssyncset.done $0x0  }
0x1e9: {  	[sflag:s30] =	ssyncadd.s32 $0xFFFFD800  }
0x1ea: {  	[tilespmem:s21], [sflag:$0x4] =	stream.indirect.gather [hbm4b:s4+s18], $0x80, s12, s18, $0xb8;
	[tilespmem:$0x1FC00] =	vst v63  }
0x1eb: {  	_ =	swait.ge [sflag:s22], $0x2800  }
0x1ec: {  	s12 =	sld [smem:$0x7F9]  }
0x1ed: {  	[sflag:s22] =	ssyncset.done $0x0  }
0x1ee: {  	[sflag:s22] =	ssyncadd.s32 $0xFFFFD800  }
0x1ef: {  	[spmem:s2] =	stream.indirect.scatter.add.f32 [tilespmem:s15], [sflag:$0x5], $0x80, s12, s18, $0xb8;
	[tilespmem:$0x1FC00] =	vst v63  }
0x1f0: {  	_ =	swait.ge [sflag:s23], $0x2800  }
0x1f1: {  	s12 =	sld [smem:$0x7FA]  }
0x1f2: {  	[sflag:s23] =	ssyncset.done $0x0  }
0x1f3: {  	[sflag:s23] =	ssyncadd.s32 $0xFFFFD800  }
0x1f4: {  	[tilespmem:s15], [sflag:$0x1] =	stream.indirect.gather [hbm4b:s4+s18], $0x80, s12, s18, $0xb8;
	[tilespmem:$0x1FC00] =	vst v63  }
0x1f5: {  	_ =	swait.ge [sflag:s24], $0x2800  }
0x1f6: {  	s12 =	sld [smem:$0x7FB]  }
0x1f7: {  	[sflag:s24] =	ssyncset.done $0x0  }
0x1f8: {  	[sflag:s24] =	ssyncadd.s32 $0xFFFFD800  }
0x1f9: {  	[spmem:s2] =	stream.indirect.scatter.add.f32 [tilespmem:s19], [sflag:$0x6], $0x80, s12, s18, $0xb8;
	[tilespmem:$0x1FC00] =	vst v63  }
0x1fa: {  	_ =	swait.ge [sflag:s25], $0x2800  }
0x1fb: {  	s12 =	sld [smem:$0x7FC]  }
0x1fc: {  	[sflag:s25] =	ssyncset.done $0x0  }
0x1fd: {  	[sflag:s25] =	ssyncadd.s32 $0xFFFFD800  }
0x1fe: {  	[tilespmem:s19], [sflag:$0x2] =	stream.indirect.gather [hbm4b:s4+s18], $0x80, s12, s18, $0xb8;
	[tilespmem:$0x1FC00] =	vst v63  }
0x1ff: {  	_ =	swait.ge [sflag:s26], $0x2800  }
0x200: {  	s12 =	sld [smem:$0x7FD]  }
0x201: {  	[sflag:s26] =	ssyncset.done $0x0  }
0x202: {  	[sflag:s26] =	ssyncadd.s32 $0xFFFFD800  }
0x203: {  	[spmem:s2] =	stream.indirect.scatter.add.f32 [tilespmem:s20], [sflag:$0x7], $0x80, s12, s18, $0xb8;
	[tilespmem:$0x1FC00] =	vst v63  }
0x204: {  	_ =	swait.ge [sflag:s28], $0x2800  }
0x205: {  	[sflag:s28] =	ssyncset.done $0x0  }
0x206: {  	[sflag:s28] =	ssyncadd.s32 $0xFFFFD800  }
0x207: {  	[tilespmem:s20], [sflag:$0x3] =	stream.indirect.gather [hbm4b:s4+s18], $0x80, s31, s18, $0xb8;
	[tilespmem:$0x1FC00] =	vst v63  }
0x208: {  	_ =	swait.ge [sflag:s29], $0x2800  }
0x209: {  	[sflag:s29] =	ssyncset.done $0x0  }
0x20a: {  	[sflag:s29] =	ssyncadd.s32 $0xFFFFD800  }
0x20b: {  	[spmem:s2] =	stream.indirect.scatter.add.f32 [tilespmem:s21], [sflag:$0x8], $0x80, s1, s18, $0xb8;
	[tilespmem:$0x1FC00] =	vst v63  }
0x20c: {  	_ =	swait.ge [sflag:s30], $0x2800  }
0x20d: {  	[sflag:s30] =	ssyncset.done $0x0  }
0x20e: {  	[sflag:s30] =	ssyncadd.s32 $0xFFFFD800  }
0x20f: {  	[tilespmem:s21], [sflag:$0x4] =	stream.indirect.gather [hbm4b:s4+s18], $0x80, s0, s18, $0xb8;
	[tilespmem:$0x1FC00] =	vst v63  }
0x210: {  	_ =	swait.ge [sflag:s22], $0x2800  }
0x211: {  	[sflag:s22] =	ssyncset.done $0x0  }
0x212: {  	[sflag:s22] =	ssyncadd.s32 $0xFFFFD800  }
0x213: {  	[spmem:s2] =	stream.indirect.scatter.add.f32 [tilespmem:s15], [sflag:$0x5], $0x80, s5, s18, $0xb8;
	[tilespmem:$0x1FC00] =	vst v63  }
0x214: {  	_ =	swait.ge [sflag:s23], $0x2800  }
0x215: {  	[sflag:s23] =	ssyncset.done $0x0  }
0x216: {  	[sflag:s23] =	ssyncadd.s32 $0xFFFFD800  }
0x217: {  	[tilespmem:s15], [sflag:$0x1] =	stream.indirect.gather [hbm4b:s4+s18], $0x80, s7, s18, $0xb8;
	[tilespmem:$0x1FC00] =	vst v63  }
0x218: {  	_ =	swait.ge [sflag:s24], $0x2800  }
0x219: {  	[sflag:s24] =	ssyncset.done $0x0  }
0x21a: {  	[sflag:s24] =	ssyncadd.s32 $0xFFFFD800  }
0x21b: {  	[spmem:s2] =	stream.indirect.scatter.add.f32 [tilespmem:s19], [sflag:$0x6], $0x80, s8, s18, $0xb8;
	[tilespmem:$0x1FC00] =	vst v63  }
0x21c: {  	_ =	swait.ge [sflag:s26], $0x2800  }
0x21d: {  	[sflag:s26] =	ssyncset.done $0x0  }
0x21e: {  	[sflag:s26] =	ssyncadd.s32 $0xFFFFD800  }
0x21f: {  	[spmem:s2] =	stream.indirect.scatter.add.f32 [tilespmem:s20], [sflag:$0x7], $0x80, s9, s18, $0xb8;
	[tilespmem:$0x1FC00] =	vst v63  }
0x220: {  	_ =	swait.ge [sflag:s29], $0x2800  }
0x221: {  	[sflag:s29] =	ssyncset.done $0x0  }
0x222: {  	[sflag:s29] =	ssyncadd.s32 $0xFFFFD800  }
0x223: {  	[spmem:s2] =	stream.indirect.scatter.add.f32 [tilespmem:s21], [sflag:$0x8], $0x80, s10, s18, $0xb8;
	[tilespmem:$0x1FC00] =	vst v63  }
0x224: {  	_ =	swait.ge [sflag:s22], $0x2800  }
0x225: {  	[sflag:s22] =	ssyncset.done $0x0  }
0x226: {  	[sflag:s22] =	ssyncadd.s32 $0xFFFFD800  }
0x227: {  	[spmem:s2] =	stream.indirect.scatter.add.f32 [tilespmem:s15], [sflag:$0x5], $0x80, s11, s18, $0xb8;
	[tilespmem:$0x1FC00] =	vst v63  }
0x228: {  	_ =	swait.ge [sflag:s25], $0x2800  }
0x229: {  	[sflag:s25] =	ssyncset.done $0x0  }
0x22a: {  	[sflag:s25] =	ssyncadd.s32 $0xFFFFD800  }
0x22b: {  	_ =	swait.ge [sflag:s28], $0x2800  }
0x22c: {  	[sflag:s28] =	ssyncset.done $0x0  }
0x22d: {  	p0 =	sne.s32 s14, $0x800;
	[sflag:s28] =	ssyncadd.s32 $0xFFFFD800  }
.Ltmp1:
0x22e: {  	_ =	swait.ge [sflag:s30], $0x2800;
	(pc) =	sbr.rel @p0 .LBB2_4-.Ltmp1, $4  }
0x22f: {  	[sflag:s30] =	ssyncset.done $0x0  }
0x230: {  	[sflag:s30] =	ssyncadd.s32 $0xFFFFD800  }
0x231: {  	_ =	swait.ge [sflag:s23], $0x2800  }
0x232: {  	s14 =	sadd.s32 $0x200, s14;
	s6 =	rddreg [dreg:$0x4];
	[sflag:s23] =	ssyncset.done $0x0  }
0x233: {  	[sflag:s23] =	ssyncadd.s32 $0xFFFFD800;
	s6 =	sadd.s32 s13, s6  }
0x234: {  	[tilespmem:s3], [sflag:$0x9] =	stream.linear.gather [hbm4b:s6+s3], $0xC80, $0x38;
	[tilespmem:$0x1FC00] =	vst v63  }
0x235: {  	_ =	swait.ge [sflag:s16], $0xC80  }
0x236: {  	s12 =	rddreg [dreg:$0x3];
	[sflag:s16] =	ssyncset.done $0x0  }
0x237: {  	[sflag:s16] =	ssyncadd.s32 $0xFFFFF380;
	s6 =	sadd.s32 s13, s12  }
0x238: {  	[tilespmem:s17], [sflag:$0x9] =	stream.linear.gather [hbm4b:s6+s3], $0xC80, $0x38;
	[tilespmem:$0x1FC00] =	vst v63  }
0x239: {  	_ =	swait.ge [sflag:s16], $0xC80  }
0x23a: {  	[sflag:s16] =	ssyncset.done $0x0  }
0x23b: {  	[sflag:s16] =	ssyncadd.s32 $0xFFFFF380  }
0x23c: {  	[tilespmem:s15], [sflag:$0x1] =	stream.indirect.gather [hbm4b:s4+s18], $0x80, s3, s18, $0xb8;
	[tilespmem:$0x1FC00] =	vst v63  }
0x23d: {  	s13 =	rddreg [dreg:$0x5]  }
0x23e: {  	[tilespmem:s19], [sflag:$0x2] =	stream.indirect.gather [hbm4b:s4+s18], $0x80, s13, s18, $0xb8;
	[tilespmem:$0x1FC00] =	vst v63  }
0x23f: {  	s12 =	rddreg [dreg:$0x6]  }
0x240: {  	[tilespmem:s20], [sflag:$0x3] =	stream.indirect.gather [hbm4b:s4+s18], $0x80, s12, s18, $0xb8;
	[tilespmem:$0x1FC00] =	vst v63  }
0x241: {  	s14 =	rddreg [dreg:$0x7]  }
0x242: {  	[tilespmem:s21], [sflag:$0x4] =	stream.indirect.gather [hbm4b:s4+s18], $0x80, s14, s18, $0xb8;
	[tilespmem:$0x1FC00] =	vst v63  }
0x243: {  	_ =	swait.ge [sflag:s22], $0x2800  }
0x244: {  	[sflag:s22] =	ssyncset.done $0x0  }
0x245: {  	[sflag:s22] =	ssyncadd.s32 $0xFFFFD800  }
0x246: {  	[spmem:s2] =	stream.indirect.scatter.add.f32 [tilespmem:s15], [sflag:$0x5], $0x80, s17, s18, $0xb8;
	[tilespmem:$0x1FC00] =	vst v63  }
0x247: {  	_ =	swait.ge [sflag:s23], $0x2800  }
0x248: {  	[sflag:s23] =	ssyncset.done $0x0  }
0x249: {  	s12 =	rddreg [dreg:$0x8];
	[sflag:s23] =	ssyncadd.s32 $0xFFFFD800  }
0x24a: {  	[tilespmem:s15], [sflag:$0x1] =	stream.indirect.gather [hbm4b:s4+s18], $0x80, s12, s18, $0xb8;
	[tilespmem:$0x1FC00] =	vst v63  }
0x24b: {  	_ =	swait.ge [sflag:s24], $0x2800  }
0x24c: {  	[sflag:s24] =	ssyncset.done $0x0  }
0x24d: {  	s13 =	rddreg [dreg:$0x9];
	[sflag:s24] =	ssyncadd.s32 $0xFFFFD800  }
0x24e: {  	[spmem:s2] =	stream.indirect.scatter.add.f32 [tilespmem:s19], [sflag:$0x6], $0x80, s13, s18, $0xb8;
	[tilespmem:$0x1FC00] =	vst v63  }
0x24f: {  	_ =	swait.ge [sflag:s25], $0x2800  }
0x250: {  	[sflag:s25] =	ssyncset.done $0x0  }
0x251: {  	s14 =	rddreg [dreg:$0xa];
	[sflag:s25] =	ssyncadd.s32 $0xFFFFD800  }
0x252: {  	[tilespmem:s19], [sflag:$0x2] =	stream.indirect.gather [hbm4b:s4+s18], $0x80, s14, s18, $0xb8;
	[tilespmem:$0x1FC00] =	vst v63  }
0x253: {  	_ =	swait.ge [sflag:s26], $0x2800  }
0x254: {  	[sflag:s26] =	ssyncset.done $0x0  }
0x255: {  	s12 =	rddreg [dreg:$0xb];
	[sflag:s26] =	ssyncadd.s32 $0xFFFFD800  }
0x256: {  	[spmem:s2] =	stream.indirect.scatter.add.f32 [tilespmem:s20], [sflag:$0x7], $0x80, s12, s18, $0xb8;
	[tilespmem:$0x1FC00] =	vst v63  }
0x257: {  	_ =	swait.ge [sflag:s28], $0x2800  }
0x258: {  	[sflag:s28] =	ssyncset.done $0x0  }
0x259: {  	s13 =	rddreg [dreg:$0xc];
	[sflag:s28] =	ssyncadd.s32 $0xFFFFD800  }
0x25a: {  	[tilespmem:s20], [sflag:$0x3] =	stream.indirect.gather [hbm4b:s4+s18], $0x80, s13, s18, $0xb8;
	[tilespmem:$0x1FC00] =	vst v63  }
0x25b: {  	_ =	swait.ge [sflag:s29], $0x2800  }
0x25c: {  	[sflag:s29] =	ssyncset.done $0x0  }
0x25d: {  	s14 =	rddreg [dreg:$0xd];
	[sflag:s29] =	ssyncadd.s32 $0xFFFFD800  }
0x25e: {  	[spmem:s2] =	stream.indirect.scatter.add.f32 [tilespmem:s21], [sflag:$0x8], $0x80, s14, s18, $0xb8;
	[tilespmem:$0x1FC00] =	vst v63  }
0x25f: {  	_ =	swait.ge [sflag:s30], $0x2800  }
0x260: {  	[sflag:s30] =	ssyncset.done $0x0  }
0x261: {  	s12 =	rddreg [dreg:$0xe];
	[sflag:s30] =	ssyncadd.s32 $0xFFFFD800  }
0x262: {  	[tilespmem:s21], [sflag:$0x4] =	stream.indirect.gather [hbm4b:s4+s18], $0x80, s12, s18, $0xb8;
	[tilespmem:$0x1FC00] =	vst v63  }
0x263: {  	_ =	swait.ge [sflag:s22], $0x2800  }
0x264: {  	[sflag:s22] =	ssyncset.done $0x0  }
0x265: {  	s13 =	rddreg [dreg:$0xf];
	[sflag:s22] =	ssyncadd.s32 $0xFFFFD800  }
0x266: {  	[spmem:s2] =	stream.indirect.scatter.add.f32 [tilespmem:s15], [sflag:$0x5], $0x80, s13, s18, $0xb8;
	[tilespmem:$0x1FC00] =	vst v63  }
0x267: {  	_ =	swait.ge [sflag:s23], $0x2800  }
0x268: {  	[sflag:s23] =	ssyncset.done $0x0  }
0x269: {  	s14 =	rddreg [dreg:$0x10];
	[sflag:s23] =	ssyncadd.s32 $0xFFFFD800  }
0x26a: {  	[tilespmem:s15], [sflag:$0x1] =	stream.indirect.gather [hbm4b:s4+s18], $0x80, s14, s18, $0xb8;
	[tilespmem:$0x1FC00] =	vst v63  }
0x26b: {  	_ =	swait.ge [sflag:s24], $0x2800  }
0x26c: {  	[sflag:s24] =	ssyncset.done $0x0  }
0x26d: {  	s12 =	rddreg [dreg:$0x11];
	[sflag:s24] =	ssyncadd.s32 $0xFFFFD800  }
0x26e: {  	[spmem:s2] =	stream.indirect.scatter.add.f32 [tilespmem:s19], [sflag:$0x6], $0x80, s12, s18, $0xb8;
	[tilespmem:$0x1FC00] =	vst v63  }
0x26f: {  	_ =	swait.ge [sflag:s25], $0x2800  }
0x270: {  	[sflag:s25] =	ssyncset.done $0x0  }
0x271: {  	s13 =	rddreg [dreg:$0x12];
	[sflag:s25] =	ssyncadd.s32 $0xFFFFD800  }
0x272: {  	[tilespmem:s19], [sflag:$0x2] =	stream.indirect.gather [hbm4b:s4+s18], $0x80, s13, s18, $0xb8;
	[tilespmem:$0x1FC00] =	vst v63  }
0x273: {  	_ =	swait.ge [sflag:s26], $0x2800  }
0x274: {  	[sflag:s26] =	ssyncset.done $0x0  }
0x275: {  	s14 =	rddreg [dreg:$0x13];
	[sflag:s26] =	ssyncadd.s32 $0xFFFFD800  }
0x276: {  	[spmem:s2] =	stream.indirect.scatter.add.f32 [tilespmem:s20], [sflag:$0x7], $0x80, s14, s18, $0xb8;
	[tilespmem:$0x1FC00] =	vst v63  }
0x277: {  	_ =	swait.ge [sflag:s28], $0x2800  }
0x278: {  	[sflag:s28] =	ssyncset.done $0x0  }
0x279: {  	s12 =	rddreg [dreg:$0x14];
	[sflag:s28] =	ssyncadd.s32 $0xFFFFD800  }
0x27a: {  	[tilespmem:s20], [sflag:$0x3] =	stream.indirect.gather [hbm4b:s4+s18], $0x80, s12, s18, $0xb8;
	[tilespmem:$0x1FC00] =	vst v63  }
0x27b: {  	_ =	swait.ge [sflag:s29], $0x2800  }
0x27c: {  	[sflag:s29] =	ssyncset.done $0x0  }
0x27d: {  	s13 =	rddreg [dreg:$0x15];
	[sflag:s29] =	ssyncadd.s32 $0xFFFFD800  }
0x27e: {  	[spmem:s2] =	stream.indirect.scatter.add.f32 [tilespmem:s21], [sflag:$0x8], $0x80, s13, s18, $0xb8;
	[tilespmem:$0x1FC00] =	vst v63  }
0x27f: {  	_ =	swait.ge [sflag:s30], $0x2800  }
0x280: {  	[sflag:s30] =	ssyncset.done $0x0  }
0x281: {  	s14 =	rddreg [dreg:$0x16];
	[sflag:s30] =	ssyncadd.s32 $0xFFFFD800  }
0x282: {  	[tilespmem:s21], [sflag:$0x4] =	stream.indirect.gather [hbm4b:s4+s18], $0x80, s14, s18, $0xb8;
	[tilespmem:$0x1FC00] =	vst v63  }
0x283: {  	_ =	swait.ge [sflag:s22], $0x2800  }
0x284: {  	[sflag:s22] =	ssyncset.done $0x0  }
0x285: {  	s12 =	rddreg [dreg:$0x17];
	[sflag:s22] =	ssyncadd.s32 $0xFFFFD800  }
0x286: {  	[spmem:s2] =	stream.indirect.scatter.add.f32 [tilespmem:s15], [sflag:$0x5], $0x80, s12, s18, $0xb8;
	[tilespmem:$0x1FC00] =	vst v63  }
0x287: {  	_ =	swait.ge [sflag:s23], $0x2800  }
0x288: {  	[sflag:s23] =	ssyncset.done $0x0  }
0x289: {  	s13 =	rddreg [dreg:$0x18];
	[sflag:s23] =	ssyncadd.s32 $0xFFFFD800  }
0x28a: {  	[tilespmem:s15], [sflag:$0x1] =	stream.indirect.gather [hbm4b:s4+s18], $0x80, s13, s18, $0xb8;
	[tilespmem:$0x1FC00] =	vst v63  }
0x28b: {  	_ =	swait.ge [sflag:s24], $0x2800  }
0x28c: {  	[sflag:s24] =	ssyncset.done $0x0  }
0x28d: {  	s14 =	rddreg [dreg:$0x19];
	[sflag:s24] =	ssyncadd.s32 $0xFFFFD800  }
0x28e: {  	[spmem:s2] =	stream.indirect.scatter.add.f32 [tilespmem:s19], [sflag:$0x6], $0x80, s14, s18, $0xb8;
	[tilespmem:$0x1FC00] =	vst v63  }
0x28f: {  	_ =	swait.ge [sflag:s25], $0x2800  }
0x290: {  	[sflag:s25] =	ssyncset.done $0x0  }
0x291: {  	s12 =	rddreg [dreg:$0x1a];
	[sflag:s25] =	ssyncadd.s32 $0xFFFFD800  }
0x292: {  	[tilespmem:s19], [sflag:$0x2] =	stream.indirect.gather [hbm4b:s4+s18], $0x80, s12, s18, $0xb8;
	[tilespmem:$0x1FC00] =	vst v63  }
0x293: {  	_ =	swait.ge [sflag:s26], $0x2800  }
0x294: {  	[sflag:s26] =	ssyncset.done $0x0  }
0x295: {  	s13 =	rddreg [dreg:$0x1b];
	[sflag:s26] =	ssyncadd.s32 $0xFFFFD800  }
0x296: {  	[spmem:s2] =	stream.indirect.scatter.add.f32 [tilespmem:s20], [sflag:$0x7], $0x80, s13, s18, $0xb8;
	[tilespmem:$0x1FC00] =	vst v63  }
0x297: {  	_ =	swait.ge [sflag:s28], $0x2800  }
0x298: {  	[sflag:s28] =	ssyncset.done $0x0  }
0x299: {  	s14 =	rddreg [dreg:$0x1c];
	[sflag:s28] =	ssyncadd.s32 $0xFFFFD800  }
0x29a: {  	[tilespmem:s20], [sflag:$0x3] =	stream.indirect.gather [hbm4b:s4+s18], $0x80, s14, s18, $0xb8;
	[tilespmem:$0x1FC00] =	vst v63  }
0x29b: {  	_ =	swait.ge [sflag:s29], $0x2800  }
0x29c: {  	[sflag:s29] =	ssyncset.done $0x0  }
0x29d: {  	s12 =	rddreg [dreg:$0x1d];
	[sflag:s29] =	ssyncadd.s32 $0xFFFFD800  }
0x29e: {  	[spmem:s2] =	stream.indirect.scatter.add.f32 [tilespmem:s21], [sflag:$0x8], $0x80, s12, s18, $0xb8;
	[tilespmem:$0x1FC00] =	vst v63  }
0x29f: {  	_ =	swait.ge [sflag:s30], $0x2800  }
0x2a0: {  	[sflag:s30] =	ssyncset.done $0x0  }
0x2a1: {  	s13 =	rddreg [dreg:$0x1e];
	[sflag:s30] =	ssyncadd.s32 $0xFFFFD800  }
0x2a2: {  	[tilespmem:s21], [sflag:$0x4] =	stream.indirect.gather [hbm4b:s4+s18], $0x80, s13, s18, $0xb8;
	[tilespmem:$0x1FC00] =	vst v63  }
0x2a3: {  	_ =	swait.ge [sflag:s22], $0x2800  }
0x2a4: {  	[sflag:s22] =	ssyncset.done $0x0  }
0x2a5: {  	s14 =	rddreg [dreg:$0x1f];
	[sflag:s22] =	ssyncadd.s32 $0xFFFFD800  }
0x2a6: {  	[spmem:s2] =	stream.indirect.scatter.add.f32 [tilespmem:s15], [sflag:$0x5], $0x80, s14, s18, $0xb8;
	[tilespmem:$0x1FC00] =	vst v63  }
0x2a7: {  	_ =	swait.ge [sflag:s23], $0x2800  }
0x2a8: {  	s12 =	sld [smem:$0x7EF]  }
0x2a9: {  	[sflag:s23] =	ssyncset.done $0x0  }
0x2aa: {  	[sflag:s23] =	ssyncadd.s32 $0xFFFFD800  }
0x2ab: {  	[tilespmem:s15], [sflag:$0x1] =	stream.indirect.gather [hbm4b:s4+s18], $0x80, s12, s18, $0xb8;
	[tilespmem:$0x1FC00] =	vst v63  }
0x2ac: {  	_ =	swait.ge [sflag:s24], $0x2800  }
0x2ad: {  	s13 =	sld [smem:$0x7F1]  }
0x2ae: {  	[sflag:s24] =	ssyncset.done $0x0  }
0x2af: {  	[sflag:s24] =	ssyncadd.s32 $0xFFFFD800  }
0x2b0: {  	[spmem:s2] =	stream.indirect.scatter.add.f32 [tilespmem:s19], [sflag:$0x6], $0x80, s13, s18, $0xb8;
	[tilespmem:$0x1FC00] =	vst v63  }
0x2b1: {  	_ =	swait.ge [sflag:s25], $0x2800  }
0x2b2: {  	s14 =	sld [smem:$0x7F4]  }
0x2b3: {  	[sflag:s25] =	ssyncset.done $0x0  }
0x2b4: {  	[sflag:s25] =	ssyncadd.s32 $0xFFFFD800  }
0x2b5: {  	[tilespmem:s19], [sflag:$0x2] =	stream.indirect.gather [hbm4b:s4+s18], $0x80, s14, s18, $0xb8;
	[tilespmem:$0x1FC00] =	vst v63  }
0x2b6: {  	_ =	swait.ge [sflag:s26], $0x2800  }
0x2b7: {  	s12 =	sld [smem:$0x7F5]  }
0x2b8: {  	[sflag:s26] =	ssyncset.done $0x0  }
0x2b9: {  	[sflag:s26] =	ssyncadd.s32 $0xFFFFD800  }
0x2ba: {  	[spmem:s2] =	stream.indirect.scatter.add.f32 [tilespmem:s20], [sflag:$0x7], $0x80, s12, s18, $0xb8;
	[tilespmem:$0x1FC00] =	vst v63  }
0x2bb: {  	_ =	swait.ge [sflag:s28], $0x2800  }
0x2bc: {  	s13 =	sld [smem:$0x7F6]  }
0x2bd: {  	[sflag:s28] =	ssyncset.done $0x0  }
0x2be: {  	[sflag:s28] =	ssyncadd.s32 $0xFFFFD800  }
0x2bf: {  	[tilespmem:s20], [sflag:$0x3] =	stream.indirect.gather [hbm4b:s4+s18], $0x80, s13, s18, $0xb8;
	[tilespmem:$0x1FC00] =	vst v63  }
0x2c0: {  	_ =	swait.ge [sflag:s29], $0x2800  }
0x2c1: {  	s14 =	sld [smem:$0x7F7]  }
0x2c2: {  	[sflag:s29] =	ssyncset.done $0x0  }
0x2c3: {  	[sflag:s29] =	ssyncadd.s32 $0xFFFFD800  }
0x2c4: {  	[spmem:s2] =	stream.indirect.scatter.add.f32 [tilespmem:s21], [sflag:$0x8], $0x80, s14, s18, $0xb8;
	[tilespmem:$0x1FC00] =	vst v63  }
0x2c5: {  	_ =	swait.ge [sflag:s30], $0x2800  }
0x2c6: {  	s12 =	sld [smem:$0x7F8]  }
0x2c7: {  	[sflag:s30] =	ssyncset.done $0x0  }
0x2c8: {  	[sflag:s30] =	ssyncadd.s32 $0xFFFFD800  }
0x2c9: {  	[tilespmem:s21], [sflag:$0x4] =	stream.indirect.gather [hbm4b:s4+s18], $0x80, s12, s18, $0xb8;
	[tilespmem:$0x1FC00] =	vst v63  }
0x2ca: {  	_ =	swait.ge [sflag:s22], $0x2800  }
0x2cb: {  	s13 =	sld [smem:$0x7F9]  }
0x2cc: {  	[sflag:s22] =	ssyncset.done $0x0  }
0x2cd: {  	[sflag:s22] =	ssyncadd.s32 $0xFFFFD800  }
0x2ce: {  	[spmem:s2] =	stream.indirect.scatter.add.f32 [tilespmem:s15], [sflag:$0x5], $0x80, s13, s18, $0xb8;
	[tilespmem:$0x1FC00] =	vst v63  }
0x2cf: {  	_ =	swait.ge [sflag:s23], $0x2800  }
0x2d0: {  	s14 =	sld [smem:$0x7FA]  }
0x2d1: {  	[sflag:s23] =	ssyncset.done $0x0  }
0x2d2: {  	[sflag:s23] =	ssyncadd.s32 $0xFFFFD800  }
0x2d3: {  	[tilespmem:s15], [sflag:$0x1] =	stream.indirect.gather [hbm4b:s4+s18], $0x80, s14, s18, $0xb8;
	[tilespmem:$0x1FC00] =	vst v63  }
0x2d4: {  	_ =	swait.ge [sflag:s24], $0x2800  }
0x2d5: {  	s12 =	sld [smem:$0x7FB]  }
0x2d6: {  	[sflag:s24] =	ssyncset.done $0x0  }
0x2d7: {  	[sflag:s24] =	ssyncadd.s32 $0xFFFFD800  }
0x2d8: {  	[spmem:s2] =	stream.indirect.scatter.add.f32 [tilespmem:s19], [sflag:$0x6], $0x80, s12, s18, $0xb8;
	[tilespmem:$0x1FC00] =	vst v63  }
0x2d9: {  	_ =	swait.ge [sflag:s25], $0x2800  }
0x2da: {  	s13 =	sld [smem:$0x7FC]  }
0x2db: {  	[sflag:s25] =	ssyncset.done $0x0  }
0x2dc: {  	[sflag:s25] =	ssyncadd.s32 $0xFFFFD800  }
0x2dd: {  	[tilespmem:s19], [sflag:$0x2] =	stream.indirect.gather [hbm4b:s4+s18], $0x80, s13, s18, $0xb8;
	[tilespmem:$0x1FC00] =	vst v63  }
0x2de: {  	_ =	swait.ge [sflag:s26], $0x2800  }
0x2df: {  	s14 =	sld [smem:$0x7FD]  }
0x2e0: {  	[sflag:s26] =	ssyncset.done $0x0  }
0x2e1: {  	[sflag:s26] =	ssyncadd.s32 $0xFFFFD800  }
0x2e2: {  	[spmem:s2] =	stream.indirect.scatter.add.f32 [tilespmem:s20], [sflag:$0x7], $0x80, s14, s18, $0xb8;
	[tilespmem:$0x1FC00] =	vst v63  }
0x2e3: {  	_ =	swait.ge [sflag:s28], $0x2800  }
0x2e4: {  	[sflag:s28] =	ssyncset.done $0x0  }
0x2e5: {  	[sflag:s28] =	ssyncadd.s32 $0xFFFFD800  }
0x2e6: {  	[tilespmem:s20], [sflag:$0x3] =	stream.indirect.gather [hbm4b:s4+s18], $0x80, s31, s18, $0xb8;
	[tilespmem:$0x1FC00] =	vst v63  }
0x2e7: {  	_ =	swait.ge [sflag:s29], $0x2800  }
0x2e8: {  	[sflag:s29] =	ssyncset.done $0x0  }
0x2e9: {  	[sflag:s29] =	ssyncadd.s32 $0xFFFFD800  }
0x2ea: {  	[spmem:s2] =	stream.indirect.scatter.add.f32 [tilespmem:s21], [sflag:$0x8], $0x80, s1, s18, $0xb8;
	[tilespmem:$0x1FC00] =	vst v63  }
0x2eb: {  	_ =	swait.ge [sflag:s30], $0x2800  }
0x2ec: {  	[sflag:s30] =	ssyncset.done $0x0  }
0x2ed: {  	[sflag:s30] =	ssyncadd.s32 $0xFFFFD800  }
0x2ee: {  	[tilespmem:s21], [sflag:$0x4] =	stream.indirect.gather [hbm4b:s4+s18], $0x80, s0, s18, $0xb8;
	[tilespmem:$0x1FC00] =	vst v63  }
0x2ef: {  	_ =	swait.ge [sflag:s22], $0x2800  }
0x2f0: {  	[sflag:s22] =	ssyncset.done $0x0  }
0x2f1: {  	[sflag:s22] =	ssyncadd.s32 $0xFFFFD800  }
0x2f2: {  	[spmem:s2] =	stream.indirect.scatter.add.f32 [tilespmem:s15], [sflag:$0x5], $0x80, s5, s18, $0xb8;
	[tilespmem:$0x1FC00] =	vst v63  }
0x2f3: {  	_ =	swait.ge [sflag:s23], $0x2800  }
0x2f4: {  	[sflag:s23] =	ssyncset.done $0x0  }
0x2f5: {  	[sflag:s23] =	ssyncadd.s32 $0xFFFFD800  }
0x2f6: {  	[tilespmem:s15], [sflag:$0x1] =	stream.indirect.gather [hbm4b:s4+s18], $0x80, s7, s18, $0xb8;
	[tilespmem:$0x1FC00] =	vst v63  }
0x2f7: {  	_ =	swait.ge [sflag:s24], $0x2800  }
0x2f8: {  	[sflag:s24] =	ssyncset.done $0x0  }
0x2f9: {  	[sflag:s24] =	ssyncadd.s32 $0xFFFFD800  }
0x2fa: {  	[spmem:s2] =	stream.indirect.scatter.add.f32 [tilespmem:s19], [sflag:$0x6], $0x80, s8, s18, $0xb8;
	[tilespmem:$0x1FC00] =	vst v63  }
0x2fb: {  	_ =	swait.ge [sflag:s26], $0x2800  }
0x2fc: {  	[sflag:s26] =	ssyncset.done $0x0  }
0x2fd: {  	[sflag:s26] =	ssyncadd.s32 $0xFFFFD800  }
0x2fe: {  	[spmem:s2] =	stream.indirect.scatter.add.f32 [tilespmem:s20], [sflag:$0x7], $0x80, s9, s18, $0xb8;
	[tilespmem:$0x1FC00] =	vst v63  }
0x2ff: {  	_ =	swait.ge [sflag:s29], $0x2800  }
0x300: {  	[sflag:s29] =	ssyncset.done $0x0  }
0x301: {  	[sflag:s29] =	ssyncadd.s32 $0xFFFFD800  }
0x302: {  	[spmem:s2] =	stream.indirect.scatter.add.f32 [tilespmem:s21], [sflag:$0x8], $0x80, s10, s18, $0xb8;
	[tilespmem:$0x1FC00] =	vst v63  }
0x303: {  	_ =	swait.ge [sflag:s22], $0x2800  }
0x304: {  	[sflag:s22] =	ssyncset.done $0x0  }
0x305: {  	[sflag:s22] =	ssyncadd.s32 $0xFFFFD800  }
0x306: {  	[spmem:s2] =	stream.indirect.scatter.add.f32 [tilespmem:s15], [sflag:$0x5], $0x80, s11, s18, $0xb8;
	[tilespmem:$0x1FC00] =	vst v63  }
0x307: {  	_ =	swait.ge [sflag:s25], $0x2800  }
0x308: {  	[sflag:s25] =	ssyncset.done $0x0  }
0x309: {  	[sflag:s25] =	ssyncadd.s32 $0xFFFFD800  }
0x30a: {  	_ =	swait.ge [sflag:s28], $0x2800  }
0x30b: {  	[sflag:s28] =	ssyncset.done $0x0  }
0x30c: {  	[sflag:s28] =	ssyncadd.s32 $0xFFFFD800  }
0x30d: {  	_ =	swait.ge [sflag:s30], $0x2800  }
0x30e: {  	[sflag:s30] =	ssyncset.done $0x0  }
0x30f: {  	[sflag:s30] =	ssyncadd.s32 $0xFFFFD800  }
0x310: {  	_ =	swait.ge [sflag:s23], $0x2800  }
0x311: {  	[sflag:s23] =	ssyncset.done $0x0  }
0x312: {  	[sflag:s23] =	ssyncadd.s32 $0xFFFFD800  }
0x313: {  	[bflag:$0x0] =	sbarrier.arrive $0xFFFF  }
0x314: {  	s13 =	sld [smem:$0x7F2]  }
0x315: {  	s12 =	stileid.u32;
	s14 =	sld [smem:$0x7E8]  }
0x316: {  	s6 =	sshll.u32 s12, $0x6  }
0x317: {  	s6 =	sor.u32 $0x1C09, s6;
	s12 =	sshrl.u32 s13, $0x3  }
0x318: {  	[hbm:s14], [sflag:s6] =	dma.local [spmem:s12], $0x2780  }
0x319: {  	_ =	swait.ge [sflag:s16], $0x2780  }
0x31a: {  	s13 =	sld [smem:$0x7E7]  }
0x31b: {  	s14 =	sld [smem:$0x7E9];
	_ =	sdelay $0x1  }
0x31c: {  	s12 =	sadd.s32 $0x1, s13  }
0x31d: {  	p0 =	sne.s32 s12, s14  }
.Ltmp2:
0x31e: {  	_ = 	snop;
	(pc) =	sbr.rel @p0 .LBB2_1-.Ltmp2, $3  }
0x31f: {  	_ =	sdelay $0x1  }
0x320: {  	[sflag:s16] =	ssyncset.done $0x0  }
0x321: {  	[sflag:s16] =	ssyncadd.s32 $0xFFFFD880  }
0x322: {  	_ =	sfence.sel $0x180000  }
0x323: {  	[bflag:$0x0] =	sbarrier.arrive $0xFFFF  }
0x324: {  	_ =	strace $0x9000004A  }
0x325: {  	s0 =	stileid.u32;
	[bflag:$0x2] =	sbarrier.arrive $0xFFFF  }
0x326: {  	p0 =	sne.s32 s0, $0x0;
	s0 =	rddreg [dreg:$0x2]  }
0x327: {  	s0 =	sadd.s32 @!p0 $0x100000, s0  }
0x328: {  	[sflag:s0] =	ssyncadd.tile.s32 @!p0 $0x1;
	_ =	shalt  }
.Lfunc_end2:
_tile_overlayer_lowered:
.L_overlay_start_2:
0x329: {  	(tag) =	ssettag $0x2  }
0x32a: {  	s0 =	rddreg [dreg:$0x0];
	s2 =	stileid.u32  }
0x32b: {  	s1 =	rddreg [dreg:$0x1];
	p0 =	sne.s32 s2, $0x0  }
0x32c: {  	s3 =	rddreg [dreg:$0x2];
	[bflag:$0x3] =	sbarrier.arrive $0xFFFF;
	s2 =	simm.s32 @!p0 $0x1C09  }
0x32d: {  	[timem:s3], [sflag:s2] =	dma.local @!p0 [hbm:s0], s1  }
0x32e: {  	s0 =	simm.s32 @!p0 $0x9  }
0x32f: {  	_ =	swait.ge @!p0 [sflag:s0], s1  }
0x330: {  	s1 =	ssub.s32 @!p0 $0x0, s1;
	[sflag:s0] =	ssyncset.done @!p0 $0x0  }
0x331: {  	[sflag:s0] =	ssyncadd.s32 @!p0 s1  }
0x332: {  	[bflag:$0x3] =	sbarrier.arrive $0xFFFF  }
0x333: {  	_ =	shalt  }

// kernel: _pipeline.14.cloned.1.call-start
scs
__scs_entry_jumppad:
0x0: {  	(pc) =	sbr.rel $0x88, $3  }
0x1: {  	(tag) =	ssettag $0x0;
	lr =	simm.s32 $0x1  }
0x2: {  	[smem:$0x3F99] =	sst lr;
	_ =	strace $0xD0000000  }
0x3: {  	_ = 	snop  }
0x4: {  	_ = 	snop  }
0x5: {  	_ = 	snop  }
0x6: {  	_ = 	snop  }
0x7: {  	_ = 	snop  }
__scs_overlays_trampoline_lowered:
0x8: {  	[smem:$0x3FA8] =	sst s0  }
0x9: {  	[smem:$0x3FA9] =	sst s1  }
0xa: {  	[smem:$0x3FAA] =	sst s2  }
0xb: {  	[smem:$0x3FAB] =	sst s3  }
0xc: {  	[smem:$0x3FAC] =	sst s4  }
0xd: {  	[smem:$0x3FAD] =	sst s5  }
0xe: {  	[smem:$0x3FAE] =	sst s6  }
0xf: {  	[smem:$0x3FAF] =	sst s7  }
0x10: {  	[smem:$0x3FB0] =	sst s8  }
0x11: {  	[smem:$0x3FB1] =	sst s9;
	s0 =	simm.s32 @!p0 $0x0  }
0x12: {  	s1 =	sld [smem:$0x3F97];
	s0 =	simm.s32 @p0 $0x1  }
0x13: {  	[smem:$0x3FB2] =	sst s0;
	s0 =	simm.s32 @!p1 $0x0  }
0x14: {  	s2 =	sld [smem:$0x3F96];
	s0 =	simm.s32 @p1 $0x1  }
0x15: {  	[smem:$0x3FB3] =	sst s0;
	s0 =	simm.s32 @!p2 $0x0  }
0x16: {  	s3 =	sld [smem:$0x3FDB];
	s0 =	simm.s32 @p2 $0x1  }
0x17: {  	s4 =	simm.s32 $0x1BF5;
	[smem:$0x3FB5] =	sst s0  }
0x18: {  	s0 =	sld [smem:$0x3F98];
	_ =	swait.ge [sflag:s4], $0x0  }
0x19: {  	s7 =	sld [smem:$0x3F99]  }
0x1a: {  	s8 =	sadd.s32 $0xFFFFE003, lr  }
0x1b: {  	s9 =	sadd.s32 $0xFFFFFEF7, lr;
	s5 =	simm.s32 $0xFFFFFFFF;
	p2 =	slt.u32 s8, $0xFFFFF086  }
0x1c: {  	p1 =	slt.u32 s9, $0xF7A;
	s5 =	simm.s32 @!p2 $0x0  }
0x1d: {  	s5 =	simm.s32 @p1 $0x1;
	p0 =	seq.s32 s7, s2  }
0x1e: {  	s7 =	smul.u32 @!p0 $0xF7A, s2;
	p2 =	seq.s32 @!p0 s5, $0x0  }
0x1f: {  	s9 =	smul.u32 $0xF7A, s1;
	s8 =	simm.s32 @!p0 $0x1BF5;
	p2 =	por !p2, p0  }
0x20: {  	[sflag:s8] =	ssyncset.s32 @!p0 $0xFFFFF086;
	s6 =	sadd.s32 @!p0 s3, s7;
	s7 =	simm.s32 @!p0 $0x108  }
0x21: {  	s3 =	sadd.s32 s3, s9;
	s6 =	sadd.s32 @!p0 $0x88, s6;
	s7 =	simm.s32 @p2 $0x1082  }
0x22: {  	[simem:s7], [sflag:s8] =	dma.local @!p0 [hbm:s6], $0xF7A  }
0x23: {  	s9 =	sor.u32 $0xD0000000, s2;
	s6 =	simm.s32 $0x108;
	_ =	swait.ge @!p0 [sflag:s8], $0x0  }
0x24: {  	s3 =	sadd.s32 $0x88, s3;
	s6 =	simm.s32 @!p1 $0x1082;
	[sflag:s4] =	ssyncset.s32 $0xFFFFF086  }
0x25: {  	[simem:s6], [sflag:s4] =	dma.local [hbm:s3], $0xF7A  }
0x26: {  	[smem:$0x3F99] =	sst s1;
	(tag) =	ssettag s2;
	_ =	strace s9  }
0x27: {  	s1 =	sld [smem:$0x3FA9]  }
0x28: {  	s2 =	sld [smem:$0x3FAA]  }
0x29: {  	s4 =	sld [smem:$0x3FAC]  }
0x2a: {  	p0 =	seq.s32 s5, $0x0;
	s5 =	sld [smem:$0x3FAD]  }
0x2b: {  	s6 =	sld [smem:$0x3FAE]  }
0x2c: {  	s7 =	sld [smem:$0x3FAF]  }
0x2d: {  	s3 =	simm.s32 $0x108;
	s8 =	sld [smem:$0x3FB0]  }
0x2e: {  	s3 =	simm.s32 @!p0 $0x1082;
	s9 =	sld [smem:$0x3FB1]  }
0x2f: {  	lr =	sadd.s32 s0, s3;
	s0 =	sld [smem:$0x3FA8]  }
0x30: {  	s3 =	sld [smem:$0x3FAB]  }
0x31: {  	[smem:$0x3FB4] =	sst s10  }
0x32: {  	s10 =	sld [smem:$0x3FB2];
	_ =	sdelay $0x3  }
0x33: {  	p0 =	seq.s32 s10, $0x1;
	s10 =	sld [smem:$0x3FB4];
	_ =	sdelay $0x3  }
0x34: {  	[smem:$0x3FB4] =	sst s10  }
0x35: {  	s10 =	sld [smem:$0x3FB3];
	_ =	sdelay $0x3  }
0x36: {  	p1 =	seq.s32 s10, $0x1;
	s10 =	sld [smem:$0x3FB4];
	_ =	sdelay $0x3  }
0x37: {  	[smem:$0x3FB4] =	sst s10  }
0x38: {  	s10 =	sld [smem:$0x3FB5]  }
0x39: {  	_ = 	snop;
	(pc) =	sbr.ind lr, $3  }
0x3a: {  	_ = 	snop  }
0x3b: {  	_ = 	snop  }
0x3c: {  	p2 =	seq.s32 s10, $0x1;
	s10 =	sld [smem:$0x3FB4]  }
0x3d: {  	_ =	shalt  }
0x3e: {  	_ =	shalt  }
0x3f: {  	_ =	shalt  }
0x40: {  	_ =	shalt  }
0x41: {  	_ =	shalt  }
0x42: {  	_ =	shalt  }
0x43: {  	_ =	shalt  }
0x44: {  	_ =	shalt  }
0x45: {  	_ =	shalt  }
0x46: {  	_ =	shalt  }
0x47: {  	_ =	shalt  }
0x48: {  	_ =	shalt  }
0x49: {  	_ =	shalt  }
0x4a: {  	_ =	shalt  }
0x4b: {  	_ =	shalt  }
0x4c: {  	_ =	shalt  }
0x4d: {  	_ =	shalt  }
0x4e: {  	_ =	shalt  }
0x4f: {  	_ =	shalt  }
0x50: {  	_ =	shalt  }
0x51: {  	_ =	shalt  }
0x52: {  	_ =	shalt  }
0x53: {  	_ =	shalt  }
0x54: {  	_ =	shalt  }
0x55: {  	_ =	shalt  }
0x56: {  	_ =	shalt  }
0x57: {  	_ =	shalt  }
0x58: {  	_ =	shalt  }
0x59: {  	_ =	shalt  }
0x5a: {  	_ =	shalt  }
0x5b: {  	_ =	shalt  }
0x5c: {  	_ =	shalt  }
0x5d: {  	_ =	shalt  }
0x5e: {  	_ =	shalt  }
0x5f: {  	_ =	shalt  }
0x60: {  	_ =	shalt  }
0x61: {  	_ =	shalt  }
0x62: {  	_ =	shalt  }
0x63: {  	_ =	shalt  }
0x64: {  	_ =	shalt  }
0x65: {  	_ =	shalt  }
0x66: {  	_ =	shalt  }
0x67: {  	_ =	shalt  }
0x68: {  	_ =	shalt  }
0x69: {  	_ =	shalt  }
0x6a: {  	_ =	shalt  }
0x6b: {  	_ =	shalt  }
0x6c: {  	_ =	shalt  }
0x6d: {  	_ =	shalt  }
0x6e: {  	_ =	shalt  }
0x6f: {  	_ =	shalt  }
0x70: {  	_ =	shalt  }
0x71: {  	_ =	shalt  }
0x72: {  	_ =	shalt  }
0x73: {  	_ =	shalt  }
0x74: {  	_ =	shalt  }
0x75: {  	_ =	shalt  }
0x76: {  	_ =	shalt  }
0x77: {  	_ =	shalt  }
0x78: {  	_ =	shalt  }
0x79: {  	_ =	shalt  }
0x7a: {  	_ =	shalt  }
0x7b: {  	_ =	shalt  }
0x7c: {  	_ =	shalt  }
0x7d: {  	_ =	shalt  }
0x7e: {  	_ =	shalt  }
0x7f: {  	_ =	shalt  }
0x80: {  	_ =	shalt  }
0x81: {  	_ =	shalt  }
0x82: {  	_ =	shalt  }
0x83: {  	_ =	shalt  }
0x84: {  	_ =	shalt  }
0x85: {  	_ =	shalt  }
0x86: {  	_ =	shalt  }
0x87: {  	_ =	shalt  }
.Lfunc_end0:
.L_simem_size_0:
called_computation.2_lowered:
.L_overlay_start_0:
0x88: {  	s2 =	sld [smem:$0x3FD9]  }
0x89: {  	s3 =	sld [smem:$0x3FFE];
	_ =	sdelay $0x1  }
0x8a: {  	s1 =	srdreg.scid  }
0x8b: {  	s0 =	sand.u32 $0x1, s1  }
0x8c: {  	s16 =	sshll.u32 s0, $0xA;
	s2 =	sadd.s32 s3, s2  }
0x8d: {  	s2 =	sadd.s32 s2, s16  }
0x8e: {  	[smem:$0x3FC0] =	sst s2  }
0x8f: {  	_ = 	snop  }
0x90: {  	(tm) =	ssettm $0x1  }
0x91: {  	s17 =	sld [smem:$0x3FFB];
	_ =	sdelay $0x3  }
0x92: {  	_ =	strace s17  }
0x93: {  	s2 =	sld [smem:$0x3FFC];
	_ =	sdelay $0x3  }
0x94: {  	_ =	strace s2  }
0x95: {  	s2 =	sld [smem:$0x3FFD];
	_ =	sdelay $0x3  }
0x96: {  	_ =	strace s2  }
0x97: {  	_ =	strace $0x8FFFFFFF  }
0x98: {  	s18 =	sld [smem:$0x3FDB];
	_ =	sdelay $0x1  }
0x99: {  	s19 =	simm.s32 $_scs_section_size  }
0x9a: {  	s4 =	simm.s32 $_size__tile_overlayer_lowered;
	s5 =	simm.s32 $_tile_overlayer_lowered  }
0x9b: {  	s22 =	simm.s32 $0x1BFF;
	s21 =	sshll.u32 s5, $0x1;
	s2 =	sadd.s32 s19, s18  }
0x9c: {  	s6 =	simm.s32 $0x0;
	s20 =	sshll.u32 s4, $0x1;
	s4 =	sadd.s32 s21, s2  }
0x9d: {  	[timem:s6], [sflag:s22] =	dma.local [hbm:s4], s20  }
0x9e: {  	_ =	swait.ge [sflag:s22], s20  }
0x9f: {  	s3 =	ssub.s32 $0x0, s20;
	[sflag:s22] =	ssyncset.done $0x0  }
0xa0: {  	[sflag:s22] =	ssyncadd.s32 s3;
	_ =	sdelay $0x1  }
0xa1: {  	s23 =	simm.s32 $0x1B8B  }
0xa2: {  	_ =	swait.ge [sflag:s23], $0x1  }
0xa3: {  	[sflag:s23] =	ssyncset.done $0x0  }
0xa4: {  	s25 =	simm.s32 $0x1B8E;
	s24 =	sld [smem:$0x3FFE];
	[sflag:s23] =	ssyncadd.s32 $0xFFFFFFFF  }
0xa5: {  	s26 =	simm.s32 $execute0_lowered;
	[smem:$0x3FD2] =	sst s25  }
0xa6: {  	s4 =	sshll.u32 s26, $0x1;
	_ =	strace $0x8000004C;
	[dreg:$0x1] =	wrdreg $0xFFFFFFFF  }
0xa7: {  	s28 =	simm.s32 $_size_execute0_lowered;
	s2 =	sadd.s32 s2, s4;
	[dreg:$0x0] =	wrdreg $0x0  }
0xa8: {  	s4 =	sshll.u32 s28, $0x1;
	[dreg:$0x2] =	wrdreg s2  }
0xa9: {  	[dreg:$0x3] =	wrdreg s4  }
0xaa: {  	[dreg:$0x4] =	wrdreg $0xC0  }
0xab: {  	_ =	task [dreg:s6], $0x5FFFF  }
0xac: {  	[dreg:$0x1] =	wrdreg $0xFFFFFFFF  }
0xad: {  	[dreg:$0x0] =	wrdreg $0x60  }
0xae: {  	[dreg:$0x2] =	wrdreg s24  }
0xaf: {  	[dreg:$0x3] =	wrdreg $0xC0000  }
0xb0: {  	[dreg:$0x4] =	wrdreg $0x9  }
0xb1: {  	_ =	task.clear_ibuf [dreg:s6], $0x5FFFF;
	_ =	strace $0x9000004C  }
0xb2: {  	s29 =	simm.s32 $0x9;
	_ =	strace $0x8000004E  }
0xb3: {  	_ =	swait.ge [sflag:s29], $0x1  }
0xb4: {  	[sflag:s29] =	ssyncadd.s32 $0xFFFFFFFF  }
0xb5: {  	_ =	strace $0x9000004E  }
0xb6: {  	_ =	sfence  }
0xb7: {  	s30 =	sld [smem:$0x0];
	_ =	sdelay $0x2  }
0xb8: {  	s31 =	sshll.u32 s1, $0xD;
	s1 =	sshrl.u32 s1, $0x2  }
0xb9: {  	s3 =	sand.u32 $0x4000, s31;
	s1 =	sadd.s32 s1, s30  }
0xba: {  	s0 =	sor.u32 s3, s0;
	s1 =	sshll.u32 s1, $0x11  }
0xbb: {  	s0 =	sor.u32 s1, s0  }
0xbc: {  	s0 =	sadd.s32 $0x8F2B, s0  }
0xbd: {  	[sflag:s0] =	ssyncadd.remote.s32 $0x1  }
0xbe: {  	_ =	sfence.sel $0xFFFF  }
0xbf: {  	[dreg:$0x0] =	wrdreg $0xFFFFFFFF;
	(pc) =	sbr.abs _section_cstart, $3  }
0xc0: {  	[dreg:$0x1] =	wrdreg $0xFFFFFFFF  }
0xc1: {  	_ =	task.clear_ibuf [dreg:s6], $0x2FFFF;
	_ =	strace $0x9FFFFFFF  }
0xc2: {  	(tm) =	ssettm $0x7FFFFFFF  }
0xc3: {  	_ =	shalt  }
tec
execute0_lowered:
.L_overlay_start_1:
0x0: {  	(tag) =	ssettag $0x1  }
0x1: {  	s0 =	srdreg.scid;
	s8 =	stileid.u32  }
0x2: {  	s0 =	sand.u32 $0x1, s0;
	s3 =	smul.u32 $0x5000, s8  }
0x3: {  	s1 =	smul.u32 $0x50000, s0  }
0x4: {  	s5 =	rddreg [dreg:$0x0]  }
0x5: {  	s2 =	rddreg [dreg:$0x1];
	s1 =	sadd.s32 s3, s1;
	s3 =	simm.s32 $0x0  }
0x6: {  	s20 =	simm.s32 $0x80;
	[smem:$0x7FF] =	sst s3  }
0x7: {  	s21 =	simm.s32 $0x100;
	_ =	strace $0x8000004D;
	[dreg:$0x5] =	wrdreg s20  }
0x8: {  	s22 =	simm.s32 $0x180;
	[dreg:$0x6] =	wrdreg s21  }
0x9: {  	s23 =	simm.s32 $0x200;
	[dreg:$0x7] =	wrdreg s22  }
0xa: {  	s24 =	simm.s32 $0x1080;
	[dreg:$0x8] =	wrdreg s23  }
0xb: {  	s25 =	simm.s32 $0x280;
	[dreg:$0x9] =	wrdreg s24  }
0xc: {  	s26 =	simm.s32 $0x1100;
	[dreg:$0xa] =	wrdreg s25  }
0xd: {  	s6 =	simm.s32 $0x1180;
	[dreg:$0xb] =	wrdreg s26  }
0xe: {  	s7 =	simm.s32 $0x380;
	[dreg:$0xd] =	wrdreg s6  }
0xf: {  	s9 =	simm.s32 $0x1200;
	[dreg:$0xe] =	wrdreg s7  }
0x10: {  	s10 =	simm.s32 $0x400;
	[dreg:$0xf] =	wrdreg s9  }
0x11: {  	s11 =	simm.s32 $0x1280;
	[dreg:$0x10] =	wrdreg s10  }
0x12: {  	s12 =	simm.s32 $0x480;
	[dreg:$0x11] =	wrdreg s11  }
0x13: {  	s13 =	simm.s32 $0x1300;
	[dreg:$0x12] =	wrdreg s12  }
0x14: {  	s14 =	simm.s32 $0x500;
	[dreg:$0x13] =	wrdreg s13  }
0x15: {  	s15 =	simm.s32 $0x1380;
	[dreg:$0x14] =	wrdreg s14  }
0x16: {  	s17 =	simm.s32 $0x580;
	[dreg:$0x15] =	wrdreg s15  }
0x17: {  	s18 =	simm.s32 $0x1400;
	[dreg:$0x16] =	wrdreg s17  }
0x18: {  	s28 =	simm.s32 $0x7;
	[dreg:$0x17] =	wrdreg s18;
	s20 =	simm.s32 $0x600  }
0x19: {  	s29 =	simm.s32 $0x4;
	s21 =	simm.s32 $0x1480;
	[dreg:$0x18] =	wrdreg s20  }
0x1a: {  	s30 =	simm.s32 $0x8;
	s23 =	simm.s32 $0x680;
	[dreg:$0x19] =	wrdreg s21  }
0x1b: {  	s31 =	simm.s32 $0xB00;
	s24 =	simm.s32 $0x1500;
	[dreg:$0x1a] =	wrdreg s23  }
0x1c: {  	s19 =	smul.u32 $0x4F000, s8;
	s25 =	simm.s32 $0x700;
	[dreg:$0x1b] =	wrdreg s24  }
0x1d: {  	s7 =	smul.u32 $0x13C00, s8;
	s8 =	simm.s32 $0x780;
	[dreg:$0x1c] =	wrdreg s25  }
0x1e: {  	s1 =	sshrl.u32 s1, $0x3;
	s10 =	simm.s32 $0x1600;
	[dreg:$0x1e] =	wrdreg s8  }
0x1f: {  	s1 =	sadd.s32 s1, s5;
	s12 =	simm.s32 $0x800;
	[dreg:$0x1f] =	wrdreg s10  }
0x20: {  	s6 =	smul.u32 $0x13C000, s0;
	s14 =	simm.s32 $0x1680;
	[smem:$0x7EF] =	sst s12  }
0x21: {  	s0 =	ssub.s32 $0x2, s0;
	s18 =	simm.s32 $0x1700;
	[smem:$0x7F1] =	sst s14  }
0x22: {  	s22 =	sshrl.u32 s19, $0x2;
	s19 =	simm.s32 $0x900;
	[smem:$0x7F5] =	sst s18  }
0x23: {  	s4 =	sadd.s32 $0x2400, s1;
	s1 =	sadd.s32 $0x65400, s1;
	[smem:$0x7F6] =	sst s19  }
0x24: {  	s16 =	sshrl.u32 s0, $0x1;
	s20 =	simm.s32 $0x1780;
	[dreg:$0x3] =	wrdreg s4  }
0x25: {  	s21 =	simm.s32 $0x980;
	s18 =	simm.s32 $0x50;
	[dreg:$0x4] =	wrdreg s1  }
0x26: {  	s19 =	simm.s32 $0x4800;
	s23 =	simm.s32 $0xA00;
	[smem:$0x7F7] =	sst s20  }
0x27: {  	s24 =	simm.s32 $0x1880;
	s25 =	simm.s32 $0xA80;
	[smem:$0x7F8] =	sst s21  }
0x28: {  	s8 =	simm.s32 $0x1A80;
	s10 =	simm.s32 $0x1B80;
	[smem:$0x7FA] =	sst s23  }
0x29: {  	s12 =	simm.s32 $0x0;
	s4 =	simm.s32 $0x300;
	[smem:$0x7FB] =	sst s24  }
0x2a: {  	s6 =	sadd.s32 s7, s6;
	s0 =	ssub.s32 s0, s16;
	[smem:$0x7FC] =	sst s25  }
0x2b: {  	s16 =	simm.s32 $0x880;
	[dreg:$0xc] =	wrdreg s4;
	s4 =	sadd.s32 $0x79400, s5  }
0x2c: {  	s6 =	sshrl.u32 s6, $0x3;
	s0 =	smax.u32 s0, $0x1;
	[smem:$0x7F4] =	sst s16  }
0x2d: {  	s5 =	sadd.s32 s6, s5;
	[smem:$0x7E9] =	sst s0;
	s6 =	simm.s32 $0x1580  }
0x2e: {  	s20 =	simm.s32 $0x7000;
	s5 =	sadd.s32 $0xA0600, s5;
	[dreg:$0x1d] =	wrdreg s6  }
0x2f: {  	s21 =	simm.s32 $0x9800;
	[smem:$0x7E8] =	sst s5;
	s5 =	sadd.s32 s22, s2  }
0x30: {  	s23 =	simm.s32 $0x5;
	s22 =	simm.s32 $0x1800;
	[smem:$0x7F2] =	sst s5  }
0x31: {  	s24 =	simm.s32 $0x2;
	s26 =	sadd.s32 $0x2780, s5;
	[smem:$0x7F9] =	sst s22  }
0x32: {  	s25 =	simm.s32 $0x6;
	s7 =	sadd.s32 $0x4F00, s5;
	[smem:$0x7EA] =	sst s26  }
0x33: {  	s1 =	simm.s32 $0x1980;
	s9 =	sadd.s32 $0x7680, s5;
	[smem:$0x7EB] =	sst s7  }
0x34: {  	s16 =	simm.s32 $0x9;
	s11 =	sadd.s32 $0x9E00, s5;
	[smem:$0x7EC] =	sst s9  }
0x35: {  	s0 =	simm.s32 $0xB80;
	s13 =	sadd.s32 $0xC580, s5;
	[smem:$0x7ED] =	sst s11  }
0x36: {  	s15 =	sadd.s32 $0xED00, s5;
	s17 =	sadd.s32 $0x11480, s5;
	[smem:$0x7EE] =	sst s13  }
0x37: {  	s22 =	simm.s32 $0x1;
	s5 =	simm.s32 $0x1A00;
	[smem:$0x7F0] =	sst s15  }
0x38: {  	[smem:$0x7F3] =	sst s17;
	s15 =	simm.s32 $0x2000;
	s17 =	simm.s32 $0x1000  }
0x39: {  	s26 =	simm.s32 $0x1900;
	s7 =	simm.s32 $0xC00;
	s9 =	simm.s32 $0x1B00  }
0x3a: {  	v0 =	vimm.f32 $0.0e+00;
	s11 =	simm.s32 $0x1C00;
	[smem:$0x7FD] =	sst s26;
	s26 =	simm.s32 $0x3  }
.LBB2_1:
0x3b: {  	s13 =	simm.s32 $0x70;
	s14 =	simm.s32 $0x3C0  }
.LBB2_2:
0x3c: {  	p0 =	sne.s32 s14, $0x9FC0;
	[tilespmem:s13+$0x2000] =	vst v0  }
0x3d: {  	[tilespmem:s13+$0x1F90] =	vst v0  }
0x3e: {  	[tilespmem:s13+$0x1FA0] =	vst v0  }
.Ltmp0:
0x3f: {  	[tilespmem:s13+$0x1FB0] =	vst v0;
	(pc) =	sbr.rel @p0 .LBB2_2-.Ltmp0, $4  }
0x40: {  	[tilespmem:s13+$0x1FC0] =	vst v0  }
0x41: {  	[tilespmem:s13+$0x1FD0] =	vst v0  }
0x42: {  	[tilespmem:s13+$0x1FE0] =	vst v0  }
0x43: {  	[tilespmem:s13+$0x1FF0] =	vst v0;
	s13 =	sshra.s32 s14, $0x2;
	s14 =	sadd.s32 $0x200, s14  }
0x44: {  	[tilespmem:s13+$0x2000] =	vst v0  }
0x45: {  	[tilespmem:s13+$0x1F90] =	vst v0  }
0x46: {  	[tilespmem:s13+$0x1FA0] =	vst v0  }
0x47: {  	[tilespmem:s13+$0x1FB0] =	vst v0  }
0x48: {  	[tilespmem:s13+$0x1FC0] =	vst v0  }
0x49: {  	[tilespmem:s13+$0x1FD0] =	vst v0;
	s6 =	sld [smem:$0x7F2]  }
0x4a: {  	[tilespmem:s13+$0x1FE0] =	vst v0  }
0x4b: {  	[smem:$0x7E7] =	sst s12;
	[tilespmem:s13+$0x1FF0] =	vst v0  }
0x4c: {  	[spmem:s6] =	stream.linear.scatter [tilespmem:s15], [sflag:$0x9], $0x2780, $0x38;
	[tilespmem:$0x1FC00] =	vst v63  }
0x4d: {  	_ =	swait.ge [sflag:s16], $0x2780  }
0x4e: {  	s14 =	sld [smem:$0x7EA]  }
0x4f: {  	[sflag:s16] =	ssyncset.done $0x0  }
0x50: {  	[sflag:s16] =	ssyncadd.s32 $0xFFFFD880  }
0x51: {  	[spmem:s14] =	stream.linear.scatter [tilespmem:s15], [sflag:$0x9], $0x2780, $0x38;
	[tilespmem:$0x1FC00] =	vst v63  }
0x52: {  	_ =	swait.ge [sflag:s16], $0x2780  }
0x53: {  	s12 =	sld [smem:$0x7EB]  }
0x54: {  	[sflag:s16] =	ssyncset.done $0x0  }
0x55: {  	[sflag:s16] =	ssyncadd.s32 $0xFFFFD880  }
0x56: {  	[spmem:s12] =	stream.linear.scatter [tilespmem:s15], [sflag:$0x9], $0x2780, $0x38;
	[tilespmem:$0x1FC00] =	vst v63  }
0x57: {  	_ =	swait.ge [sflag:s16], $0x2780  }
0x58: {  	s13 =	sld [smem:$0x7EC]  }
0x59: {  	[sflag:s16] =	ssyncset.done $0x0  }
0x5a: {  	[sflag:s16] =	ssyncadd.s32 $0xFFFFD880  }
0x5b: {  	[spmem:s13] =	stream.linear.scatter [tilespmem:s15], [sflag:$0x9], $0x2780, $0x38;
	[tilespmem:$0x1FC00] =	vst v63  }
0x5c: {  	_ =	swait.ge [sflag:s16], $0x2780  }
0x5d: {  	s14 =	sld [smem:$0x7ED]  }
0x5e: {  	[sflag:s16] =	ssyncset.done $0x0  }
0x5f: {  	[sflag:s16] =	ssyncadd.s32 $0xFFFFD880  }
0x60: {  	[spmem:s14] =	stream.linear.scatter [tilespmem:s15], [sflag:$0x9], $0x2780, $0x38;
	[tilespmem:$0x1FC00] =	vst v63  }
0x61: {  	_ =	swait.ge [sflag:s16], $0x2780  }
0x62: {  	s12 =	sld [smem:$0x7EE]  }
0x63: {  	[sflag:s16] =	ssyncset.done $0x0  }
0x64: {  	[sflag:s16] =	ssyncadd.s32 $0xFFFFD880  }
0x65: {  	[spmem:s12] =	stream.linear.scatter [tilespmem:s15], [sflag:$0x9], $0x2780, $0x38;
	[tilespmem:$0x1FC00] =	vst v63  }
0x66: {  	_ =	swait.ge [sflag:s16], $0x2780  }
0x67: {  	s13 =	sld [smem:$0x7F0]  }
0x68: {  	[sflag:s16] =	ssyncset.done $0x0  }
0x69: {  	[sflag:s16] =	ssyncadd.s32 $0xFFFFD880  }
0x6a: {  	[spmem:s13] =	stream.linear.scatter [tilespmem:s15], [sflag:$0x9], $0x2780, $0x38;
	[tilespmem:$0x1FC00] =	vst v63  }
0x6b: {  	_ =	swait.ge [sflag:s16], $0x2780  }
0x6c: {  	s14 =	sld [smem:$0x7F3]  }
0x6d: {  	[sflag:s16] =	ssyncset.done $0x0  }
0x6e: {  	[sflag:s16] =	ssyncadd.s32 $0xFFFFD880  }
0x6f: {  	[spmem:s14] =	stream.linear.scatter [tilespmem:s15], [sflag:$0x9], $0x2780, $0x38;
	[tilespmem:$0x1FC00] =	vst v63  }
0x70: {  	_ =	swait.ge [sflag:s16], $0x2780  }
0x71: {  	[sflag:s16] =	ssyncset.done $0x0  }
0x72: {  	[sflag:s16] =	ssyncadd.s32 $0xFFFFD880  }
0x73: {  	[bflag:$0x0] =	sbarrier.arrive $0xFFFF  }
0x74: {  	s12 =	rddreg [dreg:$0x4]  }
0x75: {  	s6 =	sadd.s32 $0x0, s12  }
0x76: {  	[tilespmem:s3], [sflag:$0x9] =	stream.linear.gather [hbm4b:s6+s3], $0xC80, $0x38;
	[tilespmem:$0x1FC00] =	vst v63  }
0x77: {  	_ =	swait.ge [sflag:s16], $0xC80  }
0x78: {  	s13 =	rddreg [dreg:$0x3];
	[sflag:s16] =	ssyncset.done $0x0  }
0x79: {  	[sflag:s16] =	ssyncadd.s32 $0xFFFFF380;
	s6 =	sadd.s32 $0x0, s13  }
0x7a: {  	[tilespmem:s17], [sflag:$0x9] =	stream.linear.gather [hbm4b:s6+s3], $0xC80, $0x38;
	[tilespmem:$0x1FC00] =	vst v63  }
0x7b: {  	_ =	swait.ge [sflag:s16], $0xC80  }
0x7c: {  	[sflag:s16] =	ssyncset.done $0x0  }
0x7d: {  	[sflag:s16] =	ssyncadd.s32 $0xFFFFF380  }
0x7e: {  	[tilespmem:s15], [sflag:$0x1] =	stream.indirect.gather [hbm4b:s4+s18], $0x80, s3, s18, $0xb8;
	[tilespmem:$0x1FC00] =	vst v63  }
0x7f: {  	s14 =	rddreg [dreg:$0x5]  }
0x80: {  	[tilespmem:s19], [sflag:$0x2] =	stream.indirect.gather [hbm4b:s4+s18], $0x80, s14, s18, $0xb8;
	[tilespmem:$0x1FC00] =	vst v63  }
0x81: {  	s12 =	rddreg [dreg:$0x6]  }
0x82: {  	[tilespmem:s20], [sflag:$0x3] =	stream.indirect.gather [hbm4b:s4+s18], $0x80, s12, s18, $0xb8;
	[tilespmem:$0x1FC00] =	vst v63  }
0x83: {  	s14 =	rddreg [dreg:$0x7]  }
0x84: {  	[tilespmem:s21], [sflag:$0x4] =	stream.indirect.gather [hbm4b:s4+s18], $0x80, s14, s18, $0xb8;
	[tilespmem:$0x1FC00] =	vst v63  }
0x85: {  	_ =	swait.ge [sflag:s22], $0x2800  }
0x86: {  	[sflag:s22] =	ssyncset.done $0x0  }
0x87: {  	[sflag:s22] =	ssyncadd.s32 $0xFFFFD800  }
0x88: {  	[spmem:s2] =	stream.indirect.scatter.add.f32 [tilespmem:s15], [sflag:$0x5], $0x80, s17, s18, $0xb8;
	[tilespmem:$0x1FC00] =	vst v63  }
0x89: {  	_ =	swait.ge [sflag:s23], $0x2800  }
0x8a: {  	[sflag:s23] =	ssyncset.done $0x0  }
0x8b: {  	s12 =	rddreg [dreg:$0x8];
	[sflag:s23] =	ssyncadd.s32 $0xFFFFD800  }
0x8c: {  	[tilespmem:s15], [sflag:$0x1] =	stream.indirect.gather [hbm4b:s4+s18], $0x80, s12, s18, $0xb8;
	[tilespmem:$0x1FC00] =	vst v63  }
0x8d: {  	_ =	swait.ge [sflag:s24], $0x2800  }
0x8e: {  	[sflag:s24] =	ssyncset.done $0x0  }
0x8f: {  	s13 =	rddreg [dreg:$0x9];
	[sflag:s24] =	ssyncadd.s32 $0xFFFFD800  }
0x90: {  	[spmem:s2] =	stream.indirect.scatter.add.f32 [tilespmem:s19], [sflag:$0x6], $0x80, s13, s18, $0xb8;
	[tilespmem:$0x1FC00] =	vst v63  }
0x91: {  	_ =	swait.ge [sflag:s25], $0x2800  }
0x92: {  	[sflag:s25] =	ssyncset.done $0x0  }
0x93: {  	s14 =	rddreg [dreg:$0xa];
	[sflag:s25] =	ssyncadd.s32 $0xFFFFD800  }
0x94: {  	[tilespmem:s19], [sflag:$0x2] =	stream.indirect.gather [hbm4b:s4+s18], $0x80, s14, s18, $0xb8;
	[tilespmem:$0x1FC00] =	vst v63  }
0x95: {  	_ =	swait.ge [sflag:s26], $0x2800  }
0x96: {  	[sflag:s26] =	ssyncset.done $0x0  }
0x97: {  	s12 =	rddreg [dreg:$0xb];
	[sflag:s26] =	ssyncadd.s32 $0xFFFFD800  }
0x98: {  	[spmem:s2] =	stream.indirect.scatter.add.f32 [tilespmem:s20], [sflag:$0x7], $0x80, s12, s18, $0xb8;
	[tilespmem:$0x1FC00] =	vst v63  }
0x99: {  	_ =	swait.ge [sflag:s28], $0x2800  }
0x9a: {  	[sflag:s28] =	ssyncset.done $0x0  }
0x9b: {  	s13 =	rddreg [dreg:$0xc];
	[sflag:s28] =	ssyncadd.s32 $0xFFFFD800  }
0x9c: {  	[tilespmem:s20], [sflag:$0x3] =	stream.indirect.gather [hbm4b:s4+s18], $0x80, s13, s18, $0xb8;
	[tilespmem:$0x1FC00] =	vst v63  }
0x9d: {  	_ =	swait.ge [sflag:s29], $0x2800  }
0x9e: {  	[sflag:s29] =	ssyncset.done $0x0  }
0x9f: {  	s14 =	rddreg [dreg:$0xd];
	[sflag:s29] =	ssyncadd.s32 $0xFFFFD800  }
0xa0: {  	[spmem:s2] =	stream.indirect.scatter.add.f32 [tilespmem:s21], [sflag:$0x8], $0x80, s14, s18, $0xb8;
	[tilespmem:$0x1FC00] =	vst v63  }
0xa1: {  	_ =	swait.ge [sflag:s30], $0x2800  }
0xa2: {  	[sflag:s30] =	ssyncset.done $0x0  }
0xa3: {  	s12 =	rddreg [dreg:$0xe];
	[sflag:s30] =	ssyncadd.s32 $0xFFFFD800  }
0xa4: {  	[tilespmem:s21], [sflag:$0x4] =	stream.indirect.gather [hbm4b:s4+s18], $0x80, s12, s18, $0xb8;
	[tilespmem:$0x1FC00] =	vst v63  }
0xa5: {  	_ =	swait.ge [sflag:s22], $0x2800  }
0xa6: {  	[sflag:s22] =	ssyncset.done $0x0  }
0xa7: {  	s13 =	rddreg [dreg:$0xf];
	[sflag:s22] =	ssyncadd.s32 $0xFFFFD800  }
0xa8: {  	[spmem:s2] =	stream.indirect.scatter.add.f32 [tilespmem:s15], [sflag:$0x5], $0x80, s13, s18, $0xb8;
	[tilespmem:$0x1FC00] =	vst v63  }
0xa9: {  	_ =	swait.ge [sflag:s23], $0x2800  }
0xaa: {  	[sflag:s23] =	ssyncset.done $0x0  }
0xab: {  	s14 =	rddreg [dreg:$0x10];
	[sflag:s23] =	ssyncadd.s32 $0xFFFFD800  }
0xac: {  	[tilespmem:s15], [sflag:$0x1] =	stream.indirect.gather [hbm4b:s4+s18], $0x80, s14, s18, $0xb8;
	[tilespmem:$0x1FC00] =	vst v63  }
0xad: {  	_ =	swait.ge [sflag:s24], $0x2800  }
0xae: {  	[sflag:s24] =	ssyncset.done $0x0  }
0xaf: {  	s12 =	rddreg [dreg:$0x11];
	[sflag:s24] =	ssyncadd.s32 $0xFFFFD800  }
0xb0: {  	[spmem:s2] =	stream.indirect.scatter.add.f32 [tilespmem:s19], [sflag:$0x6], $0x80, s12, s18, $0xb8;
	[tilespmem:$0x1FC00] =	vst v63  }
0xb1: {  	_ =	swait.ge [sflag:s25], $0x2800  }
0xb2: {  	[sflag:s25] =	ssyncset.done $0x0  }
0xb3: {  	s13 =	rddreg [dreg:$0x12];
	[sflag:s25] =	ssyncadd.s32 $0xFFFFD800  }
0xb4: {  	[tilespmem:s19], [sflag:$0x2] =	stream.indirect.gather [hbm4b:s4+s18], $0x80, s13, s18, $0xb8;
	[tilespmem:$0x1FC00] =	vst v63  }
0xb5: {  	_ =	swait.ge [sflag:s26], $0x2800  }
0xb6: {  	[sflag:s26] =	ssyncset.done $0x0  }
0xb7: {  	s14 =	rddreg [dreg:$0x13];
	[sflag:s26] =	ssyncadd.s32 $0xFFFFD800  }
0xb8: {  	[spmem:s2] =	stream.indirect.scatter.add.f32 [tilespmem:s20], [sflag:$0x7], $0x80, s14, s18, $0xb8;
	[tilespmem:$0x1FC00] =	vst v63  }
0xb9: {  	_ =	swait.ge [sflag:s28], $0x2800  }
0xba: {  	[sflag:s28] =	ssyncset.done $0x0  }
0xbb: {  	s12 =	rddreg [dreg:$0x14];
	[sflag:s28] =	ssyncadd.s32 $0xFFFFD800  }
0xbc: {  	[tilespmem:s20], [sflag:$0x3] =	stream.indirect.gather [hbm4b:s4+s18], $0x80, s12, s18, $0xb8;
	[tilespmem:$0x1FC00] =	vst v63  }
0xbd: {  	_ =	swait.ge [sflag:s29], $0x2800  }
0xbe: {  	[sflag:s29] =	ssyncset.done $0x0  }
0xbf: {  	s13 =	rddreg [dreg:$0x15];
	[sflag:s29] =	ssyncadd.s32 $0xFFFFD800  }
0xc0: {  	[spmem:s2] =	stream.indirect.scatter.add.f32 [tilespmem:s21], [sflag:$0x8], $0x80, s13, s18, $0xb8;
	[tilespmem:$0x1FC00] =	vst v63  }
0xc1: {  	_ =	swait.ge [sflag:s30], $0x2800  }
0xc2: {  	[sflag:s30] =	ssyncset.done $0x0  }
0xc3: {  	s14 =	rddreg [dreg:$0x16];
	[sflag:s30] =	ssyncadd.s32 $0xFFFFD800  }
0xc4: {  	[tilespmem:s21], [sflag:$0x4] =	stream.indirect.gather [hbm4b:s4+s18], $0x80, s14, s18, $0xb8;
	[tilespmem:$0x1FC00] =	vst v63  }
0xc5: {  	_ =	swait.ge [sflag:s22], $0x2800  }
0xc6: {  	[sflag:s22] =	ssyncset.done $0x0  }
0xc7: {  	s12 =	rddreg [dreg:$0x17];
	[sflag:s22] =	ssyncadd.s32 $0xFFFFD800  }
0xc8: {  	[spmem:s2] =	stream.indirect.scatter.add.f32 [tilespmem:s15], [sflag:$0x5], $0x80, s12, s18, $0xb8;
	[tilespmem:$0x1FC00] =	vst v63  }
0xc9: {  	_ =	swait.ge [sflag:s23], $0x2800  }
0xca: {  	[sflag:s23] =	ssyncset.done $0x0  }
0xcb: {  	s13 =	rddreg [dreg:$0x18];
	[sflag:s23] =	ssyncadd.s32 $0xFFFFD800  }
0xcc: {  	[tilespmem:s15], [sflag:$0x1] =	stream.indirect.gather [hbm4b:s4+s18], $0x80, s13, s18, $0xb8;
	[tilespmem:$0x1FC00] =	vst v63  }
0xcd: {  	_ =	swait.ge [sflag:s24], $0x2800  }
0xce: {  	[sflag:s24] =	ssyncset.done $0x0  }
0xcf: {  	s14 =	rddreg [dreg:$0x19];
	[sflag:s24] =	ssyncadd.s32 $0xFFFFD800  }
0xd0: {  	[spmem:s2] =	stream.indirect.scatter.add.f32 [tilespmem:s19], [sflag:$0x6], $0x80, s14, s18, $0xb8;
	[tilespmem:$0x1FC00] =	vst v63  }
0xd1: {  	_ =	swait.ge [sflag:s25], $0x2800  }
0xd2: {  	[sflag:s25] =	ssyncset.done $0x0  }
0xd3: {  	s12 =	rddreg [dreg:$0x1a];
	[sflag:s25] =	ssyncadd.s32 $0xFFFFD800  }
0xd4: {  	[tilespmem:s19], [sflag:$0x2] =	stream.indirect.gather [hbm4b:s4+s18], $0x80, s12, s18, $0xb8;
	[tilespmem:$0x1FC00] =	vst v63  }
0xd5: {  	_ =	swait.ge [sflag:s26], $0x2800  }
0xd6: {  	[sflag:s26] =	ssyncset.done $0x0  }
0xd7: {  	s13 =	rddreg [dreg:$0x1b];
	[sflag:s26] =	ssyncadd.s32 $0xFFFFD800  }
0xd8: {  	[spmem:s2] =	stream.indirect.scatter.add.f32 [tilespmem:s20], [sflag:$0x7], $0x80, s13, s18, $0xb8;
	[tilespmem:$0x1FC00] =	vst v63  }
0xd9: {  	_ =	swait.ge [sflag:s28], $0x2800  }
0xda: {  	[sflag:s28] =	ssyncset.done $0x0  }
0xdb: {  	s14 =	rddreg [dreg:$0x1c];
	[sflag:s28] =	ssyncadd.s32 $0xFFFFD800  }
0xdc: {  	[tilespmem:s20], [sflag:$0x3] =	stream.indirect.gather [hbm4b:s4+s18], $0x80, s14, s18, $0xb8;
	[tilespmem:$0x1FC00] =	vst v63  }
0xdd: {  	_ =	swait.ge [sflag:s29], $0x2800  }
0xde: {  	[sflag:s29] =	ssyncset.done $0x0  }
0xdf: {  	s12 =	rddreg [dreg:$0x1d];
	[sflag:s29] =	ssyncadd.s32 $0xFFFFD800  }
0xe0: {  	[spmem:s2] =	stream.indirect.scatter.add.f32 [tilespmem:s21], [sflag:$0x8], $0x80, s12, s18, $0xb8;
	[tilespmem:$0x1FC00] =	vst v63  }
0xe1: {  	_ =	swait.ge [sflag:s30], $0x2800  }
0xe2: {  	[sflag:s30] =	ssyncset.done $0x0  }
0xe3: {  	s13 =	rddreg [dreg:$0x1e];
	[sflag:s30] =	ssyncadd.s32 $0xFFFFD800  }
0xe4: {  	[tilespmem:s21], [sflag:$0x4] =	stream.indirect.gather [hbm4b:s4+s18], $0x80, s13, s18, $0xb8;
	[tilespmem:$0x1FC00] =	vst v63  }
0xe5: {  	_ =	swait.ge [sflag:s22], $0x2800  }
0xe6: {  	[sflag:s22] =	ssyncset.done $0x0  }
0xe7: {  	s14 =	rddreg [dreg:$0x1f];
	[sflag:s22] =	ssyncadd.s32 $0xFFFFD800  }
0xe8: {  	[spmem:s2] =	stream.indirect.scatter.add.f32 [tilespmem:s15], [sflag:$0x5], $0x80, s14, s18, $0xb8;
	[tilespmem:$0x1FC00] =	vst v63  }
0xe9: {  	_ =	swait.ge [sflag:s23], $0x2800  }
0xea: {  	s12 =	sld [smem:$0x7EF]  }
0xeb: {  	[sflag:s23] =	ssyncset.done $0x0  }
0xec: {  	[sflag:s23] =	ssyncadd.s32 $0xFFFFD800  }
0xed: {  	[tilespmem:s15], [sflag:$0x1] =	stream.indirect.gather [hbm4b:s4+s18], $0x80, s12, s18, $0xb8;
	[tilespmem:$0x1FC00] =	vst v63  }
0xee: {  	_ =	swait.ge [sflag:s24], $0x2800  }
0xef: {  	s13 =	sld [smem:$0x7F1]  }
0xf0: {  	[sflag:s24] =	ssyncset.done $0x0  }
0xf1: {  	[sflag:s24] =	ssyncadd.s32 $0xFFFFD800  }
0xf2: {  	[spmem:s2] =	stream.indirect.scatter.add.f32 [tilespmem:s19], [sflag:$0x6], $0x80, s13, s18, $0xb8;
	[tilespmem:$0x1FC00] =	vst v63  }
0xf3: {  	_ =	swait.ge [sflag:s25], $0x2800  }
0xf4: {  	s14 =	sld [smem:$0x7F4]  }
0xf5: {  	[sflag:s25] =	ssyncset.done $0x0  }
0xf6: {  	[sflag:s25] =	ssyncadd.s32 $0xFFFFD800  }
0xf7: {  	[tilespmem:s19], [sflag:$0x2] =	stream.indirect.gather [hbm4b:s4+s18], $0x80, s14, s18, $0xb8;
	[tilespmem:$0x1FC00] =	vst v63  }
0xf8: {  	_ =	swait.ge [sflag:s26], $0x2800  }
0xf9: {  	s12 =	sld [smem:$0x7F5]  }
0xfa: {  	[sflag:s26] =	ssyncset.done $0x0  }
0xfb: {  	[sflag:s26] =	ssyncadd.s32 $0xFFFFD800  }
0xfc: {  	[spmem:s2] =	stream.indirect.scatter.add.f32 [tilespmem:s20], [sflag:$0x7], $0x80, s12, s18, $0xb8;
	[tilespmem:$0x1FC00] =	vst v63  }
0xfd: {  	_ =	swait.ge [sflag:s28], $0x2800  }
0xfe: {  	s13 =	sld [smem:$0x7F6]  }
0xff: {  	[sflag:s28] =	ssyncset.done $0x0  }
0x100: {  	[sflag:s28] =	ssyncadd.s32 $0xFFFFD800  }
0x101: {  	[tilespmem:s20], [sflag:$0x3] =	stream.indirect.gather [hbm4b:s4+s18], $0x80, s13, s18, $0xb8;
	[tilespmem:$0x1FC00] =	vst v63  }
0x102: {  	_ =	swait.ge [sflag:s29], $0x2800  }
0x103: {  	s14 =	sld [smem:$0x7F7]  }
0x104: {  	[sflag:s29] =	ssyncset.done $0x0  }
0x105: {  	[sflag:s29] =	ssyncadd.s32 $0xFFFFD800  }
0x106: {  	[spmem:s2] =	stream.indirect.scatter.add.f32 [tilespmem:s21], [sflag:$0x8], $0x80, s14, s18, $0xb8;
	[tilespmem:$0x1FC00] =	vst v63  }
0x107: {  	_ =	swait.ge [sflag:s30], $0x2800  }
0x108: {  	s12 =	sld [smem:$0x7F8]  }
0x109: {  	[sflag:s30] =	ssyncset.done $0x0  }
0x10a: {  	[sflag:s30] =	ssyncadd.s32 $0xFFFFD800  }
0x10b: {  	[tilespmem:s21], [sflag:$0x4] =	stream.indirect.gather [hbm4b:s4+s18], $0x80, s12, s18, $0xb8;
	[tilespmem:$0x1FC00] =	vst v63  }
0x10c: {  	_ =	swait.ge [sflag:s22], $0x2800  }
0x10d: {  	s13 =	sld [smem:$0x7F9]  }
0x10e: {  	[sflag:s22] =	ssyncset.done $0x0  }
0x10f: {  	[sflag:s22] =	ssyncadd.s32 $0xFFFFD800  }
0x110: {  	[spmem:s2] =	stream.indirect.scatter.add.f32 [tilespmem:s15], [sflag:$0x5], $0x80, s13, s18, $0xb8;
	[tilespmem:$0x1FC00] =	vst v63  }
0x111: {  	_ =	swait.ge [sflag:s23], $0x2800  }
0x112: {  	s14 =	sld [smem:$0x7FA]  }
0x113: {  	[sflag:s23] =	ssyncset.done $0x0  }
0x114: {  	[sflag:s23] =	ssyncadd.s32 $0xFFFFD800  }
0x115: {  	[tilespmem:s15], [sflag:$0x1] =	stream.indirect.gather [hbm4b:s4+s18], $0x80, s14, s18, $0xb8;
	[tilespmem:$0x1FC00] =	vst v63  }
0x116: {  	_ =	swait.ge [sflag:s24], $0x2800  }
0x117: {  	s12 =	sld [smem:$0x7FB]  }
0x118: {  	[sflag:s24] =	ssyncset.done $0x0  }
0x119: {  	[sflag:s24] =	ssyncadd.s32 $0xFFFFD800  }
0x11a: {  	[spmem:s2] =	stream.indirect.scatter.add.f32 [tilespmem:s19], [sflag:$0x6], $0x80, s12, s18, $0xb8;
	[tilespmem:$0x1FC00] =	vst v63  }
0x11b: {  	_ =	swait.ge [sflag:s25], $0x2800  }
0x11c: {  	s13 =	sld [smem:$0x7FC]  }
0x11d: {  	[sflag:s25] =	ssyncset.done $0x0  }
0x11e: {  	[sflag:s25] =	ssyncadd.s32 $0xFFFFD800  }
0x11f: {  	[tilespmem:s19], [sflag:$0x2] =	stream.indirect.gather [hbm4b:s4+s18], $0x80, s13, s18, $0xb8;
	[tilespmem:$0x1FC00] =	vst v63  }
0x120: {  	_ =	swait.ge [sflag:s26], $0x2800  }
0x121: {  	s14 =	sld [smem:$0x7FD]  }
0x122: {  	[sflag:s26] =	ssyncset.done $0x0  }
0x123: {  	[sflag:s26] =	ssyncadd.s32 $0xFFFFD800  }
0x124: {  	[spmem:s2] =	stream.indirect.scatter.add.f32 [tilespmem:s20], [sflag:$0x7], $0x80, s14, s18, $0xb8;
	[tilespmem:$0x1FC00] =	vst v63  }
0x125: {  	_ =	swait.ge [sflag:s28], $0x2800  }
0x126: {  	[sflag:s28] =	ssyncset.done $0x0  }
0x127: {  	[sflag:s28] =	ssyncadd.s32 $0xFFFFD800  }
0x128: {  	[tilespmem:s20], [sflag:$0x3] =	stream.indirect.gather [hbm4b:s4+s18], $0x80, s31, s18, $0xb8;
	[tilespmem:$0x1FC00] =	vst v63  }
0x129: {  	_ =	swait.ge [sflag:s29], $0x2800  }
0x12a: {  	[sflag:s29] =	ssyncset.done $0x0  }
0x12b: {  	[sflag:s29] =	ssyncadd.s32 $0xFFFFD800  }
0x12c: {  	[spmem:s2] =	stream.indirect.scatter.add.f32 [tilespmem:s21], [sflag:$0x8], $0x80, s1, s18, $0xb8;
	[tilespmem:$0x1FC00] =	vst v63  }
0x12d: {  	_ =	swait.ge [sflag:s30], $0x2800  }
0x12e: {  	[sflag:s30] =	ssyncset.done $0x0  }
0x12f: {  	[sflag:s30] =	ssyncadd.s32 $0xFFFFD800  }
0x130: {  	[tilespmem:s21], [sflag:$0x4] =	stream.indirect.gather [hbm4b:s4+s18], $0x80, s0, s18, $0xb8;
	[tilespmem:$0x1FC00] =	vst v63  }
0x131: {  	_ =	swait.ge [sflag:s22], $0x2800  }
0x132: {  	[sflag:s22] =	ssyncset.done $0x0  }
0x133: {  	[sflag:s22] =	ssyncadd.s32 $0xFFFFD800  }
0x134: {  	[spmem:s2] =	stream.indirect.scatter.add.f32 [tilespmem:s15], [sflag:$0x5], $0x80, s5, s18, $0xb8;
	[tilespmem:$0x1FC00] =	vst v63  }
0x135: {  	_ =	swait.ge [sflag:s23], $0x2800  }
0x136: {  	[sflag:s23] =	ssyncset.done $0x0  }
0x137: {  	[sflag:s23] =	ssyncadd.s32 $0xFFFFD800  }
0x138: {  	[tilespmem:s15], [sflag:$0x1] =	stream.indirect.gather [hbm4b:s4+s18], $0x80, s7, s18, $0xb8;
	[tilespmem:$0x1FC00] =	vst v63  }
0x139: {  	_ =	swait.ge [sflag:s24], $0x2800  }
0x13a: {  	[sflag:s24] =	ssyncset.done $0x0  }
0x13b: {  	[sflag:s24] =	ssyncadd.s32 $0xFFFFD800  }
0x13c: {  	[spmem:s2] =	stream.indirect.scatter.add.f32 [tilespmem:s19], [sflag:$0x6], $0x80, s8, s18, $0xb8;
	[tilespmem:$0x1FC00] =	vst v63  }
0x13d: {  	_ =	swait.ge [sflag:s26], $0x2800  }
0x13e: {  	[sflag:s26] =	ssyncset.done $0x0  }
0x13f: {  	[sflag:s26] =	ssyncadd.s32 $0xFFFFD800  }
0x140: {  	[spmem:s2] =	stream.indirect.scatter.add.f32 [tilespmem:s20], [sflag:$0x7], $0x80, s9, s18, $0xb8;
	[tilespmem:$0x1FC00] =	vst v63  }
0x141: {  	_ =	swait.ge [sflag:s29], $0x2800  }
0x142: {  	[sflag:s29] =	ssyncset.done $0x0  }
0x143: {  	[sflag:s29] =	ssyncadd.s32 $0xFFFFD800  }
0x144: {  	[spmem:s2] =	stream.indirect.scatter.add.f32 [tilespmem:s21], [sflag:$0x8], $0x80, s10, s18, $0xb8;
	[tilespmem:$0x1FC00] =	vst v63  }
0x145: {  	_ =	swait.ge [sflag:s22], $0x2800  }
0x146: {  	[sflag:s22] =	ssyncset.done $0x0  }
0x147: {  	[sflag:s22] =	ssyncadd.s32 $0xFFFFD800  }
0x148: {  	[spmem:s2] =	stream.indirect.scatter.add.f32 [tilespmem:s15], [sflag:$0x5], $0x80, s11, s18, $0xb8;
	[tilespmem:$0x1FC00] =	vst v63  }
0x149: {  	_ =	swait.ge [sflag:s25], $0x2800  }
0x14a: {  	[sflag:s25] =	ssyncset.done $0x0  }
0x14b: {  	[sflag:s25] =	ssyncadd.s32 $0xFFFFD800  }
0x14c: {  	_ =	swait.ge [sflag:s28], $0x2800  }
0x14d: {  	[sflag:s28] =	ssyncset.done $0x0  }
0x14e: {  	[sflag:s28] =	ssyncadd.s32 $0xFFFFD800  }
0x14f: {  	_ =	swait.ge [sflag:s30], $0x2800  }
0x150: {  	[sflag:s30] =	ssyncset.done $0x0  }
0x151: {  	[sflag:s30] =	ssyncadd.s32 $0xFFFFD800  }
0x152: {  	s13 =	simm.s32 $0x200;
	_ =	swait.ge [sflag:s23], $0x2800  }
0x153: {  	s14 =	simm.s32 $0x400;
	s6 =	rddreg [dreg:$0x4];
	[sflag:s23] =	ssyncset.done $0x0  }
.LBB2_4:
0x154: {  	[sflag:s23] =	ssyncadd.s32 $0xFFFFD800;
	s6 =	sadd.s32 s13, s6  }
0x155: {  	[tilespmem:s3], [sflag:$0x9] =	stream.linear.gather [hbm4b:s6+s3], $0xC80, $0x38;
	[tilespmem:$0x1FC00] =	vst v63  }
0x156: {  	_ =	swait.ge [sflag:s16], $0xC80  }
0x157: {  	s6 =	rddreg [dreg:$0x3];
	[sflag:s16] =	ssyncset.done $0x0  }
0x158: {  	[sflag:s16] =	ssyncadd.s32 $0xFFFFF380;
	s6 =	sadd.s32 s13, s6  }
0x159: {  	[tilespmem:s17], [sflag:$0x9] =	stream.linear.gather [hbm4b:s6+s3], $0xC80, $0x38;
	[tilespmem:$0x1FC00] =	vst v63  }
0x15a: {  	_ =	swait.ge [sflag:s16], $0xC80  }
0x15b: {  	[sflag:s16] =	ssyncset.done $0x0  }
0x15c: {  	[sflag:s16] =	ssyncadd.s32 $0xFFFFF380  }
0x15d: {  	[tilespmem:s15], [sflag:$0x1] =	stream.indirect.gather [hbm4b:s4+s18], $0x80, s3, s18, $0xb8;
	[tilespmem:$0x1FC00] =	vst v63  }
0x15e: {  	s12 =	smov.u32 s14;
	s6 =	rddreg [dreg:$0x5]  }
0x15f: {  	[tilespmem:s19], [sflag:$0x2] =	stream.indirect.gather [hbm4b:s4+s18], $0x80, s6, s18, $0xb8;
	[tilespmem:$0x1FC00] =	vst v63  }
0x160: {  	s13 =	smov.u32 s12;
	s12 =	rddreg [dreg:$0x6]  }
0x161: {  	[tilespmem:s20], [sflag:$0x3] =	stream.indirect.gather [hbm4b:s4+s18], $0x80, s12, s18, $0xb8;
	[tilespmem:$0x1FC00] =	vst v63  }
0x162: {  	s6 =	rddreg [dreg:$0x7]  }
0x163: {  	[tilespmem:s21], [sflag:$0x4] =	stream.indirect.gather [hbm4b:s4+s18], $0x80, s6, s18, $0xb8;
	[tilespmem:$0x1FC00] =	vst v63  }
0x164: {  	_ =	swait.ge [sflag:s22], $0x2800  }
0x165: {  	[sflag:s22] =	ssyncset.done $0x0  }
0x166: {  	[sflag:s22] =	ssyncadd.s32 $0xFFFFD800  }
0x167: {  	[spmem:s2] =	stream.indirect.scatter.add.f32 [tilespmem:s15], [sflag:$0x5], $0x80, s17, s18, $0xb8;
	[tilespmem:$0x1FC00] =	vst v63  }
0x168: {  	_ =	swait.ge [sflag:s23], $0x2800  }
0x169: {  	[sflag:s23] =	ssyncset.done $0x0  }
0x16a: {  	s12 =	rddreg [dreg:$0x8];
	[sflag:s23] =	ssyncadd.s32 $0xFFFFD800  }
0x16b: {  	[tilespmem:s15], [sflag:$0x1] =	stream.indirect.gather [hbm4b:s4+s18], $0x80, s12, s18, $0xb8;
	[tilespmem:$0x1FC00] =	vst v63  }
0x16c: {  	_ =	swait.ge [sflag:s24], $0x2800  }
0x16d: {  	[sflag:s24] =	ssyncset.done $0x0  }
0x16e: {  	s12 =	rddreg [dreg:$0x9];
	[sflag:s24] =	ssyncadd.s32 $0xFFFFD800  }
0x16f: {  	[spmem:s2] =	stream.indirect.scatter.add.f32 [tilespmem:s19], [sflag:$0x6], $0x80, s12, s18, $0xb8;
	[tilespmem:$0x1FC00] =	vst v63  }
0x170: {  	_ =	swait.ge [sflag:s25], $0x2800  }
0x171: {  	[sflag:s25] =	ssyncset.done $0x0  }
0x172: {  	s12 =	rddreg [dreg:$0xa];
	[sflag:s25] =	ssyncadd.s32 $0xFFFFD800  }
0x173: {  	[tilespmem:s19], [sflag:$0x2] =	stream.indirect.gather [hbm4b:s4+s18], $0x80, s12, s18, $0xb8;
	[tilespmem:$0x1FC00] =	vst v63  }
0x174: {  	_ =	swait.ge [sflag:s26], $0x2800  }
0x175: {  	[sflag:s26] =	ssyncset.done $0x0  }
0x176: {  	s12 =	rddreg [dreg:$0xb];
	[sflag:s26] =	ssyncadd.s32 $0xFFFFD800  }
0x177: {  	[spmem:s2] =	stream.indirect.scatter.add.f32 [tilespmem:s20], [sflag:$0x7], $0x80, s12, s18, $0xb8;
	[tilespmem:$0x1FC00] =	vst v63  }
0x178: {  	_ =	swait.ge [sflag:s28], $0x2800  }
0x179: {  	[sflag:s28] =	ssyncset.done $0x0  }
0x17a: {  	s12 =	rddreg [dreg:$0xc];
	[sflag:s28] =	ssyncadd.s32 $0xFFFFD800  }
0x17b: {  	[tilespmem:s20], [sflag:$0x3] =	stream.indirect.gather [hbm4b:s4+s18], $0x80, s12, s18, $0xb8;
	[tilespmem:$0x1FC00] =	vst v63  }
0x17c: {  	_ =	swait.ge [sflag:s29], $0x2800  }
0x17d: {  	[sflag:s29] =	ssyncset.done $0x0  }
0x17e: {  	s12 =	rddreg [dreg:$0xd];
	[sflag:s29] =	ssyncadd.s32 $0xFFFFD800  }
0x17f: {  	[spmem:s2] =	stream.indirect.scatter.add.f32 [tilespmem:s21], [sflag:$0x8], $0x80, s12, s18, $0xb8;
	[tilespmem:$0x1FC00] =	vst v63  }
0x180: {  	_ =	swait.ge [sflag:s30], $0x2800  }
0x181: {  	[sflag:s30] =	ssyncset.done $0x0  }
0x182: {  	s12 =	rddreg [dreg:$0xe];
	[sflag:s30] =	ssyncadd.s32 $0xFFFFD800  }
0x183: {  	[tilespmem:s21], [sflag:$0x4] =	stream.indirect.gather [hbm4b:s4+s18], $0x80, s12, s18, $0xb8;
	[tilespmem:$0x1FC00] =	vst v63  }
0x184: {  	_ =	swait.ge [sflag:s22], $0x2800  }
0x185: {  	[sflag:s22] =	ssyncset.done $0x0  }
0x186: {  	s12 =	rddreg [dreg:$0xf];
	[sflag:s22] =	ssyncadd.s32 $0xFFFFD800  }
0x187: {  	[spmem:s2] =	stream.indirect.scatter.add.f32 [tilespmem:s15], [sflag:$0x5], $0x80, s12, s18, $0xb8;
	[tilespmem:$0x1FC00] =	vst v63  }
0x188: {  	_ =	swait.ge [sflag:s23], $0x2800  }
0x189: {  	[sflag:s23] =	ssyncset.done $0x0  }
0x18a: {  	s12 =	rddreg [dreg:$0x10];
	[sflag:s23] =	ssyncadd.s32 $0xFFFFD800  }
0x18b: {  	[tilespmem:s15], [sflag:$0x1] =	stream.indirect.gather [hbm4b:s4+s18], $0x80, s12, s18, $0xb8;
	[tilespmem:$0x1FC00] =	vst v63  }
0x18c: {  	_ =	swait.ge [sflag:s24], $0x2800  }
0x18d: {  	[sflag:s24] =	ssyncset.done $0x0  }
0x18e: {  	s12 =	rddreg [dreg:$0x11];
	[sflag:s24] =	ssyncadd.s32 $0xFFFFD800  }
0x18f: {  	[spmem:s2] =	stream.indirect.scatter.add.f32 [tilespmem:s19], [sflag:$0x6], $0x80, s12, s18, $0xb8;
	[tilespmem:$0x1FC00] =	vst v63  }
0x190: {  	_ =	swait.ge [sflag:s25], $0x2800  }
0x191: {  	[sflag:s25] =	ssyncset.done $0x0  }
0x192: {  	s12 =	rddreg [dreg:$0x12];
	[sflag:s25] =	ssyncadd.s32 $0xFFFFD800  }
0x193: {  	[tilespmem:s19], [sflag:$0x2] =	stream.indirect.gather [hbm4b:s4+s18], $0x80, s12, s18, $0xb8;
	[tilespmem:$0x1FC00] =	vst v63  }
0x194: {  	_ =	swait.ge [sflag:s26], $0x2800  }
0x195: {  	[sflag:s26] =	ssyncset.done $0x0  }
0x196: {  	s12 =	rddreg [dreg:$0x13];
	[sflag:s26] =	ssyncadd.s32 $0xFFFFD800  }
0x197: {  	[spmem:s2] =	stream.indirect.scatter.add.f32 [tilespmem:s20], [sflag:$0x7], $0x80, s12, s18, $0xb8;
	[tilespmem:$0x1FC00] =	vst v63  }
0x198: {  	_ =	swait.ge [sflag:s28], $0x2800  }
0x199: {  	[sflag:s28] =	ssyncset.done $0x0  }
0x19a: {  	s12 =	rddreg [dreg:$0x14];
	[sflag:s28] =	ssyncadd.s32 $0xFFFFD800  }
0x19b: {  	[tilespmem:s20], [sflag:$0x3] =	stream.indirect.gather [hbm4b:s4+s18], $0x80, s12, s18, $0xb8;
	[tilespmem:$0x1FC00] =	vst v63  }
0x19c: {  	_ =	swait.ge [sflag:s29], $0x2800  }
0x19d: {  	[sflag:s29] =	ssyncset.done $0x0  }
0x19e: {  	s12 =	rddreg [dreg:$0x15];
	[sflag:s29] =	ssyncadd.s32 $0xFFFFD800  }
0x19f: {  	[spmem:s2] =	stream.indirect.scatter.add.f32 [tilespmem:s21], [sflag:$0x8], $0x80, s12, s18, $0xb8;
	[tilespmem:$0x1FC00] =	vst v63  }
0x1a0: {  	_ =	swait.ge [sflag:s30], $0x2800  }
0x1a1: {  	[sflag:s30] =	ssyncset.done $0x0  }
0x1a2: {  	s12 =	rddreg [dreg:$0x16];
	[sflag:s30] =	ssyncadd.s32 $0xFFFFD800  }
0x1a3: {  	[tilespmem:s21], [sflag:$0x4] =	stream.indirect.gather [hbm4b:s4+s18], $0x80, s12, s18, $0xb8;
	[tilespmem:$0x1FC00] =	vst v63  }
0x1a4: {  	_ =	swait.ge [sflag:s22], $0x2800  }
0x1a5: {  	[sflag:s22] =	ssyncset.done $0x0  }
0x1a6: {  	s12 =	rddreg [dreg:$0x17];
	[sflag:s22] =	ssyncadd.s32 $0xFFFFD800  }
0x1a7: {  	[spmem:s2] =	stream.indirect.scatter.add.f32 [tilespmem:s15], [sflag:$0x5], $0x80, s12, s18, $0xb8;
	[tilespmem:$0x1FC00] =	vst v63  }
0x1a8: {  	_ =	swait.ge [sflag:s23], $0x2800  }
0x1a9: {  	[sflag:s23] =	ssyncset.done $0x0  }
0x1aa: {  	s12 =	rddreg [dreg:$0x18];
	[sflag:s23] =	ssyncadd.s32 $0xFFFFD800  }
0x1ab: {  	[tilespmem:s15], [sflag:$0x1] =	stream.indirect.gather [hbm4b:s4+s18], $0x80, s12, s18, $0xb8;
	[tilespmem:$0x1FC00] =	vst v63  }
0x1ac: {  	_ =	swait.ge [sflag:s24], $0x2800  }
0x1ad: {  	[sflag:s24] =	ssyncset.done $0x0  }
0x1ae: {  	s12 =	rddreg [dreg:$0x19];
	[sflag:s24] =	ssyncadd.s32 $0xFFFFD800  }
0x1af: {  	[spmem:s2] =	stream.indirect.scatter.add.f32 [tilespmem:s19], [sflag:$0x6], $0x80, s12, s18, $0xb8;
	[tilespmem:$0x1FC00] =	vst v63  }
0x1b0: {  	_ =	swait.ge [sflag:s25], $0x2800  }
0x1b1: {  	[sflag:s25] =	ssyncset.done $0x0  }
0x1b2: {  	s12 =	rddreg [dreg:$0x1a];
	[sflag:s25] =	ssyncadd.s32 $0xFFFFD800  }
0x1b3: {  	[tilespmem:s19], [sflag:$0x2] =	stream.indirect.gather [hbm4b:s4+s18], $0x80, s12, s18, $0xb8;
	[tilespmem:$0x1FC00] =	vst v63  }
0x1b4: {  	_ =	swait.ge [sflag:s26], $0x2800  }
0x1b5: {  	[sflag:s26] =	ssyncset.done $0x0  }
0x1b6: {  	s12 =	rddreg [dreg:$0x1b];
	[sflag:s26] =	ssyncadd.s32 $0xFFFFD800  }
0x1b7: {  	[spmem:s2] =	stream.indirect.scatter.add.f32 [tilespmem:s20], [sflag:$0x7], $0x80, s12, s18, $0xb8;
	[tilespmem:$0x1FC00] =	vst v63  }
0x1b8: {  	_ =	swait.ge [sflag:s28], $0x2800  }
0x1b9: {  	[sflag:s28] =	ssyncset.done $0x0  }
0x1ba: {  	s12 =	rddreg [dreg:$0x1c];
	[sflag:s28] =	ssyncadd.s32 $0xFFFFD800  }
0x1bb: {  	[tilespmem:s20], [sflag:$0x3] =	stream.indirect.gather [hbm4b:s4+s18], $0x80, s12, s18, $0xb8;
	[tilespmem:$0x1FC00] =	vst v63  }
0x1bc: {  	_ =	swait.ge [sflag:s29], $0x2800  }
0x1bd: {  	[sflag:s29] =	ssyncset.done $0x0  }
0x1be: {  	s12 =	rddreg [dreg:$0x1d];
	[sflag:s29] =	ssyncadd.s32 $0xFFFFD800  }
0x1bf: {  	[spmem:s2] =	stream.indirect.scatter.add.f32 [tilespmem:s21], [sflag:$0x8], $0x80, s12, s18, $0xb8;
	[tilespmem:$0x1FC00] =	vst v63  }
0x1c0: {  	_ =	swait.ge [sflag:s30], $0x2800  }
0x1c1: {  	[sflag:s30] =	ssyncset.done $0x0  }
0x1c2: {  	s12 =	rddreg [dreg:$0x1e];
	[sflag:s30] =	ssyncadd.s32 $0xFFFFD800  }
0x1c3: {  	[tilespmem:s21], [sflag:$0x4] =	stream.indirect.gather [hbm4b:s4+s18], $0x80, s12, s18, $0xb8;
	[tilespmem:$0x1FC00] =	vst v63  }
0x1c4: {  	_ =	swait.ge [sflag:s22], $0x2800  }
0x1c5: {  	[sflag:s22] =	ssyncset.done $0x0  }
0x1c6: {  	s12 =	rddreg [dreg:$0x1f];
	[sflag:s22] =	ssyncadd.s32 $0xFFFFD800  }
0x1c7: {  	[spmem:s2] =	stream.indirect.scatter.add.f32 [tilespmem:s15], [sflag:$0x5], $0x80, s12, s18, $0xb8;
	[tilespmem:$0x1FC00] =	vst v63  }
0x1c8: {  	_ =	swait.ge [sflag:s23], $0x2800  }
0x1c9: {  	s12 =	sld [smem:$0x7EF]  }
0x1ca: {  	[sflag:s23] =	ssyncset.done $0x0  }
0x1cb: {  	[sflag:s23] =	ssyncadd.s32 $0xFFFFD800  }
0x1cc: {  	[tilespmem:s15], [sflag:$0x1] =	stream.indirect.gather [hbm4b:s4+s18], $0x80, s12, s18, $0xb8;
	[tilespmem:$0x1FC00] =	vst v63  }
0x1cd: {  	_ =	swait.ge [sflag:s24], $0x2800  }
0x1ce: {  	s12 =	sld [smem:$0x7F1]  }
0x1cf: {  	[sflag:s24] =	ssyncset.done $0x0  }
0x1d0: {  	[sflag:s24] =	ssyncadd.s32 $0xFFFFD800  }
0x1d1: {  	[spmem:s2] =	stream.indirect.scatter.add.f32 [tilespmem:s19], [sflag:$0x6], $0x80, s12, s18, $0xb8;
	[tilespmem:$0x1FC00] =	vst v63  }
0x1d2: {  	_ =	swait.ge [sflag:s25], $0x2800  }
0x1d3: {  	s12 =	sld [smem:$0x7F4]  }
0x1d4: {  	[sflag:s25] =	ssyncset.done $0x0  }
0x1d5: {  	[sflag:s25] =	ssyncadd.s32 $0xFFFFD800  }
0x1d6: {  	[tilespmem:s19], [sflag:$0x2] =	stream.indirect.gather [hbm4b:s4+s18], $0x80, s12, s18, $0xb8;
	[tilespmem:$0x1FC00] =	vst v63  }
0x1d7: {  	_ =	swait.ge [sflag:s26], $0x2800  }
0x1d8: {  	s12 =	sld [smem:$0x7F5]  }
0x1d9: {  	[sflag:s26] =	ssyncset.done $0x0  }
0x1da: {  	[sflag:s26] =	ssyncadd.s32 $0xFFFFD800  }
0x1db: {  	[spmem:s2] =	stream.indirect.scatter.add.f32 [tilespmem:s20], [sflag:$0x7], $0x80, s12, s18, $0xb8;
	[tilespmem:$0x1FC00] =	vst v63  }
0x1dc: {  	_ =	swait.ge [sflag:s28], $0x2800  }
0x1dd: {  	s12 =	sld [smem:$0x7F6]  }
0x1de: {  	[sflag:s28] =	ssyncset.done $0x0  }
0x1df: {  	[sflag:s28] =	ssyncadd.s32 $0xFFFFD800  }
0x1e0: {  	[tilespmem:s20], [sflag:$0x3] =	stream.indirect.gather [hbm4b:s4+s18], $0x80, s12, s18, $0xb8;
	[tilespmem:$0x1FC00] =	vst v63  }
0x1e1: {  	_ =	swait.ge [sflag:s29], $0x2800  }
0x1e2: {  	s12 =	sld [smem:$0x7F7]  }
0x1e3: {  	[sflag:s29] =	ssyncset.done $0x0  }
0x1e4: {  	[sflag:s29] =	ssyncadd.s32 $0xFFFFD800  }
0x1e5: {  	[spmem:s2] =	stream.indirect.scatter.add.f32 [tilespmem:s21], [sflag:$0x8], $0x80, s12, s18, $0xb8;
	[tilespmem:$0x1FC00] =	vst v63  }
0x1e6: {  	_ =	swait.ge [sflag:s30], $0x2800  }
0x1e7: {  	s12 =	sld [smem:$0x7F8]  }
0x1e8: {  	[sflag:s30] =	ssyncset.done $0x0  }
0x1e9: {  	[sflag:s30] =	ssyncadd.s32 $0xFFFFD800  }
0x1ea: {  	[tilespmem:s21], [sflag:$0x4] =	stream.indirect.gather [hbm4b:s4+s18], $0x80, s12, s18, $0xb8;
	[tilespmem:$0x1FC00] =	vst v63  }
0x1eb: {  	_ =	swait.ge [sflag:s22], $0x2800  }
0x1ec: {  	s12 =	sld [smem:$0x7F9]  }
0x1ed: {  	[sflag:s22] =	ssyncset.done $0x0  }
0x1ee: {  	[sflag:s22] =	ssyncadd.s32 $0xFFFFD800  }
0x1ef: {  	[spmem:s2] =	stream.indirect.scatter.add.f32 [tilespmem:s15], [sflag:$0x5], $0x80, s12, s18, $0xb8;
	[tilespmem:$0x1FC00] =	vst v63  }
0x1f0: {  	_ =	swait.ge [sflag:s23], $0x2800  }
0x1f1: {  	s12 =	sld [smem:$0x7FA]  }
0x1f2: {  	[sflag:s23] =	ssyncset.done $0x0  }
0x1f3: {  	[sflag:s23] =	ssyncadd.s32 $0xFFFFD800  }
0x1f4: {  	[tilespmem:s15], [sflag:$0x1] =	stream.indirect.gather [hbm4b:s4+s18], $0x80, s12, s18, $0xb8;
	[tilespmem:$0x1FC00] =	vst v63  }
0x1f5: {  	_ =	swait.ge [sflag:s24], $0x2800  }
0x1f6: {  	s12 =	sld [smem:$0x7FB]  }
0x1f7: {  	[sflag:s24] =	ssyncset.done $0x0  }
0x1f8: {  	[sflag:s24] =	ssyncadd.s32 $0xFFFFD800  }
0x1f9: {  	[spmem:s2] =	stream.indirect.scatter.add.f32 [tilespmem:s19], [sflag:$0x6], $0x80, s12, s18, $0xb8;
	[tilespmem:$0x1FC00] =	vst v63  }
0x1fa: {  	_ =	swait.ge [sflag:s25], $0x2800  }
0x1fb: {  	s12 =	sld [smem:$0x7FC]  }
0x1fc: {  	[sflag:s25] =	ssyncset.done $0x0  }
0x1fd: {  	[sflag:s25] =	ssyncadd.s32 $0xFFFFD800  }
0x1fe: {  	[tilespmem:s19], [sflag:$0x2] =	stream.indirect.gather [hbm4b:s4+s18], $0x80, s12, s18, $0xb8;
	[tilespmem:$0x1FC00] =	vst v63  }
0x1ff: {  	_ =	swait.ge [sflag:s26], $0x2800  }
0x200: {  	s12 =	sld [smem:$0x7FD]  }
0x201: {  	[sflag:s26] =	ssyncset.done $0x0  }
0x202: {  	[sflag:s26] =	ssyncadd.s32 $0xFFFFD800  }
0x203: {  	[spmem:s2] =	stream.indirect.scatter.add.f32 [tilespmem:s20], [sflag:$0x7], $0x80, s12, s18, $0xb8;
	[tilespmem:$0x1FC00] =	vst v63  }
0x204: {  	_ =	swait.ge [sflag:s28], $0x2800  }
0x205: {  	[sflag:s28] =	ssyncset.done $0x0  }
0x206: {  	[sflag:s28] =	ssyncadd.s32 $0xFFFFD800  }
0x207: {  	[tilespmem:s20], [sflag:$0x3] =	stream.indirect.gather [hbm4b:s4+s18], $0x80, s31, s18, $0xb8;
	[tilespmem:$0x1FC00] =	vst v63  }
0x208: {  	_ =	swait.ge [sflag:s29], $0x2800  }
0x209: {  	[sflag:s29] =	ssyncset.done $0x0  }
0x20a: {  	[sflag:s29] =	ssyncadd.s32 $0xFFFFD800  }
0x20b: {  	[spmem:s2] =	stream.indirect.scatter.add.f32 [tilespmem:s21], [sflag:$0x8], $0x80, s1, s18, $0xb8;
	[tilespmem:$0x1FC00] =	vst v63  }
0x20c: {  	_ =	swait.ge [sflag:s30], $0x2800  }
0x20d: {  	[sflag:s30] =	ssyncset.done $0x0  }
0x20e: {  	[sflag:s30] =	ssyncadd.s32 $0xFFFFD800  }
0x20f: {  	[tilespmem:s21], [sflag:$0x4] =	stream.indirect.gather [hbm4b:s4+s18], $0x80, s0, s18, $0xb8;
	[tilespmem:$0x1FC00] =	vst v63  }
0x210: {  	_ =	swait.ge [sflag:s22], $0x2800  }
0x211: {  	[sflag:s22] =	ssyncset.done $0x0  }
0x212: {  	[sflag:s22] =	ssyncadd.s32 $0xFFFFD800  }
0x213: {  	[spmem:s2] =	stream.indirect.scatter.add.f32 [tilespmem:s15], [sflag:$0x5], $0x80, s5, s18, $0xb8;
	[tilespmem:$0x1FC00] =	vst v63  }
0x214: {  	_ =	swait.ge [sflag:s23], $0x2800  }
0x215: {  	[sflag:s23] =	ssyncset.done $0x0  }
0x216: {  	[sflag:s23] =	ssyncadd.s32 $0xFFFFD800  }
0x217: {  	[tilespmem:s15], [sflag:$0x1] =	stream.indirect.gather [hbm4b:s4+s18], $0x80, s7, s18, $0xb8;
	[tilespmem:$0x1FC00] =	vst v63  }
0x218: {  	_ =	swait.ge [sflag:s24], $0x2800  }
0x219: {  	[sflag:s24] =	ssyncset.done $0x0  }
0x21a: {  	[sflag:s24] =	ssyncadd.s32 $0xFFFFD800  }
0x21b: {  	[spmem:s2] =	stream.indirect.scatter.add.f32 [tilespmem:s19], [sflag:$0x6], $0x80, s8, s18, $0xb8;
	[tilespmem:$0x1FC00] =	vst v63  }
0x21c: {  	_ =	swait.ge [sflag:s26], $0x2800  }
0x21d: {  	[sflag:s26] =	ssyncset.done $0x0  }
0x21e: {  	[sflag:s26] =	ssyncadd.s32 $0xFFFFD800  }
0x21f: {  	[spmem:s2] =	stream.indirect.scatter.add.f32 [tilespmem:s20], [sflag:$0x7], $0x80, s9, s18, $0xb8;
	[tilespmem:$0x1FC00] =	vst v63  }
0x220: {  	_ =	swait.ge [sflag:s29], $0x2800  }
0x221: {  	[sflag:s29] =	ssyncset.done $0x0  }
0x222: {  	[sflag:s29] =	ssyncadd.s32 $0xFFFFD800  }
0x223: {  	[spmem:s2] =	stream.indirect.scatter.add.f32 [tilespmem:s21], [sflag:$0x8], $0x80, s10, s18, $0xb8;
	[tilespmem:$0x1FC00] =	vst v63  }
0x224: {  	_ =	swait.ge [sflag:s22], $0x2800  }
0x225: {  	[sflag:s22] =	ssyncset.done $0x0  }
0x226: {  	[sflag:s22] =	ssyncadd.s32 $0xFFFFD800  }
0x227: {  	[spmem:s2] =	stream.indirect.scatter.add.f32 [tilespmem:s15], [sflag:$0x5], $0x80, s11, s18, $0xb8;
	[tilespmem:$0x1FC00] =	vst v63  }
0x228: {  	_ =	swait.ge [sflag:s25], $0x2800  }
0x229: {  	[sflag:s25] =	ssyncset.done $0x0  }
0x22a: {  	[sflag:s25] =	ssyncadd.s32 $0xFFFFD800  }
0x22b: {  	_ =	swait.ge [sflag:s28], $0x2800  }
0x22c: {  	[sflag:s28] =	ssyncset.done $0x0  }
0x22d: {  	p0 =	sne.s32 s14, $0x800;
	[sflag:s28] =	ssyncadd.s32 $0xFFFFD800  }
.Ltmp1:
0x22e: {  	_ =	swait.ge [sflag:s30], $0x2800;
	(pc) =	sbr.rel @p0 .LBB2_4-.Ltmp1, $4  }
0x22f: {  	[sflag:s30] =	ssyncset.done $0x0  }
0x230: {  	[sflag:s30] =	ssyncadd.s32 $0xFFFFD800  }
0x231: {  	_ =	swait.ge [sflag:s23], $0x2800  }
0x232: {  	s14 =	sadd.s32 $0x200, s14;
	s6 =	rddreg [dreg:$0x4];
	[sflag:s23] =	ssyncset.done $0x0  }
0x233: {  	[sflag:s23] =	ssyncadd.s32 $0xFFFFD800;
	s6 =	sadd.s32 s13, s6  }
0x234: {  	[tilespmem:s3], [sflag:$0x9] =	stream.linear.gather [hbm4b:s6+s3], $0xC80, $0x38;
	[tilespmem:$0x1FC00] =	vst v63  }
0x235: {  	_ =	swait.ge [sflag:s16], $0xC80  }
0x236: {  	s12 =	rddreg [dreg:$0x3];
	[sflag:s16] =	ssyncset.done $0x0  }
0x237: {  	[sflag:s16] =	ssyncadd.s32 $0xFFFFF380;
	s6 =	sadd.s32 s13, s12  }
0x238: {  	[tilespmem:s17], [sflag:$0x9] =	stream.linear.gather [hbm4b:s6+s3], $0xC80, $0x38;
	[tilespmem:$0x1FC00] =	vst v63  }
0x239: {  	_ =	swait.ge [sflag:s16], $0xC80  }
0x23a: {  	[sflag:s16] =	ssyncset.done $0x0  }
0x23b: {  	[sflag:s16] =	ssyncadd.s32 $0xFFFFF380  }
0x23c: {  	[tilespmem:s15], [sflag:$0x1] =	stream.indirect.gather [hbm4b:s4+s18], $0x80, s3, s18, $0xb8;
	[tilespmem:$0x1FC00] =	vst v63  }
0x23d: {  	s13 =	rddreg [dreg:$0x5]  }
0x23e: {  	[tilespmem:s19], [sflag:$0x2] =	stream.indirect.gather [hbm4b:s4+s18], $0x80, s13, s18, $0xb8;
	[tilespmem:$0x1FC00] =	vst v63  }
0x23f: {  	s12 =	rddreg [dreg:$0x6]  }
0x240: {  	[tilespmem:s20], [sflag:$0x3] =	stream.indirect.gather [hbm4b:s4+s18], $0x80, s12, s18, $0xb8;
	[tilespmem:$0x1FC00] =	vst v63  }
0x241: {  	s14 =	rddreg [dreg:$0x7]  }
0x242: {  	[tilespmem:s21], [sflag:$0x4] =	stream.indirect.gather [hbm4b:s4+s18], $0x80, s14, s18, $0xb8;
	[tilespmem:$0x1FC00] =	vst v63  }
0x243: {  	_ =	swait.ge [sflag:s22], $0x2800  }
0x244: {  	[sflag:s22] =	ssyncset.done $0x0  }
0x245: {  	[sflag:s22] =	ssyncadd.s32 $0xFFFFD800  }
0x246: {  	[spmem:s2] =	stream.indirect.scatter.add.f32 [tilespmem:s15], [sflag:$0x5], $0x80, s17, s18, $0xb8;
	[tilespmem:$0x1FC00] =	vst v63  }
0x247: {  	_ =	swait.ge [sflag:s23], $0x2800  }
0x248: {  	[sflag:s23] =	ssyncset.done $0x0  }
0x249: {  	s12 =	rddreg [dreg:$0x8];
	[sflag:s23] =	ssyncadd.s32 $0xFFFFD800  }
0x24a: {  	[tilespmem:s15], [sflag:$0x1] =	stream.indirect.gather [hbm4b:s4+s18], $0x80, s12, s18, $0xb8;
	[tilespmem:$0x1FC00] =	vst v63  }
0x24b: {  	_ =	swait.ge [sflag:s24], $0x2800  }
0x24c: {  	[sflag:s24] =	ssyncset.done $0x0  }
0x24d: {  	s13 =	rddreg [dreg:$0x9];
	[sflag:s24] =	ssyncadd.s32 $0xFFFFD800  }
0x24e: {  	[spmem:s2] =	stream.indirect.scatter.add.f32 [tilespmem:s19], [sflag:$0x6], $0x80, s13, s18, $0xb8;
	[tilespmem:$0x1FC00] =	vst v63  }
0x24f: {  	_ =	swait.ge [sflag:s25], $0x2800  }
0x250: {  	[sflag:s25] =	ssyncset.done $0x0  }
0x251: {  	s14 =	rddreg [dreg:$0xa];
	[sflag:s25] =	ssyncadd.s32 $0xFFFFD800  }
0x252: {  	[tilespmem:s19], [sflag:$0x2] =	stream.indirect.gather [hbm4b:s4+s18], $0x80, s14, s18, $0xb8;
	[tilespmem:$0x1FC00] =	vst v63  }
0x253: {  	_ =	swait.ge [sflag:s26], $0x2800  }
0x254: {  	[sflag:s26] =	ssyncset.done $0x0  }
0x255: {  	s12 =	rddreg [dreg:$0xb];
	[sflag:s26] =	ssyncadd.s32 $0xFFFFD800  }
0x256: {  	[spmem:s2] =	stream.indirect.scatter.add.f32 [tilespmem:s20], [sflag:$0x7], $0x80, s12, s18, $0xb8;
	[tilespmem:$0x1FC00] =	vst v63  }
0x257: {  	_ =	swait.ge [sflag:s28], $0x2800  }
0x258: {  	[sflag:s28] =	ssyncset.done $0x0  }
0x259: {  	s13 =	rddreg [dreg:$0xc];
	[sflag:s28] =	ssyncadd.s32 $0xFFFFD800  }
0x25a: {  	[tilespmem:s20], [sflag:$0x3] =	stream.indirect.gather [hbm4b:s4+s18], $0x80, s13, s18, $0xb8;
	[tilespmem:$0x1FC00] =	vst v63  }
0x25b: {  	_ =	swait.ge [sflag:s29], $0x2800  }
0x25c: {  	[sflag:s29] =	ssyncset.done $0x0  }
0x25d: {  	s14 =	rddreg [dreg:$0xd];
	[sflag:s29] =	ssyncadd.s32 $0xFFFFD800  }
0x25e: {  	[spmem:s2] =	stream.indirect.scatter.add.f32 [tilespmem:s21], [sflag:$0x8], $0x80, s14, s18, $0xb8;
	[tilespmem:$0x1FC00] =	vst v63  }
0x25f: {  	_ =	swait.ge [sflag:s30], $0x2800  }
0x260: {  	[sflag:s30] =	ssyncset.done $0x0  }
0x261: {  	s12 =	rddreg [dreg:$0xe];
	[sflag:s30] =	ssyncadd.s32 $0xFFFFD800  }
0x262: {  	[tilespmem:s21], [sflag:$0x4] =	stream.indirect.gather [hbm4b:s4+s18], $0x80, s12, s18, $0xb8;
	[tilespmem:$0x1FC00] =	vst v63  }
0x263: {  	_ =	swait.ge [sflag:s22], $0x2800  }
0x264: {  	[sflag:s22] =	ssyncset.done $0x0  }
0x265: {  	s13 =	rddreg [dreg:$0xf];
	[sflag:s22] =	ssyncadd.s32 $0xFFFFD800  }
0x266: {  	[spmem:s2] =	stream.indirect.scatter.add.f32 [tilespmem:s15], [sflag:$0x5], $0x80, s13, s18, $0xb8;
	[tilespmem:$0x1FC00] =	vst v63  }
0x267: {  	_ =	swait.ge [sflag:s23], $0x2800  }
0x268: {  	[sflag:s23] =	ssyncset.done $0x0  }
0x269: {  	s14 =	rddreg [dreg:$0x10];
	[sflag:s23] =	ssyncadd.s32 $0xFFFFD800  }
0x26a: {  	[tilespmem:s15], [sflag:$0x1] =	stream.indirect.gather [hbm4b:s4+s18], $0x80, s14, s18, $0xb8;
	[tilespmem:$0x1FC00] =	vst v63  }
0x26b: {  	_ =	swait.ge [sflag:s24], $0x2800  }
0x26c: {  	[sflag:s24] =	ssyncset.done $0x0  }
0x26d: {  	s12 =	rddreg [dreg:$0x11];
	[sflag:s24] =	ssyncadd.s32 $0xFFFFD800  }
0x26e: {  	[spmem:s2] =	stream.indirect.scatter.add.f32 [tilespmem:s19], [sflag:$0x6], $0x80, s12, s18, $0xb8;
	[tilespmem:$0x1FC00] =	vst v63  }
0x26f: {  	_ =	swait.ge [sflag:s25], $0x2800  }
0x270: {  	[sflag:s25] =	ssyncset.done $0x0  }
0x271: {  	s13 =	rddreg [dreg:$0x12];
	[sflag:s25] =	ssyncadd.s32 $0xFFFFD800  }
0x272: {  	[tilespmem:s19], [sflag:$0x2] =	stream.indirect.gather [hbm4b:s4+s18], $0x80, s13, s18, $0xb8;
	[tilespmem:$0x1FC00] =	vst v63  }
0x273: {  	_ =	swait.ge [sflag:s26], $0x2800  }
0x274: {  	[sflag:s26] =	ssyncset.done $0x0  }
0x275: {  	s14 =	rddreg [dreg:$0x13];
	[sflag:s26] =	ssyncadd.s32 $0xFFFFD800  }
0x276: {  	[spmem:s2] =	stream.indirect.scatter.add.f32 [tilespmem:s20], [sflag:$0x7], $0x80, s14, s18, $0xb8;
	[tilespmem:$0x1FC00] =	vst v63  }
0x277: {  	_ =	swait.ge [sflag:s28], $0x2800  }
0x278: {  	[sflag:s28] =	ssyncset.done $0x0  }
0x279: {  	s12 =	rddreg [dreg:$0x14];
	[sflag:s28] =	ssyncadd.s32 $0xFFFFD800  }
0x27a: {  	[tilespmem:s20], [sflag:$0x3] =	stream.indirect.gather [hbm4b:s4+s18], $0x80, s12, s18, $0xb8;
	[tilespmem:$0x1FC00] =	vst v63  }
0x27b: {  	_ =	swait.ge [sflag:s29], $0x2800  }
0x27c: {  	[sflag:s29] =	ssyncset.done $0x0  }
0x27d: {  	s13 =	rddreg [dreg:$0x15];
	[sflag:s29] =	ssyncadd.s32 $0xFFFFD800  }
0x27e: {  	[spmem:s2] =	stream.indirect.scatter.add.f32 [tilespmem:s21], [sflag:$0x8], $0x80, s13, s18, $0xb8;
	[tilespmem:$0x1FC00] =	vst v63  }
0x27f: {  	_ =	swait.ge [sflag:s30], $0x2800  }
0x280: {  	[sflag:s30] =	ssyncset.done $0x0  }
0x281: {  	s14 =	rddreg [dreg:$0x16];
	[sflag:s30] =	ssyncadd.s32 $0xFFFFD800  }
0x282: {  	[tilespmem:s21], [sflag:$0x4] =	stream.indirect.gather [hbm4b:s4+s18], $0x80, s14, s18, $0xb8;
	[tilespmem:$0x1FC00] =	vst v63  }
0x283: {  	_ =	swait.ge [sflag:s22], $0x2800  }
0x284: {  	[sflag:s22] =	ssyncset.done $0x0  }
0x285: {  	s12 =	rddreg [dreg:$0x17];
	[sflag:s22] =	ssyncadd.s32 $0xFFFFD800  }
0x286: {  	[spmem:s2] =	stream.indirect.scatter.add.f32 [tilespmem:s15], [sflag:$0x5], $0x80, s12, s18, $0xb8;
	[tilespmem:$0x1FC00] =	vst v63  }
0x287: {  	_ =	swait.ge [sflag:s23], $0x2800  }
0x288: {  	[sflag:s23] =	ssyncset.done $0x0  }
0x289: {  	s13 =	rddreg [dreg:$0x18];
	[sflag:s23] =	ssyncadd.s32 $0xFFFFD800  }
0x28a: {  	[tilespmem:s15], [sflag:$0x1] =	stream.indirect.gather [hbm4b:s4+s18], $0x80, s13, s18, $0xb8;
	[tilespmem:$0x1FC00] =	vst v63  }
0x28b: {  	_ =	swait.ge [sflag:s24], $0x2800  }
0x28c: {  	[sflag:s24] =	ssyncset.done $0x0  }
0x28d: {  	s14 =	rddreg [dreg:$0x19];
	[sflag:s24] =	ssyncadd.s32 $0xFFFFD800  }
0x28e: {  	[spmem:s2] =	stream.indirect.scatter.add.f32 [tilespmem:s19], [sflag:$0x6], $0x80, s14, s18, $0xb8;
	[tilespmem:$0x1FC00] =	vst v63  }
0x28f: {  	_ =	swait.ge [sflag:s25], $0x2800  }
0x290: {  	[sflag:s25] =	ssyncset.done $0x0  }
0x291: {  	s12 =	rddreg [dreg:$0x1a];
	[sflag:s25] =	ssyncadd.s32 $0xFFFFD800  }
0x292: {  	[tilespmem:s19], [sflag:$0x2] =	stream.indirect.gather [hbm4b:s4+s18], $0x80, s12, s18, $0xb8;
	[tilespmem:$0x1FC00] =	vst v63  }
0x293: {  	_ =	swait.ge [sflag:s26], $0x2800  }
0x294: {  	[sflag:s26] =	ssyncset.done $0x0  }
0x295: {  	s13 =	rddreg [dreg:$0x1b];
	[sflag:s26] =	ssyncadd.s32 $0xFFFFD800  }
0x296: {  	[spmem:s2] =	stream.indirect.scatter.add.f32 [tilespmem:s20], [sflag:$0x7], $0x80, s13, s18, $0xb8;
	[tilespmem:$0x1FC00] =	vst v63  }
0x297: {  	_ =	swait.ge [sflag:s28], $0x2800  }
0x298: {  	[sflag:s28] =	ssyncset.done $0x0  }
0x299: {  	s14 =	rddreg [dreg:$0x1c];
	[sflag:s28] =	ssyncadd.s32 $0xFFFFD800  }
0x29a: {  	[tilespmem:s20], [sflag:$0x3] =	stream.indirect.gather [hbm4b:s4+s18], $0x80, s14, s18, $0xb8;
	[tilespmem:$0x1FC00] =	vst v63  }
0x29b: {  	_ =	swait.ge [sflag:s29], $0x2800  }
0x29c: {  	[sflag:s29] =	ssyncset.done $0x0  }
0x29d: {  	s12 =	rddreg [dreg:$0x1d];
	[sflag:s29] =	ssyncadd.s32 $0xFFFFD800  }
0x29e: {  	[spmem:s2] =	stream.indirect.scatter.add.f32 [tilespmem:s21], [sflag:$0x8], $0x80, s12, s18, $0xb8;
	[tilespmem:$0x1FC00] =	vst v63  }
0x29f: {  	_ =	swait.ge [sflag:s30], $0x2800  }
0x2a0: {  	[sflag:s30] =	ssyncset.done $0x0  }
0x2a1: {  	s13 =	rddreg [dreg:$0x1e];
	[sflag:s30] =	ssyncadd.s32 $0xFFFFD800  }
0x2a2: {  	[tilespmem:s21], [sflag:$0x4] =	stream.indirect.gather [hbm4b:s4+s18], $0x80, s13, s18, $0xb8;
	[tilespmem:$0x1FC00] =	vst v63  }
0x2a3: {  	_ =	swait.ge [sflag:s22], $0x2800  }
0x2a4: {  	[sflag:s22] =	ssyncset.done $0x0  }
0x2a5: {  	s14 =	rddreg [dreg:$0x1f];
	[sflag:s22] =	ssyncadd.s32 $0xFFFFD800  }
0x2a6: {  	[spmem:s2] =	stream.indirect.scatter.add.f32 [tilespmem:s15], [sflag:$0x5], $0x80, s14, s18, $0xb8;
	[tilespmem:$0x1FC00] =	vst v63  }
0x2a7: {  	_ =	swait.ge [sflag:s23], $0x2800  }
0x2a8: {  	s12 =	sld [smem:$0x7EF]  }
0x2a9: {  	[sflag:s23] =	ssyncset.done $0x0  }
0x2aa: {  	[sflag:s23] =	ssyncadd.s32 $0xFFFFD800  }
0x2ab: {  	[tilespmem:s15], [sflag:$0x1] =	stream.indirect.gather [hbm4b:s4+s18], $0x80, s12, s18, $0xb8;
	[tilespmem:$0x1FC00] =	vst v63  }
0x2ac: {  	_ =	swait.ge [sflag:s24], $0x2800  }
0x2ad: {  	s13 =	sld [smem:$0x7F1]  }
0x2ae: {  	[sflag:s24] =	ssyncset.done $0x0  }
0x2af: {  	[sflag:s24] =	ssyncadd.s32 $0xFFFFD800  }
0x2b0: {  	[spmem:s2] =	stream.indirect.scatter.add.f32 [tilespmem:s19], [sflag:$0x6], $0x80, s13, s18, $0xb8;
	[tilespmem:$0x1FC00] =	vst v63  }
0x2b1: {  	_ =	swait.ge [sflag:s25], $0x2800  }
0x2b2: {  	s14 =	sld [smem:$0x7F4]  }
0x2b3: {  	[sflag:s25] =	ssyncset.done $0x0  }
0x2b4: {  	[sflag:s25] =	ssyncadd.s32 $0xFFFFD800  }
0x2b5: {  	[tilespmem:s19], [sflag:$0x2] =	stream.indirect.gather [hbm4b:s4+s18], $0x80, s14, s18, $0xb8;
	[tilespmem:$0x1FC00] =	vst v63  }
0x2b6: {  	_ =	swait.ge [sflag:s26], $0x2800  }
0x2b7: {  	s12 =	sld [smem:$0x7F5]  }
0x2b8: {  	[sflag:s26] =	ssyncset.done $0x0  }
0x2b9: {  	[sflag:s26] =	ssyncadd.s32 $0xFFFFD800  }
0x2ba: {  	[spmem:s2] =	stream.indirect.scatter.add.f32 [tilespmem:s20], [sflag:$0x7], $0x80, s12, s18, $0xb8;
	[tilespmem:$0x1FC00] =	vst v63  }
0x2bb: {  	_ =	swait.ge [sflag:s28], $0x2800  }
0x2bc: {  	s13 =	sld [smem:$0x7F6]  }
0x2bd: {  	[sflag:s28] =	ssyncset.done $0x0  }
0x2be: {  	[sflag:s28] =	ssyncadd.s32 $0xFFFFD800  }
0x2bf: {  	[tilespmem:s20], [sflag:$0x3] =	stream.indirect.gather [hbm4b:s4+s18], $0x80, s13, s18, $0xb8;
	[tilespmem:$0x1FC00] =	vst v63  }
0x2c0: {  	_ =	swait.ge [sflag:s29], $0x2800  }
0x2c1: {  	s14 =	sld [smem:$0x7F7]  }
0x2c2: {  	[sflag:s29] =	ssyncset.done $0x0  }
0x2c3: {  	[sflag:s29] =	ssyncadd.s32 $0xFFFFD800  }
0x2c4: {  	[spmem:s2] =	stream.indirect.scatter.add.f32 [tilespmem:s21], [sflag:$0x8], $0x80, s14, s18, $0xb8;
	[tilespmem:$0x1FC00] =	vst v63  }
0x2c5: {  	_ =	swait.ge [sflag:s30], $0x2800  }
0x2c6: {  	s12 =	sld [smem:$0x7F8]  }
0x2c7: {  	[sflag:s30] =	ssyncset.done $0x0  }
0x2c8: {  	[sflag:s30] =	ssyncadd.s32 $0xFFFFD800  }
0x2c9: {  	[tilespmem:s21], [sflag:$0x4] =	stream.indirect.gather [hbm4b:s4+s18], $0x80, s12, s18, $0xb8;
	[tilespmem:$0x1FC00] =	vst v63  }
0x2ca: {  	_ =	swait.ge [sflag:s22], $0x2800  }
0x2cb: {  	s13 =	sld [smem:$0x7F9]  }
0x2cc: {  	[sflag:s22] =	ssyncset.done $0x0  }
0x2cd: {  	[sflag:s22] =	ssyncadd.s32 $0xFFFFD800  }
0x2ce: {  	[spmem:s2] =	stream.indirect.scatter.add.f32 [tilespmem:s15], [sflag:$0x5], $0x80, s13, s18, $0xb8;
	[tilespmem:$0x1FC00] =	vst v63  }
0x2cf: {  	_ =	swait.ge [sflag:s23], $0x2800  }
0x2d0: {  	s14 =	sld [smem:$0x7FA]  }
0x2d1: {  	[sflag:s23] =	ssyncset.done $0x0  }
0x2d2: {  	[sflag:s23] =	ssyncadd.s32 $0xFFFFD800  }
0x2d3: {  	[tilespmem:s15], [sflag:$0x1] =	stream.indirect.gather [hbm4b:s4+s18], $0x80, s14, s18, $0xb8;
	[tilespmem:$0x1FC00] =	vst v63  }
0x2d4: {  	_ =	swait.ge [sflag:s24], $0x2800  }
0x2d5: {  	s12 =	sld [smem:$0x7FB]  }
0x2d6: {  	[sflag:s24] =	ssyncset.done $0x0  }
0x2d7: {  	[sflag:s24] =	ssyncadd.s32 $0xFFFFD800  }
0x2d8: {  	[spmem:s2] =	stream.indirect.scatter.add.f32 [tilespmem:s19], [sflag:$0x6], $0x80, s12, s18, $0xb8;
	[tilespmem:$0x1FC00] =	vst v63  }
0x2d9: {  	_ =	swait.ge [sflag:s25], $0x2800  }
0x2da: {  	s13 =	sld [smem:$0x7FC]  }
0x2db: {  	[sflag:s25] =	ssyncset.done $0x0  }
0x2dc: {  	[sflag:s25] =	ssyncadd.s32 $0xFFFFD800  }
0x2dd: {  	[tilespmem:s19], [sflag:$0x2] =	stream.indirect.gather [hbm4b:s4+s18], $0x80, s13, s18, $0xb8;
	[tilespmem:$0x1FC00] =	vst v63  }
0x2de: {  	_ =	swait.ge [sflag:s26], $0x2800  }
0x2df: {  	s14 =	sld [smem:$0x7FD]  }
0x2e0: {  	[sflag:s26] =	ssyncset.done $0x0  }
0x2e1: {  	[sflag:s26] =	ssyncadd.s32 $0xFFFFD800  }
0x2e2: {  	[spmem:s2] =	stream.indirect.scatter.add.f32 [tilespmem:s20], [sflag:$0x7], $0x80, s14, s18, $0xb8;
	[tilespmem:$0x1FC00] =	vst v63  }
0x2e3: {  	_ =	swait.ge [sflag:s28], $0x2800  }
0x2e4: {  	[sflag:s28] =	ssyncset.done $0x0  }
0x2e5: {  	[sflag:s28] =	ssyncadd.s32 $0xFFFFD800  }
0x2e6: {  	[tilespmem:s20], [sflag:$0x3] =	stream.indirect.gather [hbm4b:s4+s18], $0x80, s31, s18, $0xb8;
	[tilespmem:$0x1FC00] =	vst v63  }
0x2e7: {  	_ =	swait.ge [sflag:s29], $0x2800  }
0x2e8: {  	[sflag:s29] =	ssyncset.done $0x0  }
0x2e9: {  	[sflag:s29] =	ssyncadd.s32 $0xFFFFD800  }
0x2ea: {  	[spmem:s2] =	stream.indirect.scatter.add.f32 [tilespmem:s21], [sflag:$0x8], $0x80, s1, s18, $0xb8;
	[tilespmem:$0x1FC00] =	vst v63  }
0x2eb: {  	_ =	swait.ge [sflag:s30], $0x2800  }
0x2ec: {  	[sflag:s30] =	ssyncset.done $0x0  }
0x2ed: {  	[sflag:s30] =	ssyncadd.s32 $0xFFFFD800  }
0x2ee: {  	[tilespmem:s21], [sflag:$0x4] =	stream.indirect.gather [hbm4b:s4+s18], $0x80, s0, s18, $0xb8;
	[tilespmem:$0x1FC00] =	vst v63  }
0x2ef: {  	_ =	swait.ge [sflag:s22], $0x2800  }
0x2f0: {  	[sflag:s22] =	ssyncset.done $0x0  }
0x2f1: {  	[sflag:s22] =	ssyncadd.s32 $0xFFFFD800  }
0x2f2: {  	[spmem:s2] =	stream.indirect.scatter.add.f32 [tilespmem:s15], [sflag:$0x5], $0x80, s5, s18, $0xb8;
	[tilespmem:$0x1FC00] =	vst v63  }
0x2f3: {  	_ =	swait.ge [sflag:s23], $0x2800  }
0x2f4: {  	[sflag:s23] =	ssyncset.done $0x0  }
0x2f5: {  	[sflag:s23] =	ssyncadd.s32 $0xFFFFD800  }
0x2f6: {  	[tilespmem:s15], [sflag:$0x1] =	stream.indirect.gather [hbm4b:s4+s18], $0x80, s7, s18, $0xb8;
	[tilespmem:$0x1FC00] =	vst v63  }
0x2f7: {  	_ =	swait.ge [sflag:s24], $0x2800  }
0x2f8: {  	[sflag:s24] =	ssyncset.done $0x0  }
0x2f9: {  	[sflag:s24] =	ssyncadd.s32 $0xFFFFD800  }
0x2fa: {  	[spmem:s2] =	stream.indirect.scatter.add.f32 [tilespmem:s19], [sflag:$0x6], $0x80, s8, s18, $0xb8;
	[tilespmem:$0x1FC00] =	vst v63  }
0x2fb: {  	_ =	swait.ge [sflag:s26], $0x2800  }
0x2fc: {  	[sflag:s26] =	ssyncset.done $0x0  }
0x2fd: {  	[sflag:s26] =	ssyncadd.s32 $0xFFFFD800  }
0x2fe: {  	[spmem:s2] =	stream.indirect.scatter.add.f32 [tilespmem:s20], [sflag:$0x7], $0x80, s9, s18, $0xb8;
	[tilespmem:$0x1FC00] =	vst v63  }
0x2ff: {  	_ =	swait.ge [sflag:s29], $0x2800  }
0x300: {  	[sflag:s29] =	ssyncset.done $0x0  }
0x301: {  	[sflag:s29] =	ssyncadd.s32 $0xFFFFD800  }
0x302: {  	[spmem:s2] =	stream.indirect.scatter.add.f32 [tilespmem:s21], [sflag:$0x8], $0x80, s10, s18, $0xb8;
	[tilespmem:$0x1FC00] =	vst v63  }
0x303: {  	_ =	swait.ge [sflag:s22], $0x2800  }
0x304: {  	[sflag:s22] =	ssyncset.done $0x0  }
0x305: {  	[sflag:s22] =	ssyncadd.s32 $0xFFFFD800  }
0x306: {  	[spmem:s2] =	stream.indirect.scatter.add.f32 [tilespmem:s15], [sflag:$0x5], $0x80, s11, s18, $0xb8;
	[tilespmem:$0x1FC00] =	vst v63  }
0x307: {  	_ =	swait.ge [sflag:s25], $0x2800  }
0x308: {  	[sflag:s25] =	ssyncset.done $0x0  }
0x309: {  	[sflag:s25] =	ssyncadd.s32 $0xFFFFD800  }
0x30a: {  	_ =	swait.ge [sflag:s28], $0x2800  }
0x30b: {  	[sflag:s28] =	ssyncset.done $0x0  }
0x30c: {  	[sflag:s28] =	ssyncadd.s32 $0xFFFFD800  }
0x30d: {  	_ =	swait.ge [sflag:s30], $0x2800  }
0x30e: {  	[sflag:s30] =	ssyncset.done $0x0  }
0x30f: {  	[sflag:s30] =	ssyncadd.s32 $0xFFFFD800  }
0x310: {  	_ =	swait.ge [sflag:s23], $0x2800  }
0x311: {  	[sflag:s23] =	ssyncset.done $0x0  }
0x312: {  	[sflag:s23] =	ssyncadd.s32 $0xFFFFD800  }
0x313: {  	[bflag:$0x0] =	sbarrier.arrive $0xFFFF  }
0x314: {  	s13 =	sld [smem:$0x7F2]  }
0x315: {  	s12 =	stileid.u32;
	s14 =	sld [smem:$0x7E8]  }
0x316: {  	s6 =	sshll.u32 s12, $0x6  }
0x317: {  	s6 =	sor.u32 $0x1C09, s6;
	s12 =	sshrl.u32 s13, $0x3  }
0x318: {  	[hbm:s14], [sflag:s6] =	dma.local [spmem:s12], $0x2780  }
0x319: {  	_ =	swait.ge [sflag:s16], $0x2780  }
0x31a: {  	s13 =	sld [smem:$0x7E7]  }
0x31b: {  	s14 =	sld [smem:$0x7E9];
	_ =	sdelay $0x1  }
0x31c: {  	s12 =	sadd.s32 $0x1, s13  }
0x31d: {  	p0 =	sne.s32 s12, s14  }
.Ltmp2:
0x31e: {  	_ = 	snop;
	(pc) =	sbr.rel @p0 .LBB2_1-.Ltmp2, $3  }
0x31f: {  	_ =	sdelay $0x1  }
0x320: {  	[sflag:s16] =	ssyncset.done $0x0  }
0x321: {  	[sflag:s16] =	ssyncadd.s32 $0xFFFFD880  }
0x322: {  	_ =	sfence.sel $0x180000  }
0x323: {  	[bflag:$0x0] =	sbarrier.arrive $0xFFFF  }
0x324: {  	_ =	strace $0x9000004D  }
0x325: {  	s0 =	stileid.u32;
	[bflag:$0x2] =	sbarrier.arrive $0xFFFF  }
0x326: {  	p0 =	sne.s32 s0, $0x0;
	s0 =	rddreg [dreg:$0x2]  }
0x327: {  	s0 =	sadd.s32 @!p0 $0x100000, s0  }
0x328: {  	[sflag:s0] =	ssyncadd.tile.s32 @!p0 $0x1;
	_ =	shalt  }
.Lfunc_end2:
_tile_overlayer_lowered:
.L_overlay_start_2:
0x329: {  	(tag) =	ssettag $0x2  }
0x32a: {  	s0 =	rddreg [dreg:$0x0];
	s2 =	stileid.u32  }
0x32b: {  	s1 =	rddreg [dreg:$0x1];
	p0 =	sne.s32 s2, $0x0  }
0x32c: {  	s3 =	rddreg [dreg:$0x2];
	[bflag:$0x3] =	sbarrier.arrive $0xFFFF;
	s2 =	simm.s32 @!p0 $0x1C09  }
0x32d: {  	[timem:s3], [sflag:s2] =	dma.local @!p0 [hbm:s0], s1  }
0x32e: {  	s0 =	simm.s32 @!p0 $0x9  }
0x32f: {  	_ =	swait.ge @!p0 [sflag:s0], s1  }
0x330: {  	s1 =	ssub.s32 @!p0 $0x0, s1;
	[sflag:s0] =	ssyncset.done @!p0 $0x0  }
0x331: {  	[sflag:s0] =	ssyncadd.s32 @!p0 s1  }
0x332: {  	[bflag:$0x3] =	sbarrier.arrive $0xFFFF  }
0x333: {  	_ =	shalt  }

// kernel: _pipeline.8.cloned.1.call-start
scs
__scs_entry_jumppad:
0x0: {  	(pc) =	sbr.rel $0x88, $3  }
0x1: {  	(tag) =	ssettag $0x0;
	lr =	simm.s32 $0x1  }
0x2: {  	[smem:$0x3F99] =	sst lr;
	_ =	strace $0xD0000000  }
0x3: {  	_ = 	snop  }
0x4: {  	_ = 	snop  }
0x5: {  	_ = 	snop  }
0x6: {  	_ = 	snop  }
0x7: {  	_ = 	snop  }
__scs_overlays_trampoline_lowered:
0x8: {  	[smem:$0x3FA8] =	sst s0  }
0x9: {  	[smem:$0x3FA9] =	sst s1  }
0xa: {  	[smem:$0x3FAA] =	sst s2  }
0xb: {  	[smem:$0x3FAB] =	sst s3  }
0xc: {  	[smem:$0x3FAC] =	sst s4  }
0xd: {  	[smem:$0x3FAD] =	sst s5  }
0xe: {  	[smem:$0x3FAE] =	sst s6  }
0xf: {  	[smem:$0x3FAF] =	sst s7  }
0x10: {  	[smem:$0x3FB0] =	sst s8  }
0x11: {  	[smem:$0x3FB1] =	sst s9;
	s0 =	simm.s32 @!p0 $0x0  }
0x12: {  	s1 =	sld [smem:$0x3F97];
	s0 =	simm.s32 @p0 $0x1  }
0x13: {  	[smem:$0x3FB2] =	sst s0;
	s0 =	simm.s32 @!p1 $0x0  }
0x14: {  	s2 =	sld [smem:$0x3F96];
	s0 =	simm.s32 @p1 $0x1  }
0x15: {  	[smem:$0x3FB3] =	sst s0;
	s0 =	simm.s32 @!p2 $0x0  }
0x16: {  	s3 =	sld [smem:$0x3FDB];
	s0 =	simm.s32 @p2 $0x1  }
0x17: {  	s4 =	simm.s32 $0x1BF5;
	[smem:$0x3FB5] =	sst s0  }
0x18: {  	s0 =	sld [smem:$0x3F98];
	_ =	swait.ge [sflag:s4], $0x0  }
0x19: {  	s7 =	sld [smem:$0x3F99]  }
0x1a: {  	s8 =	sadd.s32 $0xFFFFE003, lr  }
0x1b: {  	s9 =	sadd.s32 $0xFFFFFEF7, lr;
	s5 =	simm.s32 $0xFFFFFFFF;
	p2 =	slt.u32 s8, $0xFFFFF086  }
0x1c: {  	p1 =	slt.u32 s9, $0xF7A;
	s5 =	simm.s32 @!p2 $0x0  }
0x1d: {  	s5 =	simm.s32 @p1 $0x1;
	p0 =	seq.s32 s7, s2  }
0x1e: {  	s7 =	smul.u32 @!p0 $0xF7A, s2;
	p2 =	seq.s32 @!p0 s5, $0x0  }
0x1f: {  	s9 =	smul.u32 $0xF7A, s1;
	s8 =	simm.s32 @!p0 $0x1BF5;
	p2 =	por !p2, p0  }
0x20: {  	[sflag:s8] =	ssyncset.s32 @!p0 $0xFFFFF086;
	s6 =	sadd.s32 @!p0 s3, s7;
	s7 =	simm.s32 @!p0 $0x108  }
0x21: {  	s3 =	sadd.s32 s3, s9;
	s6 =	sadd.s32 @!p0 $0x88, s6;
	s7 =	simm.s32 @p2 $0x1082  }
0x22: {  	[simem:s7], [sflag:s8] =	dma.local @!p0 [hbm:s6], $0xF7A  }
0x23: {  	s9 =	sor.u32 $0xD0000000, s2;
	s6 =	simm.s32 $0x108;
	_ =	swait.ge @!p0 [sflag:s8], $0x0  }
0x24: {  	s3 =	sadd.s32 $0x88, s3;
	s6 =	simm.s32 @!p1 $0x1082;
	[sflag:s4] =	ssyncset.s32 $0xFFFFF086  }
0x25: {  	[simem:s6], [sflag:s4] =	dma.local [hbm:s3], $0xF7A  }
0x26: {  	[smem:$0x3F99] =	sst s1;
	(tag) =	ssettag s2;
	_ =	strace s9  }
0x27: {  	s1 =	sld [smem:$0x3FA9]  }
0x28: {  	s2 =	sld [smem:$0x3FAA]  }
0x29: {  	s4 =	sld [smem:$0x3FAC]  }
0x2a: {  	p0 =	seq.s32 s5, $0x0;
	s5 =	sld [smem:$0x3FAD]  }
0x2b: {  	s6 =	sld [smem:$0x3FAE]  }
0x2c: {  	s7 =	sld [smem:$0x3FAF]  }
0x2d: {  	s3 =	simm.s32 $0x108;
	s8 =	sld [smem:$0x3FB0]  }
0x2e: {  	s3 =	simm.s32 @!p0 $0x1082;
	s9 =	sld [smem:$0x3FB1]  }
0x2f: {  	lr =	sadd.s32 s0, s3;
	s0 =	sld [smem:$0x3FA8]  }
0x30: {  	s3 =	sld [smem:$0x3FAB]  }
0x31: {  	[smem:$0x3FB4] =	sst s10  }
0x32: {  	s10 =	sld [smem:$0x3FB2];
	_ =	sdelay $0x3  }
0x33: {  	p0 =	seq.s32 s10, $0x1;
	s10 =	sld [smem:$0x3FB4];
	_ =	sdelay $0x3  }
0x34: {  	[smem:$0x3FB4] =	sst s10  }
0x35: {  	s10 =	sld [smem:$0x3FB3];
	_ =	sdelay $0x3  }
0x36: {  	p1 =	seq.s32 s10, $0x1;
	s10 =	sld [smem:$0x3FB4];
	_ =	sdelay $0x3  }
0x37: {  	[smem:$0x3FB4] =	sst s10  }
0x38: {  	s10 =	sld [smem:$0x3FB5]  }
0x39: {  	_ = 	snop;
	(pc) =	sbr.ind lr, $3  }
0x3a: {  	_ = 	snop  }
0x3b: {  	_ = 	snop  }
0x3c: {  	p2 =	seq.s32 s10, $0x1;
	s10 =	sld [smem:$0x3FB4]  }
0x3d: {  	_ =	shalt  }
0x3e: {  	_ =	shalt  }
0x3f: {  	_ =	shalt  }
0x40: {  	_ =	shalt  }
0x41: {  	_ =	shalt  }
0x42: {  	_ =	shalt  }
0x43: {  	_ =	shalt  }
0x44: {  	_ =	shalt  }
0x45: {  	_ =	shalt  }
0x46: {  	_ =	shalt  }
0x47: {  	_ =	shalt  }
0x48: {  	_ =	shalt  }
0x49: {  	_ =	shalt  }
0x4a: {  	_ =	shalt  }
0x4b: {  	_ =	shalt  }
0x4c: {  	_ =	shalt  }
0x4d: {  	_ =	shalt  }
0x4e: {  	_ =	shalt  }
0x4f: {  	_ =	shalt  }
0x50: {  	_ =	shalt  }
0x51: {  	_ =	shalt  }
0x52: {  	_ =	shalt  }
0x53: {  	_ =	shalt  }
0x54: {  	_ =	shalt  }
0x55: {  	_ =	shalt  }
0x56: {  	_ =	shalt  }
0x57: {  	_ =	shalt  }
0x58: {  	_ =	shalt  }
0x59: {  	_ =	shalt  }
0x5a: {  	_ =	shalt  }
0x5b: {  	_ =	shalt  }
0x5c: {  	_ =	shalt  }
0x5d: {  	_ =	shalt  }
0x5e: {  	_ =	shalt  }
0x5f: {  	_ =	shalt  }
0x60: {  	_ =	shalt  }
0x61: {  	_ =	shalt  }
0x62: {  	_ =	shalt  }
0x63: {  	_ =	shalt  }
0x64: {  	_ =	shalt  }
0x65: {  	_ =	shalt  }
0x66: {  	_ =	shalt  }
0x67: {  	_ =	shalt  }
0x68: {  	_ =	shalt  }
0x69: {  	_ =	shalt  }
0x6a: {  	_ =	shalt  }
0x6b: {  	_ =	shalt  }
0x6c: {  	_ =	shalt  }
0x6d: {  	_ =	shalt  }
0x6e: {  	_ =	shalt  }
0x6f: {  	_ =	shalt  }
0x70: {  	_ =	shalt  }
0x71: {  	_ =	shalt  }
0x72: {  	_ =	shalt  }
0x73: {  	_ =	shalt  }
0x74: {  	_ =	shalt  }
0x75: {  	_ =	shalt  }
0x76: {  	_ =	shalt  }
0x77: {  	_ =	shalt  }
0x78: {  	_ =	shalt  }
0x79: {  	_ =	shalt  }
0x7a: {  	_ =	shalt  }
0x7b: {  	_ =	shalt  }
0x7c: {  	_ =	shalt  }
0x7d: {  	_ =	shalt  }
0x7e: {  	_ =	shalt  }
0x7f: {  	_ =	shalt  }
0x80: {  	_ =	shalt  }
0x81: {  	_ =	shalt  }
0x82: {  	_ =	shalt  }
0x83: {  	_ =	shalt  }
0x84: {  	_ =	shalt  }
0x85: {  	_ =	shalt  }
0x86: {  	_ =	shalt  }
0x87: {  	_ =	shalt  }
.Lfunc_end0:
.L_simem_size_0:
called_computation_lowered:
.L_overlay_start_0:
0x88: {  	s2 =	sld [smem:$0x3FD9]  }
0x89: {  	s3 =	sld [smem:$0x3FFE];
	_ =	sdelay $0x1  }
0x8a: {  	s1 =	srdreg.scid  }
0x8b: {  	s0 =	sand.u32 $0x1, s1  }
0x8c: {  	s16 =	sshll.u32 s0, $0xA;
	s2 =	sadd.s32 s3, s2  }
0x8d: {  	s2 =	sadd.s32 s2, s16  }
0x8e: {  	[smem:$0x3FC0] =	sst s2  }
0x8f: {  	_ = 	snop  }
0x90: {  	(tm) =	ssettm $0x1  }
0x91: {  	s17 =	sld [smem:$0x3FFB];
	_ =	sdelay $0x3  }
0x92: {  	_ =	strace s17  }
0x93: {  	s2 =	sld [smem:$0x3FFC];
	_ =	sdelay $0x3  }
0x94: {  	_ =	strace s2  }
0x95: {  	s2 =	sld [smem:$0x3FFD];
	_ =	sdelay $0x3  }
0x96: {  	_ =	strace s2  }
0x97: {  	_ =	strace $0x8FFFFFFF  }
0x98: {  	s18 =	sld [smem:$0x3FDB];
	_ =	sdelay $0x1  }
0x99: {  	s19 =	simm.s32 $_scs_section_size  }
0x9a: {  	s4 =	simm.s32 $_size__tile_overlayer_lowered;
	s5 =	simm.s32 $_tile_overlayer_lowered  }
0x9b: {  	s22 =	simm.s32 $0x1BFF;
	s21 =	sshll.u32 s5, $0x1;
	s2 =	sadd.s32 s19, s18  }
0x9c: {  	s6 =	simm.s32 $0x0;
	s20 =	sshll.u32 s4, $0x1;
	s4 =	sadd.s32 s21, s2  }
0x9d: {  	[timem:s6], [sflag:s22] =	dma.local [hbm:s4], s20  }
0x9e: {  	_ =	swait.ge [sflag:s22], s20  }
0x9f: {  	s3 =	ssub.s32 $0x0, s20;
	[sflag:s22] =	ssyncset.done $0x0  }
0xa0: {  	[sflag:s22] =	ssyncadd.s32 s3;
	_ =	sdelay $0x1  }
0xa1: {  	s23 =	simm.s32 $0x1B8B  }
0xa2: {  	_ =	swait.ge [sflag:s23], $0x1  }
0xa3: {  	[sflag:s23] =	ssyncset.done $0x0  }
0xa4: {  	s25 =	simm.s32 $0x1B8E;
	s24 =	sld [smem:$0x3FFE];
	[sflag:s23] =	ssyncadd.s32 $0xFFFFFFFF  }
0xa5: {  	s26 =	simm.s32 $execute0_lowered;
	[smem:$0x3FD2] =	sst s25  }
0xa6: {  	s4 =	sshll.u32 s26, $0x1;
	_ =	strace $0x80000046;
	[dreg:$0x1] =	wrdreg $0xFFFFFFFF  }
0xa7: {  	s28 =	simm.s32 $_size_execute0_lowered;
	s2 =	sadd.s32 s2, s4;
	[dreg:$0x0] =	wrdreg $0x0  }
0xa8: {  	s4 =	sshll.u32 s28, $0x1;
	[dreg:$0x2] =	wrdreg s2  }
0xa9: {  	[dreg:$0x3] =	wrdreg s4  }
0xaa: {  	[dreg:$0x4] =	wrdreg $0xC0  }
0xab: {  	_ =	task [dreg:s6], $0x5FFFF  }
0xac: {  	[dreg:$0x1] =	wrdreg $0xFFFFFFFF  }
0xad: {  	[dreg:$0x0] =	wrdreg $0x60  }
0xae: {  	[dreg:$0x2] =	wrdreg s24  }
0xaf: {  	[dreg:$0x3] =	wrdreg $0x78000  }
0xb0: {  	[dreg:$0x4] =	wrdreg $0x9  }
0xb1: {  	_ =	task.clear_ibuf [dreg:s6], $0x5FFFF;
	_ =	strace $0x90000046  }
0xb2: {  	s29 =	simm.s32 $0x9;
	_ =	strace $0x80000048  }
0xb3: {  	_ =	swait.ge [sflag:s29], $0x1  }
0xb4: {  	[sflag:s29] =	ssyncadd.s32 $0xFFFFFFFF  }
0xb5: {  	_ =	strace $0x90000048  }
0xb6: {  	_ =	sfence  }
0xb7: {  	s30 =	sld [smem:$0x0];
	_ =	sdelay $0x2  }
0xb8: {  	s31 =	sshll.u32 s1, $0xD;
	s1 =	sshrl.u32 s1, $0x2  }
0xb9: {  	s3 =	sand.u32 $0x4000, s31;
	s1 =	sadd.s32 s1, s30  }
0xba: {  	s0 =	sor.u32 s3, s0;
	s1 =	sshll.u32 s1, $0x11  }
0xbb: {  	s0 =	sor.u32 s1, s0  }
0xbc: {  	s0 =	sadd.s32 $0x8F2B, s0  }
0xbd: {  	[sflag:s0] =	ssyncadd.remote.s32 $0x1  }
0xbe: {  	_ =	sfence.sel $0xFFFF  }
0xbf: {  	[dreg:$0x0] =	wrdreg $0xFFFFFFFF;
	(pc) =	sbr.abs _section_cstart, $3  }
0xc0: {  	[dreg:$0x1] =	wrdreg $0xFFFFFFFF  }
0xc1: {  	_ =	task.clear_ibuf [dreg:s6], $0x2FFFF;
	_ =	strace $0x9FFFFFFF  }
0xc2: {  	(tm) =	ssettm $0x7FFFFFFF  }
0xc3: {  	_ =	shalt  }
tec
execute0_lowered:
.L_overlay_start_1:
0x0: {  	(tag) =	ssettag $0x1  }
0x1: {  	s4 =	rddreg [dreg:$0x0]  }
0x2: {  	s1 =	rddreg [dreg:$0x1]  }
0x3: {  	s2 =	srdreg.scid;
	s0 =	rddreg [dreg:$0x2];
	s3 =	simm.s32 $0x0  }
0x4: {  	s15 =	simm.s32 $0x5000;
	s16 =	simm.s32 $0x1;
	s18 =	simm.s32 $0x1000  }
0x5: {  	s20 =	simm.s32 $0x2000;
	s22 =	simm.s32 $0x3000;
	s5 =	sand.u32 $0x1, s2  }
0x6: {  	s23 =	simm.s32 $0x4000;
	s2 =	stileid.u32;
	s7 =	smul.u32 $0x13C000, s5  }
0x7: {  	s24 =	simm.s32 $0x50;
	s6 =	sshll.u32 s5, $0x4;
	s8 =	smul.u32 $0x13C00, s2  }
0x8: {  	s5 =	ssub.s32 $0x2, s5;
	s31 =	smul.u32 $0x4F000, s2;
	s6 =	sor.u32 s2, s6  }
0x9: {  	[smem:$0x7FF] =	sst s3;
	s9 =	sshrl.u32 s5, $0x1;
	s6 =	smul.u32 $0xA00, s6  }
0xa: {  	_ =	strace $0x80000047;
	s7 =	sadd.s32 s8, s7;
	s9 =	ssub.s32 s5, s9  }
0xb: {  	s8 =	sshrl.u32 s31, $0x2;
	s7 =	sshrl.u32 s7, $0x3;
	s6 =	sadd.s32 s6, s4  }
0xc: {  	s7 =	sadd.s32 s7, s4;
	s4 =	sadd.s32 $0x2400, s6;
	s6 =	sadd.s32 s8, s1  }
0xd: {  	s5 =	sadd.s32 $0x16400, s7;
	s7 =	smax.u32 s9, $0x1;
	s8 =	sadd.s32 $0x2780, s6  }
0xe: {  	s9 =	sadd.s32 $0x4F00, s6;
	s10 =	sadd.s32 $0x7680, s6;
	s11 =	sadd.s32 $0x9E00, s6  }
0xf: {  	s12 =	sadd.s32 $0xC580, s6;
	s13 =	sadd.s32 $0xED00, s6;
	s14 =	sadd.s32 $0x11480, s6  }
0x10: {  	v0 =	vimm.f32 $0.0e+00;
	v1 =	vimm.f32 $1.000000000e+00;
	s17 =	sadd.s32 $0x200, s4;
	s19 =	sadd.s32 $0x400, s4;
	s21 =	sadd.s32 $0x600, s4  }
.LBB2_1:
0x11: {  	s25 =	simm.s32 $0x70;
	s26 =	simm.s32 $0x3C0  }
.LBB2_2:
0x12: {  	p0 =	sne.s32 s26, $0x9FC0;
	[tilespmem:s25+$0x5000] =	vst v0  }
0x13: {  	[tilespmem:s25+$0x4F90] =	vst v0  }
0x14: {  	[tilespmem:s25+$0x4FA0] =	vst v0  }
.Ltmp0:
0x15: {  	[tilespmem:s25+$0x4FB0] =	vst v0;
	(pc) =	sbr.rel @p0 .LBB2_2-.Ltmp0, $4  }
0x16: {  	[tilespmem:s25+$0x4FC0] =	vst v0  }
0x17: {  	[tilespmem:s25+$0x4FD0] =	vst v0  }
0x18: {  	[tilespmem:s25+$0x4FE0] =	vst v0  }
0x19: {  	[tilespmem:s25+$0x4FF0] =	vst v0;
	s25 =	sshra.s32 s26, $0x2;
	s26 =	sadd.s32 $0x200, s26  }
0x1a: {  	[tilespmem:s25+$0x5000] =	vst v0  }
0x1b: {  	[tilespmem:s25+$0x4F90] =	vst v0  }
0x1c: {  	[tilespmem:s25+$0x4FA0] =	vst v0  }
0x1d: {  	[tilespmem:s25+$0x4FB0] =	vst v0  }
0x1e: {  	[tilespmem:s25+$0x4FC0] =	vst v0  }
0x1f: {  	[tilespmem:s25+$0x4FD0] =	vst v0  }
0x20: {  	[tilespmem:s25+$0x4FE0] =	vst v0  }
0x21: {  	[tilespmem:s25+$0x4FF0] =	vst v0  }
0x22: {  	[spmem:s6] =	stream.linear.scatter [tilespmem:s15], [sflag:$0x1], $0x2780, $0x38;
	[tilespmem:$0x1B400] =	vst v63  }
0x23: {  	_ =	swait.ge [sflag:s16], $0x2780  }
0x24: {  	[sflag:s16] =	ssyncset.done $0x0  }
0x25: {  	[sflag:s16] =	ssyncadd.s32 $0xFFFFD880  }
0x26: {  	[spmem:s8] =	stream.linear.scatter [tilespmem:s15], [sflag:$0x1], $0x2780, $0x38;
	[tilespmem:$0x1B400] =	vst v63  }
0x27: {  	_ =	swait.ge [sflag:s16], $0x2780  }
0x28: {  	[sflag:s16] =	ssyncset.done $0x0  }
0x29: {  	[sflag:s16] =	ssyncadd.s32 $0xFFFFD880  }
0x2a: {  	[spmem:s9] =	stream.linear.scatter [tilespmem:s15], [sflag:$0x1], $0x2780, $0x38;
	[tilespmem:$0x1B400] =	vst v63  }
0x2b: {  	_ =	swait.ge [sflag:s16], $0x2780  }
0x2c: {  	[sflag:s16] =	ssyncset.done $0x0  }
0x2d: {  	[sflag:s16] =	ssyncadd.s32 $0xFFFFD880  }
0x2e: {  	[spmem:s10] =	stream.linear.scatter [tilespmem:s15], [sflag:$0x1], $0x2780, $0x38;
	[tilespmem:$0x1B400] =	vst v63  }
0x2f: {  	_ =	swait.ge [sflag:s16], $0x2780  }
0x30: {  	[sflag:s16] =	ssyncset.done $0x0  }
0x31: {  	[sflag:s16] =	ssyncadd.s32 $0xFFFFD880  }
0x32: {  	[spmem:s11] =	stream.linear.scatter [tilespmem:s15], [sflag:$0x1], $0x2780, $0x38;
	[tilespmem:$0x1B400] =	vst v63  }
0x33: {  	_ =	swait.ge [sflag:s16], $0x2780  }
0x34: {  	[sflag:s16] =	ssyncset.done $0x0  }
0x35: {  	[sflag:s16] =	ssyncadd.s32 $0xFFFFD880  }
0x36: {  	[spmem:s12] =	stream.linear.scatter [tilespmem:s15], [sflag:$0x1], $0x2780, $0x38;
	[tilespmem:$0x1B400] =	vst v63  }
0x37: {  	_ =	swait.ge [sflag:s16], $0x2780  }
0x38: {  	[sflag:s16] =	ssyncset.done $0x0  }
0x39: {  	[sflag:s16] =	ssyncadd.s32 $0xFFFFD880  }
0x3a: {  	[spmem:s13] =	stream.linear.scatter [tilespmem:s15], [sflag:$0x1], $0x2780, $0x38;
	[tilespmem:$0x1B400] =	vst v63  }
0x3b: {  	_ =	swait.ge [sflag:s16], $0x2780  }
0x3c: {  	[sflag:s16] =	ssyncset.done $0x0  }
0x3d: {  	[sflag:s16] =	ssyncadd.s32 $0xFFFFD880  }
0x3e: {  	[spmem:s14] =	stream.linear.scatter [tilespmem:s15], [sflag:$0x1], $0x2780, $0x38;
	[tilespmem:$0x1B400] =	vst v63  }
0x3f: {  	_ =	swait.ge [sflag:s16], $0x2780  }
0x40: {  	[sflag:s16] =	ssyncset.done $0x0  }
0x41: {  	s25 =	simm.s32 $0x70;
	s26 =	simm.s32 $0x3C0;
	[sflag:s16] =	ssyncadd.s32 $0xFFFFD880  }
.LBB2_4:
0x42: {  	p0 =	sne.s32 s26, $0x9FC0;
	[tilespmem:s25+$0x5000] =	vst v1  }
0x43: {  	[tilespmem:s25+$0x4F90] =	vst v1  }
0x44: {  	[tilespmem:s25+$0x4FA0] =	vst v1  }
.Ltmp1:
0x45: {  	[tilespmem:s25+$0x4FB0] =	vst v1;
	(pc) =	sbr.rel @p0 .LBB2_4-.Ltmp1, $4  }
0x46: {  	[tilespmem:s25+$0x4FC0] =	vst v1  }
0x47: {  	[tilespmem:s25+$0x4FD0] =	vst v1  }
0x48: {  	[tilespmem:s25+$0x4FE0] =	vst v1  }
0x49: {  	[tilespmem:s25+$0x4FF0] =	vst v1;
	s25 =	sshra.s32 s26, $0x2;
	s26 =	sadd.s32 $0x200, s26  }
0x4a: {  	[tilespmem:s25+$0x5000] =	vst v1  }
0x4b: {  	[tilespmem:s25+$0x4F90] =	vst v1  }
0x4c: {  	[tilespmem:s25+$0x4FA0] =	vst v1  }
0x4d: {  	[tilespmem:s25+$0x4FB0] =	vst v1  }
0x4e: {  	[tilespmem:s25+$0x4FC0] =	vst v1  }
0x4f: {  	[tilespmem:s25+$0x4FD0] =	vst v1  }
0x50: {  	[tilespmem:s25+$0x4FE0] =	vst v1  }
0x51: {  	[tilespmem:s25+$0x4FF0] =	vst v1;
	s30 =	simm.s32 $0x0  }
0x52: {  	[tilespmem:s30], [sflag:$0x1] =	stream.linear.gather [hbm4b:s4+s30], $0xC80, $0x38;
	[tilespmem:$0x1B400] =	vst v63  }
0x53: {  	_ = 	snop  }
0x54: {  	[tilespmem:s18], [sflag:$0x1] =	stream.linear.gather [hbm4b:s17+s30], $0xC80, $0x38;
	[tilespmem:$0x1B400] =	vst v63  }
0x55: {  	_ = 	snop  }
0x56: {  	[tilespmem:s20], [sflag:$0x1] =	stream.linear.gather [hbm4b:s19+s30], $0xC80, $0x38;
	[tilespmem:$0x1B400] =	vst v63  }
0x57: {  	_ = 	snop  }
0x58: {  	[tilespmem:s22], [sflag:$0x1] =	stream.linear.gather [hbm4b:s21+s30], $0xC80, $0x38;
	[tilespmem:$0x1B400] =	vst v63  }
0x59: {  	s26 =	sadd.s32 $0x800, s4  }
0x5a: {  	[tilespmem:s23], [sflag:$0x1] =	stream.linear.gather [hbm4b:s26+s30], $0xC80, $0x38;
	[tilespmem:$0x1B400] =	vst v63  }
0x5b: {  	_ =	swait.ge [sflag:s16], $0x3E80  }
0x5c: {  	[sflag:s16] =	ssyncset.done $0x0  }
0x5d: {  	[sflag:s16] =	ssyncadd.s32 $0xFFFFC180  }
0x5e: {  	s31 =	simm.s32 $0x0;
	[bflag:$0x0] =	sbarrier.arrive $0xFFFF  }
0x5f: {  	[spmem:s1] =	stream.indirect.scatter.add.f32 [tilespmem:s15], [sflag:$0x1], $0x80, s31, s24, $0xb8;
	[tilespmem:$0x1B400] =	vst v63  }
0x60: {  	_ =	swait.ge [sflag:s16], $0x2800  }
0x61: {  	s25 =	simm.s32 $0x200;
	[sflag:s16] =	ssyncset.done $0x0  }
.LBB2_6:
0x62: {  	s26 =	sshra.s32 s25, $0x2;
	[sflag:s16] =	ssyncadd.s32 $0xFFFFD800;
	p0 =	sne.s32 s25, $0x3000  }
0x63: {  	[spmem:s1] =	stream.indirect.scatter.add.f32 [tilespmem:s15], [sflag:$0x1], $0x80, s26, s24, $0xb8;
	[tilespmem:$0x1B400] =	vst v63  }
.Ltmp2:
0x64: {  	_ = 	snop;
	(pc) =	sbr.rel @p0 .LBB2_6-.Ltmp2, $4  }
0x65: {  	_ = 	snop  }
0x66: {  	s25 =	sadd.s32 $0x200, s25  }
0x67: {  	_ =	swait.ge [sflag:s16], $0x2800  }
0x68: {  	[sflag:s16] =	ssyncset.done $0x0  }
0x69: {  	[sflag:s16] =	ssyncadd.s32 $0xFFFFD800;
	s25 =	simm.s32 $0x1000  }
0x6a: {  	[spmem:s1] =	stream.indirect.scatter.add.f32 [tilespmem:s15], [sflag:$0x1], $0x80, s25, s24, $0xb8;
	[tilespmem:$0x1B400] =	vst v63  }
0x6b: {  	s25 =	simm.s32 $0x200;
	_ =	swait.ge [sflag:s16], $0x2800  }
.LBB2_8:
0x6c: {  	s26 =	sshra.s32 s25, $0x2;
	[sflag:s16] =	ssyncset.done $0x0;
	p0 =	sne.s32 s25, $0x3000  }
.Ltmp3:
0x6d: {  	s26 =	sadd.s32 $0x1000, s26;
	[sflag:s16] =	ssyncadd.s32 $0xFFFFD800;
	(pc) =	sbr.rel @p0 .LBB2_8-.Ltmp3, $3  }
0x6e: {  	[spmem:s1] =	stream.indirect.scatter.add.f32 [tilespmem:s15], [sflag:$0x1], $0x80, s26, s24, $0xb8;
	[tilespmem:$0x1B400] =	vst v63  }
0x6f: {  	s25 =	sadd.s32 $0x200, s25;
	_ =	sdelay $0x1  }
0x70: {  	_ =	swait.ge [sflag:s16], $0x2800  }
0x71: {  	[sflag:s16] =	ssyncset.done $0x0  }
0x72: {  	s25 =	simm.s32 $0x2000;
	[sflag:s16] =	ssyncadd.s32 $0xFFFFD800  }
0x73: {  	[spmem:s1] =	stream.indirect.scatter.add.f32 [tilespmem:s15], [sflag:$0x1], $0x80, s25, s24, $0xb8;
	[tilespmem:$0x1B400] =	vst v63  }
0x74: {  	s25 =	simm.s32 $0x200;
	_ =	swait.ge [sflag:s16], $0x2800  }
.LBB2_10:
0x75: {  	s26 =	sshra.s32 s25, $0x2;
	[sflag:s16] =	ssyncset.done $0x0;
	p0 =	sne.s32 s25, $0x3000  }
.Ltmp4:
0x76: {  	s26 =	sadd.s32 $0x2000, s26;
	[sflag:s16] =	ssyncadd.s32 $0xFFFFD800;
	(pc) =	sbr.rel @p0 .LBB2_10-.Ltmp4, $3  }
0x77: {  	[spmem:s1] =	stream.indirect.scatter.add.f32 [tilespmem:s15], [sflag:$0x1], $0x80, s26, s24, $0xb8;
	[tilespmem:$0x1B400] =	vst v63  }
0x78: {  	s25 =	sadd.s32 $0x200, s25;
	_ =	sdelay $0x1  }
0x79: {  	_ =	swait.ge [sflag:s16], $0x2800  }
0x7a: {  	[sflag:s16] =	ssyncset.done $0x0  }
0x7b: {  	s25 =	simm.s32 $0x3000;
	[sflag:s16] =	ssyncadd.s32 $0xFFFFD800  }
0x7c: {  	[spmem:s1] =	stream.indirect.scatter.add.f32 [tilespmem:s15], [sflag:$0x1], $0x80, s25, s24, $0xb8;
	[tilespmem:$0x1B400] =	vst v63  }
0x7d: {  	s25 =	simm.s32 $0x200;
	_ =	swait.ge [sflag:s16], $0x2800  }
.LBB2_12:
0x7e: {  	s26 =	sshra.s32 s25, $0x2;
	[sflag:s16] =	ssyncset.done $0x0;
	p0 =	sne.s32 s25, $0x3000  }
.Ltmp5:
0x7f: {  	s26 =	sadd.s32 $0x3000, s26;
	[sflag:s16] =	ssyncadd.s32 $0xFFFFD800;
	(pc) =	sbr.rel @p0 .LBB2_12-.Ltmp5, $3  }
0x80: {  	[spmem:s1] =	stream.indirect.scatter.add.f32 [tilespmem:s15], [sflag:$0x1], $0x80, s26, s24, $0xb8;
	[tilespmem:$0x1B400] =	vst v63  }
0x81: {  	s25 =	sadd.s32 $0x200, s25;
	_ =	sdelay $0x1  }
0x82: {  	_ =	swait.ge [sflag:s16], $0x2800  }
0x83: {  	[sflag:s16] =	ssyncset.done $0x0  }
0x84: {  	s25 =	simm.s32 $0x4000;
	[sflag:s16] =	ssyncadd.s32 $0xFFFFD800  }
0x85: {  	[spmem:s1] =	stream.indirect.scatter.add.f32 [tilespmem:s15], [sflag:$0x1], $0x80, s25, s24, $0xb8;
	[tilespmem:$0x1B400] =	vst v63  }
0x86: {  	s25 =	simm.s32 $0x200;
	_ =	swait.ge [sflag:s16], $0x2800  }
.LBB2_14:
0x87: {  	s26 =	sshra.s32 s25, $0x2;
	[sflag:s16] =	ssyncset.done $0x0;
	p0 =	sne.s32 s25, $0x3000  }
.Ltmp6:
0x88: {  	s26 =	sadd.s32 $0x4000, s26;
	[sflag:s16] =	ssyncadd.s32 $0xFFFFD800;
	(pc) =	sbr.rel @p0 .LBB2_14-.Ltmp6, $3  }
0x89: {  	[spmem:s1] =	stream.indirect.scatter.add.f32 [tilespmem:s15], [sflag:$0x1], $0x80, s26, s24, $0xb8;
	[tilespmem:$0x1B400] =	vst v63  }
0x8a: {  	s25 =	sadd.s32 $0x200, s25;
	_ =	sdelay $0x1  }
0x8b: {  	_ =	swait.ge [sflag:s16], $0x2800  }
0x8c: {  	[sflag:s16] =	ssyncset.done $0x0;
	s25 =	sshll.u32 s2, $0x6;
	s3 =	sadd.s32 $0x1, s3  }
0x8d: {  	s26 =	sshrl.u32 s6, $0x3;
	[sflag:s16] =	ssyncadd.s32 $0xFFFFD800;
	p0 =	sne.s32 s3, s7  }
.Ltmp7:
0x8e: {  	s25 =	sor.u32 $0x1C01, s25;
	[bflag:$0x0] =	sbarrier.arrive $0xFFFF;
	(pc) =	sbr.rel @p0 .LBB2_1-.Ltmp7, $4  }
0x8f: {  	[hbm:s5], [sflag:s25] =	dma.local [spmem:s26], $0x2780  }
0x90: {  	_ =	swait.ge [sflag:s16], $0x2780  }
0x91: {  	[sflag:s16] =	ssyncset.done $0x0  }
0x92: {  	[sflag:s16] =	ssyncadd.s32 $0xFFFFD880  }
0x93: {  	_ =	sfence.sel $0x180000  }
0x94: {  	[bflag:$0x0] =	sbarrier.arrive $0xFFFF  }
0x95: {  	p0 =	sne.s32 s2, $0x0;
	_ =	strace $0x90000047  }
0x96: {  	s0 =	sadd.s32 @!p0 $0x100000, s0;
	[bflag:$0x2] =	sbarrier.arrive $0xFFFF  }
0x97: {  	[sflag:s0] =	ssyncadd.tile.s32 @!p0 $0x1;
	_ =	shalt  }
.Lfunc_end2:
_tile_overlayer_lowered:
.L_overlay_start_2:
0x98: {  	(tag) =	ssettag $0x2  }
0x99: {  	s0 =	rddreg [dreg:$0x0];
	s2 =	stileid.u32  }
0x9a: {  	s1 =	rddreg [dreg:$0x1];
	p0 =	sne.s32 s2, $0x0  }
0x9b: {  	s3 =	rddreg [dreg:$0x2];
	[bflag:$0x3] =	sbarrier.arrive $0xFFFF;
	s2 =	simm.s32 @!p0 $0x1C01  }
0x9c: {  	[timem:s3], [sflag:s2] =	dma.local @!p0 [hbm:s0], s1  }
0x9d: {  	s0 =	simm.s32 @!p0 $0x1  }
0x9e: {  	_ =	swait.ge @!p0 [sflag:s0], s1  }
0x9f: {  	s1 =	ssub.s32 @!p0 $0x0, s1;
	[sflag:s0] =	ssyncset.done @!p0 $0x0  }
0xa0: {  	[sflag:s0] =	ssyncadd.s32 @!p0 s1  }
0xa1: {  	[bflag:$0x3] =	sbarrier.arrive $0xFFFF  }
0xa2: {  	_ =	shalt  }

</sc_bundles>
